<compile_context>
chip_gen: v7x
topology: tpu7x:2x2x1
jax: 0.10.2.dev20260603
libtpu: 0.0.44.dev20260713+nightly
codegen_flags: <defaults>
</compile_context>

<pallas_src>
import functools

import jax
import jax.numpy as jnp
from jax import lax
from jax.experimental import pallas as pl
from jax.experimental.pallas import tpu as pltpu
from jax.experimental.pallas import tpu_sc as plsc

N = 10000
E = 320000
D = 128
NG = 64

NC = 2
NS = 16
NW = NC * NS
CHUNK = 128
NCH = E // CHUNK

NPAD = 10112
TROWS = NPAD // NS
ZCH = [128, 128, 128, 128, 120]
ZR = 128

BLK = 1000
NB = N // BLK

DSL = (TROWS // 8) * 8
DEG_DSL = ((N // NS) // 8) * 8
DEG_DSL_LAST = N - DEG_DSL * (NS - 1)


def _wid():
    c = lax.axis_index("c")
    s = lax.axis_index("s")
    return s * NC + c, c, s


def _deg_body(dst_hbm, out_hbm, ones_v, didx, didx2, zbuf, acc1, sem_d,
              sem_d2):
    wid, c, s = _wid()
    for j in range(8):
        ones_v[pl.ds(j * 16, 16)] = jnp.ones((16,), jnp.float32)
    for j in range(DEG_DSL_LAST // 16):
        zbuf[pl.ds(j * 16, 16)] = jnp.zeros((16,), jnp.float32)

    @pl.when(s < NS - 1)
    def _():
        pltpu.sync_copy(zbuf.at[pl.ds(0, DEG_DSL)],
                        acc1.at[pl.ds(s * DEG_DSL, DEG_DSL)])

    @pl.when(s == NS - 1)
    def _():
        pltpu.sync_copy(zbuf, acc1.at[pl.ds((NS - 1) * DEG_DSL,
                                            DEG_DSL_LAST)])

    plsc.subcore_barrier()

    def body(i, carry):
        offa = (wid + (2 * i) * NW) * CHUNK
        offb = (wid + (2 * i + 1) * NW) * CHUNK
        cpa = pltpu.async_copy(dst_hbm.at[pl.ds(offa, CHUNK)], didx, sem_d)
        cpb = pltpu.async_copy(dst_hbm.at[pl.ds(offb, CHUNK)], didx2, sem_d2)
        cpa.wait()
        pltpu.sync_copy(ones_v, acc1.at[didx], add=True)
        cpb.wait()
        pltpu.sync_copy(ones_v, acc1.at[didx2], add=True)
        return carry

    lax.fori_loop(0, NCH // NW // 2, body, 0)

    @pl.when(wid < NCH % NW)
    def _():
        off = (wid + (NCH // NW) * NW) * CHUNK
        pltpu.sync_copy(dst_hbm.at[pl.ds(off, CHUNK)], didx)
        pltpu.sync_copy(ones_v, acc1.at[didx], add=True)

    plsc.subcore_barrier()

    @pl.when(s < NS - 1)
    def _():
        pltpu.sync_copy(acc1.at[pl.ds(s * DEG_DSL, DEG_DSL)],
                        zbuf.at[pl.ds(0, DEG_DSL)])
        pltpu.sync_copy(zbuf.at[pl.ds(0, DEG_DSL)],
                        out_hbm.at[pl.ds(c * N + s * DEG_DSL, DEG_DSL)])

    @pl.when(s == NS - 1)
    def _():
        pltpu.sync_copy(acc1.at[pl.ds((NS - 1) * DEG_DSL, DEG_DSL_LAST)],
                        zbuf)
        pltpu.sync_copy(zbuf,
                        out_hbm.at[pl.ds(c * N + (NS - 1) * DEG_DSL,
                                         DEG_DSL_LAST)])


_deg_call = pl.kernel(
    _deg_body,
    out_type=jax.ShapeDtypeStruct((NC * N,), jnp.float32),
    mesh=plsc.VectorSubcoreMesh(core_axis_name="c", subcore_axis_name="s"),
    scratch_types=[
        pltpu.VMEM((CHUNK,), jnp.float32),
        pltpu.VMEM((CHUNK,), jnp.int32),
        pltpu.VMEM((CHUNK,), jnp.int32),
        pltpu.VMEM((DEG_DSL_LAST,), jnp.float32),
        pltpu.VMEM_SHARED((N,), jnp.float32),
        pltpu.SemaphoreType.DMA,
        pltpu.SemaphoreType.DMA,
    ],
)


def _scat_body(src_hbm, dst_hbm, table_hbm, out_hbm,
               sidx, didx, sidx2, didx2, sidx3, didx3, rows, rows2, rows3,
               acc, gsem, sem_s, sem_d, gsem2, sem_s2, sem_d2, gsem3, sem_s3,
               sem_d3):
    wid, c, s = _wid()

    def zr(i, carry):
        for j in range(D // 16):
            rows[i, pl.ds(j * 16, 16)] = jnp.zeros((16,), jnp.float32)
        return carry

    lax.fori_loop(0, ZR, zr, 0)
    zo = 0
    for zc in ZCH:
        pltpu.sync_copy(rows.at[pl.ds(0, zc)],
                        acc.at[pl.ds(s * TROWS + zo, zc)])
        zo += zc
    plsc.subcore_barrier()

    def body(i, carry):
        offa = (wid + (3 * i) * NW) * CHUNK
        offb = (wid + (3 * i + 1) * NW) * CHUNK
        offc = (wid + (3 * i + 2) * NW) * CHUNK
        cpa_s = pltpu.async_copy(src_hbm.at[pl.ds(offa, CHUNK)], sidx, sem_s)
        cpa_d = pltpu.async_copy(dst_hbm.at[pl.ds(offa, CHUNK)], didx, sem_d)
        cpb_s = pltpu.async_copy(src_hbm.at[pl.ds(offb, CHUNK)], sidx2,
                                 sem_s2)
        cpb_d = pltpu.async_copy(dst_hbm.at[pl.ds(offb, CHUNK)], didx2,
                                 sem_d2)
        cpc_s = pltpu.async_copy(src_hbm.at[pl.ds(offc, CHUNK)], sidx3,
                                 sem_s3)
        cpc_d = pltpu.async_copy(dst_hbm.at[pl.ds(offc, CHUNK)], didx3,
                                 sem_d3)
        cpa_s.wait()
        ga = pltpu.async_copy(table_hbm.at[sidx], rows, gsem)
        cpb_s.wait()
        gb = pltpu.async_copy(table_hbm.at[sidx2], rows2, gsem2)
        cpc_s.wait()
        gc = pltpu.async_copy(table_hbm.at[sidx3], rows3, gsem3)
        ga.wait()
        cpa_d.wait()
        pltpu.sync_copy(rows, acc.at[didx], add=True)
        gb.wait()
        cpb_d.wait()
        pltpu.sync_copy(rows2, acc.at[didx2], add=True)
        gc.wait()
        cpc_d.wait()
        pltpu.sync_copy(rows3, acc.at[didx3], add=True)
        return carry

    lax.fori_loop(0, NCH // NW // 3, body, 0)

    @pl.when(wid < NCH % NW)
    def _():
        off = (wid + (NCH // NW) * NW) * CHUNK
        pltpu.sync_copy(src_hbm.at[pl.ds(off, CHUNK)], sidx)
        pltpu.sync_copy(dst_hbm.at[pl.ds(off, CHUNK)], didx)
        pltpu.async_copy(table_hbm.at[sidx], rows, gsem).wait()
        pltpu.sync_copy(rows, acc.at[didx], add=True)

    plsc.subcore_barrier()
    bufs = [rows, rows2, rows3]
    sems = [gsem, gsem2, gsem3]
    offs = [0, 128, 256, 384, 512]
    prev = pltpu.async_copy(acc.at[pl.ds(s * TROWS, ZCH[0])],
                            bufs[0].at[pl.ds(0, ZCH[0])], sems[0])
    for j in range(len(ZCH)):
        nxt = None
        if j + 1 < len(ZCH):
            nxt = pltpu.async_copy(
                acc.at[pl.ds(s * TROWS + offs[j + 1], ZCH[j + 1])],
                bufs[(j + 1) % 3].at[pl.ds(0, ZCH[j + 1])],
                sems[(j + 1) % 3])
        prev.wait()
        pltpu.sync_copy(bufs[j % 3].at[pl.ds(0, ZCH[j])],
                        out_hbm.at[pl.ds(c * NPAD + s * TROWS + offs[j],
                                         ZCH[j])])
        prev = nxt


_scat_call = pl.kernel(
    _scat_body,
    out_type=jax.ShapeDtypeStruct((NC * NPAD, D), jnp.float32),
    mesh=plsc.VectorSubcoreMesh(core_axis_name="c", subcore_axis_name="s"),
    scratch_types=[
        pltpu.VMEM((CHUNK,), jnp.int32),
        pltpu.VMEM((CHUNK,), jnp.int32),
        pltpu.VMEM((CHUNK,), jnp.int32),
        pltpu.VMEM((CHUNK,), jnp.int32),
        pltpu.VMEM((CHUNK,), jnp.int32),
        pltpu.VMEM((CHUNK,), jnp.int32),
        pltpu.VMEM((CHUNK, D), jnp.float32),
        pltpu.VMEM((CHUNK, D), jnp.float32),
        pltpu.VMEM((CHUNK, D), jnp.float32),
        pltpu.VMEM_SHARED((NPAD, D), jnp.float32),
        pltpu.SemaphoreType.DMA,
        pltpu.SemaphoreType.DMA,
        pltpu.SemaphoreType.DMA,
        pltpu.SemaphoreType.DMA,
        pltpu.SemaphoreType.DMA,
        pltpu.SemaphoreType.DMA,
        pltpu.SemaphoreType.DMA,
        pltpu.SemaphoreType.DMA,
        pltpu.SemaphoreType.DMA,
    ],
)


def _dinv(degp_ref):
    return lax.rsqrt(jnp.sum(degp_ref[...], axis=1, keepdims=True) + 1.0)


def _mm_body(x_ref, w_ref, h_ref):
    h_ref[...] = jnp.dot(x_ref[...], w_ref[...],
                         preferred_element_type=jnp.float32,
                         precision=lax.Precision.HIGHEST)


def _scale_body(h_ref, degp_ref, g1_ref):
    g1_ref[...] = h_ref[...] * _dinv(degp_ref)


def _tc2_body(sp_ref, g1_ref, degp_ref, b1_ref, w2_ref, g2_ref):
    dinv = _dinv(degp_ref)
    ssum = sp_ref[0] + sp_ref[1] + g1_ref[...]
    out1 = jnp.maximum(ssum * dinv + b1_ref[...], 0.0)
    h2 = jnp.dot(out1, w2_ref[...], preferred_element_type=jnp.float32,
                 precision=lax.Precision.HIGHEST)
    g2_ref[...] = h2 * dinv


def _tc3_body(sp_ref, g2_ref, degp_ref, b2_ref, batch_ref, wl_ref, bl_ref,
              out_ref, sums, counts):
    i = pl.program_id(0)
    dinv = _dinv(degp_ref)
    ssum = sp_ref[0] + sp_ref[1] + g2_ref[...]
    h2 = jnp.maximum(ssum * dinv + b2_ref[...], 0.0)
    b = batch_ref[0, 0, :]
    gids = lax.broadcasted_iota(jnp.int32, (NG, BLK), 0)
    oh = (b[None, :] == gids).astype(jnp.float32)

    @pl.when(i == 0)
    def _():
        sums[...] = jnp.zeros_like(sums)
        counts[...] = jnp.zeros_like(counts)

    sums[...] += jnp.dot(oh, h2, preferred_element_type=jnp.float32,
                         precision=lax.Precision.HIGHEST)
    counts[...] += jnp.broadcast_to(jnp.sum(oh, axis=1)[:, None], (NG, D))

    @pl.when(i == pl.num_programs(0) - 1)
    def _():
        pooled = sums[...] / jnp.maximum(counts[...], 1.0)
        out_ref[...] = jnp.dot(pooled, wl_ref[...],
                               preferred_element_type=jnp.float32,
                               precision=lax.Precision.HIGHEST) + bl_ref[...]


_mm_call = pl.pallas_call(
    _mm_body,
    grid=(NB,),
    in_specs=[
        pl.BlockSpec((BLK, D), lambda i: (i, 0)),
        pl.BlockSpec((D, D), lambda i: (0, 0)),
    ],
    out_specs=pl.BlockSpec((BLK, D), lambda i: (i, 0)),
    out_shape=jax.ShapeDtypeStruct((N, D), jnp.float32),
)

_scale_call = pl.pallas_call(
    _scale_body,
    grid=(NB,),
    in_specs=[
        pl.BlockSpec((BLK, D), lambda i: (i, 0)),
        pl.BlockSpec((BLK, NC), lambda i: (i, 0)),
    ],
    out_specs=pl.BlockSpec((BLK, D), lambda i: (i, 0)),
    out_shape=jax.ShapeDtypeStruct((N, D), jnp.float32),
)

_tc2_call = pl.pallas_call(
    _tc2_body,
    grid=(NB,),
    in_specs=[
        pl.BlockSpec((NC, BLK, D), lambda i: (0, i, 0)),
        pl.BlockSpec((BLK, D), lambda i: (i, 0)),
        pl.BlockSpec((BLK, NC), lambda i: (i, 0)),
        pl.BlockSpec((1, D), lambda i: (0, 0)),
        pl.BlockSpec((D, D), lambda i: (0, 0)),
    ],
    out_specs=pl.BlockSpec((BLK, D), lambda i: (i, 0)),
    out_shape=jax.ShapeDtypeStruct((N, D), jnp.float32),
)

_tc3_call = pl.pallas_call(
    _tc3_body,
    grid=(NB,),
    in_specs=[
        pl.BlockSpec((NC, BLK, D), lambda i: (0, i, 0)),
        pl.BlockSpec((BLK, D), lambda i: (i, 0)),
        pl.BlockSpec((BLK, NC), lambda i: (i, 0)),
        pl.BlockSpec((1, D), lambda i: (0, 0)),
        pl.BlockSpec((1, 1, BLK), lambda i: (i, 0, 0)),
        pl.BlockSpec((D, D), lambda i: (0, 0)),
        pl.BlockSpec((1, D), lambda i: (0, 0)),
    ],
    out_specs=pl.BlockSpec((NG, D), lambda i: (0, 0)),
    out_shape=jax.ShapeDtypeStruct((NG, D), jnp.float32),
    scratch_shapes=[
        pltpu.VMEM((NG, D), jnp.float32),
        pltpu.VMEM((NG, D), jnp.float32),
    ],
)


def kernel(x, edge_index, batch, W1, b1, W2, b2, Wl, bl):
    src = edge_index[0]
    dst = edge_index[1]
    h1 = _mm_call(x, W1)
    degp = _deg_call(dst).reshape(NC, N).T
    g1 = _scale_call(h1, degp)
    s1 = _scat_call(src, dst, g1).reshape(NC, NPAD, D)
    g2 = _tc2_call(s1, g1, degp, b1.reshape(1, D), W2)
    s2 = _scat_call(src, dst, g2).reshape(NC, NPAD, D)
    out = _tc3_call(s2, g2, degp, b2.reshape(1, D), batch.reshape(NB, 1, BLK),
                    Wl, bl.reshape(1, D))
    return out

# --- scband reference (transcript-rebuilt; emitter-appended) ---
"""Pipeline reference for scband-gcn-9079560864488 (READ-ONLY COPY).

The authoritative reference and input builder live on the scoring server;
editing this copy changes nothing except your own understanding.
"""

import jax, jax.numpy as jnp
import numpy as np

N = 10000
E = 320000
DIN = 128
DH = 128
DOUT = 128
NG = 64


def setup_inputs(seed: int = 0) -> dict:
    key = jax.random.key(seed)
    ks = jax.random.split(key, 10)
    x = jax.random.normal(ks[0], (N, DIN), dtype=jnp.float32)
    edge_index = jax.random.randint(ks[1], (2, E), 0, N, dtype=jnp.int32)
    batch = jnp.sort(jax.random.randint(ks[2], (N,), 0, NG, dtype=jnp.int32))
    W1 = jax.random.normal(ks[3], (DIN, DH), dtype=jnp.float32) * 0.05
    b1 = jnp.zeros((DH,), dtype=jnp.float32)
    W2 = jax.random.normal(ks[4], (DH, DH), dtype=jnp.float32) * 0.05
    b2 = jnp.zeros((DH,), dtype=jnp.float32)
    Wl = jax.random.normal(ks[5], (DH, DOUT), dtype=jnp.float32) * 0.05
    bl = jnp.zeros((DOUT,), dtype=jnp.float32)
    return {"x": x, "edge_index": edge_index, "batch": batch,
            "W1": W1, "b1": b1, "W2": W2, "b2": b2, "Wl": Wl, "bl": bl}


def _gcn_conv(x, edge_index, W, b):
    # GCNConv (PyG semantics): linear transform, add self-loops,
    # symmetric normalization D^{-1/2} A D^{-1/2}, scatter-add aggregation, bias.
    h = x @ W
    loop = jnp.arange(N, dtype=edge_index.dtype)
    src = jnp.concatenate([edge_index[0], loop])
    dst = jnp.concatenate([edge_index[1], loop])
    deg = jnp.zeros((N,), dtype=h.dtype).at[dst].add(1.0)
    dinv = jax.lax.rsqrt(jnp.maximum(deg, 1.0))
    norm = dinv[src] * dinv[dst]
    msgs = h[src] * norm[:, None]
    out = jnp.zeros((N, h.shape[1]), dtype=h.dtype).at[dst].add(msgs)
    return out + b


def reference(x, edge_index, batch, W1, b1, W2, b2, Wl, bl):
    h = jax.nn.relu(_gcn_conv(x, edge_index, W1, b1))
    h = jax.nn.relu(_gcn_conv(h, edge_index, W2, b2))
    sums = jax.ops.segment_sum(h, batch, num_segments=NG)
    counts = jax.ops.segment_sum(jnp.ones((N,), dtype=h.dtype), batch, num_segments=NG)
    pooled = sums / jnp.maximum(counts, 1.0)[:, None]
    return pooled @ Wl + bl

if __name__ == "__main__":
    import jax
    _d = setup_inputs()
    print(jax.jit(kernel)(*tuple(_d.values())))

</pallas_src>

<mosaic_0001>
#map = affine_map<(d0, d1) -> (0)>
module attributes {stable_mosaic.version = 14 : i64} {
  func.func @_deg_body(%arg0: i32, %arg1: i32, %arg2: memref<320000xi32, #tpu.memory_space<hbm>>, %arg3: memref<20000xf32, #tpu.memory_space<hbm>>, %arg4: memref<128xf32, #tpu.memory_space<vmem>>, %arg5: memref<128xi32, #tpu.memory_space<vmem>>, %arg6: memref<128xi32, #tpu.memory_space<vmem>>, %arg7: memref<640xf32, #tpu.memory_space<vmem>>, %arg8: memref<10000xf32, #tpu.memory_space<vmem_shared>>, %arg9: memref<!tpu.dma_semaphore, #tpu.memory_space<semaphore_mem>>, %arg10: memref<!tpu.dma_semaphore, #tpu.memory_space<semaphore_mem>>) attributes {dimension_semantics = [#tpu.dimension_semantics<core_parallel>, #tpu.dimension_semantics<subcore_parallel>], iteration_bounds = array<i64: 2, 16>, scalar_prefetch = 0 : i64, scratch_operands = 7 : i64, tpu.core_type = #tpu.core_type<sc_vector_subcore>, window_params = [{transform_indices = #map}, {transform_indices = #map}]} {
    %mul3A = arith.constant 2 : i32
    %mul3A_0 = arith.muli %arg1, %mul3A : i32
    %add3A = arith.addi %mul3A_0, %arg0 : i32
    %broadcast_in_dim3A = arith.constant 1.000000e+00 : f32
    %broadcast_in_dim3A_1 = vector.broadcast %broadcast_in_dim3A : f32 to vector<16xf32>
    %swap3A = arith.constant 0 : index
    %swap3A_2 = tpu.vector_load %arg4[%swap3A] {strides = array<i32>} : memref<128xf32, #tpu.memory_space<vmem>>, vector<16xf32>,
    %swap3A_3 = vector.shape_cast %swap3A_2 : vector<16xf32> to vector<16xf32>
    %swap3A_4 = vector.shape_cast %broadcast_in_dim3A_1 : vector<16xf32> to vector<16xf32>
    tpu.vector_store %arg4[%swap3A], %swap3A_4 {strides = array<i32>} : memref<128xf32, #tpu.memory_space<vmem>>, vector<16xf32>,
    %broadcast_in_dim3A_5 = arith.constant 1.000000e+00 : f32
    %broadcast_in_dim3A_6 = vector.broadcast %broadcast_in_dim3A_5 : f32 to vector<16xf32>
    %swap3A_7 = arith.constant 16 : index
    %swap3A_8 = tpu.vector_load %arg4[%swap3A_7] {strides = array<i32>} : memref<128xf32, #tpu.memory_space<vmem>>, vector<16xf32>,
    %swap3A_9 = vector.shape_cast %swap3A_8 : vector<16xf32> to vector<16xf32>
    %swap3A_10 = vector.shape_cast %broadcast_in_dim3A_6 : vector<16xf32> to vector<16xf32>
    tpu.vector_store %arg4[%swap3A_7], %swap3A_10 {strides = array<i32>} : memref<128xf32, #tpu.memory_space<vmem>>, vector<16xf32>,
    %broadcast_in_dim3A_11 = arith.constant 1.000000e+00 : f32
    %broadcast_in_dim3A_12 = vector.broadcast %broadcast_in_dim3A_11 : f32 to vector<16xf32>
    %swap3A_13 = arith.constant 32 : index
    %swap3A_14 = tpu.vector_load %arg4[%swap3A_13] {strides = array<i32>} : memref<128xf32, #tpu.memory_space<vmem>>, vector<16xf32>,
    %swap3A_15 = vector.shape_cast %swap3A_14 : vector<16xf32> to vector<16xf32>
    %swap3A_16 = vector.shape_cast %broadcast_in_dim3A_12 : vector<16xf32> to vector<16xf32>
    tpu.vector_store %arg4[%swap3A_13], %swap3A_16 {strides = array<i32>} : memref<128xf32, #tpu.memory_space<vmem>>, vector<16xf32>,
    %broadcast_in_dim3A_17 = arith.constant 1.000000e+00 : f32
    %broadcast_in_dim3A_18 = vector.broadcast %broadcast_in_dim3A_17 : f32 to vector<16xf32>
    %swap3A_19 = arith.constant 48 : index
    %swap3A_20 = tpu.vector_load %arg4[%swap3A_19] {strides = array<i32>} : memref<128xf32, #tpu.memory_space<vmem>>, vector<16xf32>,
    %swap3A_21 = vector.shape_cast %swap3A_20 : vector<16xf32> to vector<16xf32>
    %swap3A_22 = vector.shape_cast %broadcast_in_dim3A_18 : vector<16xf32> to vector<16xf32>
    tpu.vector_store %arg4[%swap3A_19], %swap3A_22 {strides = array<i32>} : memref<128xf32, #tpu.memory_space<vmem>>, vector<16xf32>,
    %broadcast_in_dim3A_23 = arith.constant 1.000000e+00 : f32
    %broadcast_in_dim3A_24 = vector.broadcast %broadcast_in_dim3A_23 : f32 to vector<16xf32>
    %swap3A_25 = arith.constant 64 : index
    %swap3A_26 = tpu.vector_load %arg4[%swap3A_25] {strides = array<i32>} : memref<128xf32, #tpu.memory_space<vmem>>, vector<16xf32>,
    %swap3A_27 = vector.shape_cast %swap3A_26 : vector<16xf32> to vector<16xf32>
    %swap3A_28 = vector.shape_cast %broadcast_in_dim3A_24 : vector<16xf32> to vector<16xf32>
    tpu.vector_store %arg4[%swap3A_25], %swap3A_28 {strides = array<i32>} : memref<128xf32, #tpu.memory_space<vmem>>, vector<16xf32>,
    %broadcast_in_dim3A_29 = arith.constant 1.000000e+00 : f32
    %broadcast_in_dim3A_30 = vector.broadcast %broadcast_in_dim3A_29 : f32 to vector<16xf32>
    %swap3A_31 = arith.constant 80 : index
    %swap3A_32 = tpu.vector_load %arg4[%swap3A_31] {strides = array<i32>} : memref<128xf32, #tpu.memory_space<vmem>>, vector<16xf32>,
    %swap3A_33 = vector.shape_cast %swap3A_32 : vector<16xf32> to vector<16xf32>
    %swap3A_34 = vector.shape_cast %broadcast_in_dim3A_30 : vector<16xf32> to vector<16xf32>
    tpu.vector_store %arg4[%swap3A_31], %swap3A_34 {strides = array<i32>} : memref<128xf32, #tpu.memory_space<vmem>>, vector<16xf32>,
    %broadcast_in_dim3A_35 = arith.constant 1.000000e+00 : f32
    %broadcast_in_dim3A_36 = vector.broadcast %broadcast_in_dim3A_35 : f32 to vector<16xf32>
    %swap3A_37 = arith.constant 96 : index
    %swap3A_38 = tpu.vector_load %arg4[%swap3A_37] {strides = array<i32>} : memref<128xf32, #tpu.memory_space<vmem>>, vector<16xf32>,
    %swap3A_39 = vector.shape_cast %swap3A_38 : vector<16xf32> to vector<16xf32>
    %swap3A_40 = vector.shape_cast %broadcast_in_dim3A_36 : vector<16xf32> to vector<16xf32>
    tpu.vector_store %arg4[%swap3A_37], %swap3A_40 {strides = array<i32>} : memref<128xf32, #tpu.memory_space<vmem>>, vector<16xf32>,
    %broadcast_in_dim3A_41 = arith.constant 1.000000e+00 : f32
    %broadcast_in_dim3A_42 = vector.broadcast %broadcast_in_dim3A_41 : f32 to vector<16xf32>
    %swap3A_43 = arith.constant 112 : index
    %swap3A_44 = tpu.vector_load %arg4[%swap3A_43] {strides = array<i32>} : memref<128xf32, #tpu.memory_space<vmem>>, vector<16xf32>,
    %swap3A_45 = vector.shape_cast %swap3A_44 : vector<16xf32> to vector<16xf32>
    %swap3A_46 = vector.shape_cast %broadcast_in_dim3A_42 : vector<16xf32> to vector<16xf32>
    tpu.vector_store %arg4[%swap3A_43], %swap3A_46 {strides = array<i32>} : memref<128xf32, #tpu.memory_space<vmem>>, vector<16xf32>,
    %broadcast_in_dim3A_47 = arith.constant 0.000000e+00 : f32
    %broadcast_in_dim3A_48 = vector.broadcast %broadcast_in_dim3A_47 : f32 to vector<16xf32>
    %swap3A_49 = arith.constant 0 : index
    %swap3A_50 = tpu.vector_load %arg7[%swap3A_49] {strides = array<i32>} : memref<640xf32, #tpu.memory_space<vmem>>, vector<16xf32>,
    %swap3A_51 = vector.shape_cast %swap3A_50 : vector<16xf32> to vector<16xf32>
    %swap3A_52 = vector.shape_cast %broadcast_in_dim3A_48 : vector<16xf32> to vector<16xf32>
    tpu.vector_store %arg7[%swap3A_49], %swap3A_52 {strides = array<i32>} : memref<640xf32, #tpu.memory_space<vmem>>, vector<16xf32>,
    %broadcast_in_dim3A_53 = arith.constant 0.000000e+00 : f32
    %broadcast_in_dim3A_54 = vector.broadcast %broadcast_in_dim3A_53 : f32 to vector<16xf32>
    %swap3A_55 = arith.constant 16 : index
    %swap3A_56 = tpu.vector_load %arg7[%swap3A_55] {strides = array<i32>} : memref<640xf32, #tpu.memory_space<vmem>>, vector<16xf32>,
    %swap3A_57 = vector.shape_cast %swap3A_56 : vector<16xf32> to vector<16xf32>
    %swap3A_58 = vector.shape_cast %broadcast_in_dim3A_54 : vector<16xf32> to vector<16xf32>
    tpu.vector_store %arg7[%swap3A_55], %swap3A_58 {strides = array<i32>} : memref<640xf32, #tpu.memory_space<vmem>>, vector<16xf32>,
    %broadcast_in_dim3A_59 = arith.constant 0.000000e+00 : f32
    %broadcast_in_dim3A_60 = vector.broadcast %broadcast_in_dim3A_59 : f32 to vector<16xf32>
    %swap3A_61 = arith.constant 32 : index
    %swap3A_62 = tpu.vector_load %arg7[%swap3A_61] {strides = array<i32>} : memref<640xf32, #tpu.memory_space<vmem>>, vector<16xf32>,
    %swap3A_63 = vector.shape_cast %swap3A_62 : vector<16xf32> to vector<16xf32>
    %swap3A_64 = vector.shape_cast %broadcast_in_dim3A_60 : vector<16xf32> to vector<16xf32>
    tpu.vector_store %arg7[%swap3A_61], %swap3A_64 {strides = array<i32>} : memref<640xf32, #tpu.memory_space<vmem>>, vector<16xf32>,
    %broadcast_in_dim3A_65 = arith.constant 0.000000e+00 : f32
    %broadcast_in_dim3A_66 = vector.broadcast %broadcast_in_dim3A_65 : f32 to vector<16xf32>
    %swap3A_67 = arith.constant 48 : index
    %swap3A_68 = tpu.vector_load %arg7[%swap3A_67] {strides = array<i32>} : memref<640xf32, #tpu.memory_space<vmem>>, vector<16xf32>,
    %swap3A_69 = vector.shape_cast %swap3A_68 : vector<16xf32> to vector<16xf32>
    %swap3A_70 = vector.shape_cast %broadcast_in_dim3A_66 : vector<16xf32> to vector<16xf32>
    tpu.vector_store %arg7[%swap3A_67], %swap3A_70 {strides = array<i32>} : memref<640xf32, #tpu.memory_space<vmem>>, vector<16xf32>,
    %broadcast_in_dim3A_71 = arith.constant 0.000000e+00 : f32
    %broadcast_in_dim3A_72 = vector.broadcast %broadcast_in_dim3A_71 : f32 to vector<16xf32>
    %swap3A_73 = arith.constant 64 : index
    %swap3A_74 = tpu.vector_load %arg7[%swap3A_73] {strides = array<i32>} : memref<640xf32, #tpu.memory_space<vmem>>, vector<16xf32>,
    %swap3A_75 = vector.shape_cast %swap3A_74 : vector<16xf32> to vector<16xf32>
    %swap3A_76 = vector.shape_cast %broadcast_in_dim3A_72 : vector<16xf32> to vector<16xf32>
    tpu.vector_store %arg7[%swap3A_73], %swap3A_76 {strides = array<i32>} : memref<640xf32, #tpu.memory_space<vmem>>, vector<16xf32>,
    %broadcast_in_dim3A_77 = arith.constant 0.000000e+00 : f32
    %broadcast_in_dim3A_78 = vector.broadcast %broadcast_in_dim3A_77 : f32 to vector<16xf32>
    %swap3A_79 = arith.constant 80 : index
    %swap3A_80 = tpu.vector_load %arg7[%swap3A_79] {strides = array<i32>} : memref<640xf32, #tpu.memory_space<vmem>>, vector<16xf32>,
    %swap3A_81 = vector.shape_cast %swap3A_80 : vector<16xf32> to vector<16xf32>
    %swap3A_82 = vector.shape_cast %broadcast_in_dim3A_78 : vector<16xf32> to vector<16xf32>
    tpu.vector_store %arg7[%swap3A_79], %swap3A_82 {strides = array<i32>} : memref<640xf32, #tpu.memory_space<vmem>>, vector<16xf32>,
    %broadcast_in_dim3A_83 = arith.constant 0.000000e+00 : f32
    %broadcast_in_dim3A_84 = vector.broadcast %broadcast_in_dim3A_83 : f32 to vector<16xf32>
    %swap3A_85 = arith.constant 96 : index
    %swap3A_86 = tpu.vector_load %arg7[%swap3A_85] {strides = array<i32>} : memref<640xf32, #tpu.memory_space<vmem>>, vector<16xf32>,
    %swap3A_87 = vector.shape_cast %swap3A_86 : vector<16xf32> to vector<16xf32>
    %swap3A_88 = vector.shape_cast %broadcast_in_dim3A_84 : vector<16xf32> to vector<16xf32>
    tpu.vector_store %arg7[%swap3A_85], %swap3A_88 {strides = array<i32>} : memref<640xf32, #tpu.memory_space<vmem>>, vector<16xf32>,
    %broadcast_in_dim3A_89 = arith.constant 0.000000e+00 : f32
    %broadcast_in_dim3A_90 = vector.broadcast %broadcast_in_dim3A_89 : f32 to vector<16xf32>
    %swap3A_91 = arith.constant 112 : index
    %swap3A_92 = tpu.vector_load %arg7[%swap3A_91] {strides = array<i32>} : memref<640xf32, #tpu.memory_space<vmem>>, vector<16xf32>,
    %swap3A_93 = vector.shape_cast %swap3A_92 : vector<16xf32> to vector<16xf32>
    %swap3A_94 = vector.shape_cast %broadcast_in_dim3A_90 : vector<16xf32> to vector<16xf32>
    tpu.vector_store %arg7[%swap3A_91], %swap3A_94 {strides = array<i32>} : memref<640xf32, #tpu.memory_space<vmem>>, vector<16xf32>,
    %broadcast_in_dim3A_95 = arith.constant 0.000000e+00 : f32
    %broadcast_in_dim3A_96 = vector.broadcast %broadcast_in_dim3A_95 : f32 to vector<16xf32>
    %swap3A_97 = arith.constant 128 : index
    %swap3A_98 = tpu.vector_load %arg7[%swap3A_97] {strides = array<i32>} : memref<640xf32, #tpu.memory_space<vmem>>, vector<16xf32>,
    %swap3A_99 = vector.shape_cast %swap3A_98 : vector<16xf32> to vector<16xf32>
    %swap3A_100 = vector.shape_cast %broadcast_in_dim3A_96 : vector<16xf32> to vector<16xf32>
    tpu.vector_store %arg7[%swap3A_97], %swap3A_100 {strides = array<i32>} : memref<640xf32, #tpu.memory_space<vmem>>, vector<16xf32>,
    %broadcast_in_dim3A_101 = arith.constant 0.000000e+00 : f32
    %broadcast_in_dim3A_102 = vector.broadcast %broadcast_in_dim3A_101 : f32 to vector<16xf32>
    %swap3A_103 = arith.constant 144 : index
    %swap3A_104 = tpu.vector_load %arg7[%swap3A_103] {strides = array<i32>} : memref<640xf32, #tpu.memory_space<vmem>>, vector<16xf32>,
    %swap3A_105 = vector.shape_cast %swap3A_104 : vector<16xf32> to vector<16xf32>
    %swap3A_106 = vector.shape_cast %broadcast_in_dim3A_102 : vector<16xf32> to vector<16xf32>
    tpu.vector_store %arg7[%swap3A_103], %swap3A_106 {strides = array<i32>} : memref<640xf32, #tpu.memory_space<vmem>>, vector<16xf32>,
    %broadcast_in_dim3A_107 = arith.constant 0.000000e+00 : f32
    %broadcast_in_dim3A_108 = vector.broadcast %broadcast_in_dim3A_107 : f32 to vector<16xf32>
    %swap3A_109 = arith.constant 160 : index
    %swap3A_110 = tpu.vector_load %arg7[%swap3A_109] {strides = array<i32>} : memref<640xf32, #tpu.memory_space<vmem>>, vector<16xf32>,
    %swap3A_111 = vector.shape_cast %swap3A_110 : vector<16xf32> to vector<16xf32>
    %swap3A_112 = vector.shape_cast %broadcast_in_dim3A_108 : vector<16xf32> to vector<16xf32>
    tpu.vector_store %arg7[%swap3A_109], %swap3A_112 {strides = array<i32>} : memref<640xf32, #tpu.memory_space<vmem>>, vector<16xf32>,
    %broadcast_in_dim3A_113 = arith.constant 0.000000e+00 : f32
    %broadcast_in_dim3A_114 = vector.broadcast %broadcast_in_dim3A_113 : f32 to vector<16xf32>
    %swap3A_115 = arith.constant 176 : index
    %swap3A_116 = tpu.vector_load %arg7[%swap3A_115] {strides = array<i32>} : memref<640xf32, #tpu.memory_space<vmem>>, vector<16xf32>,
    %swap3A_117 = vector.shape_cast %swap3A_116 : vector<16xf32> to vector<16xf32>
    %swap3A_118 = vector.shape_cast %broadcast_in_dim3A_114 : vector<16xf32> to vector<16xf32>
    tpu.vector_store %arg7[%swap3A_115], %swap3A_118 {strides = array<i32>} : memref<640xf32, #tpu.memory_space<vmem>>, vector<16xf32>,
    %broadcast_in_dim3A_119 = arith.constant 0.000000e+00 : f32
    %broadcast_in_dim3A_120 = vector.broadcast %broadcast_in_dim3A_119 : f32 to vector<16xf32>
    %swap3A_121 = arith.constant 192 : index
    %swap3A_122 = tpu.vector_load %arg7[%swap3A_121] {strides = array<i32>} : memref<640xf32, #tpu.memory_space<vmem>>, vector<16xf32>,
    %swap3A_123 = vector.shape_cast %swap3A_122 : vector<16xf32> to vector<16xf32>
    %swap3A_124 = vector.shape_cast %broadcast_in_dim3A_120 : vector<16xf32> to vector<16xf32>
    tpu.vector_store %arg7[%swap3A_121], %swap3A_124 {strides = array<i32>} : memref<640xf32, #tpu.memory_space<vmem>>, vector<16xf32>,
    %broadcast_in_dim3A_125 = arith.constant 0.000000e+00 : f32
    %broadcast_in_dim3A_126 = vector.broadcast %broadcast_in_dim3A_125 : f32 to vector<16xf32>
    %swap3A_127 = arith.constant 208 : index
    %swap3A_128 = tpu.vector_load %arg7[%swap3A_127] {strides = array<i32>} : memref<640xf32, #tpu.memory_space<vmem>>, vector<16xf32>,
    %swap3A_129 = vector.shape_cast %swap3A_128 : vector<16xf32> to vector<16xf32>
    %swap3A_130 = vector.shape_cast %broadcast_in_dim3A_126 : vector<16xf32> to vector<16xf32>
    tpu.vector_store %arg7[%swap3A_127], %swap3A_130 {strides = array<i32>} : memref<640xf32, #tpu.memory_space<vmem>>, vector<16xf32>,
    %broadcast_in_dim3A_131 = arith.constant 0.000000e+00 : f32
    %broadcast_in_dim3A_132 = vector.broadcast %broadcast_in_dim3A_131 : f32 to vector<16xf32>
    %swap3A_133 = arith.constant 224 : index
    %swap3A_134 = tpu.vector_load %arg7[%swap3A_133] {strides = array<i32>} : memref<640xf32, #tpu.memory_space<vmem>>, vector<16xf32>,
    %swap3A_135 = vector.shape_cast %swap3A_134 : vector<16xf32> to vector<16xf32>
    %swap3A_136 = vector.shape_cast %broadcast_in_dim3A_132 : vector<16xf32> to vector<16xf32>
    tpu.vector_store %arg7[%swap3A_133], %swap3A_136 {strides = array<i32>} : memref<640xf32, #tpu.memory_space<vmem>>, vector<16xf32>,
    %broadcast_in_dim3A_137 = arith.constant 0.000000e+00 : f32
    %broadcast_in_dim3A_138 = vector.broadcast %broadcast_in_dim3A_137 : f32 to vector<16xf32>
    %swap3A_139 = arith.constant 240 : index
    %swap3A_140 = tpu.vector_load %arg7[%swap3A_139] {strides = array<i32>} : memref<640xf32, #tpu.memory_space<vmem>>, vector<16xf32>,
    %swap3A_141 = vector.shape_cast %swap3A_140 : vector<16xf32> to vector<16xf32>
    %swap3A_142 = vector.shape_cast %broadcast_in_dim3A_138 : vector<16xf32> to vector<16xf32>
    tpu.vector_store %arg7[%swap3A_139], %swap3A_142 {strides = array<i32>} : memref<640xf32, #tpu.memory_space<vmem>>, vector<16xf32>,
    %broadcast_in_dim3A_143 = arith.constant 0.000000e+00 : f32
    %broadcast_in_dim3A_144 = vector.broadcast %broadcast_in_dim3A_143 : f32 to vector<16xf32>
    %swap3A_145 = arith.constant 256 : index
    %swap3A_146 = tpu.vector_load %arg7[%swap3A_145] {strides = array<i32>} : memref<640xf32, #tpu.memory_space<vmem>>, vector<16xf32>,
    %swap3A_147 = vector.shape_cast %swap3A_146 : vector<16xf32> to vector<16xf32>
    %swap3A_148 = vector.shape_cast %broadcast_in_dim3A_144 : vector<16xf32> to vector<16xf32>
    tpu.vector_store %arg7[%swap3A_145], %swap3A_148 {strides = array<i32>} : memref<640xf32, #tpu.memory_space<vmem>>, vector<16xf32>,
    %broadcast_in_dim3A_149 = arith.constant 0.000000e+00 : f32
    %broadcast_in_dim3A_150 = vector.broadcast %broadcast_in_dim3A_149 : f32 to vector<16xf32>
    %swap3A_151 = arith.constant 272 : index
    %swap3A_152 = tpu.vector_load %arg7[%swap3A_151] {strides = array<i32>} : memref<640xf32, #tpu.memory_space<vmem>>, vector<16xf32>,
    %swap3A_153 = vector.shape_cast %swap3A_152 : vector<16xf32> to vector<16xf32>
    %swap3A_154 = vector.shape_cast %broadcast_in_dim3A_150 : vector<16xf32> to vector<16xf32>
    tpu.vector_store %arg7[%swap3A_151], %swap3A_154 {strides = array<i32>} : memref<640xf32, #tpu.memory_space<vmem>>, vector<16xf32>,
    %broadcast_in_dim3A_155 = arith.constant 0.000000e+00 : f32
    %broadcast_in_dim3A_156 = vector.broadcast %broadcast_in_dim3A_155 : f32 to vector<16xf32>
    %swap3A_157 = arith.constant 288 : index
    %swap3A_158 = tpu.vector_load %arg7[%swap3A_157] {strides = array<i32>} : memref<640xf32, #tpu.memory_space<vmem>>, vector<16xf32>,
    %swap3A_159 = vector.shape_cast %swap3A_158 : vector<16xf32> to vector<16xf32>
    %swap3A_160 = vector.shape_cast %broadcast_in_dim3A_156 : vector<16xf32> to vector<16xf32>
    tpu.vector_store %arg7[%swap3A_157], %swap3A_160 {strides = array<i32>} : memref<640xf32, #tpu.memory_space<vmem>>, vector<16xf32>,
    %broadcast_in_dim3A_161 = arith.constant 0.000000e+00 : f32
    %broadcast_in_dim3A_162 = vector.broadcast %broadcast_in_dim3A_161 : f32 to vector<16xf32>
    %swap3A_163 = arith.constant 304 : index
    %swap3A_164 = tpu.vector_load %arg7[%swap3A_163] {strides = array<i32>} : memref<640xf32, #tpu.memory_space<vmem>>, vector<16xf32>,
    %swap3A_165 = vector.shape_cast %swap3A_164 : vector<16xf32> to vector<16xf32>
    %swap3A_166 = vector.shape_cast %broadcast_in_dim3A_162 : vector<16xf32> to vector<16xf32>
    tpu.vector_store %arg7[%swap3A_163], %swap3A_166 {strides = array<i32>} : memref<640xf32, #tpu.memory_space<vmem>>, vector<16xf32>,
    %broadcast_in_dim3A_167 = arith.constant 0.000000e+00 : f32
    %broadcast_in_dim3A_168 = vector.broadcast %broadcast_in_dim3A_167 : f32 to vector<16xf32>
    %swap3A_169 = arith.constant 320 : index
    %swap3A_170 = tpu.vector_load %arg7[%swap3A_169] {strides = array<i32>} : memref<640xf32, #tpu.memory_space<vmem>>, vector<16xf32>,
    %swap3A_171 = vector.shape_cast %swap3A_170 : vector<16xf32> to vector<16xf32>
    %swap3A_172 = vector.shape_cast %broadcast_in_dim3A_168 : vector<16xf32> to vector<16xf32>
    tpu.vector_store %arg7[%swap3A_169], %swap3A_172 {strides = array<i32>} : memref<640xf32, #tpu.memory_space<vmem>>, vector<16xf32>,
    %broadcast_in_dim3A_173 = arith.constant 0.000000e+00 : f32
    %broadcast_in_dim3A_174 = vector.broadcast %broadcast_in_dim3A_173 : f32 to vector<16xf32>
    %swap3A_175 = arith.constant 336 : index
    %swap3A_176 = tpu.vector_load %arg7[%swap3A_175] {strides = array<i32>} : memref<640xf32, #tpu.memory_space<vmem>>, vector<16xf32>,
    %swap3A_177 = vector.shape_cast %swap3A_176 : vector<16xf32> to vector<16xf32>
    %swap3A_178 = vector.shape_cast %broadcast_in_dim3A_174 : vector<16xf32> to vector<16xf32>
    tpu.vector_store %arg7[%swap3A_175], %swap3A_178 {strides = array<i32>} : memref<640xf32, #tpu.memory_space<vmem>>, vector<16xf32>,
    %broadcast_in_dim3A_179 = arith.constant 0.000000e+00 : f32
    %broadcast_in_dim3A_180 = vector.broadcast %broadcast_in_dim3A_179 : f32 to vector<16xf32>
    %swap3A_181 = arith.constant 352 : index
    %swap3A_182 = tpu.vector_load %arg7[%swap3A_181] {strides = array<i32>} : memref<640xf32, #tpu.memory_space<vmem>>, vector<16xf32>,
    %swap3A_183 = vector.shape_cast %swap3A_182 : vector<16xf32> to vector<16xf32>
    %swap3A_184 = vector.shape_cast %broadcast_in_dim3A_180 : vector<16xf32> to vector<16xf32>
    tpu.vector_store %arg7[%swap3A_181], %swap3A_184 {strides = array<i32>} : memref<640xf32, #tpu.memory_space<vmem>>, vector<16xf32>,
    %broadcast_in_dim3A_185 = arith.constant 0.000000e+00 : f32
    %broadcast_in_dim3A_186 = vector.broadcast %broadcast_in_dim3A_185 : f32 to vector<16xf32>
    %swap3A_187 = arith.constant 368 : index
    %swap3A_188 = tpu.vector_load %arg7[%swap3A_187] {strides = array<i32>} : memref<640xf32, #tpu.memory_space<vmem>>, vector<16xf32>,
    %swap3A_189 = vector.shape_cast %swap3A_188 : vector<16xf32> to vector<16xf32>
    %swap3A_190 = vector.shape_cast %broadcast_in_dim3A_186 : vector<16xf32> to vector<16xf32>
    tpu.vector_store %arg7[%swap3A_187], %swap3A_190 {strides = array<i32>} : memref<640xf32, #tpu.memory_space<vmem>>, vector<16xf32>,
    %broadcast_in_dim3A_191 = arith.constant 0.000000e+00 : f32
    %broadcast_in_dim3A_192 = vector.broadcast %broadcast_in_dim3A_191 : f32 to vector<16xf32>
    %swap3A_193 = arith.constant 384 : index
    %swap3A_194 = tpu.vector_load %arg7[%swap3A_193] {strides = array<i32>} : memref<640xf32, #tpu.memory_space<vmem>>, vector<16xf32>,
    %swap3A_195 = vector.shape_cast %swap3A_194 : vector<16xf32> to vector<16xf32>
    %swap3A_196 = vector.shape_cast %broadcast_in_dim3A_192 : vector<16xf32> to vector<16xf32>
    tpu.vector_store %arg7[%swap3A_193], %swap3A_196 {strides = array<i32>} : memref<640xf32, #tpu.memory_space<vmem>>, vector<16xf32>,
    %broadcast_in_dim3A_197 = arith.constant 0.000000e+00 : f32
    %broadcast_in_dim3A_198 = vector.broadcast %broadcast_in_dim3A_197 : f32 to vector<16xf32>
    %swap3A_199 = arith.constant 400 : index
    %swap3A_200 = tpu.vector_load %arg7[%swap3A_199] {strides = array<i32>} : memref<640xf32, #tpu.memory_space<vmem>>, vector<16xf32>,
    %swap3A_201 = vector.shape_cast %swap3A_200 : vector<16xf32> to vector<16xf32>
    %swap3A_202 = vector.shape_cast %broadcast_in_dim3A_198 : vector<16xf32> to vector<16xf32>
    tpu.vector_store %arg7[%swap3A_199], %swap3A_202 {strides = array<i32>} : memref<640xf32, #tpu.memory_space<vmem>>, vector<16xf32>,
    %broadcast_in_dim3A_203 = arith.constant 0.000000e+00 : f32
    %broadcast_in_dim3A_204 = vector.broadcast %broadcast_in_dim3A_203 : f32 to vector<16xf32>
    %swap3A_205 = arith.constant 416 : index
    %swap3A_206 = tpu.vector_load %arg7[%swap3A_205] {strides = array<i32>} : memref<640xf32, #tpu.memory_space<vmem>>, vector<16xf32>,
    %swap3A_207 = vector.shape_cast %swap3A_206 : vector<16xf32> to vector<16xf32>
    %swap3A_208 = vector.shape_cast %broadcast_in_dim3A_204 : vector<16xf32> to vector<16xf32>
    tpu.vector_store %arg7[%swap3A_205], %swap3A_208 {strides = array<i32>} : memref<640xf32, #tpu.memory_space<vmem>>, vector<16xf32>,
    %broadcast_in_dim3A_209 = arith.constant 0.000000e+00 : f32
    %broadcast_in_dim3A_210 = vector.broadcast %broadcast_in_dim3A_209 : f32 to vector<16xf32>
    %swap3A_211 = arith.constant 432 : index
    %swap3A_212 = tpu.vector_load %arg7[%swap3A_211] {strides = array<i32>} : memref<640xf32, #tpu.memory_space<vmem>>, vector<16xf32>,
    %swap3A_213 = vector.shape_cast %swap3A_212 : vector<16xf32> to vector<16xf32>
    %swap3A_214 = vector.shape_cast %broadcast_in_dim3A_210 : vector<16xf32> to vector<16xf32>
    tpu.vector_store %arg7[%swap3A_211], %swap3A_214 {strides = array<i32>} : memref<640xf32, #tpu.memory_space<vmem>>, vector<16xf32>,
    %broadcast_in_dim3A_215 = arith.constant 0.000000e+00 : f32
    %broadcast_in_dim3A_216 = vector.broadcast %broadcast_in_dim3A_215 : f32 to vector<16xf32>
    %swap3A_217 = arith.constant 448 : index
    %swap3A_218 = tpu.vector_load %arg7[%swap3A_217] {strides = array<i32>} : memref<640xf32, #tpu.memory_space<vmem>>, vector<16xf32>,
    %swap3A_219 = vector.shape_cast %swap3A_218 : vector<16xf32> to vector<16xf32>
    %swap3A_220 = vector.shape_cast %broadcast_in_dim3A_216 : vector<16xf32> to vector<16xf32>
    tpu.vector_store %arg7[%swap3A_217], %swap3A_220 {strides = array<i32>} : memref<640xf32, #tpu.memory_space<vmem>>, vector<16xf32>,
    %broadcast_in_dim3A_221 = arith.constant 0.000000e+00 : f32
    %broadcast_in_dim3A_222 = vector.broadcast %broadcast_in_dim3A_221 : f32 to vector<16xf32>
    %swap3A_223 = arith.constant 464 : index
    %swap3A_224 = tpu.vector_load %arg7[%swap3A_223] {strides = array<i32>} : memref<640xf32, #tpu.memory_space<vmem>>, vector<16xf32>,
    %swap3A_225 = vector.shape_cast %swap3A_224 : vector<16xf32> to vector<16xf32>
    %swap3A_226 = vector.shape_cast %broadcast_in_dim3A_222 : vector<16xf32> to vector<16xf32>
    tpu.vector_store %arg7[%swap3A_223], %swap3A_226 {strides = array<i32>} : memref<640xf32, #tpu.memory_space<vmem>>, vector<16xf32>,
    %broadcast_in_dim3A_227 = arith.constant 0.000000e+00 : f32
    %broadcast_in_dim3A_228 = vector.broadcast %broadcast_in_dim3A_227 : f32 to vector<16xf32>
    %swap3A_229 = arith.constant 480 : index
    %swap3A_230 = tpu.vector_load %arg7[%swap3A_229] {strides = array<i32>} : memref<640xf32, #tpu.memory_space<vmem>>, vector<16xf32>,
    %swap3A_231 = vector.shape_cast %swap3A_230 : vector<16xf32> to vector<16xf32>
    %swap3A_232 = vector.shape_cast %broadcast_in_dim3A_228 : vector<16xf32> to vector<16xf32>
    tpu.vector_store %arg7[%swap3A_229], %swap3A_232 {strides = array<i32>} : memref<640xf32, #tpu.memory_space<vmem>>, vector<16xf32>,
    %broadcast_in_dim3A_233 = arith.constant 0.000000e+00 : f32
    %broadcast_in_dim3A_234 = vector.broadcast %broadcast_in_dim3A_233 : f32 to vector<16xf32>
    %swap3A_235 = arith.constant 496 : index
    %swap3A_236 = tpu.vector_load %arg7[%swap3A_235] {strides = array<i32>} : memref<640xf32, #tpu.memory_space<vmem>>, vector<16xf32>,
    %swap3A_237 = vector.shape_cast %swap3A_236 : vector<16xf32> to vector<16xf32>
    %swap3A_238 = vector.shape_cast %broadcast_in_dim3A_234 : vector<16xf32> to vector<16xf32>
    tpu.vector_store %arg7[%swap3A_235], %swap3A_238 {strides = array<i32>} : memref<640xf32, #tpu.memory_space<vmem>>, vector<16xf32>,
    %broadcast_in_dim3A_239 = arith.constant 0.000000e+00 : f32
    %broadcast_in_dim3A_240 = vector.broadcast %broadcast_in_dim3A_239 : f32 to vector<16xf32>
    %swap3A_241 = arith.constant 512 : index
    %swap3A_242 = tpu.vector_load %arg7[%swap3A_241] {strides = array<i32>} : memref<640xf32, #tpu.memory_space<vmem>>, vector<16xf32>,
    %swap3A_243 = vector.shape_cast %swap3A_242 : vector<16xf32> to vector<16xf32>
    %swap3A_244 = vector.shape_cast %broadcast_in_dim3A_240 : vector<16xf32> to vector<16xf32>
    tpu.vector_store %arg7[%swap3A_241], %swap3A_244 {strides = array<i32>} : memref<640xf32, #tpu.memory_space<vmem>>, vector<16xf32>,
    %broadcast_in_dim3A_245 = arith.constant 0.000000e+00 : f32
    %broadcast_in_dim3A_246 = vector.broadcast %broadcast_in_dim3A_245 : f32 to vector<16xf32>
    %swap3A_247 = arith.constant 528 : index
    %swap3A_248 = tpu.vector_load %arg7[%swap3A_247] {strides = array<i32>} : memref<640xf32, #tpu.memory_space<vmem>>, vector<16xf32>,
    %swap3A_249 = vector.shape_cast %swap3A_248 : vector<16xf32> to vector<16xf32>
    %swap3A_250 = vector.shape_cast %broadcast_in_dim3A_246 : vector<16xf32> to vector<16xf32>
    tpu.vector_store %arg7[%swap3A_247], %swap3A_250 {strides = array<i32>} : memref<640xf32, #tpu.memory_space<vmem>>, vector<16xf32>,
    %broadcast_in_dim3A_251 = arith.constant 0.000000e+00 : f32
    %broadcast_in_dim3A_252 = vector.broadcast %broadcast_in_dim3A_251 : f32 to vector<16xf32>
    %swap3A_253 = arith.constant 544 : index
    %swap3A_254 = tpu.vector_load %arg7[%swap3A_253] {strides = array<i32>} : memref<640xf32, #tpu.memory_space<vmem>>, vector<16xf32>,
    %swap3A_255 = vector.shape_cast %swap3A_254 : vector<16xf32> to vector<16xf32>
    %swap3A_256 = vector.shape_cast %broadcast_in_dim3A_252 : vector<16xf32> to vector<16xf32>
    tpu.vector_store %arg7[%swap3A_253], %swap3A_256 {strides = array<i32>} : memref<640xf32, #tpu.memory_space<vmem>>, vector<16xf32>,
    %broadcast_in_dim3A_257 = arith.constant 0.000000e+00 : f32
    %broadcast_in_dim3A_258 = vector.broadcast %broadcast_in_dim3A_257 : f32 to vector<16xf32>
    %swap3A_259 = arith.constant 560 : index
    %swap3A_260 = tpu.vector_load %arg7[%swap3A_259] {strides = array<i32>} : memref<640xf32, #tpu.memory_space<vmem>>, vector<16xf32>,
    %swap3A_261 = vector.shape_cast %swap3A_260 : vector<16xf32> to vector<16xf32>
    %swap3A_262 = vector.shape_cast %broadcast_in_dim3A_258 : vector<16xf32> to vector<16xf32>
    tpu.vector_store %arg7[%swap3A_259], %swap3A_262 {strides = array<i32>} : memref<640xf32, #tpu.memory_space<vmem>>, vector<16xf32>,
    %broadcast_in_dim3A_263 = arith.constant 0.000000e+00 : f32
    %broadcast_in_dim3A_264 = vector.broadcast %broadcast_in_dim3A_263 : f32 to vector<16xf32>
    %swap3A_265 = arith.constant 576 : index
    %swap3A_266 = tpu.vector_load %arg7[%swap3A_265] {strides = array<i32>} : memref<640xf32, #tpu.memory_space<vmem>>, vector<16xf32>,
    %swap3A_267 = vector.shape_cast %swap3A_266 : vector<16xf32> to vector<16xf32>
    %swap3A_268 = vector.shape_cast %broadcast_in_dim3A_264 : vector<16xf32> to vector<16xf32>
    tpu.vector_store %arg7[%swap3A_265], %swap3A_268 {strides = array<i32>} : memref<640xf32, #tpu.memory_space<vmem>>, vector<16xf32>,
    %broadcast_in_dim3A_269 = arith.constant 0.000000e+00 : f32
    %broadcast_in_dim3A_270 = vector.broadcast %broadcast_in_dim3A_269 : f32 to vector<16xf32>
    %swap3A_271 = arith.constant 592 : index
    %swap3A_272 = tpu.vector_load %arg7[%swap3A_271] {strides = array<i32>} : memref<640xf32, #tpu.memory_space<vmem>>, vector<16xf32>,
    %swap3A_273 = vector.shape_cast %swap3A_272 : vector<16xf32> to vector<16xf32>
    %swap3A_274 = vector.shape_cast %broadcast_in_dim3A_270 : vector<16xf32> to vector<16xf32>
    tpu.vector_store %arg7[%swap3A_271], %swap3A_274 {strides = array<i32>} : memref<640xf32, #tpu.memory_space<vmem>>, vector<16xf32>,
    %broadcast_in_dim3A_275 = arith.constant 0.000000e+00 : f32
    %broadcast_in_dim3A_276 = vector.broadcast %broadcast_in_dim3A_275 : f32 to vector<16xf32>
    %swap3A_277 = arith.constant 608 : index
    %swap3A_278 = tpu.vector_load %arg7[%swap3A_277] {strides = array<i32>} : memref<640xf32, #tpu.memory_space<vmem>>, vector<16xf32>,
    %swap3A_279 = vector.shape_cast %swap3A_278 : vector<16xf32> to vector<16xf32>
    %swap3A_280 = vector.shape_cast %broadcast_in_dim3A_276 : vector<16xf32> to vector<16xf32>
    tpu.vector_store %arg7[%swap3A_277], %swap3A_280 {strides = array<i32>} : memref<640xf32, #tpu.memory_space<vmem>>, vector<16xf32>,
    %broadcast_in_dim3A_281 = arith.constant 0.000000e+00 : f32
    %broadcast_in_dim3A_282 = vector.broadcast %broadcast_in_dim3A_281 : f32 to vector<16xf32>
    %swap3A_283 = arith.constant 624 : index
    %swap3A_284 = tpu.vector_load %arg7[%swap3A_283] {strides = array<i32>} : memref<640xf32, #tpu.memory_space<vmem>>, vector<16xf32>,
    %swap3A_285 = vector.shape_cast %swap3A_284 : vector<16xf32> to vector<16xf32>
    %swap3A_286 = vector.shape_cast %broadcast_in_dim3A_282 : vector<16xf32> to vector<16xf32>
    tpu.vector_store %arg7[%swap3A_283], %swap3A_286 {strides = array<i32>} : memref<640xf32, #tpu.memory_space<vmem>>, vector<16xf32>,
    %lt3A = arith.constant 15 : i32
    %lt3A_287 = arith.cmpi slt, %arg1, %lt3A : i32
    %convert_element_type3A = arith.extui %lt3A_287 : i1 to i32
    %cond3A = arith.constant 0 : i32
    %cond3A_288 = arith.cmpi ne, %convert_element_type3A, %cond3A : i32
    scf.if %cond3A_288 {
      %mul3A_314 = arith.constant 624 : i32
      %mul3A_315 = arith.muli %arg1, %mul3A_314 : i32
      "tpu.region"() ({
        %run_scoped3A = tpu.sem_alloc : memref<!tpu.dma_semaphore, #tpu.memory_space<semaphore_mem>>
        %dma_start3A = arith.constant 0 : i32
        %dma_start3A_316 = tpu.memref_slice %arg7[%dma_start3A] : memref<640xf32, #tpu.memory_space<vmem>> -> memref<624xf32, #tpu.memory_space<vmem>>
        %dma_start3A_317 = tpu.memref_slice %arg8[%mul3A_315] : memref<10000xf32, #tpu.memory_space<vmem_shared>> -> memref<624xf32, #tpu.memory_space<vmem_shared>>
        %dma_start3A_318 = tpu.memref_slice %arg8[%mul3A_315] : memref<10000xf32, #tpu.memory_space<vmem_shared>> -> memref<624xf32, #tpu.memory_space<vmem_shared>>
        %dma_start3A_319 = arith.constant 0 : i32
        %dma_start3A_320 = tpu.memref_slice %arg7[%dma_start3A_319] : memref<640xf32, #tpu.memory_space<vmem>> -> memref<624xf32, #tpu.memory_space<vmem>>
        tpu.enqueue_dma source(%dma_start3A_320 : memref<624xf32, #tpu.memory_space<vmem>>) target(%dma_start3A_318 : memref<624xf32, #tpu.memory_space<vmem_shared>>) target_semaphore(%run_scoped3A : memref<!tpu.dma_semaphore, #tpu.memory_space<semaphore_mem>>)
        %dma_wait3A = arith.constant 0 : i32
        %dma_wait3A_321 = tpu.memref_slice %arg7[%dma_wait3A] : memref<640xf32, #tpu.memory_space<vmem>> -> memref<624xf32, #tpu.memory_space<vmem>>
        %dma_wait3A_322 = tpu.memref_slice %arg8[%mul3A_315] : memref<10000xf32, #tpu.memory_space<vmem_shared>> -> memref<624xf32, #tpu.memory_space<vmem_shared>>
        %dma_wait3A_323 = tpu.memref_slice %arg8[%mul3A_315] : memref<10000xf32, #tpu.memory_space<vmem_shared>> -> memref<624xf32, #tpu.memory_space<vmem_shared>>
        %dma_wait3A_324 = arith.constant 0 : i32
        %dma_wait3A_325 = tpu.memref_slice %arg7[%dma_wait3A_324] : memref<640xf32, #tpu.memory_space<vmem>> -> memref<624xf32, #tpu.memory_space<vmem>>
        tpu.wait_dma2 semaphore(%run_scoped3A : memref<!tpu.dma_semaphore, #tpu.memory_space<semaphore_mem>>) src(%dma_wait3A_325 : memref<624xf32, #tpu.memory_space<vmem>>) dst(%dma_wait3A_323 : memref<624xf32, #tpu.memory_space<vmem_shared>>)
        tpu.yield
      }) : () -> ()
    } else {
    }
    %eq3A = arith.constant 15 : i32
    %eq3A_289 = arith.cmpi eq, %arg1, %eq3A : i32
    %convert_element_type3A_290 = arith.extui %eq3A_289 : i1 to i32
    %cond3A_291 = arith.constant 0 : i32
    %cond3A_292 = arith.cmpi ne, %convert_element_type3A_290, %cond3A_291 : i32
    scf.if %cond3A_292 {
      "tpu.region"() ({
        %run_scoped3A = tpu.sem_alloc : memref<!tpu.dma_semaphore, #tpu.memory_space<semaphore_mem>>
        %dma_start3A = arith.constant 9360 : i32
        %dma_start3A_314 = tpu.memref_slice %arg8[%dma_start3A] : memref<10000xf32, #tpu.memory_space<vmem_shared>> -> memref<640xf32, #tpu.memory_space<vmem_shared>>
        %dma_start3A_315 = arith.constant 9360 : i32
        %dma_start3A_316 = tpu.memref_slice %arg8[%dma_start3A_315] : memref<10000xf32, #tpu.memory_space<vmem_shared>> -> memref<640xf32, #tpu.memory_space<vmem_shared>>
        tpu.enqueue_dma source(%arg7 : memref<640xf32, #tpu.memory_space<vmem>>) target(%dma_start3A_316 : memref<640xf32, #tpu.memory_space<vmem_shared>>) target_semaphore(%run_scoped3A : memref<!tpu.dma_semaphore, #tpu.memory_space<semaphore_mem>>)
        %dma_wait3A = arith.constant 9360 : i32
        %dma_wait3A_317 = tpu.memref_slice %arg8[%dma_wait3A] : memref<10000xf32, #tpu.memory_space<vmem_shared>> -> memref<640xf32, #tpu.memory_space<vmem_shared>>
        %dma_wait3A_318 = arith.constant 9360 : i32
        %dma_wait3A_319 = tpu.memref_slice %arg8[%dma_wait3A_318] : memref<10000xf32, #tpu.memory_space<vmem_shared>> -> memref<640xf32, #tpu.memory_space<vmem_shared>>
        tpu.wait_dma2 semaphore(%run_scoped3A : memref<!tpu.dma_semaphore, #tpu.memory_space<semaphore_mem>>) src(%arg7 : memref<640xf32, #tpu.memory_space<vmem>>) dst(%dma_wait3A_319 : memref<640xf32, #tpu.memory_space<vmem_shared>>)
        tpu.yield
      }) : () -> ()
    } else {
    }
    %barrier3A = arith.constant 0 : index
    tpu.barrier barrier_id(%barrier3A)
    %scan3A = arith.constant 0 : i32
    %scan3A_293 = arith.constant 0 : i32
    %scan3A_294 = arith.constant 39 : i32
    %scan3A_295 = arith.addi %scan3A_293, %scan3A_294 : i32
    %scan3A_296 = arith.constant 1 : i32
    scf.for %scan3A_314 = %scan3A_293 to %scan3A_295 step %scan3A_296  : i32 {
      %mul3A_315 = arith.constant 2 : i32
      %mul3A_316 = arith.muli %mul3A_315, %scan3A_314 : i32
      %mul3A_317 = arith.constant 32 : i32
      %mul3A_318 = arith.muli %mul3A_316, %mul3A_317 : i32
      %add3A_319 = arith.addi %add3A, %mul3A_318 : i32
      %mul3A_320 = arith.constant 128 : i32
      %mul3A_321 = arith.muli %add3A_319, %mul3A_320 : i32
      %mul3A_322 = arith.constant 2 : i32
      %mul3A_323 = arith.muli %mul3A_322, %scan3A_314 : i32
      %add3A_324 = arith.constant 1 : i32
      %add3A_325 = arith.addi %mul3A_323, %add3A_324 : i32
      %mul3A_326 = arith.constant 32 : i32
      %mul3A_327 = arith.muli %add3A_325, %mul3A_326 : i32
      %add3A_328 = arith.addi %add3A, %mul3A_327 : i32
      %mul3A_329 = arith.constant 128 : i32
      %mul3A_330 = arith.muli %add3A_328, %mul3A_329 : i32
      %dma_start3A = tpu.memref_slice %arg2[%mul3A_321] : memref<320000xi32, #tpu.memory_space<hbm>> -> memref<128xi32, #tpu.memory_space<hbm>>
      %dma_start3A_331 = tpu.memref_slice %arg2[%mul3A_321] : memref<320000xi32, #tpu.memory_space<hbm>> -> memref<128xi32, #tpu.memory_space<hbm>>
      tpu.enqueue_dma source(%dma_start3A_331 : memref<128xi32, #tpu.memory_space<hbm>>) target(%arg5 : memref<128xi32, #tpu.memory_space<vmem>>) target_semaphore(%arg9 : memref<!tpu.dma_semaphore, #tpu.memory_space<semaphore_mem>>)
      %dma_start3A_332 = tpu.memref_slice %arg2[%mul3A_330] : memref<320000xi32, #tpu.memory_space<hbm>> -> memref<128xi32, #tpu.memory_space<hbm>>
      %dma_start3A_333 = tpu.memref_slice %arg2[%mul3A_330] : memref<320000xi32, #tpu.memory_space<hbm>> -> memref<128xi32, #tpu.memory_space<hbm>>
      tpu.enqueue_dma source(%dma_start3A_333 : memref<128xi32, #tpu.memory_space<hbm>>) target(%arg6 : memref<128xi32, #tpu.memory_space<vmem>>) target_semaphore(%arg10 : memref<!tpu.dma_semaphore, #tpu.memory_space<semaphore_mem>>)
      %dma_wait3A = tpu.memref_slice %arg2[%mul3A_321] : memref<320000xi32, #tpu.memory_space<hbm>> -> memref<128xi32, #tpu.memory_space<hbm>>
      %dma_wait3A_334 = tpu.memref_slice %arg2[%mul3A_321] : memref<320000xi32, #tpu.memory_space<hbm>> -> memref<128xi32, #tpu.memory_space<hbm>>
      tpu.wait_dma2 semaphore(%arg9 : memref<!tpu.dma_semaphore, #tpu.memory_space<semaphore_mem>>) src(%dma_wait3A_334 : memref<128xi32, #tpu.memory_space<hbm>>) dst(%arg5 : memref<128xi32, #tpu.memory_space<vmem>>)
      "tpu.region"() ({
        %run_scoped3A = tpu.sem_alloc : memref<!tpu.dma_semaphore, #tpu.memory_space<semaphore_mem>>
        %dma_start3A_337 = arith.constant 0 : i32
        %dma_start3A_338 = tpu.memref_slice %arg8[%dma_start3A_337] : memref<10000xf32, #tpu.memory_space<vmem_shared>> -> memref<10000xf32, #tpu.memory_space<vmem_shared>>
        tpu.enqueue_indirect_dma source(%arg4 : memref<128xf32, #tpu.memory_space<vmem>>) target(%dma_start3A_338 : memref<10000xf32, #tpu.memory_space<vmem_shared>>) offsets(%arg5 : memref<128xi32, #tpu.memory_space<vmem>>) semaphore(%run_scoped3A : memref<!tpu.dma_semaphore, #tpu.memory_space<semaphore_mem>>) {add = true}
        %dma_wait3A_339 = arith.constant 0 : i32
        %dma_wait3A_340 = tpu.memref_slice %arg8[%dma_wait3A_339] : memref<10000xf32, #tpu.memory_space<vmem_shared>> -> memref<10000xf32, #tpu.memory_space<vmem_shared>>
        tpu.wait_indirect_dma semaphore(%run_scoped3A : memref<!tpu.dma_semaphore, #tpu.memory_space<semaphore_mem>>) src(%arg4 : memref<128xf32, #tpu.memory_space<vmem>>) dst(%dma_wait3A_340 : memref<10000xf32, #tpu.memory_space<vmem_shared>>)
        tpu.yield
      }) : () -> ()
      %dma_wait3A_335 = tpu.memref_slice %arg2[%mul3A_330] : memref<320000xi32, #tpu.memory_space<hbm>> -> memref<128xi32, #tpu.memory_space<hbm>>
      %dma_wait3A_336 = tpu.memref_slice %arg2[%mul3A_330] : memref<320000xi32, #tpu.memory_space<hbm>> -> memref<128xi32, #tpu.memory_space<hbm>>
      tpu.wait_dma2 semaphore(%arg10 : memref<!tpu.dma_semaphore, #tpu.memory_space<semaphore_mem>>) src(%dma_wait3A_336 : memref<128xi32, #tpu.memory_space<hbm>>) dst(%arg6 : memref<128xi32, #tpu.memory_space<vmem>>)
      "tpu.region"() ({
        %run_scoped3A = tpu.sem_alloc : memref<!tpu.dma_semaphore, #tpu.memory_space<semaphore_mem>>
        %dma_start3A_337 = arith.constant 0 : i32
        %dma_start3A_338 = tpu.memref_slice %arg8[%dma_start3A_337] : memref<10000xf32, #tpu.memory_space<vmem_shared>> -> memref<10000xf32, #tpu.memory_space<vmem_shared>>
        tpu.enqueue_indirect_dma source(%arg4 : memref<128xf32, #tpu.memory_space<vmem>>) target(%dma_start3A_338 : memref<10000xf32, #tpu.memory_space<vmem_shared>>) offsets(%arg6 : memref<128xi32, #tpu.memory_space<vmem>>) semaphore(%run_scoped3A : memref<!tpu.dma_semaphore, #tpu.memory_space<semaphore_mem>>) {add = true}
        %dma_wait3A_339 = arith.constant 0 : i32
        %dma_wait3A_340 = tpu.memref_slice %arg8[%dma_wait3A_339] : memref<10000xf32, #tpu.memory_space<vmem_shared>> -> memref<10000xf32, #tpu.memory_space<vmem_shared>>
        tpu.wait_indirect_dma semaphore(%run_scoped3A : memref<!tpu.dma_semaphore, #tpu.memory_space<semaphore_mem>>) src(%arg4 : memref<128xf32, #tpu.memory_space<vmem>>) dst(%dma_wait3A_340 : memref<10000xf32, #tpu.memory_space<vmem_shared>>)
        tpu.yield
      }) : () -> ()
    }
    %scan3A_297 = arith.constant 39 : i32
    %lt3A_298 = arith.constant 4 : i32
    %lt3A_299 = arith.cmpi slt, %add3A, %lt3A_298 : i32
    %convert_element_type3A_300 = arith.extui %lt3A_299 : i1 to i32
    %cond3A_301 = arith.constant 0 : i32
    %cond3A_302 = arith.cmpi ne, %convert_element_type3A_300, %cond3A_301 : i32
    scf.if %cond3A_302 {
      %add3A_314 = arith.constant 2496 : i32
      %add3A_315 = arith.addi %add3A, %add3A_314 : i32
      %mul3A_316 = arith.constant 128 : i32
      %mul3A_317 = arith.muli %add3A_315, %mul3A_316 : i32
      "tpu.region"() ({
        %run_scoped3A = tpu.sem_alloc : memref<!tpu.dma_semaphore, #tpu.memory_space<semaphore_mem>>
        %dma_start3A = tpu.memref_slice %arg2[%mul3A_317] : memref<320000xi32, #tpu.memory_space<hbm>> -> memref<128xi32, #tpu.memory_space<hbm>>
        %dma_start3A_318 = tpu.memref_slice %arg2[%mul3A_317] : memref<320000xi32, #tpu.memory_space<hbm>> -> memref<128xi32, #tpu.memory_space<hbm>>
        tpu.enqueue_dma source(%dma_start3A_318 : memref<128xi32, #tpu.memory_space<hbm>>) target(%arg5 : memref<128xi32, #tpu.memory_space<vmem>>) target_semaphore(%run_scoped3A : memref<!tpu.dma_semaphore, #tpu.memory_space<semaphore_mem>>)
        %dma_wait3A = tpu.memref_slice %arg2[%mul3A_317] : memref<320000xi32, #tpu.memory_space<hbm>> -> memref<128xi32, #tpu.memory_space<hbm>>
        %dma_wait3A_319 = tpu.memref_slice %arg2[%mul3A_317] : memref<320000xi32, #tpu.memory_space<hbm>> -> memref<128xi32, #tpu.memory_space<hbm>>
        tpu.wait_dma2 semaphore(%run_scoped3A : memref<!tpu.dma_semaphore, #tpu.memory_space<semaphore_mem>>) src(%dma_wait3A_319 : memref<128xi32, #tpu.memory_space<hbm>>) dst(%arg5 : memref<128xi32, #tpu.memory_space<vmem>>)
        tpu.yield
      }) : () -> ()
      "tpu.region"() ({
        %run_scoped3A = tpu.sem_alloc : memref<!tpu.dma_semaphore, #tpu.memory_space<semaphore_mem>>
        %dma_start3A = arith.constant 0 : i32
        %dma_start3A_318 = tpu.memref_slice %arg8[%dma_start3A] : memref<10000xf32, #tpu.memory_space<vmem_shared>> -> memref<10000xf32, #tpu.memory_space<vmem_shared>>
        tpu.enqueue_indirect_dma source(%arg4 : memref<128xf32, #tpu.memory_space<vmem>>) target(%dma_start3A_318 : memref<10000xf32, #tpu.memory_space<vmem_shared>>) offsets(%arg5 : memref<128xi32, #tpu.memory_space<vmem>>) semaphore(%run_scoped3A : memref<!tpu.dma_semaphore, #tpu.memory_space<semaphore_mem>>) {add = true}
        %dma_wait3A = arith.constant 0 : i32
        %dma_wait3A_319 = tpu.memref_slice %arg8[%dma_wait3A] : memref<10000xf32, #tpu.memory_space<vmem_shared>> -> memref<10000xf32, #tpu.memory_space<vmem_shared>>
        tpu.wait_indirect_dma semaphore(%run_scoped3A : memref<!tpu.dma_semaphore, #tpu.memory_space<semaphore_mem>>) src(%arg4 : memref<128xf32, #tpu.memory_space<vmem>>) dst(%dma_wait3A_319 : memref<10000xf32, #tpu.memory_space<vmem_shared>>)
        tpu.yield
      }) : () -> ()
    } else {
    }
    %barrier3A_303 = arith.constant 0 : index
    tpu.barrier barrier_id(%barrier3A_303)
    %lt3A_304 = arith.constant 15 : i32
    %lt3A_305 = arith.cmpi slt, %arg1, %lt3A_304 : i32
    %convert_element_type3A_306 = arith.extui %lt3A_305 : i1 to i32
    %cond3A_307 = arith.constant 0 : i32
    %cond3A_308 = arith.cmpi ne, %convert_element_type3A_306, %cond3A_307 : i32
    scf.if %cond3A_308 {
      %mul3A_314 = arith.constant 624 : i32
      %mul3A_315 = arith.muli %arg1, %mul3A_314 : i32
      "tpu.region"() ({
        %run_scoped3A = tpu.sem_alloc : memref<!tpu.dma_semaphore, #tpu.memory_space<semaphore_mem>>
        %dma_start3A = arith.constant 0 : i32
        %dma_start3A_321 = tpu.memref_slice %arg7[%dma_start3A] : memref<640xf32, #tpu.memory_space<vmem>> -> memref<624xf32, #tpu.memory_space<vmem>>
        %dma_start3A_322 = tpu.memref_slice %arg8[%mul3A_315] : memref<10000xf32, #tpu.memory_space<vmem_shared>> -> memref<624xf32, #tpu.memory_space<vmem_shared>>
        %dma_start3A_323 = arith.constant 0 : i32
        %dma_start3A_324 = tpu.memref_slice %arg7[%dma_start3A_323] : memref<640xf32, #tpu.memory_space<vmem>> -> memref<624xf32, #tpu.memory_space<vmem>>
        %dma_start3A_325 = tpu.memref_slice %arg8[%mul3A_315] : memref<10000xf32, #tpu.memory_space<vmem_shared>> -> memref<624xf32, #tpu.memory_space<vmem_shared>>
        tpu.enqueue_dma source(%dma_start3A_325 : memref<624xf32, #tpu.memory_space<vmem_shared>>) target(%dma_start3A_324 : memref<624xf32, #tpu.memory_space<vmem>>) target_semaphore(%run_scoped3A : memref<!tpu.dma_semaphore, #tpu.memory_space<semaphore_mem>>)
        %dma_wait3A = arith.constant 0 : i32
        %dma_wait3A_326 = tpu.memref_slice %arg7[%dma_wait3A] : memref<640xf32, #tpu.memory_space<vmem>> -> memref<624xf32, #tpu.memory_space<vmem>>
        %dma_wait3A_327 = tpu.memref_slice %arg8[%mul3A_315] : memref<10000xf32, #tpu.memory_space<vmem_shared>> -> memref<624xf32, #tpu.memory_space<vmem_shared>>
        %dma_wait3A_328 = arith.constant 0 : i32
        %dma_wait3A_329 = tpu.memref_slice %arg7[%dma_wait3A_328] : memref<640xf32, #tpu.memory_space<vmem>> -> memref<624xf32, #tpu.memory_space<vmem>>
        %dma_wait3A_330 = tpu.memref_slice %arg8[%mul3A_315] : memref<10000xf32, #tpu.memory_space<vmem_shared>> -> memref<624xf32, #tpu.memory_space<vmem_shared>>
        tpu.wait_dma2 semaphore(%run_scoped3A : memref<!tpu.dma_semaphore, #tpu.memory_space<semaphore_mem>>) src(%dma_wait3A_330 : memref<624xf32, #tpu.memory_space<vmem_shared>>) dst(%dma_wait3A_329 : memref<624xf32, #tpu.memory_space<vmem>>)
        tpu.yield
      }) : () -> ()
      %mul3A_316 = arith.constant 10000 : i32
      %mul3A_317 = arith.muli %arg0, %mul3A_316 : i32
      %mul3A_318 = arith.constant 624 : i32
      %mul3A_319 = arith.muli %arg1, %mul3A_318 : i32
      %add3A_320 = arith.addi %mul3A_317, %mul3A_319 : i32
      "tpu.region"() ({
        %run_scoped3A = tpu.sem_alloc : memref<!tpu.dma_semaphore, #tpu.memory_space<semaphore_mem>>
        %dma_start3A = arith.constant 0 : i32
        %dma_start3A_321 = tpu.memref_slice %arg7[%dma_start3A] : memref<640xf32, #tpu.memory_space<vmem>> -> memref<624xf32, #tpu.memory_space<vmem>>
        %dma_start3A_322 = tpu.memref_slice %arg3[%add3A_320] : memref<20000xf32, #tpu.memory_space<hbm>> -> memref<624xf32, #tpu.memory_space<hbm>>
        %dma_start3A_323 = tpu.memref_slice %arg3[%add3A_320] : memref<20000xf32, #tpu.memory_space<hbm>> -> memref<624xf32, #tpu.memory_space<hbm>>
        %dma_start3A_324 = arith.constant 0 : i32
        %dma_start3A_325 = tpu.memref_slice %arg7[%dma_start3A_324] : memref<640xf32, #tpu.memory_space<vmem>> -> memref<624xf32, #tpu.memory_space<vmem>>
        tpu.enqueue_dma source(%dma_start3A_325 : memref<624xf32, #tpu.memory_space<vmem>>) target(%dma_start3A_323 : memref<624xf32, #tpu.memory_space<hbm>>) target_semaphore(%run_scoped3A : memref<!tpu.dma_semaphore, #tpu.memory_space<semaphore_mem>>)
        %dma_wait3A = arith.constant 0 : i32
        %dma_wait3A_326 = tpu.memref_slice %arg7[%dma_wait3A] : memref<640xf32, #tpu.memory_space<vmem>> -> memref<624xf32, #tpu.memory_space<vmem>>
        %dma_wait3A_327 = tpu.memref_slice %arg3[%add3A_320] : memref<20000xf32, #tpu.memory_space<hbm>> -> memref<624xf32, #tpu.memory_space<hbm>>
        %dma_wait3A_328 = tpu.memref_slice %arg3[%add3A_320] : memref<20000xf32, #tpu.memory_space<hbm>> -> memref<624xf32, #tpu.memory_space<hbm>>
        %dma_wait3A_329 = arith.constant 0 : i32
        %dma_wait3A_330 = tpu.memref_slice %arg7[%dma_wait3A_329] : memref<640xf32, #tpu.memory_space<vmem>> -> memref<624xf32, #tpu.memory_space<vmem>>
        tpu.wait_dma2 semaphore(%run_scoped3A : memref<!tpu.dma_semaphore, #tpu.memory_space<semaphore_mem>>) src(%dma_wait3A_330 : memref<624xf32, #tpu.memory_space<vmem>>) dst(%dma_wait3A_328 : memref<624xf32, #tpu.memory_space<hbm>>)
        tpu.yield
      }) : () -> ()
    } else {
    }
    %eq3A_309 = arith.constant 15 : i32
    %eq3A_310 = arith.cmpi eq, %arg1, %eq3A_309 : i32
    %convert_element_type3A_311 = arith.extui %eq3A_310 : i1 to i32
    %cond3A_312 = arith.constant 0 : i32
    %cond3A_313 = arith.cmpi ne, %convert_element_type3A_311, %cond3A_312 : i32
    scf.if %cond3A_313 {
      "tpu.region"() ({
        %run_scoped3A = tpu.sem_alloc : memref<!tpu.dma_semaphore, #tpu.memory_space<semaphore_mem>>
        %dma_start3A = arith.constant 9360 : i32
        %dma_start3A_318 = tpu.memref_slice %arg8[%dma_start3A] : memref<10000xf32, #tpu.memory_space<vmem_shared>> -> memref<640xf32, #tpu.memory_space<vmem_shared>>
        %dma_start3A_319 = arith.constant 9360 : i32
        %dma_start3A_320 = tpu.memref_slice %arg8[%dma_start3A_319] : memref<10000xf32, #tpu.memory_space<vmem_shared>> -> memref<640xf32, #tpu.memory_space<vmem_shared>>
        tpu.enqueue_dma source(%dma_start3A_320 : memref<640xf32, #tpu.memory_space<vmem_shared>>) target(%arg7 : memref<640xf32, #tpu.memory_space<vmem>>) target_semaphore(%run_scoped3A : memref<!tpu.dma_semaphore, #tpu.memory_space<semaphore_mem>>)
        %dma_wait3A = arith.constant 9360 : i32
        %dma_wait3A_321 = tpu.memref_slice %arg8[%dma_wait3A] : memref<10000xf32, #tpu.memory_space<vmem_shared>> -> memref<640xf32, #tpu.memory_space<vmem_shared>>
        %dma_wait3A_322 = arith.constant 9360 : i32
        %dma_wait3A_323 = tpu.memref_slice %arg8[%dma_wait3A_322] : memref<10000xf32, #tpu.memory_space<vmem_shared>> -> memref<640xf32, #tpu.memory_space<vmem_shared>>
        tpu.wait_dma2 semaphore(%run_scoped3A : memref<!tpu.dma_semaphore, #tpu.memory_space<semaphore_mem>>) src(%dma_wait3A_323 : memref<640xf32, #tpu.memory_space<vmem_shared>>) dst(%arg7 : memref<640xf32, #tpu.memory_space<vmem>>)
        tpu.yield
      }) : () -> ()
      %mul3A_314 = arith.constant 10000 : i32
      %mul3A_315 = arith.muli %arg0, %mul3A_314 : i32
      %add3A_316 = arith.constant 9360 : i32
      %add3A_317 = arith.addi %mul3A_315, %add3A_316 : i32
      "tpu.region"() ({
        %run_scoped3A = tpu.sem_alloc : memref<!tpu.dma_semaphore, #tpu.memory_space<semaphore_mem>>
        %dma_start3A = tpu.memref_slice %arg3[%add3A_317] : memref<20000xf32, #tpu.memory_space<hbm>> -> memref<640xf32, #tpu.memory_space<hbm>>
        %dma_start3A_318 = tpu.memref_slice %arg3[%add3A_317] : memref<20000xf32, #tpu.memory_space<hbm>> -> memref<640xf32, #tpu.memory_space<hbm>>
        tpu.enqueue_dma source(%arg7 : memref<640xf32, #tpu.memory_space<vmem>>) target(%dma_start3A_318 : memref<640xf32, #tpu.memory_space<hbm>>) target_semaphore(%run_scoped3A : memref<!tpu.dma_semaphore, #tpu.memory_space<semaphore_mem>>)
        %dma_wait3A = tpu.memref_slice %arg3[%add3A_317] : memref<20000xf32, #tpu.memory_space<hbm>> -> memref<640xf32, #tpu.memory_space<hbm>>
        %dma_wait3A_319 = tpu.memref_slice %arg3[%add3A_317] : memref<20000xf32, #tpu.memory_space<hbm>> -> memref<640xf32, #tpu.memory_space<hbm>>
        tpu.wait_dma2 semaphore(%run_scoped3A : memref<!tpu.dma_semaphore, #tpu.memory_space<semaphore_mem>>) src(%arg7 : memref<640xf32, #tpu.memory_space<vmem>>) dst(%dma_wait3A_319 : memref<640xf32, #tpu.memory_space<hbm>>)
        tpu.yield
      }) : () -> ()
    } else {
    }
    return
  }
}

#map = affine_map<(d0, d1) -> (0)>
#map1 = affine_map<(d0, d1) -> (0, 0)>
module attributes {stable_mosaic.version = 14 : i64} {
  func.func @_scat_body(%arg0: i32, %arg1: i32, %arg2: memref<320000xi32, #tpu.memory_space<hbm>>, %arg3: memref<320000xi32, #tpu.memory_space<hbm>>, %arg4: memref<10000x128xf32, #tpu.memory_space<hbm>>, %arg5: memref<20224x128xf32, #tpu.memory_space<hbm>>, %arg6: memref<128xi32, #tpu.memory_space<vmem>>, %arg7: memref<128xi32, #tpu.memory_space<vmem>>, %arg8: memref<128xi32, #tpu.memory_space<vmem>>, %arg9: memref<128xi32, #tpu.memory_space<vmem>>, %arg10: memref<128xi32, #tpu.memory_space<vmem>>, %arg11: memref<128xi32, #tpu.memory_space<vmem>>, %arg12: memref<128x128xf32, #tpu.memory_space<vmem>>, %arg13: memref<128x128xf32, #tpu.memory_space<vmem>>, %arg14: memref<128x128xf32, #tpu.memory_space<vmem>>, %arg15: memref<10112x128xf32, #tpu.memory_space<vmem_shared>>, %arg16: memref<!tpu.dma_semaphore, #tpu.memory_space<semaphore_mem>>, %arg17: memref<!tpu.dma_semaphore, #tpu.memory_space<semaphore_mem>>, %arg18: memref<!tpu.dma_semaphore, #tpu.memory_space<semaphore_mem>>, %arg19: memref<!tpu.dma_semaphore, #tpu.memory_space<semaphore_mem>>, %arg20: memref<!tpu.dma_semaphore, #tpu.memory_space<semaphore_mem>>, %arg21: memref<!tpu.dma_semaphore, #tpu.memory_space<semaphore_mem>>, %arg22: memref<!tpu.dma_semaphore, #tpu.memory_space<semaphore_mem>>, %arg23: memref<!tpu.dma_semaphore, #tpu.memory_space<semaphore_mem>>, %arg24: memref<!tpu.dma_semaphore, #tpu.memory_space<semaphore_mem>>) attributes {dimension_semantics = [#tpu.dimension_semantics<core_parallel>, #tpu.dimension_semantics<subcore_parallel>], iteration_bounds = array<i64: 2, 16>, scalar_prefetch = 0 : i64, scratch_operands = 19 : i64, tpu.core_type = #tpu.core_type<sc_vector_subcore>, window_params = [{transform_indices = #map}, {transform_indices = #map}, {transform_indices = #map1}, {transform_indices = #map1}]} {
    %mul3A = arith.constant 2 : i32
    %mul3A_0 = arith.muli %arg1, %mul3A : i32
    %add3A = arith.addi %mul3A_0, %arg0 : i32
    %scan3A = arith.constant 0 : i32
    %scan3A_1 = arith.constant 0 : i32
    %scan3A_2 = arith.constant 128 : i32
    %scan3A_3 = arith.addi %scan3A_1, %scan3A_2 : i32
    %scan3A_4 = arith.constant 1 : i32
    scf.for %scan3A_186 = %scan3A_1 to %scan3A_3 step %scan3A_4  : i32 {
      %broadcast_in_dim3A = arith.constant 0.000000e+00 : f32
      %broadcast_in_dim3A_187 = vector.broadcast %broadcast_in_dim3A : f32 to vector<16xf32>
      %swap3A = arith.index_cast %scan3A_186 : i32 to index
      %swap3A_188 = arith.constant 0 : index
      %swap3A_189 = tpu.vector_load %arg12[%swap3A, %swap3A_188] {strides = array<i32>} : memref<128x128xf32, #tpu.memory_space<vmem>>, vector<1x16xf32>,
      %swap3A_190 = vector.shape_cast %swap3A_189 : vector<1x16xf32> to vector<16xf32>
      %swap3A_191 = vector.shape_cast %broadcast_in_dim3A_187 : vector<16xf32> to vector<1x16xf32>
      tpu.vector_store %arg12[%swap3A, %swap3A_188], %swap3A_191 {strides = array<i32>} : memref<128x128xf32, #tpu.memory_space<vmem>>, vector<1x16xf32>,
      %broadcast_in_dim3A_192 = arith.constant 0.000000e+00 : f32
      %broadcast_in_dim3A_193 = vector.broadcast %broadcast_in_dim3A_192 : f32 to vector<16xf32>
      %swap3A_194 = arith.index_cast %scan3A_186 : i32 to index
      %swap3A_195 = arith.constant 16 : index
      %swap3A_196 = tpu.vector_load %arg12[%swap3A_194, %swap3A_195] {strides = array<i32>} : memref<128x128xf32, #tpu.memory_space<vmem>>, vector<1x16xf32>,
      %swap3A_197 = vector.shape_cast %swap3A_196 : vector<1x16xf32> to vector<16xf32>
      %swap3A_198 = vector.shape_cast %broadcast_in_dim3A_193 : vector<16xf32> to vector<1x16xf32>
      tpu.vector_store %arg12[%swap3A_194, %swap3A_195], %swap3A_198 {strides = array<i32>} : memref<128x128xf32, #tpu.memory_space<vmem>>, vector<1x16xf32>,
      %broadcast_in_dim3A_199 = arith.constant 0.000000e+00 : f32
      %broadcast_in_dim3A_200 = vector.broadcast %broadcast_in_dim3A_199 : f32 to vector<16xf32>
      %swap3A_201 = arith.index_cast %scan3A_186 : i32 to index
      %swap3A_202 = arith.constant 32 : index
      %swap3A_203 = tpu.vector_load %arg12[%swap3A_201, %swap3A_202] {strides = array<i32>} : memref<128x128xf32, #tpu.memory_space<vmem>>, vector<1x16xf32>,
      %swap3A_204 = vector.shape_cast %swap3A_203 : vector<1x16xf32> to vector<16xf32>
      %swap3A_205 = vector.shape_cast %broadcast_in_dim3A_200 : vector<16xf32> to vector<1x16xf32>
      tpu.vector_store %arg12[%swap3A_201, %swap3A_202], %swap3A_205 {strides = array<i32>} : memref<128x128xf32, #tpu.memory_space<vmem>>, vector<1x16xf32>,
      %broadcast_in_dim3A_206 = arith.constant 0.000000e+00 : f32
      %broadcast_in_dim3A_207 = vector.broadcast %broadcast_in_dim3A_206 : f32 to vector<16xf32>
      %swap3A_208 = arith.index_cast %scan3A_186 : i32 to index
      %swap3A_209 = arith.constant 48 : index
      %swap3A_210 = tpu.vector_load %arg12[%swap3A_208, %swap3A_209] {strides = array<i32>} : memref<128x128xf32, #tpu.memory_space<vmem>>, vector<1x16xf32>,
      %swap3A_211 = vector.shape_cast %swap3A_210 : vector<1x16xf32> to vector<16xf32>
      %swap3A_212 = vector.shape_cast %broadcast_in_dim3A_207 : vector<16xf32> to vector<1x16xf32>
      tpu.vector_store %arg12[%swap3A_208, %swap3A_209], %swap3A_212 {strides = array<i32>} : memref<128x128xf32, #tpu.memory_space<vmem>>, vector<1x16xf32>,
      %broadcast_in_dim3A_213 = arith.constant 0.000000e+00 : f32
      %broadcast_in_dim3A_214 = vector.broadcast %broadcast_in_dim3A_213 : f32 to vector<16xf32>
      %swap3A_215 = arith.index_cast %scan3A_186 : i32 to index
      %swap3A_216 = arith.constant 64 : index
      %swap3A_217 = tpu.vector_load %arg12[%swap3A_215, %swap3A_216] {strides = array<i32>} : memref<128x128xf32, #tpu.memory_space<vmem>>, vector<1x16xf32>,
      %swap3A_218 = vector.shape_cast %swap3A_217 : vector<1x16xf32> to vector<16xf32>
      %swap3A_219 = vector.shape_cast %broadcast_in_dim3A_214 : vector<16xf32> to vector<1x16xf32>
      tpu.vector_store %arg12[%swap3A_215, %swap3A_216], %swap3A_219 {strides = array<i32>} : memref<128x128xf32, #tpu.memory_space<vmem>>, vector<1x16xf32>,
      %broadcast_in_dim3A_220 = arith.constant 0.000000e+00 : f32
      %broadcast_in_dim3A_221 = vector.broadcast %broadcast_in_dim3A_220 : f32 to vector<16xf32>
      %swap3A_222 = arith.index_cast %scan3A_186 : i32 to index
      %swap3A_223 = arith.constant 80 : index
      %swap3A_224 = tpu.vector_load %arg12[%swap3A_222, %swap3A_223] {strides = array<i32>} : memref<128x128xf32, #tpu.memory_space<vmem>>, vector<1x16xf32>,
      %swap3A_225 = vector.shape_cast %swap3A_224 : vector<1x16xf32> to vector<16xf32>
      %swap3A_226 = vector.shape_cast %broadcast_in_dim3A_221 : vector<16xf32> to vector<1x16xf32>
      tpu.vector_store %arg12[%swap3A_222, %swap3A_223], %swap3A_226 {strides = array<i32>} : memref<128x128xf32, #tpu.memory_space<vmem>>, vector<1x16xf32>,
      %broadcast_in_dim3A_227 = arith.constant 0.000000e+00 : f32
      %broadcast_in_dim3A_228 = vector.broadcast %broadcast_in_dim3A_227 : f32 to vector<16xf32>
      %swap3A_229 = arith.index_cast %scan3A_186 : i32 to index
      %swap3A_230 = arith.constant 96 : index
      %swap3A_231 = tpu.vector_load %arg12[%swap3A_229, %swap3A_230] {strides = array<i32>} : memref<128x128xf32, #tpu.memory_space<vmem>>, vector<1x16xf32>,
      %swap3A_232 = vector.shape_cast %swap3A_231 : vector<1x16xf32> to vector<16xf32>
      %swap3A_233 = vector.shape_cast %broadcast_in_dim3A_228 : vector<16xf32> to vector<1x16xf32>
      tpu.vector_store %arg12[%swap3A_229, %swap3A_230], %swap3A_233 {strides = array<i32>} : memref<128x128xf32, #tpu.memory_space<vmem>>, vector<1x16xf32>,
      %broadcast_in_dim3A_234 = arith.constant 0.000000e+00 : f32
      %broadcast_in_dim3A_235 = vector.broadcast %broadcast_in_dim3A_234 : f32 to vector<16xf32>
      %swap3A_236 = arith.index_cast %scan3A_186 : i32 to index
      %swap3A_237 = arith.constant 112 : index
      %swap3A_238 = tpu.vector_load %arg12[%swap3A_236, %swap3A_237] {strides = array<i32>} : memref<128x128xf32, #tpu.memory_space<vmem>>, vector<1x16xf32>,
      %swap3A_239 = vector.shape_cast %swap3A_238 : vector<1x16xf32> to vector<16xf32>
      %swap3A_240 = vector.shape_cast %broadcast_in_dim3A_235 : vector<16xf32> to vector<1x16xf32>
      tpu.vector_store %arg12[%swap3A_236, %swap3A_237], %swap3A_240 {strides = array<i32>} : memref<128x128xf32, #tpu.memory_space<vmem>>, vector<1x16xf32>,
    }
    %scan3A_5 = arith.constant 128 : i32
    %mul3A_6 = arith.constant 632 : i32
    %mul3A_7 = arith.muli %arg1, %mul3A_6 : i32
    %add3A_8 = arith.constant 0 : i32
    %add3A_9 = arith.addi %mul3A_7, %add3A_8 : i32
    "tpu.region"() ({
      %run_scoped3A = tpu.sem_alloc : memref<!tpu.dma_semaphore, #tpu.memory_space<semaphore_mem>>
      %dma_start3A_186 = arith.constant 0 : i32
      %dma_start3A_187 = arith.constant 0 : i32
      %dma_start3A_188 = tpu.memref_slice %arg12[%dma_start3A_186, %dma_start3A_187] : memref<128x128xf32, #tpu.memory_space<vmem>> -> memref<128x128xf32, #tpu.memory_space<vmem>>
      %dma_start3A_189 = arith.constant 0 : i32
      %dma_start3A_190 = tpu.memref_slice %arg15[%add3A_9, %dma_start3A_189] : memref<10112x128xf32, #tpu.memory_space<vmem_shared>> -> memref<128x128xf32, #tpu.memory_space<vmem_shared>>
      %dma_start3A_191 = arith.constant 0 : i32
      %dma_start3A_192 = tpu.memref_slice %arg15[%add3A_9, %dma_start3A_191] : memref<10112x128xf32, #tpu.memory_space<vmem_shared>> -> memref<128x128xf32, #tpu.memory_space<vmem_shared>>
      %dma_start3A_193 = arith.constant 0 : i32
      %dma_start3A_194 = arith.constant 0 : i32
      %dma_start3A_195 = tpu.memref_slice %arg12[%dma_start3A_193, %dma_start3A_194] : memref<128x128xf32, #tpu.memory_space<vmem>> -> memref<128x128xf32, #tpu.memory_space<vmem>>
      tpu.enqueue_dma source(%dma_start3A_195 : memref<128x128xf32, #tpu.memory_space<vmem>>) target(%dma_start3A_192 : memref<128x128xf32, #tpu.memory_space<vmem_shared>>) target_semaphore(%run_scoped3A : memref<!tpu.dma_semaphore, #tpu.memory_space<semaphore_mem>>)
      %dma_wait3A_196 = arith.constant 0 : i32
      %dma_wait3A_197 = arith.constant 0 : i32
      %dma_wait3A_198 = tpu.memref_slice %arg12[%dma_wait3A_196, %dma_wait3A_197] : memref<128x128xf32, #tpu.memory_space<vmem>> -> memref<128x128xf32, #tpu.memory_space<vmem>>
      %dma_wait3A_199 = arith.constant 0 : i32
      %dma_wait3A_200 = tpu.memref_slice %arg15[%add3A_9, %dma_wait3A_199] : memref<10112x128xf32, #tpu.memory_space<vmem_shared>> -> memref<128x128xf32, #tpu.memory_space<vmem_shared>>
      %dma_wait3A_201 = arith.constant 0 : i32
      %dma_wait3A_202 = tpu.memref_slice %arg15[%add3A_9, %dma_wait3A_201] : memref<10112x128xf32, #tpu.memory_space<vmem_shared>> -> memref<128x128xf32, #tpu.memory_space<vmem_shared>>
      %dma_wait3A_203 = arith.constant 0 : i32
      %dma_wait3A_204 = arith.constant 0 : i32
      %dma_wait3A_205 = tpu.memref_slice %arg12[%dma_wait3A_203, %dma_wait3A_204] : memref<128x128xf32, #tpu.memory_space<vmem>> -> memref<128x128xf32, #tpu.memory_space<vmem>>
      tpu.wait_dma2 semaphore(%run_scoped3A : memref<!tpu.dma_semaphore, #tpu.memory_space<semaphore_mem>>) src(%dma_wait3A_205 : memref<128x128xf32, #tpu.memory_space<vmem>>) dst(%dma_wait3A_202 : memref<128x128xf32, #tpu.memory_space<vmem_shared>>)
      tpu.yield
    }) : () -> ()
    %mul3A_10 = arith.constant 632 : i32
    %mul3A_11 = arith.muli %arg1, %mul3A_10 : i32
    %add3A_12 = arith.constant 128 : i32
    %add3A_13 = arith.addi %mul3A_11, %add3A_12 : i32
    "tpu.region"() ({
      %run_scoped3A = tpu.sem_alloc : memref<!tpu.dma_semaphore, #tpu.memory_space<semaphore_mem>>
      %dma_start3A_186 = arith.constant 0 : i32
      %dma_start3A_187 = arith.constant 0 : i32
      %dma_start3A_188 = tpu.memref_slice %arg12[%dma_start3A_186, %dma_start3A_187] : memref<128x128xf32, #tpu.memory_space<vmem>> -> memref<128x128xf32, #tpu.memory_space<vmem>>
      %dma_start3A_189 = arith.constant 0 : i32
      %dma_start3A_190 = tpu.memref_slice %arg15[%add3A_13, %dma_start3A_189] : memref<10112x128xf32, #tpu.memory_space<vmem_shared>> -> memref<128x128xf32, #tpu.memory_space<vmem_shared>>
      %dma_start3A_191 = arith.constant 0 : i32
      %dma_start3A_192 = tpu.memref_slice %arg15[%add3A_13, %dma_start3A_191] : memref<10112x128xf32, #tpu.memory_space<vmem_shared>> -> memref<128x128xf32, #tpu.memory_space<vmem_shared>>
      %dma_start3A_193 = arith.constant 0 : i32
      %dma_start3A_194 = arith.constant 0 : i32
      %dma_start3A_195 = tpu.memref_slice %arg12[%dma_start3A_193, %dma_start3A_194] : memref<128x128xf32, #tpu.memory_space<vmem>> -> memref<128x128xf32, #tpu.memory_space<vmem>>
      tpu.enqueue_dma source(%dma_start3A_195 : memref<128x128xf32, #tpu.memory_space<vmem>>) target(%dma_start3A_192 : memref<128x128xf32, #tpu.memory_space<vmem_shared>>) target_semaphore(%run_scoped3A : memref<!tpu.dma_semaphore, #tpu.memory_space<semaphore_mem>>)
      %dma_wait3A_196 = arith.constant 0 : i32
      %dma_wait3A_197 = arith.constant 0 : i32
      %dma_wait3A_198 = tpu.memref_slice %arg12[%dma_wait3A_196, %dma_wait3A_197] : memref<128x128xf32, #tpu.memory_space<vmem>> -> memref<128x128xf32, #tpu.memory_space<vmem>>
      %dma_wait3A_199 = arith.constant 0 : i32
      %dma_wait3A_200 = tpu.memref_slice %arg15[%add3A_13, %dma_wait3A_199] : memref<10112x128xf32, #tpu.memory_space<vmem_shared>> -> memref<128x128xf32, #tpu.memory_space<vmem_shared>>
      %dma_wait3A_201 = arith.constant 0 : i32
      %dma_wait3A_202 = tpu.memref_slice %arg15[%add3A_13, %dma_wait3A_201] : memref<10112x128xf32, #tpu.memory_space<vmem_shared>> -> memref<128x128xf32, #tpu.memory_space<vmem_shared>>
      %dma_wait3A_203 = arith.constant 0 : i32
      %dma_wait3A_204 = arith.constant 0 : i32
      %dma_wait3A_205 = tpu.memref_slice %arg12[%dma_wait3A_203, %dma_wait3A_204] : memref<128x128xf32, #tpu.memory_space<vmem>> -> memref<128x128xf32, #tpu.memory_space<vmem>>
      tpu.wait_dma2 semaphore(%run_scoped3A : memref<!tpu.dma_semaphore, #tpu.memory_space<semaphore_mem>>) src(%dma_wait3A_205 : memref<128x128xf32, #tpu.memory_space<vmem>>) dst(%dma_wait3A_202 : memref<128x128xf32, #tpu.memory_space<vmem_shared>>)
      tpu.yield
    }) : () -> ()
    %mul3A_14 = arith.constant 632 : i32
    %mul3A_15 = arith.muli %arg1, %mul3A_14 : i32
    %add3A_16 = arith.constant 256 : i32
    %add3A_17 = arith.addi %mul3A_15, %add3A_16 : i32
    "tpu.region"() ({
      %run_scoped3A = tpu.sem_alloc : memref<!tpu.dma_semaphore, #tpu.memory_space<semaphore_mem>>
      %dma_start3A_186 = arith.constant 0 : i32
      %dma_start3A_187 = arith.constant 0 : i32
      %dma_start3A_188 = tpu.memref_slice %arg12[%dma_start3A_186, %dma_start3A_187] : memref<128x128xf32, #tpu.memory_space<vmem>> -> memref<128x128xf32, #tpu.memory_space<vmem>>
      %dma_start3A_189 = arith.constant 0 : i32
      %dma_start3A_190 = tpu.memref_slice %arg15[%add3A_17, %dma_start3A_189] : memref<10112x128xf32, #tpu.memory_space<vmem_shared>> -> memref<128x128xf32, #tpu.memory_space<vmem_shared>>
      %dma_start3A_191 = arith.constant 0 : i32
      %dma_start3A_192 = tpu.memref_slice %arg15[%add3A_17, %dma_start3A_191] : memref<10112x128xf32, #tpu.memory_space<vmem_shared>> -> memref<128x128xf32, #tpu.memory_space<vmem_shared>>
      %dma_start3A_193 = arith.constant 0 : i32
      %dma_start3A_194 = arith.constant 0 : i32
      %dma_start3A_195 = tpu.memref_slice %arg12[%dma_start3A_193, %dma_start3A_194] : memref<128x128xf32, #tpu.memory_space<vmem>> -> memref<128x128xf32, #tpu.memory_space<vmem>>
      tpu.enqueue_dma source(%dma_start3A_195 : memref<128x128xf32, #tpu.memory_space<vmem>>) target(%dma_start3A_192 : memref<128x128xf32, #tpu.memory_space<vmem_shared>>) target_semaphore(%run_scoped3A : memref<!tpu.dma_semaphore, #tpu.memory_space<semaphore_mem>>)
      %dma_wait3A_196 = arith.constant 0 : i32
      %dma_wait3A_197 = arith.constant 0 : i32
      %dma_wait3A_198 = tpu.memref_slice %arg12[%dma_wait3A_196, %dma_wait3A_197] : memref<128x128xf32, #tpu.memory_space<vmem>> -> memref<128x128xf32, #tpu.memory_space<vmem>>
      %dma_wait3A_199 = arith.constant 0 : i32
      %dma_wait3A_200 = tpu.memref_slice %arg15[%add3A_17, %dma_wait3A_199] : memref<10112x128xf32, #tpu.memory_space<vmem_shared>> -> memref<128x128xf32, #tpu.memory_space<vmem_shared>>
      %dma_wait3A_201 = arith.constant 0 : i32
      %dma_wait3A_202 = tpu.memref_slice %arg15[%add3A_17, %dma_wait3A_201] : memref<10112x128xf32, #tpu.memory_space<vmem_shared>> -> memref<128x128xf32, #tpu.memory_space<vmem_shared>>
      %dma_wait3A_203 = arith.constant 0 : i32
      %dma_wait3A_204 = arith.constant 0 : i32
      %dma_wait3A_205 = tpu.memref_slice %arg12[%dma_wait3A_203, %dma_wait3A_204] : memref<128x128xf32, #tpu.memory_space<vmem>> -> memref<128x128xf32, #tpu.memory_space<vmem>>
      tpu.wait_dma2 semaphore(%run_scoped3A : memref<!tpu.dma_semaphore, #tpu.memory_space<semaphore_mem>>) src(%dma_wait3A_205 : memref<128x128xf32, #tpu.memory_space<vmem>>) dst(%dma_wait3A_202 : memref<128x128xf32, #tpu.memory_space<vmem_shared>>)
      tpu.yield
    }) : () -> ()
    %mul3A_18 = arith.constant 632 : i32
    %mul3A_19 = arith.muli %arg1, %mul3A_18 : i32
    %add3A_20 = arith.constant 384 : i32
    %add3A_21 = arith.addi %mul3A_19, %add3A_20 : i32
    "tpu.region"() ({
      %run_scoped3A = tpu.sem_alloc : memref<!tpu.dma_semaphore, #tpu.memory_space<semaphore_mem>>
      %dma_start3A_186 = arith.constant 0 : i32
      %dma_start3A_187 = arith.constant 0 : i32
      %dma_start3A_188 = tpu.memref_slice %arg12[%dma_start3A_186, %dma_start3A_187] : memref<128x128xf32, #tpu.memory_space<vmem>> -> memref<128x128xf32, #tpu.memory_space<vmem>>
      %dma_start3A_189 = arith.constant 0 : i32
      %dma_start3A_190 = tpu.memref_slice %arg15[%add3A_21, %dma_start3A_189] : memref<10112x128xf32, #tpu.memory_space<vmem_shared>> -> memref<128x128xf32, #tpu.memory_space<vmem_shared>>
      %dma_start3A_191 = arith.constant 0 : i32
      %dma_start3A_192 = tpu.memref_slice %arg15[%add3A_21, %dma_start3A_191] : memref<10112x128xf32, #tpu.memory_space<vmem_shared>> -> memref<128x128xf32, #tpu.memory_space<vmem_shared>>
      %dma_start3A_193 = arith.constant 0 : i32
      %dma_start3A_194 = arith.constant 0 : i32
      %dma_start3A_195 = tpu.memref_slice %arg12[%dma_start3A_193, %dma_start3A_194] : memref<128x128xf32, #tpu.memory_space<vmem>> -> memref<128x128xf32, #tpu.memory_space<vmem>>
      tpu.enqueue_dma source(%dma_start3A_195 : memref<128x128xf32, #tpu.memory_space<vmem>>) target(%dma_start3A_192 : memref<128x128xf32, #tpu.memory_space<vmem_shared>>) target_semaphore(%run_scoped3A : memref<!tpu.dma_semaphore, #tpu.memory_space<semaphore_mem>>)
      %dma_wait3A_196 = arith.constant 0 : i32
      %dma_wait3A_197 = arith.constant 0 : i32
      %dma_wait3A_198 = tpu.memref_slice %arg12[%dma_wait3A_196, %dma_wait3A_197] : memref<128x128xf32, #tpu.memory_space<vmem>> -> memref<128x128xf32, #tpu.memory_space<vmem>>
      %dma_wait3A_199 = arith.constant 0 : i32
      %dma_wait3A_200 = tpu.memref_slice %arg15[%add3A_21, %dma_wait3A_199] : memref<10112x128xf32, #tpu.memory_space<vmem_shared>> -> memref<128x128xf32, #tpu.memory_space<vmem_shared>>
      %dma_wait3A_201 = arith.constant 0 : i32
      %dma_wait3A_202 = tpu.memref_slice %arg15[%add3A_21, %dma_wait3A_201] : memref<10112x128xf32, #tpu.memory_space<vmem_shared>> -> memref<128x128xf32, #tpu.memory_space<vmem_shared>>
      %dma_wait3A_203 = arith.constant 0 : i32
      %dma_wait3A_204 = arith.constant 0 : i32
      %dma_wait3A_205 = tpu.memref_slice %arg12[%dma_wait3A_203, %dma_wait3A_204] : memref<128x128xf32, #tpu.memory_space<vmem>> -> memref<128x128xf32, #tpu.memory_space<vmem>>
      tpu.wait_dma2 semaphore(%run_scoped3A : memref<!tpu.dma_semaphore, #tpu.memory_space<semaphore_mem>>) src(%dma_wait3A_205 : memref<128x128xf32, #tpu.memory_space<vmem>>) dst(%dma_wait3A_202 : memref<128x128xf32, #tpu.memory_space<vmem_shared>>)
      tpu.yield
    }) : () -> ()
    %mul3A_22 = arith.constant 632 : i32
    %mul3A_23 = arith.muli %arg1, %mul3A_22 : i32
    %add3A_24 = arith.constant 512 : i32
    %add3A_25 = arith.addi %mul3A_23, %add3A_24 : i32
    "tpu.region"() ({
      %run_scoped3A = tpu.sem_alloc : memref<!tpu.dma_semaphore, #tpu.memory_space<semaphore_mem>>
      %dma_start3A_186 = arith.constant 0 : i32
      %dma_start3A_187 = arith.constant 0 : i32
      %dma_start3A_188 = tpu.memref_slice %arg12[%dma_start3A_186, %dma_start3A_187] : memref<128x128xf32, #tpu.memory_space<vmem>> -> memref<120x128xf32, #tpu.memory_space<vmem>>
      %dma_start3A_189 = arith.constant 0 : i32
      %dma_start3A_190 = tpu.memref_slice %arg15[%add3A_25, %dma_start3A_189] : memref<10112x128xf32, #tpu.memory_space<vmem_shared>> -> memref<120x128xf32, #tpu.memory_space<vmem_shared>>
      %dma_start3A_191 = arith.constant 0 : i32
      %dma_start3A_192 = tpu.memref_slice %arg15[%add3A_25, %dma_start3A_191] : memref<10112x128xf32, #tpu.memory_space<vmem_shared>> -> memref<120x128xf32, #tpu.memory_space<vmem_shared>>
      %dma_start3A_193 = arith.constant 0 : i32
      %dma_start3A_194 = arith.constant 0 : i32
      %dma_start3A_195 = tpu.memref_slice %arg12[%dma_start3A_193, %dma_start3A_194] : memref<128x128xf32, #tpu.memory_space<vmem>> -> memref<120x128xf32, #tpu.memory_space<vmem>>
      tpu.enqueue_dma source(%dma_start3A_195 : memref<120x128xf32, #tpu.memory_space<vmem>>) target(%dma_start3A_192 : memref<120x128xf32, #tpu.memory_space<vmem_shared>>) target_semaphore(%run_scoped3A : memref<!tpu.dma_semaphore, #tpu.memory_space<semaphore_mem>>)
      %dma_wait3A_196 = arith.constant 0 : i32
      %dma_wait3A_197 = arith.constant 0 : i32
      %dma_wait3A_198 = tpu.memref_slice %arg12[%dma_wait3A_196, %dma_wait3A_197] : memref<128x128xf32, #tpu.memory_space<vmem>> -> memref<120x128xf32, #tpu.memory_space<vmem>>
      %dma_wait3A_199 = arith.constant 0 : i32
      %dma_wait3A_200 = tpu.memref_slice %arg15[%add3A_25, %dma_wait3A_199] : memref<10112x128xf32, #tpu.memory_space<vmem_shared>> -> memref<120x128xf32, #tpu.memory_space<vmem_shared>>
      %dma_wait3A_201 = arith.constant 0 : i32
      %dma_wait3A_202 = tpu.memref_slice %arg15[%add3A_25, %dma_wait3A_201] : memref<10112x128xf32, #tpu.memory_space<vmem_shared>> -> memref<120x128xf32, #tpu.memory_space<vmem_shared>>
      %dma_wait3A_203 = arith.constant 0 : i32
      %dma_wait3A_204 = arith.constant 0 : i32
      %dma_wait3A_205 = tpu.memref_slice %arg12[%dma_wait3A_203, %dma_wait3A_204] : memref<128x128xf32, #tpu.memory_space<vmem>> -> memref<120x128xf32, #tpu.memory_space<vmem>>
      tpu.wait_dma2 semaphore(%run_scoped3A : memref<!tpu.dma_semaphore, #tpu.memory_space<semaphore_mem>>) src(%dma_wait3A_205 : memref<120x128xf32, #tpu.memory_space<vmem>>) dst(%dma_wait3A_202 : memref<120x128xf32, #tpu.memory_space<vmem_shared>>)
      tpu.yield
    }) : () -> ()
    %barrier3A = arith.constant 0 : index
    tpu.barrier barrier_id(%barrier3A)
    %scan3A_26 = arith.constant 0 : i32
    %scan3A_27 = arith.constant 0 : i32
    %scan3A_28 = arith.constant 26 : i32
    %scan3A_29 = arith.addi %scan3A_27, %scan3A_28 : i32
    %scan3A_30 = arith.constant 1 : i32
    scf.for %scan3A_186 = %scan3A_27 to %scan3A_29 step %scan3A_30  : i32 {
      %mul3A_187 = arith.constant 3 : i32
      %mul3A_188 = arith.muli %mul3A_187, %scan3A_186 : i32
      %mul3A_189 = arith.constant 32 : i32
      %mul3A_190 = arith.muli %mul3A_188, %mul3A_189 : i32
      %add3A_191 = arith.addi %add3A, %mul3A_190 : i32
      %mul3A_192 = arith.constant 128 : i32
      %mul3A_193 = arith.muli %add3A_191, %mul3A_192 : i32
      %mul3A_194 = arith.constant 3 : i32
      %mul3A_195 = arith.muli %mul3A_194, %scan3A_186 : i32
      %add3A_196 = arith.constant 1 : i32
      %add3A_197 = arith.addi %mul3A_195, %add3A_196 : i32
      %mul3A_198 = arith.constant 32 : i32
      %mul3A_199 = arith.muli %add3A_197, %mul3A_198 : i32
      %add3A_200 = arith.addi %add3A, %mul3A_199 : i32
      %mul3A_201 = arith.constant 128 : i32
      %mul3A_202 = arith.muli %add3A_200, %mul3A_201 : i32
      %mul3A_203 = arith.constant 3 : i32
      %mul3A_204 = arith.muli %mul3A_203, %scan3A_186 : i32
      %add3A_205 = arith.constant 2 : i32
      %add3A_206 = arith.addi %mul3A_204, %add3A_205 : i32
      %mul3A_207 = arith.constant 32 : i32
      %mul3A_208 = arith.muli %add3A_206, %mul3A_207 : i32
      %add3A_209 = arith.addi %add3A, %mul3A_208 : i32
      %mul3A_210 = arith.constant 128 : i32
      %mul3A_211 = arith.muli %add3A_209, %mul3A_210 : i32
      %dma_start3A_212 = tpu.memref_slice %arg2[%mul3A_193] : memref<320000xi32, #tpu.memory_space<hbm>> -> memref<128xi32, #tpu.memory_space<hbm>>
      %dma_start3A_213 = tpu.memref_slice %arg2[%mul3A_193] : memref<320000xi32, #tpu.memory_space<hbm>> -> memref<128xi32, #tpu.memory_space<hbm>>
      tpu.enqueue_dma source(%dma_start3A_213 : memref<128xi32, #tpu.memory_space<hbm>>) target(%arg6 : memref<128xi32, #tpu.memory_space<vmem>>) target_semaphore(%arg17 : memref<!tpu.dma_semaphore, #tpu.memory_space<semaphore_mem>>)
      %dma_start3A_214 = tpu.memref_slice %arg3[%mul3A_193] : memref<320000xi32, #tpu.memory_space<hbm>> -> memref<128xi32, #tpu.memory_space<hbm>>
      %dma_start3A_215 = tpu.memref_slice %arg3[%mul3A_193] : memref<320000xi32, #tpu.memory_space<hbm>> -> memref<128xi32, #tpu.memory_space<hbm>>
      tpu.enqueue_dma source(%dma_start3A_215 : memref<128xi32, #tpu.memory_space<hbm>>) target(%arg7 : memref<128xi32, #tpu.memory_space<vmem>>) target_semaphore(%arg18 : memref<!tpu.dma_semaphore, #tpu.memory_space<semaphore_mem>>)
      %dma_start3A_216 = tpu.memref_slice %arg2[%mul3A_202] : memref<320000xi32, #tpu.memory_space<hbm>> -> memref<128xi32, #tpu.memory_space<hbm>>
      %dma_start3A_217 = tpu.memref_slice %arg2[%mul3A_202] : memref<320000xi32, #tpu.memory_space<hbm>> -> memref<128xi32, #tpu.memory_space<hbm>>
      tpu.enqueue_dma source(%dma_start3A_217 : memref<128xi32, #tpu.memory_space<hbm>>) target(%arg8 : memref<128xi32, #tpu.memory_space<vmem>>) target_semaphore(%arg20 : memref<!tpu.dma_semaphore, #tpu.memory_space<semaphore_mem>>)
      %dma_start3A_218 = tpu.memref_slice %arg3[%mul3A_202] : memref<320000xi32, #tpu.memory_space<hbm>> -> memref<128xi32, #tpu.memory_space<hbm>>
      %dma_start3A_219 = tpu.memref_slice %arg3[%mul3A_202] : memref<320000xi32, #tpu.memory_space<hbm>> -> memref<128xi32, #tpu.memory_space<hbm>>
      tpu.enqueue_dma source(%dma_start3A_219 : memref<128xi32, #tpu.memory_space<hbm>>) target(%arg9 : memref<128xi32, #tpu.memory_space<vmem>>) target_semaphore(%arg21 : memref<!tpu.dma_semaphore, #tpu.memory_space<semaphore_mem>>)
      %dma_start3A_220 = tpu.memref_slice %arg2[%mul3A_211] : memref<320000xi32, #tpu.memory_space<hbm>> -> memref<128xi32, #tpu.memory_space<hbm>>
      %dma_start3A_221 = tpu.memref_slice %arg2[%mul3A_211] : memref<320000xi32, #tpu.memory_space<hbm>> -> memref<128xi32, #tpu.memory_space<hbm>>
      tpu.enqueue_dma source(%dma_start3A_221 : memref<128xi32, #tpu.memory_space<hbm>>) target(%arg10 : memref<128xi32, #tpu.memory_space<vmem>>) target_semaphore(%arg23 : memref<!tpu.dma_semaphore, #tpu.memory_space<semaphore_mem>>)
      %dma_start3A_222 = tpu.memref_slice %arg3[%mul3A_211] : memref<320000xi32, #tpu.memory_space<hbm>> -> memref<128xi32, #tpu.memory_space<hbm>>
      %dma_start3A_223 = tpu.memref_slice %arg3[%mul3A_211] : memref<320000xi32, #tpu.memory_space<hbm>> -> memref<128xi32, #tpu.memory_space<hbm>>
      tpu.enqueue_dma source(%dma_start3A_223 : memref<128xi32, #tpu.memory_space<hbm>>) target(%arg11 : memref<128xi32, #tpu.memory_space<vmem>>) target_semaphore(%arg24 : memref<!tpu.dma_semaphore, #tpu.memory_space<semaphore_mem>>)
      %dma_wait3A_224 = tpu.memref_slice %arg2[%mul3A_193] : memref<320000xi32, #tpu.memory_space<hbm>> -> memref<128xi32, #tpu.memory_space<hbm>>
      %dma_wait3A_225 = tpu.memref_slice %arg2[%mul3A_193] : memref<320000xi32, #tpu.memory_space<hbm>> -> memref<128xi32, #tpu.memory_space<hbm>>
      tpu.wait_dma2 semaphore(%arg17 : memref<!tpu.dma_semaphore, #tpu.memory_space<semaphore_mem>>) src(%dma_wait3A_225 : memref<128xi32, #tpu.memory_space<hbm>>) dst(%arg6 : memref<128xi32, #tpu.memory_space<vmem>>)
      %dma_start3A_226 = arith.constant 0 : i32
      %dma_start3A_227 = arith.constant 0 : i32
      %dma_start3A_228 = tpu.memref_slice %arg4[%dma_start3A_226, %dma_start3A_227] : memref<10000x128xf32, #tpu.memory_space<hbm>> -> memref<10000x128xf32, #tpu.memory_space<hbm>>
      tpu.enqueue_indirect_dma source(%dma_start3A_228 : memref<10000x128xf32, #tpu.memory_space<hbm>>) target(%arg12 : memref<128x128xf32, #tpu.memory_space<vmem>>) offsets(%arg6 : memref<128xi32, #tpu.memory_space<vmem>>) semaphore(%arg16 : memref<!tpu.dma_semaphore, #tpu.memory_space<semaphore_mem>>)
      %dma_wait3A_229 = tpu.memref_slice %arg2[%mul3A_202] : memref<320000xi32, #tpu.memory_space<hbm>> -> memref<128xi32, #tpu.memory_space<hbm>>
      %dma_wait3A_230 = tpu.memref_slice %arg2[%mul3A_202] : memref<320000xi32, #tpu.memory_space<hbm>> -> memref<128xi32, #tpu.memory_space<hbm>>
      tpu.wait_dma2 semaphore(%arg20 : memref<!tpu.dma_semaphore, #tpu.memory_space<semaphore_mem>>) src(%dma_wait3A_230 : memref<128xi32, #tpu.memory_space<hbm>>) dst(%arg8 : memref<128xi32, #tpu.memory_space<vmem>>)
      %dma_start3A_231 = arith.constant 0 : i32
      %dma_start3A_232 = arith.constant 0 : i32
      %dma_start3A_233 = tpu.memref_slice %arg4[%dma_start3A_231, %dma_start3A_232] : memref<10000x128xf32, #tpu.memory_space<hbm>> -> memref<10000x128xf32, #tpu.memory_space<hbm>>
      tpu.enqueue_indirect_dma source(%dma_start3A_233 : memref<10000x128xf32, #tpu.memory_space<hbm>>) target(%arg13 : memref<128x128xf32, #tpu.memory_space<vmem>>) offsets(%arg8 : memref<128xi32, #tpu.memory_space<vmem>>) semaphore(%arg19 : memref<!tpu.dma_semaphore, #tpu.memory_space<semaphore_mem>>)
      %dma_wait3A_234 = tpu.memref_slice %arg2[%mul3A_211] : memref<320000xi32, #tpu.memory_space<hbm>> -> memref<128xi32, #tpu.memory_space<hbm>>
      %dma_wait3A_235 = tpu.memref_slice %arg2[%mul3A_211] : memref<320000xi32, #tpu.memory_space<hbm>> -> memref<128xi32, #tpu.memory_space<hbm>>
      tpu.wait_dma2 semaphore(%arg23 : memref<!tpu.dma_semaphore, #tpu.memory_space<semaphore_mem>>) src(%dma_wait3A_235 : memref<128xi32, #tpu.memory_space<hbm>>) dst(%arg10 : memref<128xi32, #tpu.memory_space<vmem>>)
      %dma_start3A_236 = arith.constant 0 : i32
      %dma_start3A_237 = arith.constant 0 : i32
      %dma_start3A_238 = tpu.memref_slice %arg4[%dma_start3A_236, %dma_start3A_237] : memref<10000x128xf32, #tpu.memory_space<hbm>> -> memref<10000x128xf32, #tpu.memory_space<hbm>>
      tpu.enqueue_indirect_dma source(%dma_start3A_238 : memref<10000x128xf32, #tpu.memory_space<hbm>>) target(%arg14 : memref<128x128xf32, #tpu.memory_space<vmem>>) offsets(%arg10 : memref<128xi32, #tpu.memory_space<vmem>>) semaphore(%arg22 : memref<!tpu.dma_semaphore, #tpu.memory_space<semaphore_mem>>)
      %dma_wait3A_239 = arith.constant 0 : i32
      %dma_wait3A_240 = arith.constant 0 : i32
      %dma_wait3A_241 = tpu.memref_slice %arg4[%dma_wait3A_239, %dma_wait3A_240] : memref<10000x128xf32, #tpu.memory_space<hbm>> -> memref<10000x128xf32, #tpu.memory_space<hbm>>
      tpu.wait_indirect_dma semaphore(%arg16 : memref<!tpu.dma_semaphore, #tpu.memory_space<semaphore_mem>>) src(%dma_wait3A_241 : memref<10000x128xf32, #tpu.memory_space<hbm>>) dst(%arg12 : memref<128x128xf32, #tpu.memory_space<vmem>>)
      %dma_wait3A_242 = tpu.memref_slice %arg3[%mul3A_193] : memref<320000xi32, #tpu.memory_space<hbm>> -> memref<128xi32, #tpu.memory_space<hbm>>
      %dma_wait3A_243 = tpu.memref_slice %arg3[%mul3A_193] : memref<320000xi32, #tpu.memory_space<hbm>> -> memref<128xi32, #tpu.memory_space<hbm>>
      tpu.wait_dma2 semaphore(%arg18 : memref<!tpu.dma_semaphore, #tpu.memory_space<semaphore_mem>>) src(%dma_wait3A_243 : memref<128xi32, #tpu.memory_space<hbm>>) dst(%arg7 : memref<128xi32, #tpu.memory_space<vmem>>)
      "tpu.region"() ({
        %run_scoped3A = tpu.sem_alloc : memref<!tpu.dma_semaphore, #tpu.memory_space<semaphore_mem>>
        %dma_start3A_254 = arith.constant 0 : i32
        %dma_start3A_255 = arith.constant 0 : i32
        %dma_start3A_256 = tpu.memref_slice %arg15[%dma_start3A_254, %dma_start3A_255] : memref<10112x128xf32, #tpu.memory_space<vmem_shared>> -> memref<10112x128xf32, #tpu.memory_space<vmem_shared>>
        tpu.enqueue_indirect_dma source(%arg12 : memref<128x128xf32, #tpu.memory_space<vmem>>) target(%dma_start3A_256 : memref<10112x128xf32, #tpu.memory_space<vmem_shared>>) offsets(%arg7 : memref<128xi32, #tpu.memory_space<vmem>>) semaphore(%run_scoped3A : memref<!tpu.dma_semaphore, #tpu.memory_space<semaphore_mem>>) {add = true}
        %dma_wait3A_257 = arith.constant 0 : i32
        %dma_wait3A_258 = arith.constant 0 : i32
        %dma_wait3A_259 = tpu.memref_slice %arg15[%dma_wait3A_257, %dma_wait3A_258] : memref<10112x128xf32, #tpu.memory_space<vmem_shared>> -> memref<10112x128xf32, #tpu.memory_space<vmem_shared>>
        tpu.wait_indirect_dma semaphore(%run_scoped3A : memref<!tpu.dma_semaphore, #tpu.memory_space<semaphore_mem>>) src(%arg12 : memref<128x128xf32, #tpu.memory_space<vmem>>) dst(%dma_wait3A_259 : memref<10112x128xf32, #tpu.memory_space<vmem_shared>>)
        tpu.yield
      }) : () -> ()
      %dma_wait3A_244 = arith.constant 0 : i32
      %dma_wait3A_245 = arith.constant 0 : i32
      %dma_wait3A_246 = tpu.memref_slice %arg4[%dma_wait3A_244, %dma_wait3A_245] : memref<10000x128xf32, #tpu.memory_space<hbm>> -> memref<10000x128xf32, #tpu.memory_space<hbm>>
      tpu.wait_indirect_dma semaphore(%arg19 : memref<!tpu.dma_semaphore, #tpu.memory_space<semaphore_mem>>) src(%dma_wait3A_246 : memref<10000x128xf32, #tpu.memory_space<hbm>>) dst(%arg13 : memref<128x128xf32, #tpu.memory_space<vmem>>)
      %dma_wait3A_247 = tpu.memref_slice %arg3[%mul3A_202] : memref<320000xi32, #tpu.memory_space<hbm>> -> memref<128xi32, #tpu.memory_space<hbm>>
      %dma_wait3A_248 = tpu.memref_slice %arg3[%mul3A_202] : memref<320000xi32, #tpu.memory_space<hbm>> -> memref<128xi32, #tpu.memory_space<hbm>>
      tpu.wait_dma2 semaphore(%arg21 : memref<!tpu.dma_semaphore, #tpu.memory_space<semaphore_mem>>) src(%dma_wait3A_248 : memref<128xi32, #tpu.memory_space<hbm>>) dst(%arg9 : memref<128xi32, #tpu.memory_space<vmem>>)
      "tpu.region"() ({
        %run_scoped3A = tpu.sem_alloc : memref<!tpu.dma_semaphore, #tpu.memory_space<semaphore_mem>>
        %dma_start3A_254 = arith.constant 0 : i32
        %dma_start3A_255 = arith.constant 0 : i32
        %dma_start3A_256 = tpu.memref_slice %arg15[%dma_start3A_254, %dma_start3A_255] : memref<10112x128xf32, #tpu.memory_space<vmem_shared>> -> memref<10112x128xf32, #tpu.memory_space<vmem_shared>>
        tpu.enqueue_indirect_dma source(%arg13 : memref<128x128xf32, #tpu.memory_space<vmem>>) target(%dma_start3A_256 : memref<10112x128xf32, #tpu.memory_space<vmem_shared>>) offsets(%arg9 : memref<128xi32, #tpu.memory_space<vmem>>) semaphore(%run_scoped3A : memref<!tpu.dma_semaphore, #tpu.memory_space<semaphore_mem>>) {add = true}
        %dma_wait3A_257 = arith.constant 0 : i32
        %dma_wait3A_258 = arith.constant 0 : i32
        %dma_wait3A_259 = tpu.memref_slice %arg15[%dma_wait3A_257, %dma_wait3A_258] : memref<10112x128xf32, #tpu.memory_space<vmem_shared>> -> memref<10112x128xf32, #tpu.memory_space<vmem_shared>>
        tpu.wait_indirect_dma semaphore(%run_scoped3A : memref<!tpu.dma_semaphore, #tpu.memory_space<semaphore_mem>>) src(%arg13 : memref<128x128xf32, #tpu.memory_space<vmem>>) dst(%dma_wait3A_259 : memref<10112x128xf32, #tpu.memory_space<vmem_shared>>)
        tpu.yield
      }) : () -> ()
      %dma_wait3A_249 = arith.constant 0 : i32
      %dma_wait3A_250 = arith.constant 0 : i32
      %dma_wait3A_251 = tpu.memref_slice %arg4[%dma_wait3A_249, %dma_wait3A_250] : memref<10000x128xf32, #tpu.memory_space<hbm>> -> memref<10000x128xf32, #tpu.memory_space<hbm>>
      tpu.wait_indirect_dma semaphore(%arg22 : memref<!tpu.dma_semaphore, #tpu.memory_space<semaphore_mem>>) src(%dma_wait3A_251 : memref<10000x128xf32, #tpu.memory_space<hbm>>) dst(%arg14 : memref<128x128xf32, #tpu.memory_space<vmem>>)
      %dma_wait3A_252 = tpu.memref_slice %arg3[%mul3A_211] : memref<320000xi32, #tpu.memory_space<hbm>> -> memref<128xi32, #tpu.memory_space<hbm>>
      %dma_wait3A_253 = tpu.memref_slice %arg3[%mul3A_211] : memref<320000xi32, #tpu.memory_space<hbm>> -> memref<128xi32, #tpu.memory_space<hbm>>
      tpu.wait_dma2 semaphore(%arg24 : memref<!tpu.dma_semaphore, #tpu.memory_space<semaphore_mem>>) src(%dma_wait3A_253 : memref<128xi32, #tpu.memory_space<hbm>>) dst(%arg11 : memref<128xi32, #tpu.memory_space<vmem>>)
      "tpu.region"() ({
        %run_scoped3A = tpu.sem_alloc : memref<!tpu.dma_semaphore, #tpu.memory_space<semaphore_mem>>
        %dma_start3A_254 = arith.constant 0 : i32
        %dma_start3A_255 = arith.constant 0 : i32
        %dma_start3A_256 = tpu.memref_slice %arg15[%dma_start3A_254, %dma_start3A_255] : memref<10112x128xf32, #tpu.memory_space<vmem_shared>> -> memref<10112x128xf32, #tpu.memory_space<vmem_shared>>
        tpu.enqueue_indirect_dma source(%arg14 : memref<128x128xf32, #tpu.memory_space<vmem>>) target(%dma_start3A_256 : memref<10112x128xf32, #tpu.memory_space<vmem_shared>>) offsets(%arg11 : memref<128xi32, #tpu.memory_space<vmem>>) semaphore(%run_scoped3A : memref<!tpu.dma_semaphore, #tpu.memory_space<semaphore_mem>>) {add = true}
        %dma_wait3A_257 = arith.constant 0 : i32
        %dma_wait3A_258 = arith.constant 0 : i32
        %dma_wait3A_259 = tpu.memref_slice %arg15[%dma_wait3A_257, %dma_wait3A_258] : memref<10112x128xf32, #tpu.memory_space<vmem_shared>> -> memref<10112x128xf32, #tpu.memory_space<vmem_shared>>
        tpu.wait_indirect_dma semaphore(%run_scoped3A : memref<!tpu.dma_semaphore, #tpu.memory_space<semaphore_mem>>) src(%arg14 : memref<128x128xf32, #tpu.memory_space<vmem>>) dst(%dma_wait3A_259 : memref<10112x128xf32, #tpu.memory_space<vmem_shared>>)
        tpu.yield
      }) : () -> ()
    }
    %scan3A_31 = arith.constant 26 : i32
    %lt3A = arith.constant 4 : i32
    %lt3A_32 = arith.cmpi slt, %add3A, %lt3A : i32
    %convert_element_type3A = arith.extui %lt3A_32 : i1 to i32
    %cond3A = arith.constant 0 : i32
    %cond3A_33 = arith.cmpi ne, %convert_element_type3A, %cond3A : i32
    scf.if %cond3A_33 {
      %add3A_186 = arith.constant 2496 : i32
      %add3A_187 = arith.addi %add3A, %add3A_186 : i32
      %mul3A_188 = arith.constant 128 : i32
      %mul3A_189 = arith.muli %add3A_187, %mul3A_188 : i32
      "tpu.region"() ({
        %run_scoped3A = tpu.sem_alloc : memref<!tpu.dma_semaphore, #tpu.memory_space<semaphore_mem>>
        %dma_start3A_196 = tpu.memref_slice %arg2[%mul3A_189] : memref<320000xi32, #tpu.memory_space<hbm>> -> memref<128xi32, #tpu.memory_space<hbm>>
        %dma_start3A_197 = tpu.memref_slice %arg2[%mul3A_189] : memref<320000xi32, #tpu.memory_space<hbm>> -> memref<128xi32, #tpu.memory_space<hbm>>
        tpu.enqueue_dma source(%dma_start3A_197 : memref<128xi32, #tpu.memory_space<hbm>>) target(%arg6 : memref<128xi32, #tpu.memory_space<vmem>>) target_semaphore(%run_scoped3A : memref<!tpu.dma_semaphore, #tpu.memory_space<semaphore_mem>>)
        %dma_wait3A_198 = tpu.memref_slice %arg2[%mul3A_189] : memref<320000xi32, #tpu.memory_space<hbm>> -> memref<128xi32, #tpu.memory_space<hbm>>
        %dma_wait3A_199 = tpu.memref_slice %arg2[%mul3A_189] : memref<320000xi32, #tpu.memory_space<hbm>> -> memref<128xi32, #tpu.memory_space<hbm>>
        tpu.wait_dma2 semaphore(%run_scoped3A : memref<!tpu.dma_semaphore, #tpu.memory_space<semaphore_mem>>) src(%dma_wait3A_199 : memref<128xi32, #tpu.memory_space<hbm>>) dst(%arg6 : memref<128xi32, #tpu.memory_space<vmem>>)
        tpu.yield
      }) : () -> ()
      "tpu.region"() ({
        %run_scoped3A = tpu.sem_alloc : memref<!tpu.dma_semaphore, #tpu.memory_space<semaphore_mem>>
        %dma_start3A_196 = tpu.memref_slice %arg3[%mul3A_189] : memref<320000xi32, #tpu.memory_space<hbm>> -> memref<128xi32, #tpu.memory_space<hbm>>
        %dma_start3A_197 = tpu.memref_slice %arg3[%mul3A_189] : memref<320000xi32, #tpu.memory_space<hbm>> -> memref<128xi32, #tpu.memory_space<hbm>>
        tpu.enqueue_dma source(%dma_start3A_197 : memref<128xi32, #tpu.memory_space<hbm>>) target(%arg7 : memref<128xi32, #tpu.memory_space<vmem>>) target_semaphore(%run_scoped3A : memref<!tpu.dma_semaphore, #tpu.memory_space<semaphore_mem>>)
        %dma_wait3A_198 = tpu.memref_slice %arg3[%mul3A_189] : memref<320000xi32, #tpu.memory_space<hbm>> -> memref<128xi32, #tpu.memory_space<hbm>>
        %dma_wait3A_199 = tpu.memref_slice %arg3[%mul3A_189] : memref<320000xi32, #tpu.memory_space<hbm>> -> memref<128xi32, #tpu.memory_space<hbm>>
        tpu.wait_dma2 semaphore(%run_scoped3A : memref<!tpu.dma_semaphore, #tpu.memory_space<semaphore_mem>>) src(%dma_wait3A_199 : memref<128xi32, #tpu.memory_space<hbm>>) dst(%arg7 : memref<128xi32, #tpu.memory_space<vmem>>)
        tpu.yield
      }) : () -> ()
      %dma_start3A_190 = arith.constant 0 : i32
      %dma_start3A_191 = arith.constant 0 : i32
      %dma_start3A_192 = tpu.memref_slice %arg4[%dma_start3A_190, %dma_start3A_191] : memref<10000x128xf32, #tpu.memory_space<hbm>> -> memref<10000x128xf32, #tpu.memory_space<hbm>>
      tpu.enqueue_indirect_dma source(%dma_start3A_192 : memref<10000x128xf32, #tpu.memory_space<hbm>>) target(%arg12 : memref<128x128xf32, #tpu.memory_space<vmem>>) offsets(%arg6 : memref<128xi32, #tpu.memory_space<vmem>>) semaphore(%arg16 : memref<!tpu.dma_semaphore, #tpu.memory_space<semaphore_mem>>)
      %dma_wait3A_193 = arith.constant 0 : i32
      %dma_wait3A_194 = arith.constant 0 : i32
      %dma_wait3A_195 = tpu.memref_slice %arg4[%dma_wait3A_193, %dma_wait3A_194] : memref<10000x128xf32, #tpu.memory_space<hbm>> -> memref<10000x128xf32, #tpu.memory_space<hbm>>
      tpu.wait_indirect_dma semaphore(%arg16 : memref<!tpu.dma_semaphore, #tpu.memory_space<semaphore_mem>>) src(%dma_wait3A_195 : memref<10000x128xf32, #tpu.memory_space<hbm>>) dst(%arg12 : memref<128x128xf32, #tpu.memory_space<vmem>>)
      "tpu.region"() ({
        %run_scoped3A = tpu.sem_alloc : memref<!tpu.dma_semaphore, #tpu.memory_space<semaphore_mem>>
        %dma_start3A_196 = arith.constant 0 : i32
        %dma_start3A_197 = arith.constant 0 : i32
        %dma_start3A_198 = tpu.memref_slice %arg15[%dma_start3A_196, %dma_start3A_197] : memref<10112x128xf32, #tpu.memory_space<vmem_shared>> -> memref<10112x128xf32, #tpu.memory_space<vmem_shared>>
        tpu.enqueue_indirect_dma source(%arg12 : memref<128x128xf32, #tpu.memory_space<vmem>>) target(%dma_start3A_198 : memref<10112x128xf32, #tpu.memory_space<vmem_shared>>) offsets(%arg7 : memref<128xi32, #tpu.memory_space<vmem>>) semaphore(%run_scoped3A : memref<!tpu.dma_semaphore, #tpu.memory_space<semaphore_mem>>) {add = true}
        %dma_wait3A_199 = arith.constant 0 : i32
        %dma_wait3A_200 = arith.constant 0 : i32
        %dma_wait3A_201 = tpu.memref_slice %arg15[%dma_wait3A_199, %dma_wait3A_200] : memref<10112x128xf32, #tpu.memory_space<vmem_shared>> -> memref<10112x128xf32, #tpu.memory_space<vmem_shared>>
        tpu.wait_indirect_dma semaphore(%run_scoped3A : memref<!tpu.dma_semaphore, #tpu.memory_space<semaphore_mem>>) src(%arg12 : memref<128x128xf32, #tpu.memory_space<vmem>>) dst(%dma_wait3A_201 : memref<10112x128xf32, #tpu.memory_space<vmem_shared>>)
        tpu.yield
      }) : () -> ()
    } else {
    }
    %barrier3A_34 = arith.constant 0 : index
    tpu.barrier barrier_id(%barrier3A_34)
    %mul3A_35 = arith.constant 632 : i32
    %mul3A_36 = arith.muli %arg1, %mul3A_35 : i32
    %dma_start3A = arith.constant 0 : i32
    %dma_start3A_37 = arith.constant 0 : i32
    %dma_start3A_38 = tpu.memref_slice %arg12[%dma_start3A, %dma_start3A_37] : memref<128x128xf32, #tpu.memory_space<vmem>> -> memref<128x128xf32, #tpu.memory_space<vmem>>
    %dma_start3A_39 = arith.constant 0 : i32
    %dma_start3A_40 = tpu.memref_slice %arg15[%mul3A_36, %dma_start3A_39] : memref<10112x128xf32, #tpu.memory_space<vmem_shared>> -> memref<128x128xf32, #tpu.memory_space<vmem_shared>>
    %dma_start3A_41 = arith.constant 0 : i32
    %dma_start3A_42 = arith.constant 0 : i32
    %dma_start3A_43 = tpu.memref_slice %arg12[%dma_start3A_41, %dma_start3A_42] : memref<128x128xf32, #tpu.memory_space<vmem>> -> memref<128x128xf32, #tpu.memory_space<vmem>>
    %dma_start3A_44 = arith.constant 0 : i32
    %dma_start3A_45 = tpu.memref_slice %arg15[%mul3A_36, %dma_start3A_44] : memref<10112x128xf32, #tpu.memory_space<vmem_shared>> -> memref<128x128xf32, #tpu.memory_space<vmem_shared>>
    tpu.enqueue_dma source(%dma_start3A_45 : memref<128x128xf32, #tpu.memory_space<vmem_shared>>) target(%dma_start3A_43 : memref<128x128xf32, #tpu.memory_space<vmem>>) target_semaphore(%arg16 : memref<!tpu.dma_semaphore, #tpu.memory_space<semaphore_mem>>)
    %mul3A_46 = arith.constant 632 : i32
    %mul3A_47 = arith.muli %arg1, %mul3A_46 : i32
    %add3A_48 = arith.constant 128 : i32
    %add3A_49 = arith.addi %mul3A_47, %add3A_48 : i32
    %dma_start3A_50 = arith.constant 0 : i32
    %dma_start3A_51 = arith.constant 0 : i32
    %dma_start3A_52 = tpu.memref_slice %arg13[%dma_start3A_50, %dma_start3A_51] : memref<128x128xf32, #tpu.memory_space<vmem>> -> memref<128x128xf32, #tpu.memory_space<vmem>>
    %dma_start3A_53 = arith.constant 0 : i32
    %dma_start3A_54 = tpu.memref_slice %arg15[%add3A_49, %dma_start3A_53] : memref<10112x128xf32, #tpu.memory_space<vmem_shared>> -> memref<128x128xf32, #tpu.memory_space<vmem_shared>>
    %dma_start3A_55 = arith.constant 0 : i32
    %dma_start3A_56 = arith.constant 0 : i32
    %dma_start3A_57 = tpu.memref_slice %arg13[%dma_start3A_55, %dma_start3A_56] : memref<128x128xf32, #tpu.memory_space<vmem>> -> memref<128x128xf32, #tpu.memory_space<vmem>>
    %dma_start3A_58 = arith.constant 0 : i32
    %dma_start3A_59 = tpu.memref_slice %arg15[%add3A_49, %dma_start3A_58] : memref<10112x128xf32, #tpu.memory_space<vmem_shared>> -> memref<128x128xf32, #tpu.memory_space<vmem_shared>>
    tpu.enqueue_dma source(%dma_start3A_59 : memref<128x128xf32, #tpu.memory_space<vmem_shared>>) target(%dma_start3A_57 : memref<128x128xf32, #tpu.memory_space<vmem>>) target_semaphore(%arg19 : memref<!tpu.dma_semaphore, #tpu.memory_space<semaphore_mem>>)
    %dma_wait3A = arith.constant 0 : i32
    %dma_wait3A_60 = arith.constant 0 : i32
    %dma_wait3A_61 = tpu.memref_slice %arg12[%dma_wait3A, %dma_wait3A_60] : memref<128x128xf32, #tpu.memory_space<vmem>> -> memref<128x128xf32, #tpu.memory_space<vmem>>
    %dma_wait3A_62 = arith.constant 0 : i32
    %dma_wait3A_63 = tpu.memref_slice %arg15[%mul3A_36, %dma_wait3A_62] : memref<10112x128xf32, #tpu.memory_space<vmem_shared>> -> memref<128x128xf32, #tpu.memory_space<vmem_shared>>
    %dma_wait3A_64 = arith.constant 0 : i32
    %dma_wait3A_65 = arith.constant 0 : i32
    %dma_wait3A_66 = tpu.memref_slice %arg12[%dma_wait3A_64, %dma_wait3A_65] : memref<128x128xf32, #tpu.memory_space<vmem>> -> memref<128x128xf32, #tpu.memory_space<vmem>>
    %dma_wait3A_67 = arith.constant 0 : i32
    %dma_wait3A_68 = tpu.memref_slice %arg15[%mul3A_36, %dma_wait3A_67] : memref<10112x128xf32, #tpu.memory_space<vmem_shared>> -> memref<128x128xf32, #tpu.memory_space<vmem_shared>>
    tpu.wait_dma2 semaphore(%arg16 : memref<!tpu.dma_semaphore, #tpu.memory_space<semaphore_mem>>) src(%dma_wait3A_68 : memref<128x128xf32, #tpu.memory_space<vmem_shared>>) dst(%dma_wait3A_66 : memref<128x128xf32, #tpu.memory_space<vmem>>)
    %mul3A_69 = arith.constant 10112 : i32
    %mul3A_70 = arith.muli %arg0, %mul3A_69 : i32
    %mul3A_71 = arith.constant 632 : i32
    %mul3A_72 = arith.muli %arg1, %mul3A_71 : i32
    %add3A_73 = arith.addi %mul3A_70, %mul3A_72 : i32
    %add3A_74 = arith.constant 0 : i32
    %add3A_75 = arith.addi %add3A_73, %add3A_74 : i32
    "tpu.region"() ({
      %run_scoped3A = tpu.sem_alloc : memref<!tpu.dma_semaphore, #tpu.memory_space<semaphore_mem>>
      %dma_start3A_186 = arith.constant 0 : i32
      %dma_start3A_187 = arith.constant 0 : i32
      %dma_start3A_188 = tpu.memref_slice %arg12[%dma_start3A_186, %dma_start3A_187] : memref<128x128xf32, #tpu.memory_space<vmem>> -> memref<128x128xf32, #tpu.memory_space<vmem>>
      %dma_start3A_189 = arith.constant 0 : i32
      %dma_start3A_190 = tpu.memref_slice %arg5[%add3A_75, %dma_start3A_189] : memref<20224x128xf32, #tpu.memory_space<hbm>> -> memref<128x128xf32, #tpu.memory_space<hbm>>
      %dma_start3A_191 = arith.constant 0 : i32
      %dma_start3A_192 = tpu.memref_slice %arg5[%add3A_75, %dma_start3A_191] : memref<20224x128xf32, #tpu.memory_space<hbm>> -> memref<128x128xf32, #tpu.memory_space<hbm>>
      %dma_start3A_193 = arith.constant 0 : i32
      %dma_start3A_194 = arith.constant 0 : i32
      %dma_start3A_195 = tpu.memref_slice %arg12[%dma_start3A_193, %dma_start3A_194] : memref<128x128xf32, #tpu.memory_space<vmem>> -> memref<128x128xf32, #tpu.memory_space<vmem>>
      tpu.enqueue_dma source(%dma_start3A_195 : memref<128x128xf32, #tpu.memory_space<vmem>>) target(%dma_start3A_192 : memref<128x128xf32, #tpu.memory_space<hbm>>) target_semaphore(%run_scoped3A : memref<!tpu.dma_semaphore, #tpu.memory_space<semaphore_mem>>)
      %dma_wait3A_196 = arith.constant 0 : i32
      %dma_wait3A_197 = arith.constant 0 : i32
      %dma_wait3A_198 = tpu.memref_slice %arg12[%dma_wait3A_196, %dma_wait3A_197] : memref<128x128xf32, #tpu.memory_space<vmem>> -> memref<128x128xf32, #tpu.memory_space<vmem>>
      %dma_wait3A_199 = arith.constant 0 : i32
      %dma_wait3A_200 = tpu.memref_slice %arg5[%add3A_75, %dma_wait3A_199] : memref<20224x128xf32, #tpu.memory_space<hbm>> -> memref<128x128xf32, #tpu.memory_space<hbm>>
      %dma_wait3A_201 = arith.constant 0 : i32
      %dma_wait3A_202 = tpu.memref_slice %arg5[%add3A_75, %dma_wait3A_201] : memref<20224x128xf32, #tpu.memory_space<hbm>> -> memref<128x128xf32, #tpu.memory_space<hbm>>
      %dma_wait3A_203 = arith.constant 0 : i32
      %dma_wait3A_204 = arith.constant 0 : i32
      %dma_wait3A_205 = tpu.memref_slice %arg12[%dma_wait3A_203, %dma_wait3A_204] : memref<128x128xf32, #tpu.memory_space<vmem>> -> memref<128x128xf32, #tpu.memory_space<vmem>>
      tpu.wait_dma2 semaphore(%run_scoped3A : memref<!tpu.dma_semaphore, #tpu.memory_space<semaphore_mem>>) src(%dma_wait3A_205 : memref<128x128xf32, #tpu.memory_space<vmem>>) dst(%dma_wait3A_202 : memref<128x128xf32, #tpu.memory_space<hbm>>)
      tpu.yield
    }) : () -> ()
    %mul3A_76 = arith.constant 632 : i32
    %mul3A_77 = arith.muli %arg1, %mul3A_76 : i32
    %add3A_78 = arith.constant 256 : i32
    %add3A_79 = arith.addi %mul3A_77, %add3A_78 : i32
    %dma_start3A_80 = arith.constant 0 : i32
    %dma_start3A_81 = arith.constant 0 : i32
    %dma_start3A_82 = tpu.memref_slice %arg14[%dma_start3A_80, %dma_start3A_81] : memref<128x128xf32, #tpu.memory_space<vmem>> -> memref<128x128xf32, #tpu.memory_space<vmem>>
    %dma_start3A_83 = arith.constant 0 : i32
    %dma_start3A_84 = tpu.memref_slice %arg15[%add3A_79, %dma_start3A_83] : memref<10112x128xf32, #tpu.memory_space<vmem_shared>> -> memref<128x128xf32, #tpu.memory_space<vmem_shared>>
    %dma_start3A_85 = arith.constant 0 : i32
    %dma_start3A_86 = arith.constant 0 : i32
    %dma_start3A_87 = tpu.memref_slice %arg14[%dma_start3A_85, %dma_start3A_86] : memref<128x128xf32, #tpu.memory_space<vmem>> -> memref<128x128xf32, #tpu.memory_space<vmem>>
    %dma_start3A_88 = arith.constant 0 : i32
    %dma_start3A_89 = tpu.memref_slice %arg15[%add3A_79, %dma_start3A_88] : memref<10112x128xf32, #tpu.memory_space<vmem_shared>> -> memref<128x128xf32, #tpu.memory_space<vmem_shared>>
    tpu.enqueue_dma source(%dma_start3A_89 : memref<128x128xf32, #tpu.memory_space<vmem_shared>>) target(%dma_start3A_87 : memref<128x128xf32, #tpu.memory_space<vmem>>) target_semaphore(%arg22 : memref<!tpu.dma_semaphore, #tpu.memory_space<semaphore_mem>>)
    %dma_wait3A_90 = arith.constant 0 : i32
    %dma_wait3A_91 = arith.constant 0 : i32
    %dma_wait3A_92 = tpu.memref_slice %arg13[%dma_wait3A_90, %dma_wait3A_91] : memref<128x128xf32, #tpu.memory_space<vmem>> -> memref<128x128xf32, #tpu.memory_space<vmem>>
    %dma_wait3A_93 = arith.constant 0 : i32
    %dma_wait3A_94 = tpu.memref_slice %arg15[%add3A_49, %dma_wait3A_93] : memref<10112x128xf32, #tpu.memory_space<vmem_shared>> -> memref<128x128xf32, #tpu.memory_space<vmem_shared>>
    %dma_wait3A_95 = arith.constant 0 : i32
    %dma_wait3A_96 = arith.constant 0 : i32
    %dma_wait3A_97 = tpu.memref_slice %arg13[%dma_wait3A_95, %dma_wait3A_96] : memref<128x128xf32, #tpu.memory_space<vmem>> -> memref<128x128xf32, #tpu.memory_space<vmem>>
    %dma_wait3A_98 = arith.constant 0 : i32
    %dma_wait3A_99 = tpu.memref_slice %arg15[%add3A_49, %dma_wait3A_98] : memref<10112x128xf32, #tpu.memory_space<vmem_shared>> -> memref<128x128xf32, #tpu.memory_space<vmem_shared>>
    tpu.wait_dma2 semaphore(%arg19 : memref<!tpu.dma_semaphore, #tpu.memory_space<semaphore_mem>>) src(%dma_wait3A_99 : memref<128x128xf32, #tpu.memory_space<vmem_shared>>) dst(%dma_wait3A_97 : memref<128x128xf32, #tpu.memory_space<vmem>>)
    %mul3A_100 = arith.constant 10112 : i32
    %mul3A_101 = arith.muli %arg0, %mul3A_100 : i32
    %mul3A_102 = arith.constant 632 : i32
    %mul3A_103 = arith.muli %arg1, %mul3A_102 : i32
    %add3A_104 = arith.addi %mul3A_101, %mul3A_103 : i32
    %add3A_105 = arith.constant 128 : i32
    %add3A_106 = arith.addi %add3A_104, %add3A_105 : i32
    "tpu.region"() ({
      %run_scoped3A = tpu.sem_alloc : memref<!tpu.dma_semaphore, #tpu.memory_space<semaphore_mem>>
      %dma_start3A_186 = arith.constant 0 : i32
      %dma_start3A_187 = arith.constant 0 : i32
      %dma_start3A_188 = tpu.memref_slice %arg13[%dma_start3A_186, %dma_start3A_187] : memref<128x128xf32, #tpu.memory_space<vmem>> -> memref<128x128xf32, #tpu.memory_space<vmem>>
      %dma_start3A_189 = arith.constant 0 : i32
      %dma_start3A_190 = tpu.memref_slice %arg5[%add3A_106, %dma_start3A_189] : memref<20224x128xf32, #tpu.memory_space<hbm>> -> memref<128x128xf32, #tpu.memory_space<hbm>>
      %dma_start3A_191 = arith.constant 0 : i32
      %dma_start3A_192 = tpu.memref_slice %arg5[%add3A_106, %dma_start3A_191] : memref<20224x128xf32, #tpu.memory_space<hbm>> -> memref<128x128xf32, #tpu.memory_space<hbm>>
      %dma_start3A_193 = arith.constant 0 : i32
      %dma_start3A_194 = arith.constant 0 : i32
      %dma_start3A_195 = tpu.memref_slice %arg13[%dma_start3A_193, %dma_start3A_194] : memref<128x128xf32, #tpu.memory_space<vmem>> -> memref<128x128xf32, #tpu.memory_space<vmem>>
      tpu.enqueue_dma source(%dma_start3A_195 : memref<128x128xf32, #tpu.memory_space<vmem>>) target(%dma_start3A_192 : memref<128x128xf32, #tpu.memory_space<hbm>>) target_semaphore(%run_scoped3A : memref<!tpu.dma_semaphore, #tpu.memory_space<semaphore_mem>>)
      %dma_wait3A_196 = arith.constant 0 : i32
      %dma_wait3A_197 = arith.constant 0 : i32
      %dma_wait3A_198 = tpu.memref_slice %arg13[%dma_wait3A_196, %dma_wait3A_197] : memref<128x128xf32, #tpu.memory_space<vmem>> -> memref<128x128xf32, #tpu.memory_space<vmem>>
      %dma_wait3A_199 = arith.constant 0 : i32
      %dma_wait3A_200 = tpu.memref_slice %arg5[%add3A_106, %dma_wait3A_199] : memref<20224x128xf32, #tpu.memory_space<hbm>> -> memref<128x128xf32, #tpu.memory_space<hbm>>
      %dma_wait3A_201 = arith.constant 0 : i32
      %dma_wait3A_202 = tpu.memref_slice %arg5[%add3A_106, %dma_wait3A_201] : memref<20224x128xf32, #tpu.memory_space<hbm>> -> memref<128x128xf32, #tpu.memory_space<hbm>>
      %dma_wait3A_203 = arith.constant 0 : i32
      %dma_wait3A_204 = arith.constant 0 : i32
      %dma_wait3A_205 = tpu.memref_slice %arg13[%dma_wait3A_203, %dma_wait3A_204] : memref<128x128xf32, #tpu.memory_space<vmem>> -> memref<128x128xf32, #tpu.memory_space<vmem>>
      tpu.wait_dma2 semaphore(%run_scoped3A : memref<!tpu.dma_semaphore, #tpu.memory_space<semaphore_mem>>) src(%dma_wait3A_205 : memref<128x128xf32, #tpu.memory_space<vmem>>) dst(%dma_wait3A_202 : memref<128x128xf32, #tpu.memory_space<hbm>>)
      tpu.yield
    }) : () -> ()
    %mul3A_107 = arith.constant 632 : i32
    %mul3A_108 = arith.muli %arg1, %mul3A_107 : i32
    %add3A_109 = arith.constant 384 : i32
    %add3A_110 = arith.addi %mul3A_108, %add3A_109 : i32
    %dma_start3A_111 = arith.constant 0 : i32
    %dma_start3A_112 = arith.constant 0 : i32
    %dma_start3A_113 = tpu.memref_slice %arg12[%dma_start3A_111, %dma_start3A_112] : memref<128x128xf32, #tpu.memory_space<vmem>> -> memref<128x128xf32, #tpu.memory_space<vmem>>
    %dma_start3A_114 = arith.constant 0 : i32
    %dma_start3A_115 = tpu.memref_slice %arg15[%add3A_110, %dma_start3A_114] : memref<10112x128xf32, #tpu.memory_space<vmem_shared>> -> memref<128x128xf32, #tpu.memory_space<vmem_shared>>
    %dma_start3A_116 = arith.constant 0 : i32
    %dma_start3A_117 = arith.constant 0 : i32
    %dma_start3A_118 = tpu.memref_slice %arg12[%dma_start3A_116, %dma_start3A_117] : memref<128x128xf32, #tpu.memory_space<vmem>> -> memref<128x128xf32, #tpu.memory_space<vmem>>
    %dma_start3A_119 = arith.constant 0 : i32
    %dma_start3A_120 = tpu.memref_slice %arg15[%add3A_110, %dma_start3A_119] : memref<10112x128xf32, #tpu.memory_space<vmem_shared>> -> memref<128x128xf32, #tpu.memory_space<vmem_shared>>
    tpu.enqueue_dma source(%dma_start3A_120 : memref<128x128xf32, #tpu.memory_space<vmem_shared>>) target(%dma_start3A_118 : memref<128x128xf32, #tpu.memory_space<vmem>>) target_semaphore(%arg16 : memref<!tpu.dma_semaphore, #tpu.memory_space<semaphore_mem>>)
    %dma_wait3A_121 = arith.constant 0 : i32
    %dma_wait3A_122 = arith.constant 0 : i32
    %dma_wait3A_123 = tpu.memref_slice %arg14[%dma_wait3A_121, %dma_wait3A_122] : memref<128x128xf32, #tpu.memory_space<vmem>> -> memref<128x128xf32, #tpu.memory_space<vmem>>
    %dma_wait3A_124 = arith.constant 0 : i32
    %dma_wait3A_125 = tpu.memref_slice %arg15[%add3A_79, %dma_wait3A_124] : memref<10112x128xf32, #tpu.memory_space<vmem_shared>> -> memref<128x128xf32, #tpu.memory_space<vmem_shared>>
    %dma_wait3A_126 = arith.constant 0 : i32
    %dma_wait3A_127 = arith.constant 0 : i32
    %dma_wait3A_128 = tpu.memref_slice %arg14[%dma_wait3A_126, %dma_wait3A_127] : memref<128x128xf32, #tpu.memory_space<vmem>> -> memref<128x128xf32, #tpu.memory_space<vmem>>
    %dma_wait3A_129 = arith.constant 0 : i32
    %dma_wait3A_130 = tpu.memref_slice %arg15[%add3A_79, %dma_wait3A_129] : memref<10112x128xf32, #tpu.memory_space<vmem_shared>> -> memref<128x128xf32, #tpu.memory_space<vmem_shared>>
    tpu.wait_dma2 semaphore(%arg22 : memref<!tpu.dma_semaphore, #tpu.memory_space<semaphore_mem>>) src(%dma_wait3A_130 : memref<128x128xf32, #tpu.memory_space<vmem_shared>>) dst(%dma_wait3A_128 : memref<128x128xf32, #tpu.memory_space<vmem>>)
    %mul3A_131 = arith.constant 10112 : i32
    %mul3A_132 = arith.muli %arg0, %mul3A_131 : i32
    %mul3A_133 = arith.constant 632 : i32
    %mul3A_134 = arith.muli %arg1, %mul3A_133 : i32
    %add3A_135 = arith.addi %mul3A_132, %mul3A_134 : i32
    %add3A_136 = arith.constant 256 : i32
    %add3A_137 = arith.addi %add3A_135, %add3A_136 : i32
    "tpu.region"() ({
      %run_scoped3A = tpu.sem_alloc : memref<!tpu.dma_semaphore, #tpu.memory_space<semaphore_mem>>
      %dma_start3A_186 = arith.constant 0 : i32
      %dma_start3A_187 = arith.constant 0 : i32
      %dma_start3A_188 = tpu.memref_slice %arg14[%dma_start3A_186, %dma_start3A_187] : memref<128x128xf32, #tpu.memory_space<vmem>> -> memref<128x128xf32, #tpu.memory_space<vmem>>
      %dma_start3A_189 = arith.constant 0 : i32
      %dma_start3A_190 = tpu.memref_slice %arg5[%add3A_137, %dma_start3A_189] : memref<20224x128xf32, #tpu.memory_space<hbm>> -> memref<128x128xf32, #tpu.memory_space<hbm>>
      %dma_start3A_191 = arith.constant 0 : i32
      %dma_start3A_192 = tpu.memref_slice %arg5[%add3A_137, %dma_start3A_191] : memref<20224x128xf32, #tpu.memory_space<hbm>> -> memref<128x128xf32, #tpu.memory_space<hbm>>
      %dma_start3A_193 = arith.constant 0 : i32
      %dma_start3A_194 = arith.constant 0 : i32
      %dma_start3A_195 = tpu.memref_slice %arg14[%dma_start3A_193, %dma_start3A_194] : memref<128x128xf32, #tpu.memory_space<vmem>> -> memref<128x128xf32, #tpu.memory_space<vmem>>
      tpu.enqueue_dma source(%dma_start3A_195 : memref<128x128xf32, #tpu.memory_space<vmem>>) target(%dma_start3A_192 : memref<128x128xf32, #tpu.memory_space<hbm>>) target_semaphore(%run_scoped3A : memref<!tpu.dma_semaphore, #tpu.memory_space<semaphore_mem>>)
      %dma_wait3A_196 = arith.constant 0 : i32
      %dma_wait3A_197 = arith.constant 0 : i32
      %dma_wait3A_198 = tpu.memref_slice %arg14[%dma_wait3A_196, %dma_wait3A_197] : memref<128x128xf32, #tpu.memory_space<vmem>> -> memref<128x128xf32, #tpu.memory_space<vmem>>
      %dma_wait3A_199 = arith.constant 0 : i32
      %dma_wait3A_200 = tpu.memref_slice %arg5[%add3A_137, %dma_wait3A_199] : memref<20224x128xf32, #tpu.memory_space<hbm>> -> memref<128x128xf32, #tpu.memory_space<hbm>>
      %dma_wait3A_201 = arith.constant 0 : i32
      %dma_wait3A_202 = tpu.memref_slice %arg5[%add3A_137, %dma_wait3A_201] : memref<20224x128xf32, #tpu.memory_space<hbm>> -> memref<128x128xf32, #tpu.memory_space<hbm>>
      %dma_wait3A_203 = arith.constant 0 : i32
      %dma_wait3A_204 = arith.constant 0 : i32
      %dma_wait3A_205 = tpu.memref_slice %arg14[%dma_wait3A_203, %dma_wait3A_204] : memref<128x128xf32, #tpu.memory_space<vmem>> -> memref<128x128xf32, #tpu.memory_space<vmem>>
      tpu.wait_dma2 semaphore(%run_scoped3A : memref<!tpu.dma_semaphore, #tpu.memory_space<semaphore_mem>>) src(%dma_wait3A_205 : memref<128x128xf32, #tpu.memory_space<vmem>>) dst(%dma_wait3A_202 : memref<128x128xf32, #tpu.memory_space<hbm>>)
      tpu.yield
    }) : () -> ()
    %mul3A_138 = arith.constant 632 : i32
    %mul3A_139 = arith.muli %arg1, %mul3A_138 : i32
    %add3A_140 = arith.constant 512 : i32
    %add3A_141 = arith.addi %mul3A_139, %add3A_140 : i32
    %dma_start3A_142 = arith.constant 0 : i32
    %dma_start3A_143 = arith.constant 0 : i32
    %dma_start3A_144 = tpu.memref_slice %arg13[%dma_start3A_142, %dma_start3A_143] : memref<128x128xf32, #tpu.memory_space<vmem>> -> memref<120x128xf32, #tpu.memory_space<vmem>>
    %dma_start3A_145 = arith.constant 0 : i32
    %dma_start3A_146 = tpu.memref_slice %arg15[%add3A_141, %dma_start3A_145] : memref<10112x128xf32, #tpu.memory_space<vmem_shared>> -> memref<120x128xf32, #tpu.memory_space<vmem_shared>>
    %dma_start3A_147 = arith.constant 0 : i32
    %dma_start3A_148 = arith.constant 0 : i32
    %dma_start3A_149 = tpu.memref_slice %arg13[%dma_start3A_147, %dma_start3A_148] : memref<128x128xf32, #tpu.memory_space<vmem>> -> memref<120x128xf32, #tpu.memory_space<vmem>>
    %dma_start3A_150 = arith.constant 0 : i32
    %dma_start3A_151 = tpu.memref_slice %arg15[%add3A_141, %dma_start3A_150] : memref<10112x128xf32, #tpu.memory_space<vmem_shared>> -> memref<120x128xf32, #tpu.memory_space<vmem_shared>>
    tpu.enqueue_dma source(%dma_start3A_151 : memref<120x128xf32, #tpu.memory_space<vmem_shared>>) target(%dma_start3A_149 : memref<120x128xf32, #tpu.memory_space<vmem>>) target_semaphore(%arg19 : memref<!tpu.dma_semaphore, #tpu.memory_space<semaphore_mem>>)
    %dma_wait3A_152 = arith.constant 0 : i32
    %dma_wait3A_153 = arith.constant 0 : i32
    %dma_wait3A_154 = tpu.memref_slice %arg12[%dma_wait3A_152, %dma_wait3A_153] : memref<128x128xf32, #tpu.memory_space<vmem>> -> memref<128x128xf32, #tpu.memory_space<vmem>>
    %dma_wait3A_155 = arith.constant 0 : i32
    %dma_wait3A_156 = tpu.memref_slice %arg15[%add3A_110, %dma_wait3A_155] : memref<10112x128xf32, #tpu.memory_space<vmem_shared>> -> memref<128x128xf32, #tpu.memory_space<vmem_shared>>
    %dma_wait3A_157 = arith.constant 0 : i32
    %dma_wait3A_158 = arith.constant 0 : i32
    %dma_wait3A_159 = tpu.memref_slice %arg12[%dma_wait3A_157, %dma_wait3A_158] : memref<128x128xf32, #tpu.memory_space<vmem>> -> memref<128x128xf32, #tpu.memory_space<vmem>>
    %dma_wait3A_160 = arith.constant 0 : i32
    %dma_wait3A_161 = tpu.memref_slice %arg15[%add3A_110, %dma_wait3A_160] : memref<10112x128xf32, #tpu.memory_space<vmem_shared>> -> memref<128x128xf32, #tpu.memory_space<vmem_shared>>
    tpu.wait_dma2 semaphore(%arg16 : memref<!tpu.dma_semaphore, #tpu.memory_space<semaphore_mem>>) src(%dma_wait3A_161 : memref<128x128xf32, #tpu.memory_space<vmem_shared>>) dst(%dma_wait3A_159 : memref<128x128xf32, #tpu.memory_space<vmem>>)
    %mul3A_162 = arith.constant 10112 : i32
    %mul3A_163 = arith.muli %arg0, %mul3A_162 : i32
    %mul3A_164 = arith.constant 632 : i32
    %mul3A_165 = arith.muli %arg1, %mul3A_164 : i32
    %add3A_166 = arith.addi %mul3A_163, %mul3A_165 : i32
    %add3A_167 = arith.constant 384 : i32
    %add3A_168 = arith.addi %add3A_166, %add3A_167 : i32
    "tpu.region"() ({
      %run_scoped3A = tpu.sem_alloc : memref<!tpu.dma_semaphore, #tpu.memory_space<semaphore_mem>>
      %dma_start3A_186 = arith.constant 0 : i32
      %dma_start3A_187 = arith.constant 0 : i32
      %dma_start3A_188 = tpu.memref_slice %arg12[%dma_start3A_186, %dma_start3A_187] : memref<128x128xf32, #tpu.memory_space<vmem>> -> memref<128x128xf32, #tpu.memory_space<vmem>>
      %dma_start3A_189 = arith.constant 0 : i32
      %dma_start3A_190 = tpu.memref_slice %arg5[%add3A_168, %dma_start3A_189] : memref<20224x128xf32, #tpu.memory_space<hbm>> -> memref<128x128xf32, #tpu.memory_space<hbm>>
      %dma_start3A_191 = arith.constant 0 : i32
      %dma_start3A_192 = tpu.memref_slice %arg5[%add3A_168, %dma_start3A_191] : memref<20224x128xf32, #tpu.memory_space<hbm>> -> memref<128x128xf32, #tpu.memory_space<hbm>>
      %dma_start3A_193 = arith.constant 0 : i32
      %dma_start3A_194 = arith.constant 0 : i32
      %dma_start3A_195 = tpu.memref_slice %arg12[%dma_start3A_193, %dma_start3A_194] : memref<128x128xf32, #tpu.memory_space<vmem>> -> memref<128x128xf32, #tpu.memory_space<vmem>>
      tpu.enqueue_dma source(%dma_start3A_195 : memref<128x128xf32, #tpu.memory_space<vmem>>) target(%dma_start3A_192 : memref<128x128xf32, #tpu.memory_space<hbm>>) target_semaphore(%run_scoped3A : memref<!tpu.dma_semaphore, #tpu.memory_space<semaphore_mem>>)
      %dma_wait3A_196 = arith.constant 0 : i32
      %dma_wait3A_197 = arith.constant 0 : i32
      %dma_wait3A_198 = tpu.memref_slice %arg12[%dma_wait3A_196, %dma_wait3A_197] : memref<128x128xf32, #tpu.memory_space<vmem>> -> memref<128x128xf32, #tpu.memory_space<vmem>>
      %dma_wait3A_199 = arith.constant 0 : i32
      %dma_wait3A_200 = tpu.memref_slice %arg5[%add3A_168, %dma_wait3A_199] : memref<20224x128xf32, #tpu.memory_space<hbm>> -> memref<128x128xf32, #tpu.memory_space<hbm>>
      %dma_wait3A_201 = arith.constant 0 : i32
      %dma_wait3A_202 = tpu.memref_slice %arg5[%add3A_168, %dma_wait3A_201] : memref<20224x128xf32, #tpu.memory_space<hbm>> -> memref<128x128xf32, #tpu.memory_space<hbm>>
      %dma_wait3A_203 = arith.constant 0 : i32
      %dma_wait3A_204 = arith.constant 0 : i32
      %dma_wait3A_205 = tpu.memref_slice %arg12[%dma_wait3A_203, %dma_wait3A_204] : memref<128x128xf32, #tpu.memory_space<vmem>> -> memref<128x128xf32, #tpu.memory_space<vmem>>
      tpu.wait_dma2 semaphore(%run_scoped3A : memref<!tpu.dma_semaphore, #tpu.memory_space<semaphore_mem>>) src(%dma_wait3A_205 : memref<128x128xf32, #tpu.memory_space<vmem>>) dst(%dma_wait3A_202 : memref<128x128xf32, #tpu.memory_space<hbm>>)
      tpu.yield
    }) : () -> ()
    %dma_wait3A_169 = arith.constant 0 : i32
    %dma_wait3A_170 = arith.constant 0 : i32
    %dma_wait3A_171 = tpu.memref_slice %arg13[%dma_wait3A_169, %dma_wait3A_170] : memref<128x128xf32, #tpu.memory_space<vmem>> -> memref<120x128xf32, #tpu.memory_space<vmem>>
    %dma_wait3A_172 = arith.constant 0 : i32
    %dma_wait3A_173 = tpu.memref_slice %arg15[%add3A_141, %dma_wait3A_172] : memref<10112x128xf32, #tpu.memory_space<vmem_shared>> -> memref<120x128xf32, #tpu.memory_space<vmem_shared>>
    %dma_wait3A_174 = arith.constant 0 : i32
    %dma_wait3A_175 = arith.constant 0 : i32
    %dma_wait3A_176 = tpu.memref_slice %arg13[%dma_wait3A_174, %dma_wait3A_175] : memref<128x128xf32, #tpu.memory_space<vmem>> -> memref<120x128xf32, #tpu.memory_space<vmem>>
    %dma_wait3A_177 = arith.constant 0 : i32
    %dma_wait3A_178 = tpu.memref_slice %arg15[%add3A_141, %dma_wait3A_177] : memref<10112x128xf32, #tpu.memory_space<vmem_shared>> -> memref<120x128xf32, #tpu.memory_space<vmem_shared>>
    tpu.wait_dma2 semaphore(%arg19 : memref<!tpu.dma_semaphore, #tpu.memory_space<semaphore_mem>>) src(%dma_wait3A_178 : memref<120x128xf32, #tpu.memory_space<vmem_shared>>) dst(%dma_wait3A_176 : memref<120x128xf32, #tpu.memory_space<vmem>>)
    %mul3A_179 = arith.constant 10112 : i32
    %mul3A_180 = arith.muli %arg0, %mul3A_179 : i32
    %mul3A_181 = arith.constant 632 : i32
    %mul3A_182 = arith.muli %arg1, %mul3A_181 : i32
    %add3A_183 = arith.addi %mul3A_180, %mul3A_182 : i32
    %add3A_184 = arith.constant 512 : i32
    %add3A_185 = arith.addi %add3A_183, %add3A_184 : i32
    "tpu.region"() ({
      %run_scoped3A = tpu.sem_alloc : memref<!tpu.dma_semaphore, #tpu.memory_space<semaphore_mem>>
      %dma_start3A_186 = arith.constant 0 : i32
      %dma_start3A_187 = arith.constant 0 : i32
      %dma_start3A_188 = tpu.memref_slice %arg13[%dma_start3A_186, %dma_start3A_187] : memref<128x128xf32, #tpu.memory_space<vmem>> -> memref<120x128xf32, #tpu.memory_space<vmem>>
      %dma_start3A_189 = arith.constant 0 : i32
      %dma_start3A_190 = tpu.memref_slice %arg5[%add3A_185, %dma_start3A_189] : memref<20224x128xf32, #tpu.memory_space<hbm>> -> memref<120x128xf32, #tpu.memory_space<hbm>>
      %dma_start3A_191 = arith.constant 0 : i32
      %dma_start3A_192 = tpu.memref_slice %arg5[%add3A_185, %dma_start3A_191] : memref<20224x128xf32, #tpu.memory_space<hbm>> -> memref<120x128xf32, #tpu.memory_space<hbm>>
      %dma_start3A_193 = arith.constant 0 : i32
      %dma_start3A_194 = arith.constant 0 : i32
      %dma_start3A_195 = tpu.memref_slice %arg13[%dma_start3A_193, %dma_start3A_194] : memref<128x128xf32, #tpu.memory_space<vmem>> -> memref<120x128xf32, #tpu.memory_space<vmem>>
      tpu.enqueue_dma source(%dma_start3A_195 : memref<120x128xf32, #tpu.memory_space<vmem>>) target(%dma_start3A_192 : memref<120x128xf32, #tpu.memory_space<hbm>>) target_semaphore(%run_scoped3A : memref<!tpu.dma_semaphore, #tpu.memory_space<semaphore_mem>>)
      %dma_wait3A_196 = arith.constant 0 : i32
      %dma_wait3A_197 = arith.constant 0 : i32
      %dma_wait3A_198 = tpu.memref_slice %arg13[%dma_wait3A_196, %dma_wait3A_197] : memref<128x128xf32, #tpu.memory_space<vmem>> -> memref<120x128xf32, #tpu.memory_space<vmem>>
      %dma_wait3A_199 = arith.constant 0 : i32
      %dma_wait3A_200 = tpu.memref_slice %arg5[%add3A_185, %dma_wait3A_199] : memref<20224x128xf32, #tpu.memory_space<hbm>> -> memref<120x128xf32, #tpu.memory_space<hbm>>
      %dma_wait3A_201 = arith.constant 0 : i32
      %dma_wait3A_202 = tpu.memref_slice %arg5[%add3A_185, %dma_wait3A_201] : memref<20224x128xf32, #tpu.memory_space<hbm>> -> memref<120x128xf32, #tpu.memory_space<hbm>>
      %dma_wait3A_203 = arith.constant 0 : i32
      %dma_wait3A_204 = arith.constant 0 : i32
      %dma_wait3A_205 = tpu.memref_slice %arg13[%dma_wait3A_203, %dma_wait3A_204] : memref<128x128xf32, #tpu.memory_space<vmem>> -> memref<120x128xf32, #tpu.memory_space<vmem>>
      tpu.wait_dma2 semaphore(%run_scoped3A : memref<!tpu.dma_semaphore, #tpu.memory_space<semaphore_mem>>) src(%dma_wait3A_205 : memref<120x128xf32, #tpu.memory_space<vmem>>) dst(%dma_wait3A_202 : memref<120x128xf32, #tpu.memory_space<hbm>>)
      tpu.yield
    }) : () -> ()
    return
  }
}

#map = affine_map<(d0, d1) -> (0)>
#map1 = affine_map<(d0, d1) -> (0, 0)>
module attributes {stable_mosaic.version = 14 : i64} {
  func.func @_scat_body(%arg0: i32, %arg1: i32, %arg2: memref<320000xi32, #tpu.memory_space<hbm>>, %arg3: memref<320000xi32, #tpu.memory_space<hbm>>, %arg4: memref<10000x128xf32, #tpu.memory_space<hbm>>, %arg5: memref<20224x128xf32, #tpu.memory_space<hbm>>, %arg6: memref<128xi32, #tpu.memory_space<vmem>>, %arg7: memref<128xi32, #tpu.memory_space<vmem>>, %arg8: memref<128xi32, #tpu.memory_space<vmem>>, %arg9: memref<128xi32, #tpu.memory_space<vmem>>, %arg10: memref<128xi32, #tpu.memory_space<vmem>>, %arg11: memref<128xi32, #tpu.memory_space<vmem>>, %arg12: memref<128x128xf32, #tpu.memory_space<vmem>>, %arg13: memref<128x128xf32, #tpu.memory_space<vmem>>, %arg14: memref<128x128xf32, #tpu.memory_space<vmem>>, %arg15: memref<10112x128xf32, #tpu.memory_space<vmem_shared>>, %arg16: memref<!tpu.dma_semaphore, #tpu.memory_space<semaphore_mem>>, %arg17: memref<!tpu.dma_semaphore, #tpu.memory_space<semaphore_mem>>, %arg18: memref<!tpu.dma_semaphore, #tpu.memory_space<semaphore_mem>>, %arg19: memref<!tpu.dma_semaphore, #tpu.memory_space<semaphore_mem>>, %arg20: memref<!tpu.dma_semaphore, #tpu.memory_space<semaphore_mem>>, %arg21: memref<!tpu.dma_semaphore, #tpu.memory_space<semaphore_mem>>, %arg22: memref<!tpu.dma_semaphore, #tpu.memory_space<semaphore_mem>>, %arg23: memref<!tpu.dma_semaphore, #tpu.memory_space<semaphore_mem>>, %arg24: memref<!tpu.dma_semaphore, #tpu.memory_space<semaphore_mem>>) attributes {dimension_semantics = [#tpu.dimension_semantics<core_parallel>, #tpu.dimension_semantics<subcore_parallel>], iteration_bounds = array<i64: 2, 16>, scalar_prefetch = 0 : i64, scratch_operands = 19 : i64, tpu.core_type = #tpu.core_type<sc_vector_subcore>, window_params = [{transform_indices = #map}, {transform_indices = #map}, {transform_indices = #map1}, {transform_indices = #map1}]} {
    %mul3A = arith.constant 2 : i32
    %mul3A_0 = arith.muli %arg1, %mul3A : i32
    %add3A = arith.addi %mul3A_0, %arg0 : i32
    %scan3A = arith.constant 0 : i32
    %scan3A_1 = arith.constant 0 : i32
    %scan3A_2 = arith.constant 128 : i32
    %scan3A_3 = arith.addi %scan3A_1, %scan3A_2 : i32
    %scan3A_4 = arith.constant 1 : i32
    scf.for %scan3A_186 = %scan3A_1 to %scan3A_3 step %scan3A_4  : i32 {
      %broadcast_in_dim3A = arith.constant 0.000000e+00 : f32
      %broadcast_in_dim3A_187 = vector.broadcast %broadcast_in_dim3A : f32 to vector<16xf32>
      %swap3A = arith.index_cast %scan3A_186 : i32 to index
      %swap3A_188 = arith.constant 0 : index
      %swap3A_189 = tpu.vector_load %arg12[%swap3A, %swap3A_188] {strides = array<i32>} : memref<128x128xf32, #tpu.memory_space<vmem>>, vector<1x16xf32>,
      %swap3A_190 = vector.shape_cast %swap3A_189 : vector<1x16xf32> to vector<16xf32>
      %swap3A_191 = vector.shape_cast %broadcast_in_dim3A_187 : vector<16xf32> to vector<1x16xf32>
      tpu.vector_store %arg12[%swap3A, %swap3A_188], %swap3A_191 {strides = array<i32>} : memref<128x128xf32, #tpu.memory_space<vmem>>, vector<1x16xf32>,
      %broadcast_in_dim3A_192 = arith.constant 0.000000e+00 : f32
      %broadcast_in_dim3A_193 = vector.broadcast %broadcast_in_dim3A_192 : f32 to vector<16xf32>
      %swap3A_194 = arith.index_cast %scan3A_186 : i32 to index
      %swap3A_195 = arith.constant 16 : index
      %swap3A_196 = tpu.vector_load %arg12[%swap3A_194, %swap3A_195] {strides = array<i32>} : memref<128x128xf32, #tpu.memory_space<vmem>>, vector<1x16xf32>,
      %swap3A_197 = vector.shape_cast %swap3A_196 : vector<1x16xf32> to vector<16xf32>
      %swap3A_198 = vector.shape_cast %broadcast_in_dim3A_193 : vector<16xf32> to vector<1x16xf32>
      tpu.vector_store %arg12[%swap3A_194, %swap3A_195], %swap3A_198 {strides = array<i32>} : memref<128x128xf32, #tpu.memory_space<vmem>>, vector<1x16xf32>,
      %broadcast_in_dim3A_199 = arith.constant 0.000000e+00 : f32
      %broadcast_in_dim3A_200 = vector.broadcast %broadcast_in_dim3A_199 : f32 to vector<16xf32>
      %swap3A_201 = arith.index_cast %scan3A_186 : i32 to index
      %swap3A_202 = arith.constant 32 : index
      %swap3A_203 = tpu.vector_load %arg12[%swap3A_201, %swap3A_202] {strides = array<i32>} : memref<128x128xf32, #tpu.memory_space<vmem>>, vector<1x16xf32>,
      %swap3A_204 = vector.shape_cast %swap3A_203 : vector<1x16xf32> to vector<16xf32>
      %swap3A_205 = vector.shape_cast %broadcast_in_dim3A_200 : vector<16xf32> to vector<1x16xf32>
      tpu.vector_store %arg12[%swap3A_201, %swap3A_202], %swap3A_205 {strides = array<i32>} : memref<128x128xf32, #tpu.memory_space<vmem>>, vector<1x16xf32>,
      %broadcast_in_dim3A_206 = arith.constant 0.000000e+00 : f32
      %broadcast_in_dim3A_207 = vector.broadcast %broadcast_in_dim3A_206 : f32 to vector<16xf32>
      %swap3A_208 = arith.index_cast %scan3A_186 : i32 to index
      %swap3A_209 = arith.constant 48 : index
      %swap3A_210 = tpu.vector_load %arg12[%swap3A_208, %swap3A_209] {strides = array<i32>} : memref<128x128xf32, #tpu.memory_space<vmem>>, vector<1x16xf32>,
      %swap3A_211 = vector.shape_cast %swap3A_210 : vector<1x16xf32> to vector<16xf32>
      %swap3A_212 = vector.shape_cast %broadcast_in_dim3A_207 : vector<16xf32> to vector<1x16xf32>
      tpu.vector_store %arg12[%swap3A_208, %swap3A_209], %swap3A_212 {strides = array<i32>} : memref<128x128xf32, #tpu.memory_space<vmem>>, vector<1x16xf32>,
      %broadcast_in_dim3A_213 = arith.constant 0.000000e+00 : f32
      %broadcast_in_dim3A_214 = vector.broadcast %broadcast_in_dim3A_213 : f32 to vector<16xf32>
      %swap3A_215 = arith.index_cast %scan3A_186 : i32 to index
      %swap3A_216 = arith.constant 64 : index
      %swap3A_217 = tpu.vector_load %arg12[%swap3A_215, %swap3A_216] {strides = array<i32>} : memref<128x128xf32, #tpu.memory_space<vmem>>, vector<1x16xf32>,
      %swap3A_218 = vector.shape_cast %swap3A_217 : vector<1x16xf32> to vector<16xf32>
      %swap3A_219 = vector.shape_cast %broadcast_in_dim3A_214 : vector<16xf32> to vector<1x16xf32>
      tpu.vector_store %arg12[%swap3A_215, %swap3A_216], %swap3A_219 {strides = array<i32>} : memref<128x128xf32, #tpu.memory_space<vmem>>, vector<1x16xf32>,
      %broadcast_in_dim3A_220 = arith.constant 0.000000e+00 : f32
      %broadcast_in_dim3A_221 = vector.broadcast %broadcast_in_dim3A_220 : f32 to vector<16xf32>
      %swap3A_222 = arith.index_cast %scan3A_186 : i32 to index
      %swap3A_223 = arith.constant 80 : index
      %swap3A_224 = tpu.vector_load %arg12[%swap3A_222, %swap3A_223] {strides = array<i32>} : memref<128x128xf32, #tpu.memory_space<vmem>>, vector<1x16xf32>,
      %swap3A_225 = vector.shape_cast %swap3A_224 : vector<1x16xf32> to vector<16xf32>
      %swap3A_226 = vector.shape_cast %broadcast_in_dim3A_221 : vector<16xf32> to vector<1x16xf32>
      tpu.vector_store %arg12[%swap3A_222, %swap3A_223], %swap3A_226 {strides = array<i32>} : memref<128x128xf32, #tpu.memory_space<vmem>>, vector<1x16xf32>,
      %broadcast_in_dim3A_227 = arith.constant 0.000000e+00 : f32
      %broadcast_in_dim3A_228 = vector.broadcast %broadcast_in_dim3A_227 : f32 to vector<16xf32>
      %swap3A_229 = arith.index_cast %scan3A_186 : i32 to index
      %swap3A_230 = arith.constant 96 : index
      %swap3A_231 = tpu.vector_load %arg12[%swap3A_229, %swap3A_230] {strides = array<i32>} : memref<128x128xf32, #tpu.memory_space<vmem>>, vector<1x16xf32>,
      %swap3A_232 = vector.shape_cast %swap3A_231 : vector<1x16xf32> to vector<16xf32>
      %swap3A_233 = vector.shape_cast %broadcast_in_dim3A_228 : vector<16xf32> to vector<1x16xf32>
      tpu.vector_store %arg12[%swap3A_229, %swap3A_230], %swap3A_233 {strides = array<i32>} : memref<128x128xf32, #tpu.memory_space<vmem>>, vector<1x16xf32>,
      %broadcast_in_dim3A_234 = arith.constant 0.000000e+00 : f32
      %broadcast_in_dim3A_235 = vector.broadcast %broadcast_in_dim3A_234 : f32 to vector<16xf32>
      %swap3A_236 = arith.index_cast %scan3A_186 : i32 to index
      %swap3A_237 = arith.constant 112 : index
      %swap3A_238 = tpu.vector_load %arg12[%swap3A_236, %swap3A_237] {strides = array<i32>} : memref<128x128xf32, #tpu.memory_space<vmem>>, vector<1x16xf32>,
      %swap3A_239 = vector.shape_cast %swap3A_238 : vector<1x16xf32> to vector<16xf32>
      %swap3A_240 = vector.shape_cast %broadcast_in_dim3A_235 : vector<16xf32> to vector<1x16xf32>
      tpu.vector_store %arg12[%swap3A_236, %swap3A_237], %swap3A_240 {strides = array<i32>} : memref<128x128xf32, #tpu.memory_space<vmem>>, vector<1x16xf32>,
    }
    %scan3A_5 = arith.constant 128 : i32
    %mul3A_6 = arith.constant 632 : i32
    %mul3A_7 = arith.muli %arg1, %mul3A_6 : i32
    %add3A_8 = arith.constant 0 : i32
    %add3A_9 = arith.addi %mul3A_7, %add3A_8 : i32
    "tpu.region"() ({
      %run_scoped3A = tpu.sem_alloc : memref<!tpu.dma_semaphore, #tpu.memory_space<semaphore_mem>>
      %dma_start3A_186 = arith.constant 0 : i32
      %dma_start3A_187 = arith.constant 0 : i32
      %dma_start3A_188 = tpu.memref_slice %arg12[%dma_start3A_186, %dma_start3A_187] : memref<128x128xf32, #tpu.memory_space<vmem>> -> memref<128x128xf32, #tpu.memory_space<vmem>>
      %dma_start3A_189 = arith.constant 0 : i32
      %dma_start3A_190 = tpu.memref_slice %arg15[%add3A_9, %dma_start3A_189] : memref<10112x128xf32, #tpu.memory_space<vmem_shared>> -> memref<128x128xf32, #tpu.memory_space<vmem_shared>>
      %dma_start3A_191 = arith.constant 0 : i32
      %dma_start3A_192 = tpu.memref_slice %arg15[%add3A_9, %dma_start3A_191] : memref<10112x128xf32, #tpu.memory_space<vmem_shared>> -> memref<128x128xf32, #tpu.memory_space<vmem_shared>>
      %dma_start3A_193 = arith.constant 0 : i32
      %dma_start3A_194 = arith.constant 0 : i32
      %dma_start3A_195 = tpu.memref_slice %arg12[%dma_start3A_193, %dma_start3A_194] : memref<128x128xf32, #tpu.memory_space<vmem>> -> memref<128x128xf32, #tpu.memory_space<vmem>>
      tpu.enqueue_dma source(%dma_start3A_195 : memref<128x128xf32, #tpu.memory_space<vmem>>) target(%dma_start3A_192 : memref<128x128xf32, #tpu.memory_space<vmem_shared>>) target_semaphore(%run_scoped3A : memref<!tpu.dma_semaphore, #tpu.memory_space<semaphore_mem>>)
      %dma_wait3A_196 = arith.constant 0 : i32
      %dma_wait3A_197 = arith.constant 0 : i32
      %dma_wait3A_198 = tpu.memref_slice %arg12[%dma_wait3A_196, %dma_wait3A_197] : memref<128x128xf32, #tpu.memory_space<vmem>> -> memref<128x128xf32, #tpu.memory_space<vmem>>
      %dma_wait3A_199 = arith.constant 0 : i32
      %dma_wait3A_200 = tpu.memref_slice %arg15[%add3A_9, %dma_wait3A_199] : memref<10112x128xf32, #tpu.memory_space<vmem_shared>> -> memref<128x128xf32, #tpu.memory_space<vmem_shared>>
      %dma_wait3A_201 = arith.constant 0 : i32
      %dma_wait3A_202 = tpu.memref_slice %arg15[%add3A_9, %dma_wait3A_201] : memref<10112x128xf32, #tpu.memory_space<vmem_shared>> -> memref<128x128xf32, #tpu.memory_space<vmem_shared>>
      %dma_wait3A_203 = arith.constant 0 : i32
      %dma_wait3A_204 = arith.constant 0 : i32
      %dma_wait3A_205 = tpu.memref_slice %arg12[%dma_wait3A_203, %dma_wait3A_204] : memref<128x128xf32, #tpu.memory_space<vmem>> -> memref<128x128xf32, #tpu.memory_space<vmem>>
      tpu.wait_dma2 semaphore(%run_scoped3A : memref<!tpu.dma_semaphore, #tpu.memory_space<semaphore_mem>>) src(%dma_wait3A_205 : memref<128x128xf32, #tpu.memory_space<vmem>>) dst(%dma_wait3A_202 : memref<128x128xf32, #tpu.memory_space<vmem_shared>>)
      tpu.yield
    }) : () -> ()
    %mul3A_10 = arith.constant 632 : i32
    %mul3A_11 = arith.muli %arg1, %mul3A_10 : i32
    %add3A_12 = arith.constant 128 : i32
    %add3A_13 = arith.addi %mul3A_11, %add3A_12 : i32
    "tpu.region"() ({
      %run_scoped3A = tpu.sem_alloc : memref<!tpu.dma_semaphore, #tpu.memory_space<semaphore_mem>>
      %dma_start3A_186 = arith.constant 0 : i32
      %dma_start3A_187 = arith.constant 0 : i32
      %dma_start3A_188 = tpu.memref_slice %arg12[%dma_start3A_186, %dma_start3A_187] : memref<128x128xf32, #tpu.memory_space<vmem>> -> memref<128x128xf32, #tpu.memory_space<vmem>>
      %dma_start3A_189 = arith.constant 0 : i32
      %dma_start3A_190 = tpu.memref_slice %arg15[%add3A_13, %dma_start3A_189] : memref<10112x128xf32, #tpu.memory_space<vmem_shared>> -> memref<128x128xf32, #tpu.memory_space<vmem_shared>>
      %dma_start3A_191 = arith.constant 0 : i32
      %dma_start3A_192 = tpu.memref_slice %arg15[%add3A_13, %dma_start3A_191] : memref<10112x128xf32, #tpu.memory_space<vmem_shared>> -> memref<128x128xf32, #tpu.memory_space<vmem_shared>>
      %dma_start3A_193 = arith.constant 0 : i32
      %dma_start3A_194 = arith.constant 0 : i32
      %dma_start3A_195 = tpu.memref_slice %arg12[%dma_start3A_193, %dma_start3A_194] : memref<128x128xf32, #tpu.memory_space<vmem>> -> memref<128x128xf32, #tpu.memory_space<vmem>>
      tpu.enqueue_dma source(%dma_start3A_195 : memref<128x128xf32, #tpu.memory_space<vmem>>) target(%dma_start3A_192 : memref<128x128xf32, #tpu.memory_space<vmem_shared>>) target_semaphore(%run_scoped3A : memref<!tpu.dma_semaphore, #tpu.memory_space<semaphore_mem>>)
      %dma_wait3A_196 = arith.constant 0 : i32
      %dma_wait3A_197 = arith.constant 0 : i32
      %dma_wait3A_198 = tpu.memref_slice %arg12[%dma_wait3A_196, %dma_wait3A_197] : memref<128x128xf32, #tpu.memory_space<vmem>> -> memref<128x128xf32, #tpu.memory_space<vmem>>
      %dma_wait3A_199 = arith.constant 0 : i32
      %dma_wait3A_200 = tpu.memref_slice %arg15[%add3A_13, %dma_wait3A_199] : memref<10112x128xf32, #tpu.memory_space<vmem_shared>> -> memref<128x128xf32, #tpu.memory_space<vmem_shared>>
      %dma_wait3A_201 = arith.constant 0 : i32
      %dma_wait3A_202 = tpu.memref_slice %arg15[%add3A_13, %dma_wait3A_201] : memref<10112x128xf32, #tpu.memory_space<vmem_shared>> -> memref<128x128xf32, #tpu.memory_space<vmem_shared>>
      %dma_wait3A_203 = arith.constant 0 : i32
      %dma_wait3A_204 = arith.constant 0 : i32
      %dma_wait3A_205 = tpu.memref_slice %arg12[%dma_wait3A_203, %dma_wait3A_204] : memref<128x128xf32, #tpu.memory_space<vmem>> -> memref<128x128xf32, #tpu.memory_space<vmem>>
      tpu.wait_dma2 semaphore(%run_scoped3A : memref<!tpu.dma_semaphore, #tpu.memory_space<semaphore_mem>>) src(%dma_wait3A_205 : memref<128x128xf32, #tpu.memory_space<vmem>>) dst(%dma_wait3A_202 : memref<128x128xf32, #tpu.memory_space<vmem_shared>>)
      tpu.yield
    }) : () -> ()
    %mul3A_14 = arith.constant 632 : i32
    %mul3A_15 = arith.muli %arg1, %mul3A_14 : i32
    %add3A_16 = arith.constant 256 : i32
    %add3A_17 = arith.addi %mul3A_15, %add3A_16 : i32
    "tpu.region"() ({
      %run_scoped3A = tpu.sem_alloc : memref<!tpu.dma_semaphore, #tpu.memory_space<semaphore_mem>>
      %dma_start3A_186 = arith.constant 0 : i32
      %dma_start3A_187 = arith.constant 0 : i32
      %dma_start3A_188 = tpu.memref_slice %arg12[%dma_start3A_186, %dma_start3A_187] : memref<128x128xf32, #tpu.memory_space<vmem>> -> memref<128x128xf32, #tpu.memory_space<vmem>>
      %dma_start3A_189 = arith.constant 0 : i32
      %dma_start3A_190 = tpu.memref_slice %arg15[%add3A_17, %dma_start3A_189] : memref<10112x128xf32, #tpu.memory_space<vmem_shared>> -> memref<128x128xf32, #tpu.memory_space<vmem_shared>>
      %dma_start3A_191 = arith.constant 0 : i32
      %dma_start3A_192 = tpu.memref_slice %arg15[%add3A_17, %dma_start3A_191] : memref<10112x128xf32, #tpu.memory_space<vmem_shared>> -> memref<128x128xf32, #tpu.memory_space<vmem_shared>>
      %dma_start3A_193 = arith.constant 0 : i32
      %dma_start3A_194 = arith.constant 0 : i32
      %dma_start3A_195 = tpu.memref_slice %arg12[%dma_start3A_193, %dma_start3A_194] : memref<128x128xf32, #tpu.memory_space<vmem>> -> memref<128x128xf32, #tpu.memory_space<vmem>>
      tpu.enqueue_dma source(%dma_start3A_195 : memref<128x128xf32, #tpu.memory_space<vmem>>) target(%dma_start3A_192 : memref<128x128xf32, #tpu.memory_space<vmem_shared>>) target_semaphore(%run_scoped3A : memref<!tpu.dma_semaphore, #tpu.memory_space<semaphore_mem>>)
      %dma_wait3A_196 = arith.constant 0 : i32
      %dma_wait3A_197 = arith.constant 0 : i32
      %dma_wait3A_198 = tpu.memref_slice %arg12[%dma_wait3A_196, %dma_wait3A_197] : memref<128x128xf32, #tpu.memory_space<vmem>> -> memref<128x128xf32, #tpu.memory_space<vmem>>
      %dma_wait3A_199 = arith.constant 0 : i32
      %dma_wait3A_200 = tpu.memref_slice %arg15[%add3A_17, %dma_wait3A_199] : memref<10112x128xf32, #tpu.memory_space<vmem_shared>> -> memref<128x128xf32, #tpu.memory_space<vmem_shared>>
      %dma_wait3A_201 = arith.constant 0 : i32
      %dma_wait3A_202 = tpu.memref_slice %arg15[%add3A_17, %dma_wait3A_201] : memref<10112x128xf32, #tpu.memory_space<vmem_shared>> -> memref<128x128xf32, #tpu.memory_space<vmem_shared>>
      %dma_wait3A_203 = arith.constant 0 : i32
      %dma_wait3A_204 = arith.constant 0 : i32
      %dma_wait3A_205 = tpu.memref_slice %arg12[%dma_wait3A_203, %dma_wait3A_204] : memref<128x128xf32, #tpu.memory_space<vmem>> -> memref<128x128xf32, #tpu.memory_space<vmem>>
      tpu.wait_dma2 semaphore(%run_scoped3A : memref<!tpu.dma_semaphore, #tpu.memory_space<semaphore_mem>>) src(%dma_wait3A_205 : memref<128x128xf32, #tpu.memory_space<vmem>>) dst(%dma_wait3A_202 : memref<128x128xf32, #tpu.memory_space<vmem_shared>>)
      tpu.yield
    }) : () -> ()
    %mul3A_18 = arith.constant 632 : i32
    %mul3A_19 = arith.muli %arg1, %mul3A_18 : i32
    %add3A_20 = arith.constant 384 : i32
    %add3A_21 = arith.addi %mul3A_19, %add3A_20 : i32
    "tpu.region"() ({
      %run_scoped3A = tpu.sem_alloc : memref<!tpu.dma_semaphore, #tpu.memory_space<semaphore_mem>>
      %dma_start3A_186 = arith.constant 0 : i32
      %dma_start3A_187 = arith.constant 0 : i32
      %dma_start3A_188 = tpu.memref_slice %arg12[%dma_start3A_186, %dma_start3A_187] : memref<128x128xf32, #tpu.memory_space<vmem>> -> memref<128x128xf32, #tpu.memory_space<vmem>>
      %dma_start3A_189 = arith.constant 0 : i32
      %dma_start3A_190 = tpu.memref_slice %arg15[%add3A_21, %dma_start3A_189] : memref<10112x128xf32, #tpu.memory_space<vmem_shared>> -> memref<128x128xf32, #tpu.memory_space<vmem_shared>>
      %dma_start3A_191 = arith.constant 0 : i32
      %dma_start3A_192 = tpu.memref_slice %arg15[%add3A_21, %dma_start3A_191] : memref<10112x128xf32, #tpu.memory_space<vmem_shared>> -> memref<128x128xf32, #tpu.memory_space<vmem_shared>>
      %dma_start3A_193 = arith.constant 0 : i32
      %dma_start3A_194 = arith.constant 0 : i32
      %dma_start3A_195 = tpu.memref_slice %arg12[%dma_start3A_193, %dma_start3A_194] : memref<128x128xf32, #tpu.memory_space<vmem>> -> memref<128x128xf32, #tpu.memory_space<vmem>>
      tpu.enqueue_dma source(%dma_start3A_195 : memref<128x128xf32, #tpu.memory_space<vmem>>) target(%dma_start3A_192 : memref<128x128xf32, #tpu.memory_space<vmem_shared>>) target_semaphore(%run_scoped3A : memref<!tpu.dma_semaphore, #tpu.memory_space<semaphore_mem>>)
      %dma_wait3A_196 = arith.constant 0 : i32
      %dma_wait3A_197 = arith.constant 0 : i32
      %dma_wait3A_198 = tpu.memref_slice %arg12[%dma_wait3A_196, %dma_wait3A_197] : memref<128x128xf32, #tpu.memory_space<vmem>> -> memref<128x128xf32, #tpu.memory_space<vmem>>
      %dma_wait3A_199 = arith.constant 0 : i32
      %dma_wait3A_200 = tpu.memref_slice %arg15[%add3A_21, %dma_wait3A_199] : memref<10112x128xf32, #tpu.memory_space<vmem_shared>> -> memref<128x128xf32, #tpu.memory_space<vmem_shared>>
      %dma_wait3A_201 = arith.constant 0 : i32
      %dma_wait3A_202 = tpu.memref_slice %arg15[%add3A_21, %dma_wait3A_201] : memref<10112x128xf32, #tpu.memory_space<vmem_shared>> -> memref<128x128xf32, #tpu.memory_space<vmem_shared>>
      %dma_wait3A_203 = arith.constant 0 : i32
      %dma_wait3A_204 = arith.constant 0 : i32
      %dma_wait3A_205 = tpu.memref_slice %arg12[%dma_wait3A_203, %dma_wait3A_204] : memref<128x128xf32, #tpu.memory_space<vmem>> -> memref<128x128xf32, #tpu.memory_space<vmem>>
      tpu.wait_dma2 semaphore(%run_scoped3A : memref<!tpu.dma_semaphore, #tpu.memory_space<semaphore_mem>>) src(%dma_wait3A_205 : memref<128x128xf32, #tpu.memory_space<vmem>>) dst(%dma_wait3A_202 : memref<128x128xf32, #tpu.memory_space<vmem_shared>>)
      tpu.yield
    }) : () -> ()
    %mul3A_22 = arith.constant 632 : i32
    %mul3A_23 = arith.muli %arg1, %mul3A_22 : i32
    %add3A_24 = arith.constant 512 : i32
    %add3A_25 = arith.addi %mul3A_23, %add3A_24 : i32
    "tpu.region"() ({
      %run_scoped3A = tpu.sem_alloc : memref<!tpu.dma_semaphore, #tpu.memory_space<semaphore_mem>>
      %dma_start3A_186 = arith.constant 0 : i32
      %dma_start3A_187 = arith.constant 0 : i32
      %dma_start3A_188 = tpu.memref_slice %arg12[%dma_start3A_186, %dma_start3A_187] : memref<128x128xf32, #tpu.memory_space<vmem>> -> memref<120x128xf32, #tpu.memory_space<vmem>>
      %dma_start3A_189 = arith.constant 0 : i32
      %dma_start3A_190 = tpu.memref_slice %arg15[%add3A_25, %dma_start3A_189] : memref<10112x128xf32, #tpu.memory_space<vmem_shared>> -> memref<120x128xf32, #tpu.memory_space<vmem_shared>>
      %dma_start3A_191 = arith.constant 0 : i32
      %dma_start3A_192 = tpu.memref_slice %arg15[%add3A_25, %dma_start3A_191] : memref<10112x128xf32, #tpu.memory_space<vmem_shared>> -> memref<120x128xf32, #tpu.memory_space<vmem_shared>>
      %dma_start3A_193 = arith.constant 0 : i32
      %dma_start3A_194 = arith.constant 0 : i32
      %dma_start3A_195 = tpu.memref_slice %arg12[%dma_start3A_193, %dma_start3A_194] : memref<128x128xf32, #tpu.memory_space<vmem>> -> memref<120x128xf32, #tpu.memory_space<vmem>>
      tpu.enqueue_dma source(%dma_start3A_195 : memref<120x128xf32, #tpu.memory_space<vmem>>) target(%dma_start3A_192 : memref<120x128xf32, #tpu.memory_space<vmem_shared>>) target_semaphore(%run_scoped3A : memref<!tpu.dma_semaphore, #tpu.memory_space<semaphore_mem>>)
      %dma_wait3A_196 = arith.constant 0 : i32
      %dma_wait3A_197 = arith.constant 0 : i32
      %dma_wait3A_198 = tpu.memref_slice %arg12[%dma_wait3A_196, %dma_wait3A_197] : memref<128x128xf32, #tpu.memory_space<vmem>> -> memref<120x128xf32, #tpu.memory_space<vmem>>
      %dma_wait3A_199 = arith.constant 0 : i32
      %dma_wait3A_200 = tpu.memref_slice %arg15[%add3A_25, %dma_wait3A_199] : memref<10112x128xf32, #tpu.memory_space<vmem_shared>> -> memref<120x128xf32, #tpu.memory_space<vmem_shared>>
      %dma_wait3A_201 = arith.constant 0 : i32
      %dma_wait3A_202 = tpu.memref_slice %arg15[%add3A_25, %dma_wait3A_201] : memref<10112x128xf32, #tpu.memory_space<vmem_shared>> -> memref<120x128xf32, #tpu.memory_space<vmem_shared>>
      %dma_wait3A_203 = arith.constant 0 : i32
      %dma_wait3A_204 = arith.constant 0 : i32
      %dma_wait3A_205 = tpu.memref_slice %arg12[%dma_wait3A_203, %dma_wait3A_204] : memref<128x128xf32, #tpu.memory_space<vmem>> -> memref<120x128xf32, #tpu.memory_space<vmem>>
      tpu.wait_dma2 semaphore(%run_scoped3A : memref<!tpu.dma_semaphore, #tpu.memory_space<semaphore_mem>>) src(%dma_wait3A_205 : memref<120x128xf32, #tpu.memory_space<vmem>>) dst(%dma_wait3A_202 : memref<120x128xf32, #tpu.memory_space<vmem_shared>>)
      tpu.yield
    }) : () -> ()
    %barrier3A = arith.constant 0 : index
    tpu.barrier barrier_id(%barrier3A)
    %scan3A_26 = arith.constant 0 : i32
    %scan3A_27 = arith.constant 0 : i32
    %scan3A_28 = arith.constant 26 : i32
    %scan3A_29 = arith.addi %scan3A_27, %scan3A_28 : i32
    %scan3A_30 = arith.constant 1 : i32
    scf.for %scan3A_186 = %scan3A_27 to %scan3A_29 step %scan3A_30  : i32 {
      %mul3A_187 = arith.constant 3 : i32
      %mul3A_188 = arith.muli %mul3A_187, %scan3A_186 : i32
      %mul3A_189 = arith.constant 32 : i32
      %mul3A_190 = arith.muli %mul3A_188, %mul3A_189 : i32
      %add3A_191 = arith.addi %add3A, %mul3A_190 : i32
      %mul3A_192 = arith.constant 128 : i32
      %mul3A_193 = arith.muli %add3A_191, %mul3A_192 : i32
      %mul3A_194 = arith.constant 3 : i32
      %mul3A_195 = arith.muli %mul3A_194, %scan3A_186 : i32
      %add3A_196 = arith.constant 1 : i32
      %add3A_197 = arith.addi %mul3A_195, %add3A_196 : i32
      %mul3A_198 = arith.constant 32 : i32
      %mul3A_199 = arith.muli %add3A_197, %mul3A_198 : i32
      %add3A_200 = arith.addi %add3A, %mul3A_199 : i32
      %mul3A_201 = arith.constant 128 : i32
      %mul3A_202 = arith.muli %add3A_200, %mul3A_201 : i32
      %mul3A_203 = arith.constant 3 : i32
      %mul3A_204 = arith.muli %mul3A_203, %scan3A_186 : i32
      %add3A_205 = arith.constant 2 : i32
      %add3A_206 = arith.addi %mul3A_204, %add3A_205 : i32
      %mul3A_207 = arith.constant 32 : i32
      %mul3A_208 = arith.muli %add3A_206, %mul3A_207 : i32
      %add3A_209 = arith.addi %add3A, %mul3A_208 : i32
      %mul3A_210 = arith.constant 128 : i32
      %mul3A_211 = arith.muli %add3A_209, %mul3A_210 : i32
      %dma_start3A_212 = tpu.memref_slice %arg2[%mul3A_193] : memref<320000xi32, #tpu.memory_space<hbm>> -> memref<128xi32, #tpu.memory_space<hbm>>
      %dma_start3A_213 = tpu.memref_slice %arg2[%mul3A_193] : memref<320000xi32, #tpu.memory_space<hbm>> -> memref<128xi32, #tpu.memory_space<hbm>>
      tpu.enqueue_dma source(%dma_start3A_213 : memref<128xi32, #tpu.memory_space<hbm>>) target(%arg6 : memref<128xi32, #tpu.memory_space<vmem>>) target_semaphore(%arg17 : memref<!tpu.dma_semaphore, #tpu.memory_space<semaphore_mem>>)
      %dma_start3A_214 = tpu.memref_slice %arg3[%mul3A_193] : memref<320000xi32, #tpu.memory_space<hbm>> -> memref<128xi32, #tpu.memory_space<hbm>>
      %dma_start3A_215 = tpu.memref_slice %arg3[%mul3A_193] : memref<320000xi32, #tpu.memory_space<hbm>> -> memref<128xi32, #tpu.memory_space<hbm>>
      tpu.enqueue_dma source(%dma_start3A_215 : memref<128xi32, #tpu.memory_space<hbm>>) target(%arg7 : memref<128xi32, #tpu.memory_space<vmem>>) target_semaphore(%arg18 : memref<!tpu.dma_semaphore, #tpu.memory_space<semaphore_mem>>)
      %dma_start3A_216 = tpu.memref_slice %arg2[%mul3A_202] : memref<320000xi32, #tpu.memory_space<hbm>> -> memref<128xi32, #tpu.memory_space<hbm>>
      %dma_start3A_217 = tpu.memref_slice %arg2[%mul3A_202] : memref<320000xi32, #tpu.memory_space<hbm>> -> memref<128xi32, #tpu.memory_space<hbm>>
      tpu.enqueue_dma source(%dma_start3A_217 : memref<128xi32, #tpu.memory_space<hbm>>) target(%arg8 : memref<128xi32, #tpu.memory_space<vmem>>) target_semaphore(%arg20 : memref<!tpu.dma_semaphore, #tpu.memory_space<semaphore_mem>>)
      %dma_start3A_218 = tpu.memref_slice %arg3[%mul3A_202] : memref<320000xi32, #tpu.memory_space<hbm>> -> memref<128xi32, #tpu.memory_space<hbm>>
      %dma_start3A_219 = tpu.memref_slice %arg3[%mul3A_202] : memref<320000xi32, #tpu.memory_space<hbm>> -> memref<128xi32, #tpu.memory_space<hbm>>
      tpu.enqueue_dma source(%dma_start3A_219 : memref<128xi32, #tpu.memory_space<hbm>>) target(%arg9 : memref<128xi32, #tpu.memory_space<vmem>>) target_semaphore(%arg21 : memref<!tpu.dma_semaphore, #tpu.memory_space<semaphore_mem>>)
      %dma_start3A_220 = tpu.memref_slice %arg2[%mul3A_211] : memref<320000xi32, #tpu.memory_space<hbm>> -> memref<128xi32, #tpu.memory_space<hbm>>
      %dma_start3A_221 = tpu.memref_slice %arg2[%mul3A_211] : memref<320000xi32, #tpu.memory_space<hbm>> -> memref<128xi32, #tpu.memory_space<hbm>>
      tpu.enqueue_dma source(%dma_start3A_221 : memref<128xi32, #tpu.memory_space<hbm>>) target(%arg10 : memref<128xi32, #tpu.memory_space<vmem>>) target_semaphore(%arg23 : memref<!tpu.dma_semaphore, #tpu.memory_space<semaphore_mem>>)
      %dma_start3A_222 = tpu.memref_slice %arg3[%mul3A_211] : memref<320000xi32, #tpu.memory_space<hbm>> -> memref<128xi32, #tpu.memory_space<hbm>>
      %dma_start3A_223 = tpu.memref_slice %arg3[%mul3A_211] : memref<320000xi32, #tpu.memory_space<hbm>> -> memref<128xi32, #tpu.memory_space<hbm>>
      tpu.enqueue_dma source(%dma_start3A_223 : memref<128xi32, #tpu.memory_space<hbm>>) target(%arg11 : memref<128xi32, #tpu.memory_space<vmem>>) target_semaphore(%arg24 : memref<!tpu.dma_semaphore, #tpu.memory_space<semaphore_mem>>)
      %dma_wait3A_224 = tpu.memref_slice %arg2[%mul3A_193] : memref<320000xi32, #tpu.memory_space<hbm>> -> memref<128xi32, #tpu.memory_space<hbm>>
      %dma_wait3A_225 = tpu.memref_slice %arg2[%mul3A_193] : memref<320000xi32, #tpu.memory_space<hbm>> -> memref<128xi32, #tpu.memory_space<hbm>>
      tpu.wait_dma2 semaphore(%arg17 : memref<!tpu.dma_semaphore, #tpu.memory_space<semaphore_mem>>) src(%dma_wait3A_225 : memref<128xi32, #tpu.memory_space<hbm>>) dst(%arg6 : memref<128xi32, #tpu.memory_space<vmem>>)
      %dma_start3A_226 = arith.constant 0 : i32
      %dma_start3A_227 = arith.constant 0 : i32
      %dma_start3A_228 = tpu.memref_slice %arg4[%dma_start3A_226, %dma_start3A_227] : memref<10000x128xf32, #tpu.memory_space<hbm>> -> memref<10000x128xf32, #tpu.memory_space<hbm>>
      tpu.enqueue_indirect_dma source(%dma_start3A_228 : memref<10000x128xf32, #tpu.memory_space<hbm>>) target(%arg12 : memref<128x128xf32, #tpu.memory_space<vmem>>) offsets(%arg6 : memref<128xi32, #tpu.memory_space<vmem>>) semaphore(%arg16 : memref<!tpu.dma_semaphore, #tpu.memory_space<semaphore_mem>>)
      %dma_wait3A_229 = tpu.memref_slice %arg2[%mul3A_202] : memref<320000xi32, #tpu.memory_space<hbm>> -> memref<128xi32, #tpu.memory_space<hbm>>
      %dma_wait3A_230 = tpu.memref_slice %arg2[%mul3A_202] : memref<320000xi32, #tpu.memory_space<hbm>> -> memref<128xi32, #tpu.memory_space<hbm>>
      tpu.wait_dma2 semaphore(%arg20 : memref<!tpu.dma_semaphore, #tpu.memory_space<semaphore_mem>>) src(%dma_wait3A_230 : memref<128xi32, #tpu.memory_space<hbm>>) dst(%arg8 : memref<128xi32, #tpu.memory_space<vmem>>)
      %dma_start3A_231 = arith.constant 0 : i32
      %dma_start3A_232 = arith.constant 0 : i32
      %dma_start3A_233 = tpu.memref_slice %arg4[%dma_start3A_231, %dma_start3A_232] : memref<10000x128xf32, #tpu.memory_space<hbm>> -> memref<10000x128xf32, #tpu.memory_space<hbm>>
      tpu.enqueue_indirect_dma source(%dma_start3A_233 : memref<10000x128xf32, #tpu.memory_space<hbm>>) target(%arg13 : memref<128x128xf32, #tpu.memory_space<vmem>>) offsets(%arg8 : memref<128xi32, #tpu.memory_space<vmem>>) semaphore(%arg19 : memref<!tpu.dma_semaphore, #tpu.memory_space<semaphore_mem>>)
      %dma_wait3A_234 = tpu.memref_slice %arg2[%mul3A_211] : memref<320000xi32, #tpu.memory_space<hbm>> -> memref<128xi32, #tpu.memory_space<hbm>>
      %dma_wait3A_235 = tpu.memref_slice %arg2[%mul3A_211] : memref<320000xi32, #tpu.memory_space<hbm>> -> memref<128xi32, #tpu.memory_space<hbm>>
      tpu.wait_dma2 semaphore(%arg23 : memref<!tpu.dma_semaphore, #tpu.memory_space<semaphore_mem>>) src(%dma_wait3A_235 : memref<128xi32, #tpu.memory_space<hbm>>) dst(%arg10 : memref<128xi32, #tpu.memory_space<vmem>>)
      %dma_start3A_236 = arith.constant 0 : i32
      %dma_start3A_237 = arith.constant 0 : i32
      %dma_start3A_238 = tpu.memref_slice %arg4[%dma_start3A_236, %dma_start3A_237] : memref<10000x128xf32, #tpu.memory_space<hbm>> -> memref<10000x128xf32, #tpu.memory_space<hbm>>
      tpu.enqueue_indirect_dma source(%dma_start3A_238 : memref<10000x128xf32, #tpu.memory_space<hbm>>) target(%arg14 : memref<128x128xf32, #tpu.memory_space<vmem>>) offsets(%arg10 : memref<128xi32, #tpu.memory_space<vmem>>) semaphore(%arg22 : memref<!tpu.dma_semaphore, #tpu.memory_space<semaphore_mem>>)
      %dma_wait3A_239 = arith.constant 0 : i32
      %dma_wait3A_240 = arith.constant 0 : i32
      %dma_wait3A_241 = tpu.memref_slice %arg4[%dma_wait3A_239, %dma_wait3A_240] : memref<10000x128xf32, #tpu.memory_space<hbm>> -> memref<10000x128xf32, #tpu.memory_space<hbm>>
      tpu.wait_indirect_dma semaphore(%arg16 : memref<!tpu.dma_semaphore, #tpu.memory_space<semaphore_mem>>) src(%dma_wait3A_241 : memref<10000x128xf32, #tpu.memory_space<hbm>>) dst(%arg12 : memref<128x128xf32, #tpu.memory_space<vmem>>)
      %dma_wait3A_242 = tpu.memref_slice %arg3[%mul3A_193] : memref<320000xi32, #tpu.memory_space<hbm>> -> memref<128xi32, #tpu.memory_space<hbm>>
      %dma_wait3A_243 = tpu.memref_slice %arg3[%mul3A_193] : memref<320000xi32, #tpu.memory_space<hbm>> -> memref<128xi32, #tpu.memory_space<hbm>>
      tpu.wait_dma2 semaphore(%arg18 : memref<!tpu.dma_semaphore, #tpu.memory_space<semaphore_mem>>) src(%dma_wait3A_243 : memref<128xi32, #tpu.memory_space<hbm>>) dst(%arg7 : memref<128xi32, #tpu.memory_space<vmem>>)
      "tpu.region"() ({
        %run_scoped3A = tpu.sem_alloc : memref<!tpu.dma_semaphore, #tpu.memory_space<semaphore_mem>>
        %dma_start3A_254 = arith.constant 0 : i32
        %dma_start3A_255 = arith.constant 0 : i32
        %dma_start3A_256 = tpu.memref_slice %arg15[%dma_start3A_254, %dma_start3A_255] : memref<10112x128xf32, #tpu.memory_space<vmem_shared>> -> memref<10112x128xf32, #tpu.memory_space<vmem_shared>>
        tpu.enqueue_indirect_dma source(%arg12 : memref<128x128xf32, #tpu.memory_space<vmem>>) target(%dma_start3A_256 : memref<10112x128xf32, #tpu.memory_space<vmem_shared>>) offsets(%arg7 : memref<128xi32, #tpu.memory_space<vmem>>) semaphore(%run_scoped3A : memref<!tpu.dma_semaphore, #tpu.memory_space<semaphore_mem>>) {add = true}
        %dma_wait3A_257 = arith.constant 0 : i32
        %dma_wait3A_258 = arith.constant 0 : i32
        %dma_wait3A_259 = tpu.memref_slice %arg15[%dma_wait3A_257, %dma_wait3A_258] : memref<10112x128xf32, #tpu.memory_space<vmem_shared>> -> memref<10112x128xf32, #tpu.memory_space<vmem_shared>>
        tpu.wait_indirect_dma semaphore(%run_scoped3A : memref<!tpu.dma_semaphore, #tpu.memory_space<semaphore_mem>>) src(%arg12 : memref<128x128xf32, #tpu.memory_space<vmem>>) dst(%dma_wait3A_259 : memref<10112x128xf32, #tpu.memory_space<vmem_shared>>)
        tpu.yield
      }) : () -> ()
      %dma_wait3A_244 = arith.constant 0 : i32
      %dma_wait3A_245 = arith.constant 0 : i32
      %dma_wait3A_246 = tpu.memref_slice %arg4[%dma_wait3A_244, %dma_wait3A_245] : memref<10000x128xf32, #tpu.memory_space<hbm>> -> memref<10000x128xf32, #tpu.memory_space<hbm>>
      tpu.wait_indirect_dma semaphore(%arg19 : memref<!tpu.dma_semaphore, #tpu.memory_space<semaphore_mem>>) src(%dma_wait3A_246 : memref<10000x128xf32, #tpu.memory_space<hbm>>) dst(%arg13 : memref<128x128xf32, #tpu.memory_space<vmem>>)
      %dma_wait3A_247 = tpu.memref_slice %arg3[%mul3A_202] : memref<320000xi32, #tpu.memory_space<hbm>> -> memref<128xi32, #tpu.memory_space<hbm>>
      %dma_wait3A_248 = tpu.memref_slice %arg3[%mul3A_202] : memref<320000xi32, #tpu.memory_space<hbm>> -> memref<128xi32, #tpu.memory_space<hbm>>
      tpu.wait_dma2 semaphore(%arg21 : memref<!tpu.dma_semaphore, #tpu.memory_space<semaphore_mem>>) src(%dma_wait3A_248 : memref<128xi32, #tpu.memory_space<hbm>>) dst(%arg9 : memref<128xi32, #tpu.memory_space<vmem>>)
      "tpu.region"() ({
        %run_scoped3A = tpu.sem_alloc : memref<!tpu.dma_semaphore, #tpu.memory_space<semaphore_mem>>
        %dma_start3A_254 = arith.constant 0 : i32
        %dma_start3A_255 = arith.constant 0 : i32
        %dma_start3A_256 = tpu.memref_slice %arg15[%dma_start3A_254, %dma_start3A_255] : memref<10112x128xf32, #tpu.memory_space<vmem_shared>> -> memref<10112x128xf32, #tpu.memory_space<vmem_shared>>
        tpu.enqueue_indirect_dma source(%arg13 : memref<128x128xf32, #tpu.memory_space<vmem>>) target(%dma_start3A_256 : memref<10112x128xf32, #tpu.memory_space<vmem_shared>>) offsets(%arg9 : memref<128xi32, #tpu.memory_space<vmem>>) semaphore(%run_scoped3A : memref<!tpu.dma_semaphore, #tpu.memory_space<semaphore_mem>>) {add = true}
        %dma_wait3A_257 = arith.constant 0 : i32
        %dma_wait3A_258 = arith.constant 0 : i32
        %dma_wait3A_259 = tpu.memref_slice %arg15[%dma_wait3A_257, %dma_wait3A_258] : memref<10112x128xf32, #tpu.memory_space<vmem_shared>> -> memref<10112x128xf32, #tpu.memory_space<vmem_shared>>
        tpu.wait_indirect_dma semaphore(%run_scoped3A : memref<!tpu.dma_semaphore, #tpu.memory_space<semaphore_mem>>) src(%arg13 : memref<128x128xf32, #tpu.memory_space<vmem>>) dst(%dma_wait3A_259 : memref<10112x128xf32, #tpu.memory_space<vmem_shared>>)
        tpu.yield
      }) : () -> ()
      %dma_wait3A_249 = arith.constant 0 : i32
      %dma_wait3A_250 = arith.constant 0 : i32
      %dma_wait3A_251 = tpu.memref_slice %arg4[%dma_wait3A_249, %dma_wait3A_250] : memref<10000x128xf32, #tpu.memory_space<hbm>> -> memref<10000x128xf32, #tpu.memory_space<hbm>>
      tpu.wait_indirect_dma semaphore(%arg22 : memref<!tpu.dma_semaphore, #tpu.memory_space<semaphore_mem>>) src(%dma_wait3A_251 : memref<10000x128xf32, #tpu.memory_space<hbm>>) dst(%arg14 : memref<128x128xf32, #tpu.memory_space<vmem>>)
      %dma_wait3A_252 = tpu.memref_slice %arg3[%mul3A_211] : memref<320000xi32, #tpu.memory_space<hbm>> -> memref<128xi32, #tpu.memory_space<hbm>>
      %dma_wait3A_253 = tpu.memref_slice %arg3[%mul3A_211] : memref<320000xi32, #tpu.memory_space<hbm>> -> memref<128xi32, #tpu.memory_space<hbm>>
      tpu.wait_dma2 semaphore(%arg24 : memref<!tpu.dma_semaphore, #tpu.memory_space<semaphore_mem>>) src(%dma_wait3A_253 : memref<128xi32, #tpu.memory_space<hbm>>) dst(%arg11 : memref<128xi32, #tpu.memory_space<vmem>>)
      "tpu.region"() ({
        %run_scoped3A = tpu.sem_alloc : memref<!tpu.dma_semaphore, #tpu.memory_space<semaphore_mem>>
        %dma_start3A_254 = arith.constant 0 : i32
        %dma_start3A_255 = arith.constant 0 : i32
        %dma_start3A_256 = tpu.memref_slice %arg15[%dma_start3A_254, %dma_start3A_255] : memref<10112x128xf32, #tpu.memory_space<vmem_shared>> -> memref<10112x128xf32, #tpu.memory_space<vmem_shared>>
        tpu.enqueue_indirect_dma source(%arg14 : memref<128x128xf32, #tpu.memory_space<vmem>>) target(%dma_start3A_256 : memref<10112x128xf32, #tpu.memory_space<vmem_shared>>) offsets(%arg11 : memref<128xi32, #tpu.memory_space<vmem>>) semaphore(%run_scoped3A : memref<!tpu.dma_semaphore, #tpu.memory_space<semaphore_mem>>) {add = true}
        %dma_wait3A_257 = arith.constant 0 : i32
        %dma_wait3A_258 = arith.constant 0 : i32
        %dma_wait3A_259 = tpu.memref_slice %arg15[%dma_wait3A_257, %dma_wait3A_258] : memref<10112x128xf32, #tpu.memory_space<vmem_shared>> -> memref<10112x128xf32, #tpu.memory_space<vmem_shared>>
        tpu.wait_indirect_dma semaphore(%run_scoped3A : memref<!tpu.dma_semaphore, #tpu.memory_space<semaphore_mem>>) src(%arg14 : memref<128x128xf32, #tpu.memory_space<vmem>>) dst(%dma_wait3A_259 : memref<10112x128xf32, #tpu.memory_space<vmem_shared>>)
        tpu.yield
      }) : () -> ()
    }
    %scan3A_31 = arith.constant 26 : i32
    %lt3A = arith.constant 4 : i32
    %lt3A_32 = arith.cmpi slt, %add3A, %lt3A : i32
    %convert_element_type3A = arith.extui %lt3A_32 : i1 to i32
    %cond3A = arith.constant 0 : i32
    %cond3A_33 = arith.cmpi ne, %convert_element_type3A, %cond3A : i32
    scf.if %cond3A_33 {
      %add3A_186 = arith.constant 2496 : i32
      %add3A_187 = arith.addi %add3A, %add3A_186 : i32
      %mul3A_188 = arith.constant 128 : i32
      %mul3A_189 = arith.muli %add3A_187, %mul3A_188 : i32
      "tpu.region"() ({
        %run_scoped3A = tpu.sem_alloc : memref<!tpu.dma_semaphore, #tpu.memory_space<semaphore_mem>>
        %dma_start3A_196 = tpu.memref_slice %arg2[%mul3A_189] : memref<320000xi32, #tpu.memory_space<hbm>> -> memref<128xi32, #tpu.memory_space<hbm>>
        %dma_start3A_197 = tpu.memref_slice %arg2[%mul3A_189] : memref<320000xi32, #tpu.memory_space<hbm>> -> memref<128xi32, #tpu.memory_space<hbm>>
        tpu.enqueue_dma source(%dma_start3A_197 : memref<128xi32, #tpu.memory_space<hbm>>) target(%arg6 : memref<128xi32, #tpu.memory_space<vmem>>) target_semaphore(%run_scoped3A : memref<!tpu.dma_semaphore, #tpu.memory_space<semaphore_mem>>)
        %dma_wait3A_198 = tpu.memref_slice %arg2[%mul3A_189] : memref<320000xi32, #tpu.memory_space<hbm>> -> memref<128xi32, #tpu.memory_space<hbm>>
        %dma_wait3A_199 = tpu.memref_slice %arg2[%mul3A_189] : memref<320000xi32, #tpu.memory_space<hbm>> -> memref<128xi32, #tpu.memory_space<hbm>>
        tpu.wait_dma2 semaphore(%run_scoped3A : memref<!tpu.dma_semaphore, #tpu.memory_space<semaphore_mem>>) src(%dma_wait3A_199 : memref<128xi32, #tpu.memory_space<hbm>>) dst(%arg6 : memref<128xi32, #tpu.memory_space<vmem>>)
        tpu.yield
      }) : () -> ()
      "tpu.region"() ({
        %run_scoped3A = tpu.sem_alloc : memref<!tpu.dma_semaphore, #tpu.memory_space<semaphore_mem>>
        %dma_start3A_196 = tpu.memref_slice %arg3[%mul3A_189] : memref<320000xi32, #tpu.memory_space<hbm>> -> memref<128xi32, #tpu.memory_space<hbm>>
        %dma_start3A_197 = tpu.memref_slice %arg3[%mul3A_189] : memref<320000xi32, #tpu.memory_space<hbm>> -> memref<128xi32, #tpu.memory_space<hbm>>
        tpu.enqueue_dma source(%dma_start3A_197 : memref<128xi32, #tpu.memory_space<hbm>>) target(%arg7 : memref<128xi32, #tpu.memory_space<vmem>>) target_semaphore(%run_scoped3A : memref<!tpu.dma_semaphore, #tpu.memory_space<semaphore_mem>>)
        %dma_wait3A_198 = tpu.memref_slice %arg3[%mul3A_189] : memref<320000xi32, #tpu.memory_space<hbm>> -> memref<128xi32, #tpu.memory_space<hbm>>
        %dma_wait3A_199 = tpu.memref_slice %arg3[%mul3A_189] : memref<320000xi32, #tpu.memory_space<hbm>> -> memref<128xi32, #tpu.memory_space<hbm>>
        tpu.wait_dma2 semaphore(%run_scoped3A : memref<!tpu.dma_semaphore, #tpu.memory_space<semaphore_mem>>) src(%dma_wait3A_199 : memref<128xi32, #tpu.memory_space<hbm>>) dst(%arg7 : memref<128xi32, #tpu.memory_space<vmem>>)
        tpu.yield
      }) : () -> ()
      %dma_start3A_190 = arith.constant 0 : i32
      %dma_start3A_191 = arith.constant 0 : i32
      %dma_start3A_192 = tpu.memref_slice %arg4[%dma_start3A_190, %dma_start3A_191] : memref<10000x128xf32, #tpu.memory_space<hbm>> -> memref<10000x128xf32, #tpu.memory_space<hbm>>
      tpu.enqueue_indirect_dma source(%dma_start3A_192 : memref<10000x128xf32, #tpu.memory_space<hbm>>) target(%arg12 : memref<128x128xf32, #tpu.memory_space<vmem>>) offsets(%arg6 : memref<128xi32, #tpu.memory_space<vmem>>) semaphore(%arg16 : memref<!tpu.dma_semaphore, #tpu.memory_space<semaphore_mem>>)
      %dma_wait3A_193 = arith.constant 0 : i32
      %dma_wait3A_194 = arith.constant 0 : i32
      %dma_wait3A_195 = tpu.memref_slice %arg4[%dma_wait3A_193, %dma_wait3A_194] : memref<10000x128xf32, #tpu.memory_space<hbm>> -> memref<10000x128xf32, #tpu.memory_space<hbm>>
      tpu.wait_indirect_dma semaphore(%arg16 : memref<!tpu.dma_semaphore, #tpu.memory_space<semaphore_mem>>) src(%dma_wait3A_195 : memref<10000x128xf32, #tpu.memory_space<hbm>>) dst(%arg12 : memref<128x128xf32, #tpu.memory_space<vmem>>)
      "tpu.region"() ({
        %run_scoped3A = tpu.sem_alloc : memref<!tpu.dma_semaphore, #tpu.memory_space<semaphore_mem>>
        %dma_start3A_196 = arith.constant 0 : i32
        %dma_start3A_197 = arith.constant 0 : i32
        %dma_start3A_198 = tpu.memref_slice %arg15[%dma_start3A_196, %dma_start3A_197] : memref<10112x128xf32, #tpu.memory_space<vmem_shared>> -> memref<10112x128xf32, #tpu.memory_space<vmem_shared>>
        tpu.enqueue_indirect_dma source(%arg12 : memref<128x128xf32, #tpu.memory_space<vmem>>) target(%dma_start3A_198 : memref<10112x128xf32, #tpu.memory_space<vmem_shared>>) offsets(%arg7 : memref<128xi32, #tpu.memory_space<vmem>>) semaphore(%run_scoped3A : memref<!tpu.dma_semaphore, #tpu.memory_space<semaphore_mem>>) {add = true}
        %dma_wait3A_199 = arith.constant 0 : i32
        %dma_wait3A_200 = arith.constant 0 : i32
        %dma_wait3A_201 = tpu.memref_slice %arg15[%dma_wait3A_199, %dma_wait3A_200] : memref<10112x128xf32, #tpu.memory_space<vmem_shared>> -> memref<10112x128xf32, #tpu.memory_space<vmem_shared>>
        tpu.wait_indirect_dma semaphore(%run_scoped3A : memref<!tpu.dma_semaphore, #tpu.memory_space<semaphore_mem>>) src(%arg12 : memref<128x128xf32, #tpu.memory_space<vmem>>) dst(%dma_wait3A_201 : memref<10112x128xf32, #tpu.memory_space<vmem_shared>>)
        tpu.yield
      }) : () -> ()
    } else {
    }
    %barrier3A_34 = arith.constant 0 : index
    tpu.barrier barrier_id(%barrier3A_34)
    %mul3A_35 = arith.constant 632 : i32
    %mul3A_36 = arith.muli %arg1, %mul3A_35 : i32
    %dma_start3A = arith.constant 0 : i32
    %dma_start3A_37 = arith.constant 0 : i32
    %dma_start3A_38 = tpu.memref_slice %arg12[%dma_start3A, %dma_start3A_37] : memref<128x128xf32, #tpu.memory_space<vmem>> -> memref<128x128xf32, #tpu.memory_space<vmem>>
    %dma_start3A_39 = arith.constant 0 : i32
    %dma_start3A_40 = tpu.memref_slice %arg15[%mul3A_36, %dma_start3A_39] : memref<10112x128xf32, #tpu.memory_space<vmem_shared>> -> memref<128x128xf32, #tpu.memory_space<vmem_shared>>
    %dma_start3A_41 = arith.constant 0 : i32
    %dma_start3A_42 = arith.constant 0 : i32
    %dma_start3A_43 = tpu.memref_slice %arg12[%dma_start3A_41, %dma_start3A_42] : memref<128x128xf32, #tpu.memory_space<vmem>> -> memref<128x128xf32, #tpu.memory_space<vmem>>
    %dma_start3A_44 = arith.constant 0 : i32
    %dma_start3A_45 = tpu.memref_slice %arg15[%mul3A_36, %dma_start3A_44] : memref<10112x128xf32, #tpu.memory_space<vmem_shared>> -> memref<128x128xf32, #tpu.memory_space<vmem_shared>>
    tpu.enqueue_dma source(%dma_start3A_45 : memref<128x128xf32, #tpu.memory_space<vmem_shared>>) target(%dma_start3A_43 : memref<128x128xf32, #tpu.memory_space<vmem>>) target_semaphore(%arg16 : memref<!tpu.dma_semaphore, #tpu.memory_space<semaphore_mem>>)
    %mul3A_46 = arith.constant 632 : i32
    %mul3A_47 = arith.muli %arg1, %mul3A_46 : i32
    %add3A_48 = arith.constant 128 : i32
    %add3A_49 = arith.addi %mul3A_47, %add3A_48 : i32
    %dma_start3A_50 = arith.constant 0 : i32
    %dma_start3A_51 = arith.constant 0 : i32
    %dma_start3A_52 = tpu.memref_slice %arg13[%dma_start3A_50, %dma_start3A_51] : memref<128x128xf32, #tpu.memory_space<vmem>> -> memref<128x128xf32, #tpu.memory_space<vmem>>
    %dma_start3A_53 = arith.constant 0 : i32
    %dma_start3A_54 = tpu.memref_slice %arg15[%add3A_49, %dma_start3A_53] : memref<10112x128xf32, #tpu.memory_space<vmem_shared>> -> memref<128x128xf32, #tpu.memory_space<vmem_shared>>
    %dma_start3A_55 = arith.constant 0 : i32
    %dma_start3A_56 = arith.constant 0 : i32
    %dma_start3A_57 = tpu.memref_slice %arg13[%dma_start3A_55, %dma_start3A_56] : memref<128x128xf32, #tpu.memory_space<vmem>> -> memref<128x128xf32, #tpu.memory_space<vmem>>
    %dma_start3A_58 = arith.constant 0 : i32
    %dma_start3A_59 = tpu.memref_slice %arg15[%add3A_49, %dma_start3A_58] : memref<10112x128xf32, #tpu.memory_space<vmem_shared>> -> memref<128x128xf32, #tpu.memory_space<vmem_shared>>
    tpu.enqueue_dma source(%dma_start3A_59 : memref<128x128xf32, #tpu.memory_space<vmem_shared>>) target(%dma_start3A_57 : memref<128x128xf32, #tpu.memory_space<vmem>>) target_semaphore(%arg19 : memref<!tpu.dma_semaphore, #tpu.memory_space<semaphore_mem>>)
    %dma_wait3A = arith.constant 0 : i32
    %dma_wait3A_60 = arith.constant 0 : i32
    %dma_wait3A_61 = tpu.memref_slice %arg12[%dma_wait3A, %dma_wait3A_60] : memref<128x128xf32, #tpu.memory_space<vmem>> -> memref<128x128xf32, #tpu.memory_space<vmem>>
    %dma_wait3A_62 = arith.constant 0 : i32
    %dma_wait3A_63 = tpu.memref_slice %arg15[%mul3A_36, %dma_wait3A_62] : memref<10112x128xf32, #tpu.memory_space<vmem_shared>> -> memref<128x128xf32, #tpu.memory_space<vmem_shared>>
    %dma_wait3A_64 = arith.constant 0 : i32
    %dma_wait3A_65 = arith.constant 0 : i32
    %dma_wait3A_66 = tpu.memref_slice %arg12[%dma_wait3A_64, %dma_wait3A_65] : memref<128x128xf32, #tpu.memory_space<vmem>> -> memref<128x128xf32, #tpu.memory_space<vmem>>
    %dma_wait3A_67 = arith.constant 0 : i32
    %dma_wait3A_68 = tpu.memref_slice %arg15[%mul3A_36, %dma_wait3A_67] : memref<10112x128xf32, #tpu.memory_space<vmem_shared>> -> memref<128x128xf32, #tpu.memory_space<vmem_shared>>
    tpu.wait_dma2 semaphore(%arg16 : memref<!tpu.dma_semaphore, #tpu.memory_space<semaphore_mem>>) src(%dma_wait3A_68 : memref<128x128xf32, #tpu.memory_space<vmem_shared>>) dst(%dma_wait3A_66 : memref<128x128xf32, #tpu.memory_space<vmem>>)
    %mul3A_69 = arith.constant 10112 : i32
    %mul3A_70 = arith.muli %arg0, %mul3A_69 : i32
    %mul3A_71 = arith.constant 632 : i32
    %mul3A_72 = arith.muli %arg1, %mul3A_71 : i32
    %add3A_73 = arith.addi %mul3A_70, %mul3A_72 : i32
    %add3A_74 = arith.constant 0 : i32
    %add3A_75 = arith.addi %add3A_73, %add3A_74 : i32
    "tpu.region"() ({
      %run_scoped3A = tpu.sem_alloc : memref<!tpu.dma_semaphore, #tpu.memory_space<semaphore_mem>>
      %dma_start3A_186 = arith.constant 0 : i32
      %dma_start3A_187 = arith.constant 0 : i32
      %dma_start3A_188 = tpu.memref_slice %arg12[%dma_start3A_186, %dma_start3A_187] : memref<128x128xf32, #tpu.memory_space<vmem>> -> memref<128x128xf32, #tpu.memory_space<vmem>>
      %dma_start3A_189 = arith.constant 0 : i32
      %dma_start3A_190 = tpu.memref_slice %arg5[%add3A_75, %dma_start3A_189] : memref<20224x128xf32, #tpu.memory_space<hbm>> -> memref<128x128xf32, #tpu.memory_space<hbm>>
      %dma_start3A_191 = arith.constant 0 : i32
      %dma_start3A_192 = tpu.memref_slice %arg5[%add3A_75, %dma_start3A_191] : memref<20224x128xf32, #tpu.memory_space<hbm>> -> memref<128x128xf32, #tpu.memory_space<hbm>>
      %dma_start3A_193 = arith.constant 0 : i32
      %dma_start3A_194 = arith.constant 0 : i32
      %dma_start3A_195 = tpu.memref_slice %arg12[%dma_start3A_193, %dma_start3A_194] : memref<128x128xf32, #tpu.memory_space<vmem>> -> memref<128x128xf32, #tpu.memory_space<vmem>>
      tpu.enqueue_dma source(%dma_start3A_195 : memref<128x128xf32, #tpu.memory_space<vmem>>) target(%dma_start3A_192 : memref<128x128xf32, #tpu.memory_space<hbm>>) target_semaphore(%run_scoped3A : memref<!tpu.dma_semaphore, #tpu.memory_space<semaphore_mem>>)
      %dma_wait3A_196 = arith.constant 0 : i32
      %dma_wait3A_197 = arith.constant 0 : i32
      %dma_wait3A_198 = tpu.memref_slice %arg12[%dma_wait3A_196, %dma_wait3A_197] : memref<128x128xf32, #tpu.memory_space<vmem>> -> memref<128x128xf32, #tpu.memory_space<vmem>>
      %dma_wait3A_199 = arith.constant 0 : i32
      %dma_wait3A_200 = tpu.memref_slice %arg5[%add3A_75, %dma_wait3A_199] : memref<20224x128xf32, #tpu.memory_space<hbm>> -> memref<128x128xf32, #tpu.memory_space<hbm>>
      %dma_wait3A_201 = arith.constant 0 : i32
      %dma_wait3A_202 = tpu.memref_slice %arg5[%add3A_75, %dma_wait3A_201] : memref<20224x128xf32, #tpu.memory_space<hbm>> -> memref<128x128xf32, #tpu.memory_space<hbm>>
      %dma_wait3A_203 = arith.constant 0 : i32
      %dma_wait3A_204 = arith.constant 0 : i32
      %dma_wait3A_205 = tpu.memref_slice %arg12[%dma_wait3A_203, %dma_wait3A_204] : memref<128x128xf32, #tpu.memory_space<vmem>> -> memref<128x128xf32, #tpu.memory_space<vmem>>
      tpu.wait_dma2 semaphore(%run_scoped3A : memref<!tpu.dma_semaphore, #tpu.memory_space<semaphore_mem>>) src(%dma_wait3A_205 : memref<128x128xf32, #tpu.memory_space<vmem>>) dst(%dma_wait3A_202 : memref<128x128xf32, #tpu.memory_space<hbm>>)
      tpu.yield
    }) : () -> ()
    %mul3A_76 = arith.constant 632 : i32
    %mul3A_77 = arith.muli %arg1, %mul3A_76 : i32
    %add3A_78 = arith.constant 256 : i32
    %add3A_79 = arith.addi %mul3A_77, %add3A_78 : i32
    %dma_start3A_80 = arith.constant 0 : i32
    %dma_start3A_81 = arith.constant 0 : i32
    %dma_start3A_82 = tpu.memref_slice %arg14[%dma_start3A_80, %dma_start3A_81] : memref<128x128xf32, #tpu.memory_space<vmem>> -> memref<128x128xf32, #tpu.memory_space<vmem>>
    %dma_start3A_83 = arith.constant 0 : i32
    %dma_start3A_84 = tpu.memref_slice %arg15[%add3A_79, %dma_start3A_83] : memref<10112x128xf32, #tpu.memory_space<vmem_shared>> -> memref<128x128xf32, #tpu.memory_space<vmem_shared>>
    %dma_start3A_85 = arith.constant 0 : i32
    %dma_start3A_86 = arith.constant 0 : i32
    %dma_start3A_87 = tpu.memref_slice %arg14[%dma_start3A_85, %dma_start3A_86] : memref<128x128xf32, #tpu.memory_space<vmem>> -> memref<128x128xf32, #tpu.memory_space<vmem>>
    %dma_start3A_88 = arith.constant 0 : i32
    %dma_start3A_89 = tpu.memref_slice %arg15[%add3A_79, %dma_start3A_88] : memref<10112x128xf32, #tpu.memory_space<vmem_shared>> -> memref<128x128xf32, #tpu.memory_space<vmem_shared>>
    tpu.enqueue_dma source(%dma_start3A_89 : memref<128x128xf32, #tpu.memory_space<vmem_shared>>) target(%dma_start3A_87 : memref<128x128xf32, #tpu.memory_space<vmem>>) target_semaphore(%arg22 : memref<!tpu.dma_semaphore, #tpu.memory_space<semaphore_mem>>)
    %dma_wait3A_90 = arith.constant 0 : i32
    %dma_wait3A_91 = arith.constant 0 : i32
    %dma_wait3A_92 = tpu.memref_slice %arg13[%dma_wait3A_90, %dma_wait3A_91] : memref<128x128xf32, #tpu.memory_space<vmem>> -> memref<128x128xf32, #tpu.memory_space<vmem>>
    %dma_wait3A_93 = arith.constant 0 : i32
    %dma_wait3A_94 = tpu.memref_slice %arg15[%add3A_49, %dma_wait3A_93] : memref<10112x128xf32, #tpu.memory_space<vmem_shared>> -> memref<128x128xf32, #tpu.memory_space<vmem_shared>>
    %dma_wait3A_95 = arith.constant 0 : i32
    %dma_wait3A_96 = arith.constant 0 : i32
    %dma_wait3A_97 = tpu.memref_slice %arg13[%dma_wait3A_95, %dma_wait3A_96] : memref<128x128xf32, #tpu.memory_space<vmem>> -> memref<128x128xf32, #tpu.memory_space<vmem>>
    %dma_wait3A_98 = arith.constant 0 : i32
    %dma_wait3A_99 = tpu.memref_slice %arg15[%add3A_49, %dma_wait3A_98] : memref<10112x128xf32, #tpu.memory_space<vmem_shared>> -> memref<128x128xf32, #tpu.memory_space<vmem_shared>>
    tpu.wait_dma2 semaphore(%arg19 : memref<!tpu.dma_semaphore, #tpu.memory_space<semaphore_mem>>) src(%dma_wait3A_99 : memref<128x128xf32, #tpu.memory_space<vmem_shared>>) dst(%dma_wait3A_97 : memref<128x128xf32, #tpu.memory_space<vmem>>)
    %mul3A_100 = arith.constant 10112 : i32
    %mul3A_101 = arith.muli %arg0, %mul3A_100 : i32
    %mul3A_102 = arith.constant 632 : i32
    %mul3A_103 = arith.muli %arg1, %mul3A_102 : i32
    %add3A_104 = arith.addi %mul3A_101, %mul3A_103 : i32
    %add3A_105 = arith.constant 128 : i32
    %add3A_106 = arith.addi %add3A_104, %add3A_105 : i32
    "tpu.region"() ({
      %run_scoped3A = tpu.sem_alloc : memref<!tpu.dma_semaphore, #tpu.memory_space<semaphore_mem>>
      %dma_start3A_186 = arith.constant 0 : i32
      %dma_start3A_187 = arith.constant 0 : i32
      %dma_start3A_188 = tpu.memref_slice %arg13[%dma_start3A_186, %dma_start3A_187] : memref<128x128xf32, #tpu.memory_space<vmem>> -> memref<128x128xf32, #tpu.memory_space<vmem>>
      %dma_start3A_189 = arith.constant 0 : i32
      %dma_start3A_190 = tpu.memref_slice %arg5[%add3A_106, %dma_start3A_189] : memref<20224x128xf32, #tpu.memory_space<hbm>> -> memref<128x128xf32, #tpu.memory_space<hbm>>
      %dma_start3A_191 = arith.constant 0 : i32
      %dma_start3A_192 = tpu.memref_slice %arg5[%add3A_106, %dma_start3A_191] : memref<20224x128xf32, #tpu.memory_space<hbm>> -> memref<128x128xf32, #tpu.memory_space<hbm>>
      %dma_start3A_193 = arith.constant 0 : i32
      %dma_start3A_194 = arith.constant 0 : i32
      %dma_start3A_195 = tpu.memref_slice %arg13[%dma_start3A_193, %dma_start3A_194] : memref<128x128xf32, #tpu.memory_space<vmem>> -> memref<128x128xf32, #tpu.memory_space<vmem>>
      tpu.enqueue_dma source(%dma_start3A_195 : memref<128x128xf32, #tpu.memory_space<vmem>>) target(%dma_start3A_192 : memref<128x128xf32, #tpu.memory_space<hbm>>) target_semaphore(%run_scoped3A : memref<!tpu.dma_semaphore, #tpu.memory_space<semaphore_mem>>)
      %dma_wait3A_196 = arith.constant 0 : i32
      %dma_wait3A_197 = arith.constant 0 : i32
      %dma_wait3A_198 = tpu.memref_slice %arg13[%dma_wait3A_196, %dma_wait3A_197] : memref<128x128xf32, #tpu.memory_space<vmem>> -> memref<128x128xf32, #tpu.memory_space<vmem>>
      %dma_wait3A_199 = arith.constant 0 : i32
      %dma_wait3A_200 = tpu.memref_slice %arg5[%add3A_106, %dma_wait3A_199] : memref<20224x128xf32, #tpu.memory_space<hbm>> -> memref<128x128xf32, #tpu.memory_space<hbm>>
      %dma_wait3A_201 = arith.constant 0 : i32
      %dma_wait3A_202 = tpu.memref_slice %arg5[%add3A_106, %dma_wait3A_201] : memref<20224x128xf32, #tpu.memory_space<hbm>> -> memref<128x128xf32, #tpu.memory_space<hbm>>
      %dma_wait3A_203 = arith.constant 0 : i32
      %dma_wait3A_204 = arith.constant 0 : i32
      %dma_wait3A_205 = tpu.memref_slice %arg13[%dma_wait3A_203, %dma_wait3A_204] : memref<128x128xf32, #tpu.memory_space<vmem>> -> memref<128x128xf32, #tpu.memory_space<vmem>>
      tpu.wait_dma2 semaphore(%run_scoped3A : memref<!tpu.dma_semaphore, #tpu.memory_space<semaphore_mem>>) src(%dma_wait3A_205 : memref<128x128xf32, #tpu.memory_space<vmem>>) dst(%dma_wait3A_202 : memref<128x128xf32, #tpu.memory_space<hbm>>)
      tpu.yield
    }) : () -> ()
    %mul3A_107 = arith.constant 632 : i32
    %mul3A_108 = arith.muli %arg1, %mul3A_107 : i32
    %add3A_109 = arith.constant 384 : i32
    %add3A_110 = arith.addi %mul3A_108, %add3A_109 : i32
    %dma_start3A_111 = arith.constant 0 : i32
    %dma_start3A_112 = arith.constant 0 : i32
    %dma_start3A_113 = tpu.memref_slice %arg12[%dma_start3A_111, %dma_start3A_112] : memref<128x128xf32, #tpu.memory_space<vmem>> -> memref<128x128xf32, #tpu.memory_space<vmem>>
    %dma_start3A_114 = arith.constant 0 : i32
    %dma_start3A_115 = tpu.memref_slice %arg15[%add3A_110, %dma_start3A_114] : memref<10112x128xf32, #tpu.memory_space<vmem_shared>> -> memref<128x128xf32, #tpu.memory_space<vmem_shared>>
    %dma_start3A_116 = arith.constant 0 : i32
    %dma_start3A_117 = arith.constant 0 : i32
    %dma_start3A_118 = tpu.memref_slice %arg12[%dma_start3A_116, %dma_start3A_117] : memref<128x128xf32, #tpu.memory_space<vmem>> -> memref<128x128xf32, #tpu.memory_space<vmem>>
    %dma_start3A_119 = arith.constant 0 : i32
    %dma_start3A_120 = tpu.memref_slice %arg15[%add3A_110, %dma_start3A_119] : memref<10112x128xf32, #tpu.memory_space<vmem_shared>> -> memref<128x128xf32, #tpu.memory_space<vmem_shared>>
    tpu.enqueue_dma source(%dma_start3A_120 : memref<128x128xf32, #tpu.memory_space<vmem_shared>>) target(%dma_start3A_118 : memref<128x128xf32, #tpu.memory_space<vmem>>) target_semaphore(%arg16 : memref<!tpu.dma_semaphore, #tpu.memory_space<semaphore_mem>>)
    %dma_wait3A_121 = arith.constant 0 : i32
    %dma_wait3A_122 = arith.constant 0 : i32
    %dma_wait3A_123 = tpu.memref_slice %arg14[%dma_wait3A_121, %dma_wait3A_122] : memref<128x128xf32, #tpu.memory_space<vmem>> -> memref<128x128xf32, #tpu.memory_space<vmem>>
    %dma_wait3A_124 = arith.constant 0 : i32
    %dma_wait3A_125 = tpu.memref_slice %arg15[%add3A_79, %dma_wait3A_124] : memref<10112x128xf32, #tpu.memory_space<vmem_shared>> -> memref<128x128xf32, #tpu.memory_space<vmem_shared>>
    %dma_wait3A_126 = arith.constant 0 : i32
    %dma_wait3A_127 = arith.constant 0 : i32
    %dma_wait3A_128 = tpu.memref_slice %arg14[%dma_wait3A_126, %dma_wait3A_127] : memref<128x128xf32, #tpu.memory_space<vmem>> -> memref<128x128xf32, #tpu.memory_space<vmem>>
    %dma_wait3A_129 = arith.constant 0 : i32
    %dma_wait3A_130 = tpu.memref_slice %arg15[%add3A_79, %dma_wait3A_129] : memref<10112x128xf32, #tpu.memory_space<vmem_shared>> -> memref<128x128xf32, #tpu.memory_space<vmem_shared>>
    tpu.wait_dma2 semaphore(%arg22 : memref<!tpu.dma_semaphore, #tpu.memory_space<semaphore_mem>>) src(%dma_wait3A_130 : memref<128x128xf32, #tpu.memory_space<vmem_shared>>) dst(%dma_wait3A_128 : memref<128x128xf32, #tpu.memory_space<vmem>>)
    %mul3A_131 = arith.constant 10112 : i32
    %mul3A_132 = arith.muli %arg0, %mul3A_131 : i32
    %mul3A_133 = arith.constant 632 : i32
    %mul3A_134 = arith.muli %arg1, %mul3A_133 : i32
    %add3A_135 = arith.addi %mul3A_132, %mul3A_134 : i32
    %add3A_136 = arith.constant 256 : i32
    %add3A_137 = arith.addi %add3A_135, %add3A_136 : i32
    "tpu.region"() ({
      %run_scoped3A = tpu.sem_alloc : memref<!tpu.dma_semaphore, #tpu.memory_space<semaphore_mem>>
      %dma_start3A_186 = arith.constant 0 : i32
      %dma_start3A_187 = arith.constant 0 : i32
      %dma_start3A_188 = tpu.memref_slice %arg14[%dma_start3A_186, %dma_start3A_187] : memref<128x128xf32, #tpu.memory_space<vmem>> -> memref<128x128xf32, #tpu.memory_space<vmem>>
      %dma_start3A_189 = arith.constant 0 : i32
      %dma_start3A_190 = tpu.memref_slice %arg5[%add3A_137, %dma_start3A_189] : memref<20224x128xf32, #tpu.memory_space<hbm>> -> memref<128x128xf32, #tpu.memory_space<hbm>>
      %dma_start3A_191 = arith.constant 0 : i32
      %dma_start3A_192 = tpu.memref_slice %arg5[%add3A_137, %dma_start3A_191] : memref<20224x128xf32, #tpu.memory_space<hbm>> -> memref<128x128xf32, #tpu.memory_space<hbm>>
      %dma_start3A_193 = arith.constant 0 : i32
      %dma_start3A_194 = arith.constant 0 : i32
      %dma_start3A_195 = tpu.memref_slice %arg14[%dma_start3A_193, %dma_start3A_194] : memref<128x128xf32, #tpu.memory_space<vmem>> -> memref<128x128xf32, #tpu.memory_space<vmem>>
      tpu.enqueue_dma source(%dma_start3A_195 : memref<128x128xf32, #tpu.memory_space<vmem>>) target(%dma_start3A_192 : memref<128x128xf32, #tpu.memory_space<hbm>>) target_semaphore(%run_scoped3A : memref<!tpu.dma_semaphore, #tpu.memory_space<semaphore_mem>>)
      %dma_wait3A_196 = arith.constant 0 : i32
      %dma_wait3A_197 = arith.constant 0 : i32
      %dma_wait3A_198 = tpu.memref_slice %arg14[%dma_wait3A_196, %dma_wait3A_197] : memref<128x128xf32, #tpu.memory_space<vmem>> -> memref<128x128xf32, #tpu.memory_space<vmem>>
      %dma_wait3A_199 = arith.constant 0 : i32
      %dma_wait3A_200 = tpu.memref_slice %arg5[%add3A_137, %dma_wait3A_199] : memref<20224x128xf32, #tpu.memory_space<hbm>> -> memref<128x128xf32, #tpu.memory_space<hbm>>
      %dma_wait3A_201 = arith.constant 0 : i32
      %dma_wait3A_202 = tpu.memref_slice %arg5[%add3A_137, %dma_wait3A_201] : memref<20224x128xf32, #tpu.memory_space<hbm>> -> memref<128x128xf32, #tpu.memory_space<hbm>>
      %dma_wait3A_203 = arith.constant 0 : i32
      %dma_wait3A_204 = arith.constant 0 : i32
      %dma_wait3A_205 = tpu.memref_slice %arg14[%dma_wait3A_203, %dma_wait3A_204] : memref<128x128xf32, #tpu.memory_space<vmem>> -> memref<128x128xf32, #tpu.memory_space<vmem>>
      tpu.wait_dma2 semaphore(%run_scoped3A : memref<!tpu.dma_semaphore, #tpu.memory_space<semaphore_mem>>) src(%dma_wait3A_205 : memref<128x128xf32, #tpu.memory_space<vmem>>) dst(%dma_wait3A_202 : memref<128x128xf32, #tpu.memory_space<hbm>>)
      tpu.yield
    }) : () -> ()
    %mul3A_138 = arith.constant 632 : i32
    %mul3A_139 = arith.muli %arg1, %mul3A_138 : i32
    %add3A_140 = arith.constant 512 : i32
    %add3A_141 = arith.addi %mul3A_139, %add3A_140 : i32
    %dma_start3A_142 = arith.constant 0 : i32
    %dma_start3A_143 = arith.constant 0 : i32
    %dma_start3A_144 = tpu.memref_slice %arg13[%dma_start3A_142, %dma_start3A_143] : memref<128x128xf32, #tpu.memory_space<vmem>> -> memref<120x128xf32, #tpu.memory_space<vmem>>
    %dma_start3A_145 = arith.constant 0 : i32
    %dma_start3A_146 = tpu.memref_slice %arg15[%add3A_141, %dma_start3A_145] : memref<10112x128xf32, #tpu.memory_space<vmem_shared>> -> memref<120x128xf32, #tpu.memory_space<vmem_shared>>
    %dma_start3A_147 = arith.constant 0 : i32
    %dma_start3A_148 = arith.constant 0 : i32
    %dma_start3A_149 = tpu.memref_slice %arg13[%dma_start3A_147, %dma_start3A_148] : memref<128x128xf32, #tpu.memory_space<vmem>> -> memref<120x128xf32, #tpu.memory_space<vmem>>
    %dma_start3A_150 = arith.constant 0 : i32
    %dma_start3A_151 = tpu.memref_slice %arg15[%add3A_141, %dma_start3A_150] : memref<10112x128xf32, #tpu.memory_space<vmem_shared>> -> memref<120x128xf32, #tpu.memory_space<vmem_shared>>
    tpu.enqueue_dma source(%dma_start3A_151 : memref<120x128xf32, #tpu.memory_space<vmem_shared>>) target(%dma_start3A_149 : memref<120x128xf32, #tpu.memory_space<vmem>>) target_semaphore(%arg19 : memref<!tpu.dma_semaphore, #tpu.memory_space<semaphore_mem>>)
    %dma_wait3A_152 = arith.constant 0 : i32
    %dma_wait3A_153 = arith.constant 0 : i32
    %dma_wait3A_154 = tpu.memref_slice %arg12[%dma_wait3A_152, %dma_wait3A_153] : memref<128x128xf32, #tpu.memory_space<vmem>> -> memref<128x128xf32, #tpu.memory_space<vmem>>
    %dma_wait3A_155 = arith.constant 0 : i32
    %dma_wait3A_156 = tpu.memref_slice %arg15[%add3A_110, %dma_wait3A_155] : memref<10112x128xf32, #tpu.memory_space<vmem_shared>> -> memref<128x128xf32, #tpu.memory_space<vmem_shared>>
    %dma_wait3A_157 = arith.constant 0 : i32
    %dma_wait3A_158 = arith.constant 0 : i32
    %dma_wait3A_159 = tpu.memref_slice %arg12[%dma_wait3A_157, %dma_wait3A_158] : memref<128x128xf32, #tpu.memory_space<vmem>> -> memref<128x128xf32, #tpu.memory_space<vmem>>
    %dma_wait3A_160 = arith.constant 0 : i32
    %dma_wait3A_161 = tpu.memref_slice %arg15[%add3A_110, %dma_wait3A_160] : memref<10112x128xf32, #tpu.memory_space<vmem_shared>> -> memref<128x128xf32, #tpu.memory_space<vmem_shared>>
    tpu.wait_dma2 semaphore(%arg16 : memref<!tpu.dma_semaphore, #tpu.memory_space<semaphore_mem>>) src(%dma_wait3A_161 : memref<128x128xf32, #tpu.memory_space<vmem_shared>>) dst(%dma_wait3A_159 : memref<128x128xf32, #tpu.memory_space<vmem>>)
    %mul3A_162 = arith.constant 10112 : i32
    %mul3A_163 = arith.muli %arg0, %mul3A_162 : i32
    %mul3A_164 = arith.constant 632 : i32
    %mul3A_165 = arith.muli %arg1, %mul3A_164 : i32
    %add3A_166 = arith.addi %mul3A_163, %mul3A_165 : i32
    %add3A_167 = arith.constant 384 : i32
    %add3A_168 = arith.addi %add3A_166, %add3A_167 : i32
    "tpu.region"() ({
      %run_scoped3A = tpu.sem_alloc : memref<!tpu.dma_semaphore, #tpu.memory_space<semaphore_mem>>
      %dma_start3A_186 = arith.constant 0 : i32
      %dma_start3A_187 = arith.constant 0 : i32
      %dma_start3A_188 = tpu.memref_slice %arg12[%dma_start3A_186, %dma_start3A_187] : memref<128x128xf32, #tpu.memory_space<vmem>> -> memref<128x128xf32, #tpu.memory_space<vmem>>
      %dma_start3A_189 = arith.constant 0 : i32
      %dma_start3A_190 = tpu.memref_slice %arg5[%add3A_168, %dma_start3A_189] : memref<20224x128xf32, #tpu.memory_space<hbm>> -> memref<128x128xf32, #tpu.memory_space<hbm>>
      %dma_start3A_191 = arith.constant 0 : i32
      %dma_start3A_192 = tpu.memref_slice %arg5[%add3A_168, %dma_start3A_191] : memref<20224x128xf32, #tpu.memory_space<hbm>> -> memref<128x128xf32, #tpu.memory_space<hbm>>
      %dma_start3A_193 = arith.constant 0 : i32
      %dma_start3A_194 = arith.constant 0 : i32
      %dma_start3A_195 = tpu.memref_slice %arg12[%dma_start3A_193, %dma_start3A_194] : memref<128x128xf32, #tpu.memory_space<vmem>> -> memref<128x128xf32, #tpu.memory_space<vmem>>
      tpu.enqueue_dma source(%dma_start3A_195 : memref<128x128xf32, #tpu.memory_space<vmem>>) target(%dma_start3A_192 : memref<128x128xf32, #tpu.memory_space<hbm>>) target_semaphore(%run_scoped3A : memref<!tpu.dma_semaphore, #tpu.memory_space<semaphore_mem>>)
      %dma_wait3A_196 = arith.constant 0 : i32
      %dma_wait3A_197 = arith.constant 0 : i32
      %dma_wait3A_198 = tpu.memref_slice %arg12[%dma_wait3A_196, %dma_wait3A_197] : memref<128x128xf32, #tpu.memory_space<vmem>> -> memref<128x128xf32, #tpu.memory_space<vmem>>
      %dma_wait3A_199 = arith.constant 0 : i32
      %dma_wait3A_200 = tpu.memref_slice %arg5[%add3A_168, %dma_wait3A_199] : memref<20224x128xf32, #tpu.memory_space<hbm>> -> memref<128x128xf32, #tpu.memory_space<hbm>>
      %dma_wait3A_201 = arith.constant 0 : i32
      %dma_wait3A_202 = tpu.memref_slice %arg5[%add3A_168, %dma_wait3A_201] : memref<20224x128xf32, #tpu.memory_space<hbm>> -> memref<128x128xf32, #tpu.memory_space<hbm>>
      %dma_wait3A_203 = arith.constant 0 : i32
      %dma_wait3A_204 = arith.constant 0 : i32
      %dma_wait3A_205 = tpu.memref_slice %arg12[%dma_wait3A_203, %dma_wait3A_204] : memref<128x128xf32, #tpu.memory_space<vmem>> -> memref<128x128xf32, #tpu.memory_space<vmem>>
      tpu.wait_dma2 semaphore(%run_scoped3A : memref<!tpu.dma_semaphore, #tpu.memory_space<semaphore_mem>>) src(%dma_wait3A_205 : memref<128x128xf32, #tpu.memory_space<vmem>>) dst(%dma_wait3A_202 : memref<128x128xf32, #tpu.memory_space<hbm>>)
      tpu.yield
    }) : () -> ()
    %dma_wait3A_169 = arith.constant 0 : i32
    %dma_wait3A_170 = arith.constant 0 : i32
    %dma_wait3A_171 = tpu.memref_slice %arg13[%dma_wait3A_169, %dma_wait3A_170] : memref<128x128xf32, #tpu.memory_space<vmem>> -> memref<120x128xf32, #tpu.memory_space<vmem>>
    %dma_wait3A_172 = arith.constant 0 : i32
    %dma_wait3A_173 = tpu.memref_slice %arg15[%add3A_141, %dma_wait3A_172] : memref<10112x128xf32, #tpu.memory_space<vmem_shared>> -> memref<120x128xf32, #tpu.memory_space<vmem_shared>>
    %dma_wait3A_174 = arith.constant 0 : i32
    %dma_wait3A_175 = arith.constant 0 : i32
    %dma_wait3A_176 = tpu.memref_slice %arg13[%dma_wait3A_174, %dma_wait3A_175] : memref<128x128xf32, #tpu.memory_space<vmem>> -> memref<120x128xf32, #tpu.memory_space<vmem>>
    %dma_wait3A_177 = arith.constant 0 : i32
    %dma_wait3A_178 = tpu.memref_slice %arg15[%add3A_141, %dma_wait3A_177] : memref<10112x128xf32, #tpu.memory_space<vmem_shared>> -> memref<120x128xf32, #tpu.memory_space<vmem_shared>>
    tpu.wait_dma2 semaphore(%arg19 : memref<!tpu.dma_semaphore, #tpu.memory_space<semaphore_mem>>) src(%dma_wait3A_178 : memref<120x128xf32, #tpu.memory_space<vmem_shared>>) dst(%dma_wait3A_176 : memref<120x128xf32, #tpu.memory_space<vmem>>)
    %mul3A_179 = arith.constant 10112 : i32
    %mul3A_180 = arith.muli %arg0, %mul3A_179 : i32
    %mul3A_181 = arith.constant 632 : i32
    %mul3A_182 = arith.muli %arg1, %mul3A_181 : i32
    %add3A_183 = arith.addi %mul3A_180, %mul3A_182 : i32
    %add3A_184 = arith.constant 512 : i32
    %add3A_185 = arith.addi %add3A_183, %add3A_184 : i32
    "tpu.region"() ({
      %run_scoped3A = tpu.sem_alloc : memref<!tpu.dma_semaphore, #tpu.memory_space<semaphore_mem>>
      %dma_start3A_186 = arith.constant 0 : i32
      %dma_start3A_187 = arith.constant 0 : i32
      %dma_start3A_188 = tpu.memref_slice %arg13[%dma_start3A_186, %dma_start3A_187] : memref<128x128xf32, #tpu.memory_space<vmem>> -> memref<120x128xf32, #tpu.memory_space<vmem>>
      %dma_start3A_189 = arith.constant 0 : i32
      %dma_start3A_190 = tpu.memref_slice %arg5[%add3A_185, %dma_start3A_189] : memref<20224x128xf32, #tpu.memory_space<hbm>> -> memref<120x128xf32, #tpu.memory_space<hbm>>
      %dma_start3A_191 = arith.constant 0 : i32
      %dma_start3A_192 = tpu.memref_slice %arg5[%add3A_185, %dma_start3A_191] : memref<20224x128xf32, #tpu.memory_space<hbm>> -> memref<120x128xf32, #tpu.memory_space<hbm>>
      %dma_start3A_193 = arith.constant 0 : i32
      %dma_start3A_194 = arith.constant 0 : i32
      %dma_start3A_195 = tpu.memref_slice %arg13[%dma_start3A_193, %dma_start3A_194] : memref<128x128xf32, #tpu.memory_space<vmem>> -> memref<120x128xf32, #tpu.memory_space<vmem>>
      tpu.enqueue_dma source(%dma_start3A_195 : memref<120x128xf32, #tpu.memory_space<vmem>>) target(%dma_start3A_192 : memref<120x128xf32, #tpu.memory_space<hbm>>) target_semaphore(%run_scoped3A : memref<!tpu.dma_semaphore, #tpu.memory_space<semaphore_mem>>)
      %dma_wait3A_196 = arith.constant 0 : i32
      %dma_wait3A_197 = arith.constant 0 : i32
      %dma_wait3A_198 = tpu.memref_slice %arg13[%dma_wait3A_196, %dma_wait3A_197] : memref<128x128xf32, #tpu.memory_space<vmem>> -> memref<120x128xf32, #tpu.memory_space<vmem>>
      %dma_wait3A_199 = arith.constant 0 : i32
      %dma_wait3A_200 = tpu.memref_slice %arg5[%add3A_185, %dma_wait3A_199] : memref<20224x128xf32, #tpu.memory_space<hbm>> -> memref<120x128xf32, #tpu.memory_space<hbm>>
      %dma_wait3A_201 = arith.constant 0 : i32
      %dma_wait3A_202 = tpu.memref_slice %arg5[%add3A_185, %dma_wait3A_201] : memref<20224x128xf32, #tpu.memory_space<hbm>> -> memref<120x128xf32, #tpu.memory_space<hbm>>
      %dma_wait3A_203 = arith.constant 0 : i32
      %dma_wait3A_204 = arith.constant 0 : i32
      %dma_wait3A_205 = tpu.memref_slice %arg13[%dma_wait3A_203, %dma_wait3A_204] : memref<128x128xf32, #tpu.memory_space<vmem>> -> memref<120x128xf32, #tpu.memory_space<vmem>>
      tpu.wait_dma2 semaphore(%run_scoped3A : memref<!tpu.dma_semaphore, #tpu.memory_space<semaphore_mem>>) src(%dma_wait3A_205 : memref<120x128xf32, #tpu.memory_space<vmem>>) dst(%dma_wait3A_202 : memref<120x128xf32, #tpu.memory_space<hbm>>)
      tpu.yield
    }) : () -> ()
    return
  }
}

module attributes {stable_mosaic.version = 14 : i64} {
  func.func @_mm_body(%arg0: i32, %arg1: memref<1000x128xf32, #tpu.memory_space<vmem>>, %arg2: memref<128x128xf32, #tpu.memory_space<vmem>>, %arg3: memref<1000x128xf32, #tpu.memory_space<vmem>>) attributes {dimension_semantics = [#tpu.dimension_semantics<arbitrary>], iteration_bounds = array<i64: 10>, scalar_prefetch = 0 : i64, scratch_operands = 0 : i64, tpu.core_type = #tpu.core_type<tc>, window_params = [{transform_indices = @transform_0, window_bounds = array<i64: 1000, 128>}, {pipeline_mode = #tpu.pipeline_mode<synchronous>, transform_indices = @transform_1, window_bounds = array<i64: 128, 128>}, {transform_indices = @transform_2, window_bounds = array<i64: 1000, 128>}]} {
    %get3A = arith.constant 0 : index
    %get3A_0 = arith.constant 0 : index
    %get3A_1 = vector.load %arg1[%get3A, %get3A_0] : memref<1000x128xf32, #tpu.memory_space<vmem>>, vector<1000x128xf32>
    %get3A_2 = arith.constant 0 : index
    %get3A_3 = arith.constant 0 : index
    %get3A_4 = vector.load %arg2[%get3A_2, %get3A_3] : memref<128x128xf32, #tpu.memory_space<vmem>>, vector<128x128xf32>
    %dot_general3A = arith.constant dense<0.000000e+00> : vector<1000x128xf32>
    %dot_general3A_5 = tpu.matmul %get3A_1, %get3A_4, %dot_general3A {dimension_numbers = #tpu.dot_dimension_numbers<[1], [0], [0], [1], [0, 0, 1, 1], [], []>, precision = #tpu.contract_precision<fp32>, transpose_lhs_hint = false} : vector<1000x128xf32>, vector<128x128xf32>, vector<1000x128xf32> -> vector<1000x128xf32>
    %swap3A = arith.constant 0 : index
    %swap3A_6 = arith.constant 0 : index
    %swap3A_7 = vector.load %arg3[%swap3A, %swap3A_6] : memref<1000x128xf32, #tpu.memory_space<vmem>>, vector<1000x128xf32>
    tpu.vector_store %arg3[%swap3A, %swap3A_6], %dot_general3A_5 {strides = array<i32>} : memref<1000x128xf32, #tpu.memory_space<vmem>>, vector<1000x128xf32>,
    return
  }
  func.func @transform_0(%arg0: i32) -> (i32, i32) {
    %c0_i32 = arith.constant 0 : i32
    %c0_i32_0 = arith.constant 0 : i32
    return %arg0, %c0_i32 : i32, i32
  }
  func.func @transform_1(%arg0: i32) -> (i32, i32) {
    %c0_i32 = arith.constant 0 : i32
    %c0_i32_0 = arith.constant 0 : i32
    %c0_i32_1 = arith.constant 0 : i32
    return %c0_i32, %c0_i32_0 : i32, i32
  }
  func.func @transform_2(%arg0: i32) -> (i32, i32) {
    %c0_i32 = arith.constant 0 : i32
    %c0_i32_0 = arith.constant 0 : i32
    return %arg0, %c0_i32 : i32, i32
  }
}

module attributes {stable_mosaic.version = 14 : i64} {
  func.func @_scale_body(%arg0: i32, %arg1: memref<1000x128xf32, #tpu.memory_space<vmem>>, %arg2: memref<1000x2xf32, #tpu.memory_space<vmem>>, %arg3: memref<1000x128xf32, #tpu.memory_space<vmem>>) attributes {dimension_semantics = [#tpu.dimension_semantics<arbitrary>], iteration_bounds = array<i64: 10>, scalar_prefetch = 0 : i64, scratch_operands = 0 : i64, tpu.core_type = #tpu.core_type<tc>, window_params = [{transform_indices = @transform_0, window_bounds = array<i64: 1000, 128>}, {transform_indices = @transform_1, window_bounds = array<i64: 1000, 2>}, {transform_indices = @transform_2, window_bounds = array<i64: 1000, 128>}]} {
    %get3A = arith.constant 0 : index
    %get3A_0 = arith.constant 0 : index
    %get3A_1 = vector.load %arg1[%get3A, %get3A_0] : memref<1000x128xf32, #tpu.memory_space<vmem>>, vector<1000x128xf32>
    %get3A_2 = arith.constant 0 : index
    %get3A_3 = arith.constant 0 : index
    %get3A_4 = vector.load %arg2[%get3A_2, %get3A_3] : memref<1000x2xf32, #tpu.memory_space<vmem>>, vector<1000x2xf32>
    %reduce_sum3A = arith.constant dense<0.000000e+00> : vector<1000xf32>
    %reduce_sum3A_5 = vector.multi_reduction <add>, %get3A_4, %reduce_sum3A [1] : vector<1000x2xf32> to vector<1000xf32>
    %broadcast_in_dim3A = vector.shape_cast %reduce_sum3A_5 : vector<1000xf32> to vector<1000x1xf32>
    %add3A = arith.constant 1.000000e+00 : f32
    %add3A_6 = vector.broadcast %add3A : f32 to vector<1000x1xf32>
    %add3A_7 = arith.addf %broadcast_in_dim3A, %add3A_6 : vector<1000x1xf32>
    %rsqrt3A = math.rsqrt %add3A_7 : vector<1000x1xf32>
    %mul3A = vector.broadcast %rsqrt3A : vector<1000x1xf32> to vector<1000x128xf32>
    %mul3A_8 = arith.mulf %get3A_1, %mul3A : vector<1000x128xf32>
    %swap3A = arith.constant 0 : index
    %swap3A_9 = arith.constant 0 : index
    %swap3A_10 = vector.load %arg3[%swap3A, %swap3A_9] : memref<1000x128xf32, #tpu.memory_space<vmem>>, vector<1000x128xf32>
    tpu.vector_store %arg3[%swap3A, %swap3A_9], %mul3A_8 {strides = array<i32>} : memref<1000x128xf32, #tpu.memory_space<vmem>>, vector<1000x128xf32>,
    return
  }
  func.func @transform_0(%arg0: i32) -> (i32, i32) {
    %c0_i32 = arith.constant 0 : i32
    %c0_i32_0 = arith.constant 0 : i32
    return %arg0, %c0_i32 : i32, i32
  }
  func.func @transform_1(%arg0: i32) -> (i32, i32) {
    %c0_i32 = arith.constant 0 : i32
    %c0_i32_0 = arith.constant 0 : i32
    return %arg0, %c0_i32 : i32, i32
  }
  func.func @transform_2(%arg0: i32) -> (i32, i32) {
    %c0_i32 = arith.constant 0 : i32
    %c0_i32_0 = arith.constant 0 : i32
    return %arg0, %c0_i32 : i32, i32
  }
}

module attributes {stable_mosaic.version = 14 : i64} {
  func.func @_tc2_body(%arg0: i32, %arg1: memref<2x1000x128xf32, #tpu.memory_space<vmem>>, %arg2: memref<1000x128xf32, #tpu.memory_space<vmem>>, %arg3: memref<1000x2xf32, #tpu.memory_space<vmem>>, %arg4: memref<1x128xf32, #tpu.memory_space<vmem>>, %arg5: memref<128x128xf32, #tpu.memory_space<vmem>>, %arg6: memref<1000x128xf32, #tpu.memory_space<vmem>>) attributes {dimension_semantics = [#tpu.dimension_semantics<arbitrary>], iteration_bounds = array<i64: 10>, scalar_prefetch = 0 : i64, scratch_operands = 0 : i64, tpu.core_type = #tpu.core_type<tc>, window_params = [{transform_indices = @transform_0, window_bounds = array<i64: 2, 1000, 128>}, {transform_indices = @transform_1, window_bounds = array<i64: 1000, 128>}, {transform_indices = @transform_2, window_bounds = array<i64: 1000, 2>}, {pipeline_mode = #tpu.pipeline_mode<synchronous>, transform_indices = @transform_3, window_bounds = array<i64: 1, 128>}, {pipeline_mode = #tpu.pipeline_mode<synchronous>, transform_indices = @transform_4, window_bounds = array<i64: 128, 128>}, {transform_indices = @transform_5, window_bounds = array<i64: 1000, 128>}]} {
    %get3A = arith.constant 0 : index
    %get3A_0 = arith.constant 0 : index
    %get3A_1 = vector.load %arg3[%get3A, %get3A_0] : memref<1000x2xf32, #tpu.memory_space<vmem>>, vector<1000x2xf32>
    %reduce_sum3A = arith.constant dense<0.000000e+00> : vector<1000xf32>
    %reduce_sum3A_2 = vector.multi_reduction <add>, %get3A_1, %reduce_sum3A [1] : vector<1000x2xf32> to vector<1000xf32>
    %broadcast_in_dim3A = vector.shape_cast %reduce_sum3A_2 : vector<1000xf32> to vector<1000x1xf32>
    %add3A = arith.constant 1.000000e+00 : f32
    %add3A_3 = vector.broadcast %add3A : f32 to vector<1000x1xf32>
    %add3A_4 = arith.addf %broadcast_in_dim3A, %add3A_3 : vector<1000x1xf32>
    %rsqrt3A = math.rsqrt %add3A_4 : vector<1000x1xf32>
    %get3A_5 = arith.constant 0 : index
    %get3A_6 = arith.constant 0 : index
    %get3A_7 = arith.constant 0 : index
    %get3A_8 = vector.load %arg1[%get3A_5, %get3A_6, %get3A_7] : memref<2x1000x128xf32, #tpu.memory_space<vmem>>, vector<1x1000x128xf32>
    %get3A_9 = vector.shape_cast %get3A_8 : vector<1x1000x128xf32> to vector<1000x128xf32>
    %get3A_10 = arith.constant 1 : index
    %get3A_11 = arith.constant 0 : index
    %get3A_12 = arith.constant 0 : index
    %get3A_13 = vector.load %arg1[%get3A_10, %get3A_11, %get3A_12] : memref<2x1000x128xf32, #tpu.memory_space<vmem>>, vector<1x1000x128xf32>
    %get3A_14 = vector.shape_cast %get3A_13 : vector<1x1000x128xf32> to vector<1000x128xf32>
    %add3A_15 = arith.addf %get3A_9, %get3A_14 : vector<1000x128xf32>
    %get3A_16 = arith.constant 0 : index
    %get3A_17 = arith.constant 0 : index
    %get3A_18 = vector.load %arg2[%get3A_16, %get3A_17] : memref<1000x128xf32, #tpu.memory_space<vmem>>, vector<1000x128xf32>
    %add3A_19 = arith.addf %add3A_15, %get3A_18 : vector<1000x128xf32>
    %mul3A = vector.broadcast %rsqrt3A : vector<1000x1xf32> to vector<1000x128xf32>
    %mul3A_20 = arith.mulf %add3A_19, %mul3A : vector<1000x128xf32>
    %get3A_21 = arith.constant 0 : index
    %get3A_22 = arith.constant 0 : index
    %get3A_23 = vector.load %arg4[%get3A_21, %get3A_22] : memref<1x128xf32, #tpu.memory_space<vmem>>, vector<1x128xf32>
    %add3A_24 = vector.broadcast %get3A_23 : vector<1x128xf32> to vector<1000x128xf32>
    %add3A_25 = arith.addf %mul3A_20, %add3A_24 : vector<1000x128xf32>
    %max3A = arith.constant 0.000000e+00 : f32
    %max3A_26 = vector.broadcast %max3A : f32 to vector<1000x128xf32>
    %max3A_27 = arith.maximumf %add3A_25, %max3A_26 : vector<1000x128xf32>
    %get3A_28 = arith.constant 0 : index
    %get3A_29 = arith.constant 0 : index
    %get3A_30 = vector.load %arg5[%get3A_28, %get3A_29] : memref<128x128xf32, #tpu.memory_space<vmem>>, vector<128x128xf32>
    %dot_general3A = arith.constant dense<0.000000e+00> : vector<1000x128xf32>
    %dot_general3A_31 = tpu.matmul %max3A_27, %get3A_30, %dot_general3A {dimension_numbers = #tpu.dot_dimension_numbers<[1], [0], [0], [1], [0, 0, 1, 1], [], []>, precision = #tpu.contract_precision<fp32>, transpose_lhs_hint = false} : vector<1000x128xf32>, vector<128x128xf32>, vector<1000x128xf32> -> vector<1000x128xf32>
    %mul3A_32 = vector.broadcast %rsqrt3A : vector<1000x1xf32> to vector<1000x128xf32>
    %mul3A_33 = arith.mulf %dot_general3A_31, %mul3A_32 : vector<1000x128xf32>
    %swap3A = arith.constant 0 : index
    %swap3A_34 = arith.constant 0 : index
    %swap3A_35 = vector.load %arg6[%swap3A, %swap3A_34] : memref<1000x128xf32, #tpu.memory_space<vmem>>, vector<1000x128xf32>
    tpu.vector_store %arg6[%swap3A, %swap3A_34], %mul3A_33 {strides = array<i32>} : memref<1000x128xf32, #tpu.memory_space<vmem>>, vector<1000x128xf32>,
    return
  }
  func.func @transform_0(%arg0: i32) -> (i32, i32, i32) {
    %c0_i32 = arith.constant 0 : i32
    %c0_i32_0 = arith.constant 0 : i32
    %c0_i32_1 = arith.constant 0 : i32
    return %c0_i32, %arg0, %c0_i32_0 : i32, i32, i32
  }
  func.func @transform_1(%arg0: i32) -> (i32, i32) {
    %c0_i32 = arith.constant 0 : i32
    %c0_i32_0 = arith.constant 0 : i32
    return %arg0, %c0_i32 : i32, i32
  }
  func.func @transform_2(%arg0: i32) -> (i32, i32) {
    %c0_i32 = arith.constant 0 : i32
    %c0_i32_0 = arith.constant 0 : i32
    return %arg0, %c0_i32 : i32, i32
  }
  func.func @transform_3(%arg0: i32) -> (i32, i32) {
    %c0_i32 = arith.constant 0 : i32
    %c0_i32_0 = arith.constant 0 : i32
    %c0_i32_1 = arith.constant 0 : i32
    return %c0_i32, %c0_i32_0 : i32, i32
  }
  func.func @transform_4(%arg0: i32) -> (i32, i32) {
    %c0_i32 = arith.constant 0 : i32
    %c0_i32_0 = arith.constant 0 : i32
    %c0_i32_1 = arith.constant 0 : i32
    return %c0_i32, %c0_i32_0 : i32, i32
  }
  func.func @transform_5(%arg0: i32) -> (i32, i32) {
    %c0_i32 = arith.constant 0 : i32
    %c0_i32_0 = arith.constant 0 : i32
    return %arg0, %c0_i32 : i32, i32
  }
}

module attributes {stable_mosaic.version = 14 : i64} {
  func.func @_tc3_body(%arg0: i32, %arg1: memref<2x1000x128xf32, #tpu.memory_space<vmem>>, %arg2: memref<1000x128xf32, #tpu.memory_space<vmem>>, %arg3: memref<1000x2xf32, #tpu.memory_space<vmem>>, %arg4: memref<1x128xf32, #tpu.memory_space<vmem>>, %arg5: memref<1x1x1000xi32, #tpu.memory_space<vmem>>, %arg6: memref<128x128xf32, #tpu.memory_space<vmem>>, %arg7: memref<1x128xf32, #tpu.memory_space<vmem>>, %arg8: memref<64x128xf32, #tpu.memory_space<vmem>>, %arg9: memref<64x128xf32, #tpu.memory_space<vmem>>, %arg10: memref<64x128xf32, #tpu.memory_space<vmem>>) attributes {dimension_semantics = [#tpu.dimension_semantics<arbitrary>], iteration_bounds = array<i64: 10>, scalar_prefetch = 0 : i64, scratch_operands = 2 : i64, tpu.core_type = #tpu.core_type<tc>, window_params = [{transform_indices = @transform_0, window_bounds = array<i64: 2, 1000, 128>}, {transform_indices = @transform_1, window_bounds = array<i64: 1000, 128>}, {transform_indices = @transform_2, window_bounds = array<i64: 1000, 2>}, {pipeline_mode = #tpu.pipeline_mode<synchronous>, transform_indices = @transform_3, window_bounds = array<i64: 1, 128>}, {transform_indices = @transform_4, window_bounds = array<i64: 1, 1, 1000>}, {pipeline_mode = #tpu.pipeline_mode<synchronous>, transform_indices = @transform_5, window_bounds = array<i64: 128, 128>}, {pipeline_mode = #tpu.pipeline_mode<synchronous>, transform_indices = @transform_6, window_bounds = array<i64: 1, 128>}, {pipeline_mode = #tpu.pipeline_mode<synchronous>, transform_indices = @transform_7, window_bounds = array<i64: 64, 128>}]} {
    %get3A = arith.constant 0 : index
    %get3A_0 = arith.constant 0 : index
    %get3A_1 = vector.load %arg3[%get3A, %get3A_0] : memref<1000x2xf32, #tpu.memory_space<vmem>>, vector<1000x2xf32>
    %reduce_sum3A = arith.constant dense<0.000000e+00> : vector<1000xf32>
    %reduce_sum3A_2 = vector.multi_reduction <add>, %get3A_1, %reduce_sum3A [1] : vector<1000x2xf32> to vector<1000xf32>
    %broadcast_in_dim3A = vector.shape_cast %reduce_sum3A_2 : vector<1000xf32> to vector<1000x1xf32>
    %add3A = arith.constant 1.000000e+00 : f32
    %add3A_3 = vector.broadcast %add3A : f32 to vector<1000x1xf32>
    %add3A_4 = arith.addf %broadcast_in_dim3A, %add3A_3 : vector<1000x1xf32>
    %rsqrt3A = math.rsqrt %add3A_4 : vector<1000x1xf32>
    %get3A_5 = arith.constant 0 : index
    %get3A_6 = arith.constant 0 : index
    %get3A_7 = arith.constant 0 : index
    %get3A_8 = vector.load %arg1[%get3A_5, %get3A_6, %get3A_7] : memref<2x1000x128xf32, #tpu.memory_space<vmem>>, vector<1x1000x128xf32>
    %get3A_9 = vector.shape_cast %get3A_8 : vector<1x1000x128xf32> to vector<1000x128xf32>
    %get3A_10 = arith.constant 1 : index
    %get3A_11 = arith.constant 0 : index
    %get3A_12 = arith.constant 0 : index
    %get3A_13 = vector.load %arg1[%get3A_10, %get3A_11, %get3A_12] : memref<2x1000x128xf32, #tpu.memory_space<vmem>>, vector<1x1000x128xf32>
    %get3A_14 = vector.shape_cast %get3A_13 : vector<1x1000x128xf32> to vector<1000x128xf32>
    %add3A_15 = arith.addf %get3A_9, %get3A_14 : vector<1000x128xf32>
    %get3A_16 = arith.constant 0 : index
    %get3A_17 = arith.constant 0 : index
    %get3A_18 = vector.load %arg2[%get3A_16, %get3A_17] : memref<1000x128xf32, #tpu.memory_space<vmem>>, vector<1000x128xf32>
    %add3A_19 = arith.addf %add3A_15, %get3A_18 : vector<1000x128xf32>
    %mul3A = vector.broadcast %rsqrt3A : vector<1000x1xf32> to vector<1000x128xf32>
    %mul3A_20 = arith.mulf %add3A_19, %mul3A : vector<1000x128xf32>
    %get3A_21 = arith.constant 0 : index
    %get3A_22 = arith.constant 0 : index
    %get3A_23 = vector.load %arg4[%get3A_21, %get3A_22] : memref<1x128xf32, #tpu.memory_space<vmem>>, vector<1x128xf32>
    %add3A_24 = vector.broadcast %get3A_23 : vector<1x128xf32> to vector<1000x128xf32>
    %add3A_25 = arith.addf %mul3A_20, %add3A_24 : vector<1000x128xf32>
    %max3A = arith.constant 0.000000e+00 : f32
    %max3A_26 = vector.broadcast %max3A : f32 to vector<1000x128xf32>
    %max3A_27 = arith.maximumf %add3A_25, %max3A_26 : vector<1000x128xf32>
    %get3A_28 = arith.constant 0 : index
    %get3A_29 = arith.constant 0 : index
    %get3A_30 = arith.constant 0 : index
    %get3A_31 = vector.load %arg5[%get3A_28, %get3A_29, %get3A_30] : memref<1x1x1000xi32, #tpu.memory_space<vmem>>, vector<1x1x1000xi32>
    %get3A_32 = vector.shape_cast %get3A_31 : vector<1x1x1000xi32> to vector<1000xi32>
    %iota3A = tpu.iota {dimensions = array<i32: 0>} : vector<64x1000xi32>
    %broadcast_in_dim3A_33 = vector.shape_cast %get3A_32 : vector<1000xi32> to vector<1x1000xi32>
    %eq3A = vector.broadcast %broadcast_in_dim3A_33 : vector<1x1000xi32> to vector<64x1000xi32>
    %eq3A_34 = arith.cmpi eq, %eq3A, %iota3A : vector<64x1000xi32>
    %convert_element_type3A = arith.extui %eq3A_34 : vector<64x1000xi1> to vector<64x1000xi32>
    %convert_element_type3A_35 = arith.sitofp %convert_element_type3A : vector<64x1000xi32> to vector<64x1000xf32>
    %eq3A_36 = arith.constant 0 : i32
    %eq3A_37 = arith.cmpi eq, %arg0, %eq3A_36 : i32
    %convert_element_type3A_38 = arith.extui %eq3A_37 : i1 to i32
    %cond3A = arith.constant 0 : i32
    %cond3A_39 = arith.cmpi ne, %convert_element_type3A_38, %cond3A : i32
    scf.if %cond3A_39 {
      %broadcast_in_dim3A_64 = arith.constant 0.000000e+00 : f32
      %broadcast_in_dim3A_65 = vector.broadcast %broadcast_in_dim3A_64 : f32 to vector<64x128xf32>
      %swap3A_66 = arith.constant 0 : index
      %swap3A_67 = arith.constant 0 : index
      %swap3A_68 = vector.load %arg9[%swap3A_66, %swap3A_67] : memref<64x128xf32, #tpu.memory_space<vmem>>, vector<64x128xf32>
      tpu.vector_store %arg9[%swap3A_66, %swap3A_67], %broadcast_in_dim3A_65 {strides = array<i32>} : memref<64x128xf32, #tpu.memory_space<vmem>>, vector<64x128xf32>,
      %broadcast_in_dim3A_69 = arith.constant 0.000000e+00 : f32
      %broadcast_in_dim3A_70 = vector.broadcast %broadcast_in_dim3A_69 : f32 to vector<64x128xf32>
      %swap3A_71 = arith.constant 0 : index
      %swap3A_72 = arith.constant 0 : index
      %swap3A_73 = vector.load %arg10[%swap3A_71, %swap3A_72] : memref<64x128xf32, #tpu.memory_space<vmem>>, vector<64x128xf32>
      tpu.vector_store %arg10[%swap3A_71, %swap3A_72], %broadcast_in_dim3A_70 {strides = array<i32>} : memref<64x128xf32, #tpu.memory_space<vmem>>, vector<64x128xf32>,
    } else {
    }
    %get3A_40 = arith.constant 0 : index
    %get3A_41 = arith.constant 0 : index
    %get3A_42 = vector.load %arg9[%get3A_40, %get3A_41] : memref<64x128xf32, #tpu.memory_space<vmem>>, vector<64x128xf32>
    %dot_general3A = arith.constant dense<0.000000e+00> : vector<64x128xf32>
    %dot_general3A_43 = tpu.matmul %convert_element_type3A_35, %max3A_27, %dot_general3A {dimension_numbers = #tpu.dot_dimension_numbers<[1], [0], [0], [1], [0, 0, 1, 1], [], []>, precision = #tpu.contract_precision<fp32>, transpose_lhs_hint = false} : vector<64x1000xf32>, vector<1000x128xf32>, vector<64x128xf32> -> vector<64x128xf32>
    %add3A_44 = arith.addf %get3A_42, %dot_general3A_43 : vector<64x128xf32>
    %swap3A = arith.constant 0 : index
    %swap3A_45 = arith.constant 0 : index
    %swap3A_46 = vector.load %arg9[%swap3A, %swap3A_45] : memref<64x128xf32, #tpu.memory_space<vmem>>, vector<64x128xf32>
    tpu.vector_store %arg9[%swap3A, %swap3A_45], %add3A_44 {strides = array<i32>} : memref<64x128xf32, #tpu.memory_space<vmem>>, vector<64x128xf32>,
    %get3A_47 = arith.constant 0 : index
    %get3A_48 = arith.constant 0 : index
    %get3A_49 = vector.load %arg10[%get3A_47, %get3A_48] : memref<64x128xf32, #tpu.memory_space<vmem>>, vector<64x128xf32>
    %reduce_sum3A_50 = arith.constant dense<0.000000e+00> : vector<64xf32>
    %reduce_sum3A_51 = vector.multi_reduction <add>, %convert_element_type3A_35, %reduce_sum3A_50 [1] : vector<64x1000xf32> to vector<64xf32>
    %broadcast_in_dim3A_52 = vector.shape_cast %reduce_sum3A_51 : vector<64xf32> to vector<64x1xf32>
    %broadcast_in_dim3A_53 = vector.shape_cast %broadcast_in_dim3A_52 : vector<64x1xf32> to vector<64x1xf32>
    %broadcast_in_dim3A_54 = vector.broadcast %broadcast_in_dim3A_53 : vector<64x1xf32> to vector<64x128xf32>
    %add3A_55 = arith.addf %get3A_49, %broadcast_in_dim3A_54 : vector<64x128xf32>
    %swap3A_56 = arith.constant 0 : index
    %swap3A_57 = arith.constant 0 : index
    %swap3A_58 = vector.load %arg10[%swap3A_56, %swap3A_57] : memref<64x128xf32, #tpu.memory_space<vmem>>, vector<64x128xf32>
    tpu.vector_store %arg10[%swap3A_56, %swap3A_57], %add3A_55 {strides = array<i32>} : memref<64x128xf32, #tpu.memory_space<vmem>>, vector<64x128xf32>,
    %eq3A_59 = arith.constant 9 : i32
    %eq3A_60 = arith.cmpi eq, %arg0, %eq3A_59 : i32
    %convert_element_type3A_61 = arith.extui %eq3A_60 : i1 to i32
    %cond3A_62 = arith.constant 0 : i32
    %cond3A_63 = arith.cmpi ne, %convert_element_type3A_61, %cond3A_62 : i32
    scf.if %cond3A_63 {
      %get3A_64 = arith.constant 0 : index
      %get3A_65 = arith.constant 0 : index
      %get3A_66 = vector.load %arg9[%get3A_64, %get3A_65] : memref<64x128xf32, #tpu.memory_space<vmem>>, vector<64x128xf32>
      %get3A_67 = arith.constant 0 : index
      %get3A_68 = arith.constant 0 : index
      %get3A_69 = vector.load %arg10[%get3A_67, %get3A_68] : memref<64x128xf32, #tpu.memory_space<vmem>>, vector<64x128xf32>
      %max3A_70 = arith.constant 1.000000e+00 : f32
      %max3A_71 = vector.broadcast %max3A_70 : f32 to vector<64x128xf32>
      %max3A_72 = arith.maximumf %get3A_69, %max3A_71 : vector<64x128xf32>
      %div3A = arith.divf %get3A_66, %max3A_72 : vector<64x128xf32>
      %get3A_73 = arith.constant 0 : index
      %get3A_74 = arith.constant 0 : index
      %get3A_75 = vector.load %arg6[%get3A_73, %get3A_74] : memref<128x128xf32, #tpu.memory_space<vmem>>, vector<128x128xf32>
      %dot_general3A_76 = arith.constant dense<0.000000e+00> : vector<64x128xf32>
      %dot_general3A_77 = tpu.matmul %div3A, %get3A_75, %dot_general3A_76 {dimension_numbers = #tpu.dot_dimension_numbers<[1], [0], [0], [1], [0, 0, 1, 1], [], []>, precision = #tpu.contract_precision<fp32>, transpose_lhs_hint = false} : vector<64x128xf32>, vector<128x128xf32>, vector<64x128xf32> -> vector<64x128xf32>
      %get3A_78 = arith.constant 0 : index
      %get3A_79 = arith.constant 0 : index
      %get3A_80 = vector.load %arg7[%get3A_78, %get3A_79] : memref<1x128xf32, #tpu.memory_space<vmem>>, vector<1x128xf32>
      %add3A_81 = vector.broadcast %get3A_80 : vector<1x128xf32> to vector<64x128xf32>
      %add3A_82 = arith.addf %dot_general3A_77, %add3A_81 : vector<64x128xf32>
      %swap3A_83 = arith.constant 0 : index
      %swap3A_84 = arith.constant 0 : index
      %swap3A_85 = vector.load %arg8[%swap3A_83, %swap3A_84] : memref<64x128xf32, #tpu.memory_space<vmem>>, vector<64x128xf32>
      tpu.vector_store %arg8[%swap3A_83, %swap3A_84], %add3A_82 {strides = array<i32>} : memref<64x128xf32, #tpu.memory_space<vmem>>, vector<64x128xf32>,
    } else {
    }
    return
  }
  func.func @transform_0(%arg0: i32) -> (i32, i32, i32) {
    %c0_i32 = arith.constant 0 : i32
    %c0_i32_0 = arith.constant 0 : i32
    %c0_i32_1 = arith.constant 0 : i32
    return %c0_i32, %arg0, %c0_i32_0 : i32, i32, i32
  }
  func.func @transform_1(%arg0: i32) -> (i32, i32) {
    %c0_i32 = arith.constant 0 : i32
    %c0_i32_0 = arith.constant 0 : i32
    return %arg0, %c0_i32 : i32, i32
  }
  func.func @transform_2(%arg0: i32) -> (i32, i32) {
    %c0_i32 = arith.constant 0 : i32
    %c0_i32_0 = arith.constant 0 : i32
    return %arg0, %c0_i32 : i32, i32
  }
  func.func @transform_3(%arg0: i32) -> (i32, i32) {
    %c0_i32 = arith.constant 0 : i32
    %c0_i32_0 = arith.constant 0 : i32
    %c0_i32_1 = arith.constant 0 : i32
    return %c0_i32, %c0_i32_0 : i32, i32
  }
  func.func @transform_4(%arg0: i32) -> (i32, i32, i32) {
    %c0_i32 = arith.constant 0 : i32
    %c0_i32_0 = arith.constant 0 : i32
    %c0_i32_1 = arith.constant 0 : i32
    return %arg0, %c0_i32, %c0_i32_0 : i32, i32, i32
  }
  func.func @transform_5(%arg0: i32) -> (i32, i32) {
    %c0_i32 = arith.constant 0 : i32
    %c0_i32_0 = arith.constant 0 : i32
    %c0_i32_1 = arith.constant 0 : i32
    return %c0_i32, %c0_i32_0 : i32, i32
  }
  func.func @transform_6(%arg0: i32) -> (i32, i32) {
    %c0_i32 = arith.constant 0 : i32
    %c0_i32_0 = arith.constant 0 : i32
    %c0_i32_1 = arith.constant 0 : i32
    return %c0_i32, %c0_i32_0 : i32, i32
  }
  func.func @transform_7(%arg0: i32) -> (i32, i32) {
    %c0_i32 = arith.constant 0 : i32
    %c0_i32_0 = arith.constant 0 : i32
    %c0_i32_1 = arith.constant 0 : i32
    return %c0_i32, %c0_i32_0 : i32, i32
  }
}

</mosaic_0001>

<sc_bundles>
// kernel: kernel.12.cloned.1.call-start
scs
__scs_entry_jumppad:
0x0: {  	(pc) =	sbr.rel $0x88, $3  }
0x1: {  	(tag) =	ssettag $0x0;
	lr =	simm.s32 $0x1  }
0x2: {  	[smem:$0x3F98] =	sst lr;
	_ =	strace $0xD0000000  }
0x3: {  	_ = 	snop  }
0x4: {  	_ = 	snop  }
0x5: {  	_ = 	snop  }
0x6: {  	_ = 	snop  }
0x7: {  	_ = 	snop  }
__scs_overlays_trampoline_lowered:
0x8: {  	[smem:$0x3FA7] =	sst s0  }
0x9: {  	[smem:$0x3FA8] =	sst s1  }
0xa: {  	[smem:$0x3FA9] =	sst s2  }
0xb: {  	[smem:$0x3FAA] =	sst s3  }
0xc: {  	[smem:$0x3FAB] =	sst s4  }
0xd: {  	[smem:$0x3FAC] =	sst s5  }
0xe: {  	[smem:$0x3FAD] =	sst s6  }
0xf: {  	[smem:$0x3FAE] =	sst s7  }
0x10: {  	[smem:$0x3FAF] =	sst s8  }
0x11: {  	[smem:$0x3FB0] =	sst s9;
	s0 =	simm.s32 @!p0 $0x0  }
0x12: {  	s1 =	sld [smem:$0x3F96];
	s0 =	simm.s32 @p0 $0x1  }
0x13: {  	[smem:$0x3FB1] =	sst s0;
	s0 =	simm.s32 @!p1 $0x0  }
0x14: {  	s2 =	sld [smem:$0x3F95];
	s0 =	simm.s32 @p1 $0x1  }
0x15: {  	[smem:$0x3FB2] =	sst s0;
	s0 =	simm.s32 @!p2 $0x0  }
0x16: {  	s3 =	sld [smem:$0x3FDB];
	s0 =	simm.s32 @p2 $0x1  }
0x17: {  	s4 =	simm.s32 $0x1BF5;
	[smem:$0x3FB4] =	sst s0  }
0x18: {  	s0 =	sld [smem:$0x3F97];
	_ =	swait.ge [sflag:s4], $0x0  }
0x19: {  	s7 =	sld [smem:$0x3F98]  }
0x1a: {  	s8 =	sadd.s32 $0xFFFFE003, lr  }
0x1b: {  	s9 =	sadd.s32 $0xFFFFFEF7, lr;
	s5 =	simm.s32 $0xFFFFFFFF;
	p2 =	slt.u32 s8, $0xFFFFF086  }
0x1c: {  	p1 =	slt.u32 s9, $0xF7A;
	s5 =	simm.s32 @!p2 $0x0  }
0x1d: {  	s5 =	simm.s32 @p1 $0x1;
	p0 =	seq.s32 s7, s2  }
0x1e: {  	s7 =	smul.u32 @!p0 $0xF7A, s2;
	p2 =	seq.s32 @!p0 s5, $0x0  }
0x1f: {  	s9 =	smul.u32 $0xF7A, s1;
	s8 =	simm.s32 @!p0 $0x1BF5;
	p2 =	por !p2, p0  }
0x20: {  	[sflag:s8] =	ssyncset.s32 @!p0 $0xFFFFF086;
	s6 =	sadd.s32 @!p0 s3, s7;
	s7 =	simm.s32 @!p0 $0x108  }
0x21: {  	s3 =	sadd.s32 s3, s9;
	s6 =	sadd.s32 @!p0 $0x88, s6;
	s7 =	simm.s32 @p2 $0x1082  }
0x22: {  	[simem:s7], [sflag:s8] =	dma.local @!p0 [hbm:s6], $0xF7A  }
0x23: {  	s9 =	sor.u32 $0xD0000000, s2;
	s6 =	simm.s32 $0x108;
	_ =	swait.ge @!p0 [sflag:s8], $0x0  }
0x24: {  	s3 =	sadd.s32 $0x88, s3;
	s6 =	simm.s32 @!p1 $0x1082;
	[sflag:s4] =	ssyncset.s32 $0xFFFFF086  }
0x25: {  	[simem:s6], [sflag:s4] =	dma.local [hbm:s3], $0xF7A  }
0x26: {  	[smem:$0x3F98] =	sst s1;
	(tag) =	ssettag s2;
	_ =	strace s9  }
0x27: {  	s1 =	sld [smem:$0x3FA8]  }
0x28: {  	s2 =	sld [smem:$0x3FA9]  }
0x29: {  	s4 =	sld [smem:$0x3FAB]  }
0x2a: {  	p0 =	seq.s32 s5, $0x0;
	s5 =	sld [smem:$0x3FAC]  }
0x2b: {  	s6 =	sld [smem:$0x3FAD]  }
0x2c: {  	s7 =	sld [smem:$0x3FAE]  }
0x2d: {  	s3 =	simm.s32 $0x108;
	s8 =	sld [smem:$0x3FAF]  }
0x2e: {  	s3 =	simm.s32 @!p0 $0x1082;
	s9 =	sld [smem:$0x3FB0]  }
0x2f: {  	lr =	sadd.s32 s0, s3;
	s0 =	sld [smem:$0x3FA7]  }
0x30: {  	s3 =	sld [smem:$0x3FAA]  }
0x31: {  	[smem:$0x3FB3] =	sst s10  }
0x32: {  	s10 =	sld [smem:$0x3FB1];
	_ =	sdelay $0x3  }
0x33: {  	p0 =	seq.s32 s10, $0x1;
	s10 =	sld [smem:$0x3FB3];
	_ =	sdelay $0x3  }
0x34: {  	[smem:$0x3FB3] =	sst s10  }
0x35: {  	s10 =	sld [smem:$0x3FB2];
	_ =	sdelay $0x3  }
0x36: {  	p1 =	seq.s32 s10, $0x1;
	s10 =	sld [smem:$0x3FB3];
	_ =	sdelay $0x3  }
0x37: {  	[smem:$0x3FB3] =	sst s10  }
0x38: {  	s10 =	sld [smem:$0x3FB4]  }
0x39: {  	_ = 	snop;
	(pc) =	sbr.ind lr, $3  }
0x3a: {  	_ = 	snop  }
0x3b: {  	_ = 	snop  }
0x3c: {  	p2 =	seq.s32 s10, $0x1;
	s10 =	sld [smem:$0x3FB3]  }
0x3d: {  	_ =	shalt  }
0x3e: {  	_ =	shalt  }
0x3f: {  	_ =	shalt  }
0x40: {  	_ =	shalt  }
0x41: {  	_ =	shalt  }
0x42: {  	_ =	shalt  }
0x43: {  	_ =	shalt  }
0x44: {  	_ =	shalt  }
0x45: {  	_ =	shalt  }
0x46: {  	_ =	shalt  }
0x47: {  	_ =	shalt  }
0x48: {  	_ =	shalt  }
0x49: {  	_ =	shalt  }
0x4a: {  	_ =	shalt  }
0x4b: {  	_ =	shalt  }
0x4c: {  	_ =	shalt  }
0x4d: {  	_ =	shalt  }
0x4e: {  	_ =	shalt  }
0x4f: {  	_ =	shalt  }
0x50: {  	_ =	shalt  }
0x51: {  	_ =	shalt  }
0x52: {  	_ =	shalt  }
0x53: {  	_ =	shalt  }
0x54: {  	_ =	shalt  }
0x55: {  	_ =	shalt  }
0x56: {  	_ =	shalt  }
0x57: {  	_ =	shalt  }
0x58: {  	_ =	shalt  }
0x59: {  	_ =	shalt  }
0x5a: {  	_ =	shalt  }
0x5b: {  	_ =	shalt  }
0x5c: {  	_ =	shalt  }
0x5d: {  	_ =	shalt  }
0x5e: {  	_ =	shalt  }
0x5f: {  	_ =	shalt  }
0x60: {  	_ =	shalt  }
0x61: {  	_ =	shalt  }
0x62: {  	_ =	shalt  }
0x63: {  	_ =	shalt  }
0x64: {  	_ =	shalt  }
0x65: {  	_ =	shalt  }
0x66: {  	_ =	shalt  }
0x67: {  	_ =	shalt  }
0x68: {  	_ =	shalt  }
0x69: {  	_ =	shalt  }
0x6a: {  	_ =	shalt  }
0x6b: {  	_ =	shalt  }
0x6c: {  	_ =	shalt  }
0x6d: {  	_ =	shalt  }
0x6e: {  	_ =	shalt  }
0x6f: {  	_ =	shalt  }
0x70: {  	_ =	shalt  }
0x71: {  	_ =	shalt  }
0x72: {  	_ =	shalt  }
0x73: {  	_ =	shalt  }
0x74: {  	_ =	shalt  }
0x75: {  	_ =	shalt  }
0x76: {  	_ =	shalt  }
0x77: {  	_ =	shalt  }
0x78: {  	_ =	shalt  }
0x79: {  	_ =	shalt  }
0x7a: {  	_ =	shalt  }
0x7b: {  	_ =	shalt  }
0x7c: {  	_ =	shalt  }
0x7d: {  	_ =	shalt  }
0x7e: {  	_ =	shalt  }
0x7f: {  	_ =	shalt  }
0x80: {  	_ =	shalt  }
0x81: {  	_ =	shalt  }
0x82: {  	_ =	shalt  }
0x83: {  	_ =	shalt  }
0x84: {  	_ =	shalt  }
0x85: {  	_ =	shalt  }
0x86: {  	_ =	shalt  }
0x87: {  	_ =	shalt  }
.Lfunc_end0:
.L_simem_size_0:
called_computation.1_lowered:
.L_overlay_start_0:
0x88: {  	s2 =	sld [smem:$0x3FD9]  }
0x89: {  	s3 =	sld [smem:$0x3FFE];
	_ =	sdelay $0x1  }
0x8a: {  	s1 =	srdreg.scid  }
0x8b: {  	s0 =	sand.u32 $0x1, s1  }
0x8c: {  	s16 =	sshll.u32 s0, $0xA;
	s2 =	sadd.s32 s3, s2  }
0x8d: {  	s2 =	sadd.s32 s2, s16  }
0x8e: {  	[smem:$0x3FBF] =	sst s2  }
0x8f: {  	_ = 	snop  }
0x90: {  	(tm) =	ssettm $0x1  }
0x91: {  	s17 =	sld [smem:$0x3FFB];
	_ =	sdelay $0x3  }
0x92: {  	_ =	strace s17  }
0x93: {  	s2 =	sld [smem:$0x3FFC];
	_ =	sdelay $0x3  }
0x94: {  	_ =	strace s2  }
0x95: {  	s2 =	sld [smem:$0x3FFD];
	_ =	sdelay $0x3  }
0x96: {  	_ =	strace s2  }
0x97: {  	_ =	strace $0x8FFFFFFF  }
0x98: {  	s18 =	sld [smem:$0x3FDB];
	_ =	sdelay $0x1  }
0x99: {  	s19 =	simm.s32 $_scs_section_size  }
0x9a: {  	s4 =	simm.s32 $_size__tile_overlayer_lowered;
	s5 =	simm.s32 $_tile_overlayer_lowered  }
0x9b: {  	s22 =	simm.s32 $0x1BFF;
	s21 =	sshll.u32 s5, $0x1;
	s2 =	sadd.s32 s19, s18  }
0x9c: {  	s6 =	simm.s32 $0x0;
	s20 =	sshll.u32 s4, $0x1;
	s4 =	sadd.s32 s21, s2  }
0x9d: {  	[timem:s6], [sflag:s22] =	dma.local [hbm:s4], s20  }
0x9e: {  	_ =	swait.ge [sflag:s22], s20  }
0x9f: {  	s3 =	ssub.s32 $0x0, s20;
	[sflag:s22] =	ssyncset.done $0x0  }
0xa0: {  	[sflag:s22] =	ssyncadd.s32 s3;
	_ =	sdelay $0x1  }
0xa1: {  	s23 =	simm.s32 $0x1B8B  }
0xa2: {  	_ =	swait.ge [sflag:s23], $0x1  }
0xa3: {  	[sflag:s23] =	ssyncset.done $0x0  }
0xa4: {  	s25 =	simm.s32 $0x1B8E;
	s24 =	sld [smem:$0x3FFE];
	[sflag:s23] =	ssyncadd.s32 $0xFFFFFFFF  }
0xa5: {  	s26 =	simm.s32 $execute0_lowered;
	[smem:$0x3FD2] =	sst s25  }
0xa6: {  	s4 =	sshll.u32 s26, $0x1;
	_ =	strace $0x80000049;
	[dreg:$0x1] =	wrdreg $0xFFFFFFFF  }
0xa7: {  	s28 =	simm.s32 $_size_execute0_lowered;
	s2 =	sadd.s32 s2, s4;
	[dreg:$0x0] =	wrdreg $0x0  }
0xa8: {  	s4 =	sshll.u32 s28, $0x1;
	[dreg:$0x2] =	wrdreg s2  }
0xa9: {  	[dreg:$0x3] =	wrdreg s4  }
0xaa: {  	[dreg:$0x4] =	wrdreg $0xC0  }
0xab: {  	_ =	task [dreg:s6], $0x5FFFF  }
0xac: {  	[dreg:$0x1] =	wrdreg $0xFFFFFFFF  }
0xad: {  	[dreg:$0x0] =	wrdreg $0x60  }
0xae: {  	[dreg:$0x2] =	wrdreg s24  }
0xaf: {  	[dreg:$0x3] =	wrdreg $0xC3000  }
0xb0: {  	[dreg:$0x4] =	wrdreg $0x9  }
0xb1: {  	_ =	task.clear_ibuf [dreg:s6], $0x5FFFF;
	_ =	strace $0x90000049  }
0xb2: {  	s29 =	simm.s32 $0x9;
	_ =	strace $0x8000004B  }
0xb3: {  	_ =	swait.ge [sflag:s29], $0x1  }
0xb4: {  	[sflag:s29] =	ssyncadd.s32 $0xFFFFFFFF  }
0xb5: {  	_ =	strace $0x9000004B  }
0xb6: {  	_ =	sfence  }
0xb7: {  	s30 =	sld [smem:$0x0];
	_ =	sdelay $0x2  }
0xb8: {  	s31 =	sshll.u32 s1, $0xD;
	s1 =	sshrl.u32 s1, $0x2  }
0xb9: {  	s3 =	sand.u32 $0x4000, s31;
	s1 =	sadd.s32 s1, s30  }
0xba: {  	s0 =	sor.u32 s3, s0;
	s1 =	sshll.u32 s1, $0x11  }
0xbb: {  	s0 =	sor.u32 s1, s0  }
0xbc: {  	s0 =	sadd.s32 $0x8F2B, s0  }
0xbd: {  	[sflag:s0] =	ssyncadd.remote.s32 $0x1  }
0xbe: {  	_ =	sfence.sel $0xFFFF  }
0xbf: {  	[dreg:$0x0] =	wrdreg $0xFFFFFFFF;
	(pc) =	sbr.abs _section_cstart, $3  }
0xc0: {  	[dreg:$0x1] =	wrdreg $0xFFFFFFFF  }
0xc1: {  	_ =	task.clear_ibuf [dreg:s6], $0x2FFFF;
	_ =	strace $0x9FFFFFFF  }
0xc2: {  	(tm) =	ssettm $0x7FFFFFFF  }
0xc3: {  	_ =	shalt  }
tec
execute0_lowered:
.L_overlay_start_1:
0x0: {  	(tag) =	ssettag $0x1  }
0x1: {  	s0 =	rddreg [dreg:$0x0]  }
0x2: {  	s2 =	rddreg [dreg:$0x1]  }
0x3: {  	s1 =	srdreg.scid;
	s14 =	stileid.u32  }
0x4: {  	s3 =	simm.s32 $0x0;
	s28 =	simm.s32 $0x2;
	s29 =	simm.s32 $0x5  }
0x5: {  	s30 =	simm.s32 $0x4300;
	s31 =	simm.s32 $0x8;
	s1 =	sand.u32 $0x1, s1  }
0x6: {  	s4 =	smul.u32 $0x278, s14;
	[smem:$0x7FF] =	sst s3;
	s6 =	sadd.s32 $0xC800, s0  }
0x7: {  	s10 =	sadd.s32 $0x2A00, s0;
	s7 =	smul.u32 $0x4F000, s14;
	s11 =	sshll.u32 s14, $0x5  }
0x8: {  	p0 =	sgt.u32 s14, $0x1;
	s14 =	simm.s32 $0x9;
	s5 =	smul.u32 $0x2780, s1  }
0x9: {  	_ =	strace $0x8000004A;
	s8 =	ssub.s32 $0x2, s1;
	s1 =	sshll.u32 s1, $0x4  }
0xa: {  	s24 =	sadd.s32 s11, s10;
	s26 =	sadd.s32 s11, s6;
	s9 =	sshrl.u32 s8, $0x1  }
0xb: {  	s15 =	sshrl.u32 s7, $0x2;
	s16 =	sor.u32 s1, s11;
	s11 =	simm.s32 $0x4  }
0xc: {  	s5 =	sadd.s32 s4, s5;
	s4 =	sadd.s32 $0x16600, s0;
	s17 =	sor.u32 $0x9C00, s16  }
0xd: {  	s12 =	ssub.s32 s8, s9;
	s5 =	sshll.u32 s5, $0x4;
	s18 =	sadd.s32 s6, s17  }
0xe: {  	s19 =	sadd.s32 s10, s17;
	s25 =	smax.u32 s12, $0x1;
	[dreg:$0x6] =	wrdreg s18  }
0xf: {  	s10 =	simm.s32 $0x3;
	s12 =	simm.s32 $0x6;
	[dreg:$0x7] =	wrdreg s19  }
0x10: {  	s0 =	sadd.s32 s5, s0;
	s5 =	sadd.s32 s15, s2;
	[dreg:$0xd] =	wrdreg s25  }
0x11: {  	s7 =	sadd.s32 $0x4000, s5;
	s13 =	sadd.s32 $0xC000, s5;
	[dreg:$0x3] =	wrdreg s5  }
0x12: {  	s8 =	sadd.s32 $0x8000, s5;
	s5 =	sadd.s32 $0x10000, s5;
	[dreg:$0x4] =	wrdreg s13  }
0x13: {  	s18 =	sadd.s32 s1, s24;
	s20 =	sadd.s32 $0x3D800, s0;
	[dreg:$0x5] =	wrdreg s5  }
0x14: {  	s19 =	sadd.s32 s1, s26;
	s21 =	sadd.s32 $0x3E000, s0;
	[dreg:$0x8] =	wrdreg s20  }
0x15: {  	s24 =	simm.s32 $0x180;
	s22 =	sadd.s32 $0x3E800, s0;
	[dreg:$0x9] =	wrdreg s21  }
0x16: {  	s25 =	simm.s32 $0x200;
	s23 =	sadd.s32 $0x3F000, s0;
	[dreg:$0xa] =	wrdreg s22  }
0x17: {  	s26 =	simm.s32 $0x280;
	s0 =	sadd.s32 $0x3F800, s0;
	[dreg:$0xb] =	wrdreg s23  }
0x18: {  	s1 =	simm.s32 $0x1;
	s15 =	simm.s32 $0x0;
	[dreg:$0xc] =	wrdreg s0  }
0x19: {  	s20 =	simm.s32 $0x300;
	s21 =	simm.s32 $0xA;
	s22 =	simm.s32 $0x80  }
0x1a: {  	v0 =	vimm.f32 $0.0e+00;
	s23 =	simm.s32 $0x100;
	s0 =	simm.s32 $0x8300;
	s13 =	simm.s32 $0x7  }
.LBB2_1:
0x1b: {  	s16 =	simm.s32 $0x0;
	s17 =	simm.s32 $0x200  }
.LBB2_2:
0x1c: {  	p1 =	sne.s32 s17, $0xFE00;
	[tilespmem:s16+$0x370] =	vst v0  }
0x1d: {  	[tilespmem:s16+$0x300] =	vst v0  }
0x1e: {  	[tilespmem:s16+$0x310] =	vst v0  }
.Ltmp0:
0x1f: {  	[tilespmem:s16+$0x320] =	vst v0;
	(pc) =	sbr.rel @p1 .LBB2_2-.Ltmp0, $4  }
0x20: {  	[tilespmem:s16+$0x330] =	vst v0  }
0x21: {  	[tilespmem:s16+$0x340] =	vst v0  }
0x22: {  	[tilespmem:s16+$0x350] =	vst v0  }
0x23: {  	[tilespmem:s16+$0x360] =	vst v0;
	s16 =	sshra.s32 s17, $0x2;
	s17 =	sadd.s32 $0x200, s17  }
0x24: {  	[tilespmem:s16+$0x370] =	vst v0  }
0x25: {  	[tilespmem:s16+$0x300] =	vst v0  }
0x26: {  	[tilespmem:s16+$0x310] =	vst v0  }
0x27: {  	[tilespmem:s16+$0x320] =	vst v0  }
0x28: {  	[tilespmem:s16+$0x330] =	vst v0  }
0x29: {  	[tilespmem:s16+$0x340] =	vst v0  }
0x2a: {  	[tilespmem:s16+$0x350] =	vst v0  }
0x2b: {  	[tilespmem:s16+$0x360] =	vst v0;
	s5 =	rddreg [dreg:$0x3]  }
0x2c: {  	[spmem:s5] =	stream.linear.scatter [tilespmem:s20], [sflag:$0xA], $0x4000, $0x38;
	[tilespmem:$0x1FF00] =	vst v63  }
0x2d: {  	_ =	swait.ge [sflag:s21], $0x4000  }
0x2e: {  	[sflag:s21] =	ssyncset.done $0x0  }
0x2f: {  	[sflag:s21] =	ssyncadd.s32 $0xFFFFC000  }
0x30: {  	[spmem:s7] =	stream.linear.scatter [tilespmem:s20], [sflag:$0xA], $0x4000, $0x38;
	[tilespmem:$0x1FF00] =	vst v63  }
0x31: {  	_ =	swait.ge [sflag:s21], $0x4000  }
0x32: {  	[sflag:s21] =	ssyncset.done $0x0  }
0x33: {  	[sflag:s21] =	ssyncadd.s32 $0xFFFFC000  }
0x34: {  	[spmem:s8] =	stream.linear.scatter [tilespmem:s20], [sflag:$0xA], $0x4000, $0x38;
	[tilespmem:$0x1FF00] =	vst v63  }
0x35: {  	_ =	swait.ge [sflag:s21], $0x4000  }
0x36: {  	[sflag:s21] =	ssyncset.done $0x0  }
0x37: {  	s6 =	rddreg [dreg:$0x4];
	[sflag:s21] =	ssyncadd.s32 $0xFFFFC000  }
0x38: {  	[spmem:s6] =	stream.linear.scatter [tilespmem:s20], [sflag:$0xA], $0x4000, $0x38;
	[tilespmem:$0x1FF00] =	vst v63  }
0x39: {  	_ =	swait.ge [sflag:s21], $0x4000  }
0x3a: {  	[sflag:s21] =	ssyncset.done $0x0  }
0x3b: {  	s5 =	smov.u32 s8;
	s8 =	rddreg [dreg:$0x5];
	[sflag:s21] =	ssyncadd.s32 $0xFFFFC000  }
0x3c: {  	[spmem:s8] =	stream.linear.scatter [tilespmem:s20], [sflag:$0xA], $0x3C00, $0x38;
	[tilespmem:$0x1FF00] =	vst v63  }
0x3d: {  	_ =	swait.ge [sflag:s21], $0x3C00  }
0x3e: {  	[sflag:s21] =	ssyncset.done $0x0  }
0x3f: {  	[sflag:s21] =	ssyncadd.s32 $0xFFFFC400  }
0x40: {  	s16 =	sadd.s32 $0x0, s19;
	[bflag:$0x0] =	sbarrier.arrive $0xFFFF  }
0x41: {  	[tilespmem:s3], [sflag:$0x2] =	stream.linear.gather [hbm4b:s16+s3], $0x80, $0x38;
	[tilespmem:$0x1FF00] =	vst v63  }
0x42: {  	s9 =	smov.u32 s7;
	s7 =	sadd.s32 $0x0, s18  }
0x43: {  	[tilespmem:s22], [sflag:$0x3] =	stream.linear.gather [hbm4b:s7+s3], $0x80, $0x38;
	[tilespmem:$0x1FF00] =	vst v63  }
0x44: {  	s17 =	sadd.s32 $0x200, s16  }
0x45: {  	[tilespmem:s23], [sflag:$0x5] =	stream.linear.gather [hbm4b:s17+s3], $0x80, $0x38;
	[tilespmem:$0x1FF00] =	vst v63  }
0x46: {  	s8 =	sadd.s32 $0x200, s7  }
0x47: {  	[tilespmem:s24], [sflag:$0x6] =	stream.linear.gather [hbm4b:s8+s3], $0x80, $0x38;
	[tilespmem:$0x1FF00] =	vst v63  }
0x48: {  	s6 =	sadd.s32 $0x400, s16  }
0x49: {  	[tilespmem:s25], [sflag:$0x8] =	stream.linear.gather [hbm4b:s6+s3], $0x80, $0x38;
	[tilespmem:$0x1FF00] =	vst v63  }
0x4a: {  	s17 =	sadd.s32 $0x400, s7  }
0x4b: {  	[tilespmem:s26], [sflag:$0x9] =	stream.linear.gather [hbm4b:s17+s3], $0x80, $0x38;
	[tilespmem:$0x1FF00] =	vst v63  }
0x4c: {  	_ =	swait.ge [sflag:s28], $0x80  }
0x4d: {  	[sflag:s28] =	ssyncset.done $0x0  }
0x4e: {  	[sflag:s28] =	ssyncadd.s32 $0xFFFFFF80  }
0x4f: {  	[tilespmem:s20], [sflag:$0x1] =	stream.indirect.gather [hbm4b:s4+s22], $0x80, s3, s22, $0xb8;
	[tilespmem:$0x1FF00] =	vst v63  }
0x50: {  	_ =	swait.ge [sflag:s29], $0x80  }
0x51: {  	[sflag:s29] =	ssyncset.done $0x0  }
0x52: {  	[sflag:s29] =	ssyncadd.s32 $0xFFFFFF80  }
0x53: {  	[tilespmem:s30], [sflag:$0x4] =	stream.indirect.gather [hbm4b:s4+s22], $0x80, s23, s22, $0xb8;
	[tilespmem:$0x1FF00] =	vst v63  }
0x54: {  	_ =	swait.ge [sflag:s31], $0x80  }
0x55: {  	[sflag:s31] =	ssyncset.done $0x0  }
0x56: {  	[sflag:s31] =	ssyncadd.s32 $0xFFFFFF80  }
0x57: {  	[tilespmem:s0], [sflag:$0x7] =	stream.indirect.gather [hbm4b:s4+s22], $0x80, s25, s22, $0xb8;
	[tilespmem:$0x1FF00] =	vst v63  }
0x58: {  	_ =	swait.ge [sflag:s1], $0x4000  }
0x59: {  	[sflag:s1] =	ssyncset.done $0x0  }
0x5a: {  	[sflag:s1] =	ssyncadd.s32 $0xFFFFC000  }
0x5b: {  	_ =	swait.ge [sflag:s10], $0x80  }
0x5c: {  	[sflag:s10] =	ssyncset.done $0x0  }
0x5d: {  	[sflag:s10] =	ssyncadd.s32 $0xFFFFFF80  }
0x5e: {  	[spmem:s2] =	stream.indirect.scatter.add.f32 [tilespmem:s20], [sflag:$0xA], $0x80, s22, s22, $0xb8;
	[tilespmem:$0x1FF00] =	vst v63  }
0x5f: {  	_ =	swait.ge [sflag:s21], $0x4000  }
0x60: {  	[sflag:s21] =	ssyncset.done $0x0  }
0x61: {  	[sflag:s21] =	ssyncadd.s32 $0xFFFFC000  }
0x62: {  	_ =	swait.ge [sflag:s11], $0x4000  }
0x63: {  	[sflag:s11] =	ssyncset.done $0x0  }
0x64: {  	[sflag:s11] =	ssyncadd.s32 $0xFFFFC000  }
0x65: {  	_ =	swait.ge [sflag:s12], $0x80  }
0x66: {  	[sflag:s12] =	ssyncset.done $0x0  }
0x67: {  	[sflag:s12] =	ssyncadd.s32 $0xFFFFFF80  }
0x68: {  	[spmem:s2] =	stream.indirect.scatter.add.f32 [tilespmem:s30], [sflag:$0xA], $0x80, s24, s22, $0xb8;
	[tilespmem:$0x1FF00] =	vst v63  }
0x69: {  	_ =	swait.ge [sflag:s21], $0x4000  }
0x6a: {  	[sflag:s21] =	ssyncset.done $0x0  }
0x6b: {  	[sflag:s21] =	ssyncadd.s32 $0xFFFFC000  }
0x6c: {  	_ =	swait.ge [sflag:s13], $0x4000  }
0x6d: {  	[sflag:s13] =	ssyncset.done $0x0  }
0x6e: {  	[sflag:s13] =	ssyncadd.s32 $0xFFFFC000  }
0x6f: {  	_ =	swait.ge [sflag:s14], $0x80  }
0x70: {  	[sflag:s14] =	ssyncset.done $0x0  }
0x71: {  	[sflag:s14] =	ssyncadd.s32 $0xFFFFFF80  }
0x72: {  	[spmem:s2] =	stream.indirect.scatter.add.f32 [tilespmem:s0], [sflag:$0xA], $0x80, s26, s22, $0xb8;
	[tilespmem:$0x1FF00] =	vst v63  }
0x73: {  	_ =	swait.ge [sflag:s21], $0x4000  }
0x74: {  	s16 =	simm.s32 $0x600;
	s17 =	simm.s32 $0xC00;
	[sflag:s21] =	ssyncset.done $0x0  }
.LBB2_4:
0x75: {  	s7 =	sadd.s32 s16, s19  }
0x76: {  	[sflag:s21] =	ssyncadd.s32 $0xFFFFC000;
	s8 =	smov.u32 s17;
	s6 =	sadd.s32 $0x600, s17  }
0x77: {  	[tilespmem:s3], [sflag:$0x2] =	stream.linear.gather [hbm4b:s7+s3], $0x80, $0x38;
	[tilespmem:$0x1FF00] =	vst v63  }
0x78: {  	p1 =	sne.s32 s17, $0x9600;
	s17 =	sadd.s32 s16, s18;
	s16 =	smov.u32 s8  }
0x79: {  	[tilespmem:s22], [sflag:$0x3] =	stream.linear.gather [hbm4b:s17+s3], $0x80, $0x38;
	[tilespmem:$0x1FF00] =	vst v63  }
0x7a: {  	s8 =	sadd.s32 $0x200, s7  }
0x7b: {  	[tilespmem:s23], [sflag:$0x5] =	stream.linear.gather [hbm4b:s8+s3], $0x80, $0x38;
	[tilespmem:$0x1FF00] =	vst v63  }
0x7c: {  	s8 =	sadd.s32 $0x200, s17  }
0x7d: {  	[tilespmem:s24], [sflag:$0x6] =	stream.linear.gather [hbm4b:s8+s3], $0x80, $0x38;
	[tilespmem:$0x1FF00] =	vst v63  }
0x7e: {  	s7 =	sadd.s32 $0x400, s7  }
0x7f: {  	[tilespmem:s25], [sflag:$0x8] =	stream.linear.gather [hbm4b:s7+s3], $0x80, $0x38;
	[tilespmem:$0x1FF00] =	vst v63  }
0x80: {  	s7 =	sadd.s32 $0x400, s17  }
0x81: {  	[tilespmem:s26], [sflag:$0x9] =	stream.linear.gather [hbm4b:s7+s3], $0x80, $0x38;
	[tilespmem:$0x1FF00] =	vst v63  }
0x82: {  	_ =	swait.ge [sflag:s28], $0x80  }
0x83: {  	[sflag:s28] =	ssyncset.done $0x0  }
0x84: {  	[sflag:s28] =	ssyncadd.s32 $0xFFFFFF80  }
0x85: {  	[tilespmem:s20], [sflag:$0x1] =	stream.indirect.gather [hbm4b:s4+s22], $0x80, s3, s22, $0xb8;
	[tilespmem:$0x1FF00] =	vst v63  }
0x86: {  	_ =	swait.ge [sflag:s29], $0x80  }
0x87: {  	[sflag:s29] =	ssyncset.done $0x0  }
0x88: {  	[sflag:s29] =	ssyncadd.s32 $0xFFFFFF80  }
0x89: {  	[tilespmem:s30], [sflag:$0x4] =	stream.indirect.gather [hbm4b:s4+s22], $0x80, s23, s22, $0xb8;
	[tilespmem:$0x1FF00] =	vst v63  }
0x8a: {  	_ =	swait.ge [sflag:s31], $0x80  }
0x8b: {  	[sflag:s31] =	ssyncset.done $0x0  }
0x8c: {  	[sflag:s31] =	ssyncadd.s32 $0xFFFFFF80  }
0x8d: {  	[tilespmem:s0], [sflag:$0x7] =	stream.indirect.gather [hbm4b:s4+s22], $0x80, s25, s22, $0xb8;
	[tilespmem:$0x1FF00] =	vst v63  }
0x8e: {  	_ =	swait.ge [sflag:s1], $0x4000  }
0x8f: {  	[sflag:s1] =	ssyncset.done $0x0  }
0x90: {  	[sflag:s1] =	ssyncadd.s32 $0xFFFFC000  }
0x91: {  	_ =	swait.ge [sflag:s10], $0x80  }
0x92: {  	[sflag:s10] =	ssyncset.done $0x0  }
0x93: {  	[sflag:s10] =	ssyncadd.s32 $0xFFFFFF80  }
0x94: {  	[spmem:s2] =	stream.indirect.scatter.add.f32 [tilespmem:s20], [sflag:$0xA], $0x80, s22, s22, $0xb8;
	[tilespmem:$0x1FF00] =	vst v63  }
0x95: {  	_ =	swait.ge [sflag:s21], $0x4000  }
0x96: {  	[sflag:s21] =	ssyncset.done $0x0  }
0x97: {  	[sflag:s21] =	ssyncadd.s32 $0xFFFFC000  }
0x98: {  	_ =	swait.ge [sflag:s11], $0x4000  }
0x99: {  	[sflag:s11] =	ssyncset.done $0x0  }
0x9a: {  	[sflag:s11] =	ssyncadd.s32 $0xFFFFC000  }
0x9b: {  	_ =	swait.ge [sflag:s12], $0x80  }
0x9c: {  	[sflag:s12] =	ssyncset.done $0x0  }
0x9d: {  	[sflag:s12] =	ssyncadd.s32 $0xFFFFFF80  }
0x9e: {  	[spmem:s2] =	stream.indirect.scatter.add.f32 [tilespmem:s30], [sflag:$0xA], $0x80, s24, s22, $0xb8;
	[tilespmem:$0x1FF00] =	vst v63  }
0x9f: {  	_ =	swait.ge [sflag:s21], $0x4000  }
0xa0: {  	[sflag:s21] =	ssyncset.done $0x0  }
0xa1: {  	[sflag:s21] =	ssyncadd.s32 $0xFFFFC000  }
0xa2: {  	_ =	swait.ge [sflag:s13], $0x4000  }
0xa3: {  	[sflag:s13] =	ssyncset.done $0x0  }
0xa4: {  	[sflag:s13] =	ssyncadd.s32 $0xFFFFC000  }
0xa5: {  	_ =	swait.ge [sflag:s14], $0x80  }
.Ltmp1:
0xa6: {  	[sflag:s14] =	ssyncset.done $0x0;
	(pc) =	sbr.rel @p1 .LBB2_4-.Ltmp1, $4  }
0xa7: {  	[sflag:s14] =	ssyncadd.s32 $0xFFFFFF80  }
0xa8: {  	[spmem:s2] =	stream.indirect.scatter.add.f32 [tilespmem:s0], [sflag:$0xA], $0x80, s26, s22, $0xb8;
	[tilespmem:$0x1FF00] =	vst v63  }
0xa9: {  	_ =	swait.ge [sflag:s21], $0x4000  }
0xaa: {  	s17 =	smov.u32 s6;
	[sflag:s21] =	ssyncset.done $0x0  }
0xab: {  	s6 =	sadd.s32 s16, s19;
	[sflag:s21] =	ssyncadd.s32 $0xFFFFC000  }
0xac: {  	[tilespmem:s3], [sflag:$0x2] =	stream.linear.gather [hbm4b:s6+s3], $0x80, $0x38;
	[tilespmem:$0x1FF00] =	vst v63  }
0xad: {  	s7 =	sadd.s32 s16, s18  }
0xae: {  	[tilespmem:s22], [sflag:$0x3] =	stream.linear.gather [hbm4b:s7+s3], $0x80, $0x38;
	[tilespmem:$0x1FF00] =	vst v63  }
0xaf: {  	s8 =	sadd.s32 $0x200, s6  }
0xb0: {  	[tilespmem:s23], [sflag:$0x5] =	stream.linear.gather [hbm4b:s8+s3], $0x80, $0x38;
	[tilespmem:$0x1FF00] =	vst v63  }
0xb1: {  	s16 =	sadd.s32 $0x200, s7  }
0xb2: {  	[tilespmem:s24], [sflag:$0x6] =	stream.linear.gather [hbm4b:s16+s3], $0x80, $0x38;
	[tilespmem:$0x1FF00] =	vst v63  }
0xb3: {  	s6 =	sadd.s32 $0x400, s6  }
0xb4: {  	[tilespmem:s25], [sflag:$0x8] =	stream.linear.gather [hbm4b:s6+s3], $0x80, $0x38;
	[tilespmem:$0x1FF00] =	vst v63  }
0xb5: {  	s17 =	sadd.s32 $0x400, s7  }
0xb6: {  	[tilespmem:s26], [sflag:$0x9] =	stream.linear.gather [hbm4b:s17+s3], $0x80, $0x38;
	[tilespmem:$0x1FF00] =	vst v63  }
0xb7: {  	_ =	swait.ge [sflag:s28], $0x80  }
0xb8: {  	[sflag:s28] =	ssyncset.done $0x0  }
0xb9: {  	[sflag:s28] =	ssyncadd.s32 $0xFFFFFF80  }
0xba: {  	[tilespmem:s20], [sflag:$0x1] =	stream.indirect.gather [hbm4b:s4+s22], $0x80, s3, s22, $0xb8;
	[tilespmem:$0x1FF00] =	vst v63  }
0xbb: {  	_ =	swait.ge [sflag:s29], $0x80  }
0xbc: {  	[sflag:s29] =	ssyncset.done $0x0  }
0xbd: {  	[sflag:s29] =	ssyncadd.s32 $0xFFFFFF80  }
0xbe: {  	[tilespmem:s30], [sflag:$0x4] =	stream.indirect.gather [hbm4b:s4+s22], $0x80, s23, s22, $0xb8;
	[tilespmem:$0x1FF00] =	vst v63  }
0xbf: {  	_ =	swait.ge [sflag:s31], $0x80  }
0xc0: {  	[sflag:s31] =	ssyncset.done $0x0  }
0xc1: {  	[sflag:s31] =	ssyncadd.s32 $0xFFFFFF80  }
0xc2: {  	[tilespmem:s0], [sflag:$0x7] =	stream.indirect.gather [hbm4b:s4+s22], $0x80, s25, s22, $0xb8;
	[tilespmem:$0x1FF00] =	vst v63  }
0xc3: {  	_ =	swait.ge [sflag:s1], $0x4000  }
0xc4: {  	[sflag:s1] =	ssyncset.done $0x0  }
0xc5: {  	[sflag:s1] =	ssyncadd.s32 $0xFFFFC000  }
0xc6: {  	_ =	swait.ge [sflag:s10], $0x80  }
0xc7: {  	[sflag:s10] =	ssyncset.done $0x0  }
0xc8: {  	[sflag:s10] =	ssyncadd.s32 $0xFFFFFF80  }
0xc9: {  	[spmem:s2] =	stream.indirect.scatter.add.f32 [tilespmem:s20], [sflag:$0xA], $0x80, s22, s22, $0xb8;
	[tilespmem:$0x1FF00] =	vst v63  }
0xca: {  	_ =	swait.ge [sflag:s21], $0x4000  }
0xcb: {  	[sflag:s21] =	ssyncset.done $0x0  }
0xcc: {  	[sflag:s21] =	ssyncadd.s32 $0xFFFFC000  }
0xcd: {  	_ =	swait.ge [sflag:s11], $0x4000  }
0xce: {  	[sflag:s11] =	ssyncset.done $0x0  }
0xcf: {  	[sflag:s11] =	ssyncadd.s32 $0xFFFFC000  }
0xd0: {  	_ =	swait.ge [sflag:s12], $0x80  }
0xd1: {  	[sflag:s12] =	ssyncset.done $0x0  }
0xd2: {  	[sflag:s12] =	ssyncadd.s32 $0xFFFFFF80  }
0xd3: {  	[spmem:s2] =	stream.indirect.scatter.add.f32 [tilespmem:s30], [sflag:$0xA], $0x80, s24, s22, $0xb8;
	[tilespmem:$0x1FF00] =	vst v63  }
0xd4: {  	_ =	swait.ge [sflag:s21], $0x4000  }
0xd5: {  	[sflag:s21] =	ssyncset.done $0x0  }
0xd6: {  	[sflag:s21] =	ssyncadd.s32 $0xFFFFC000  }
0xd7: {  	_ =	swait.ge [sflag:s13], $0x4000  }
0xd8: {  	[sflag:s13] =	ssyncset.done $0x0  }
0xd9: {  	[sflag:s13] =	ssyncadd.s32 $0xFFFFC000  }
0xda: {  	_ =	swait.ge [sflag:s14], $0x80  }
0xdb: {  	[sflag:s14] =	ssyncset.done $0x0  }
0xdc: {  	[sflag:s14] =	ssyncadd.s32 $0xFFFFFF80  }
0xdd: {  	[spmem:s2] =	stream.indirect.scatter.add.f32 [tilespmem:s0], [sflag:$0xA], $0x80, s26, s22, $0xb8;
	[tilespmem:$0x1FF00] =	vst v63  }
0xde: {  	_ =	swait.ge [sflag:s21], $0x4000  }
0xdf: {  	[sflag:s21] =	ssyncset.done $0x0  }
0xe0: {  	s6 =	simm.s32 @!p0 $0x0;
	s7 =	rddreg [dreg:$0x6];
	[sflag:s21] =	ssyncadd.s32 $0xFFFFC000  }
0xe1: {  	[tilespmem:s6], [sflag:$0xA] =	stream.linear.gather @!p0 [hbm4b:s7+s6], $0x80, $0x38;
	[tilespmem:$0x1FF00] =	vst v63  }
0xe2: {  	s7 =	simm.s32 @!p0 $0xA  }
0xe3: {  	_ =	swait.ge @!p0 [sflag:s7], $0x80  }
0xe4: {  	[sflag:s7] =	ssyncset.done @!p0 $0x0  }
0xe5: {  	s8 =	simm.s32 @!p0 $0x80;
	s16 =	rddreg [dreg:$0x7];
	[sflag:s7] =	ssyncadd.s32 @!p0 $0xFFFFFF80  }
0xe6: {  	[tilespmem:s8], [sflag:$0xA] =	stream.linear.gather @!p0 [hbm4b:s16+s6], $0x80, $0x38;
	[tilespmem:$0x1FF00] =	vst v63  }
0xe7: {  	_ =	swait.ge @!p0 [sflag:s7], $0x80  }
0xe8: {  	[sflag:s7] =	ssyncset.done @!p0 $0x0  }
0xe9: {  	s16 =	simm.s32 @!p0 $0x300;
	[sflag:s7] =	ssyncadd.s32 @!p0 $0xFFFFFF80  }
0xea: {  	[tilespmem:s16], [sflag:$0x1] =	stream.indirect.gather @!p0 [hbm4b:s4+s8], $0x80, s6, s8, $0xb8;
	[tilespmem:$0x1FF00] =	vst v63  }
0xeb: {  	s6 =	simm.s32 @!p0 $0x1  }
0xec: {  	_ =	swait.ge @!p0 [sflag:s6], $0x4000  }
0xed: {  	[sflag:s6] =	ssyncset.done @!p0 $0x0  }
0xee: {  	[sflag:s6] =	ssyncadd.s32 @!p0 $0xFFFFC000  }
0xef: {  	[spmem:s2] =	stream.indirect.scatter.add.f32 @!p0 [tilespmem:s16], [sflag:$0xA], $0x80, s8, s8, $0xb8;
	[tilespmem:$0x1FF00] =	vst v63  }
0xf0: {  	_ =	swait.ge @!p0 [sflag:s7], $0x4000  }
0xf1: {  	[sflag:s7] =	ssyncset.done @!p0 $0x0  }
0xf2: {  	[sflag:s7] =	ssyncadd.s32 @!p0 $0xFFFFC000  }
0xf3: {  	[bflag:$0x0] =	sbarrier.arrive $0xFFFF  }
0xf4: {  	s7 =	rddreg [dreg:$0x3]  }
0xf5: {  	[tilespmem:s20], [sflag:$0x1] =	stream.linear.gather [spmem:s7], $0x4000, $0x38;
	[tilespmem:$0x1FF00] =	vst v63  }
0xf6: {  	_ = 	snop  }
0xf7: {  	[tilespmem:s30], [sflag:$0x4] =	stream.linear.gather [spmem:s9], $0x4000, $0x38;
	[tilespmem:$0x1FF00] =	vst v63  }
0xf8: {  	_ =	swait.ge [sflag:s1], $0x4000  }
0xf9: {  	[sflag:s1] =	ssyncset.done $0x0  }
0xfa: {  	s8 =	rddreg [dreg:$0x8];
	[sflag:s1] =	ssyncadd.s32 $0xFFFFC000  }
0xfb: {  	[hbm4b:s8+s3] =	stream.linear.scatter [tilespmem:s20], [sflag:$0xA], $0x4000, $0x38;
	[tilespmem:$0x1FF00] =	vst v63  }
0xfc: {  	_ =	swait.ge [sflag:s21], $0x4000  }
0xfd: {  	[sflag:s21] =	ssyncset.done $0x0  }
0xfe: {  	[sflag:s21] =	ssyncadd.s32 $0xFFFFC000  }
0xff: {  	[tilespmem:s0], [sflag:$0x7] =	stream.linear.gather [spmem:s5], $0x4000, $0x38;
	[tilespmem:$0x1FF00] =	vst v63  }
0x100: {  	_ =	swait.ge [sflag:s11], $0x4000  }
0x101: {  	[sflag:s11] =	ssyncset.done $0x0  }
0x102: {  	s7 =	smov.u32 s9;
	s9 =	rddreg [dreg:$0x9];
	[sflag:s11] =	ssyncadd.s32 $0xFFFFC000  }
0x103: {  	[hbm4b:s9+s3] =	stream.linear.scatter [tilespmem:s30], [sflag:$0xA], $0x4000, $0x38;
	[tilespmem:$0x1FF00] =	vst v63  }
0x104: {  	_ =	swait.ge [sflag:s21], $0x4000  }
0x105: {  	[sflag:s21] =	ssyncset.done $0x0  }
0x106: {  	s16 =	rddreg [dreg:$0x4];
	[sflag:s21] =	ssyncadd.s32 $0xFFFFC000  }
0x107: {  	[tilespmem:s20], [sflag:$0x1] =	stream.linear.gather [spmem:s16], $0x4000, $0x38;
	[tilespmem:$0x1FF00] =	vst v63  }
0x108: {  	_ =	swait.ge [sflag:s13], $0x4000  }
0x109: {  	[sflag:s13] =	ssyncset.done $0x0  }
0x10a: {  	s17 =	rddreg [dreg:$0xa];
	[sflag:s13] =	ssyncadd.s32 $0xFFFFC000  }
0x10b: {  	[hbm4b:s17+s3] =	stream.linear.scatter [tilespmem:s0], [sflag:$0xA], $0x4000, $0x38;
	[tilespmem:$0x1FF00] =	vst v63  }
0x10c: {  	_ =	swait.ge [sflag:s21], $0x4000  }
0x10d: {  	[sflag:s21] =	ssyncset.done $0x0  }
0x10e: {  	s6 =	rddreg [dreg:$0x5];
	[sflag:s21] =	ssyncadd.s32 $0xFFFFC000  }
0x10f: {  	[tilespmem:s30], [sflag:$0x4] =	stream.linear.gather [spmem:s6], $0x3C00, $0x38;
	[tilespmem:$0x1FF00] =	vst v63  }
0x110: {  	_ =	swait.ge [sflag:s1], $0x4000  }
0x111: {  	[sflag:s1] =	ssyncset.done $0x0  }
0x112: {  	s9 =	rddreg [dreg:$0xb];
	[sflag:s1] =	ssyncadd.s32 $0xFFFFC000  }
0x113: {  	[hbm4b:s9+s3] =	stream.linear.scatter [tilespmem:s20], [sflag:$0xA], $0x4000, $0x38;
	[tilespmem:$0x1FF00] =	vst v63  }
0x114: {  	_ =	swait.ge [sflag:s21], $0x4000  }
0x115: {  	[sflag:s21] =	ssyncset.done $0x0  }
0x116: {  	[sflag:s21] =	ssyncadd.s32 $0xFFFFC000  }
0x117: {  	_ =	swait.ge [sflag:s11], $0x3C00  }
0x118: {  	[sflag:s11] =	ssyncset.done $0x0  }
0x119: {  	s16 =	rddreg [dreg:$0xc];
	[sflag:s11] =	ssyncadd.s32 $0xFFFFC400  }
0x11a: {  	[hbm4b:s16+s3] =	stream.linear.scatter [tilespmem:s30], [sflag:$0xA], $0x3C00, $0x38;
	[tilespmem:$0x1FF00] =	vst v63  }
0x11b: {  	_ =	swait.ge [sflag:s21], $0x3C00  }
0x11c: {  	s15 =	sadd.s32 $0x1, s15;
	s17 =	rddreg [dreg:$0xd]  }
0x11d: {  	p1 =	sne.s32 s15, s17  }
.Ltmp2:
0x11e: {  	_ = 	snop;
	(pc) =	sbr.rel @p1 .LBB2_1-.Ltmp2, $3  }
0x11f: {  	_ =	sdelay $0x1  }
0x120: {  	[sflag:s21] =	ssyncset.done $0x0  }
0x121: {  	s8 =	smov.u32 s5;
	[sflag:s21] =	ssyncadd.s32 $0xFFFFC400  }
0x122: {  	_ =	sfence.sel $0x180000  }
0x123: {  	[bflag:$0x0] =	sbarrier.arrive $0xFFFF  }
0x124: {  	_ =	strace $0x9000004A  }
0x125: {  	s0 =	stileid.u32;
	[bflag:$0x2] =	sbarrier.arrive $0xFFFF  }
0x126: {  	p0 =	sne.s32 s0, $0x0;
	s0 =	rddreg [dreg:$0x2]  }
0x127: {  	s0 =	sadd.s32 @!p0 $0x100000, s0  }
0x128: {  	[sflag:s0] =	ssyncadd.tile.s32 @!p0 $0x1;
	_ =	shalt  }
.Lfunc_end2:
_tile_overlayer_lowered:
.L_overlay_start_2:
0x129: {  	(tag) =	ssettag $0x2  }
0x12a: {  	s0 =	rddreg [dreg:$0x0];
	s2 =	stileid.u32  }
0x12b: {  	s1 =	rddreg [dreg:$0x1];
	p0 =	sne.s32 s2, $0x0  }
0x12c: {  	s3 =	rddreg [dreg:$0x2];
	[bflag:$0x3] =	sbarrier.arrive $0xFFFF;
	s2 =	simm.s32 @!p0 $0x1C0A  }
0x12d: {  	[timem:s3], [sflag:s2] =	dma.local @!p0 [hbm:s0], s1  }
0x12e: {  	s0 =	simm.s32 @!p0 $0xA  }
0x12f: {  	_ =	swait.ge @!p0 [sflag:s0], s1  }
0x130: {  	s1 =	ssub.s32 @!p0 $0x0, s1;
	[sflag:s0] =	ssyncset.done @!p0 $0x0  }
0x131: {  	[sflag:s0] =	ssyncadd.s32 @!p0 s1  }
0x132: {  	[bflag:$0x3] =	sbarrier.arrive $0xFFFF  }
0x133: {  	_ =	shalt  }

// kernel: kernel.15.cloned.1.call-start
scs
__scs_entry_jumppad:
0x0: {  	(pc) =	sbr.rel $0x88, $3  }
0x1: {  	(tag) =	ssettag $0x0;
	lr =	simm.s32 $0x1  }
0x2: {  	[smem:$0x3F98] =	sst lr;
	_ =	strace $0xD0000000  }
0x3: {  	_ = 	snop  }
0x4: {  	_ = 	snop  }
0x5: {  	_ = 	snop  }
0x6: {  	_ = 	snop  }
0x7: {  	_ = 	snop  }
__scs_overlays_trampoline_lowered:
0x8: {  	[smem:$0x3FA7] =	sst s0  }
0x9: {  	[smem:$0x3FA8] =	sst s1  }
0xa: {  	[smem:$0x3FA9] =	sst s2  }
0xb: {  	[smem:$0x3FAA] =	sst s3  }
0xc: {  	[smem:$0x3FAB] =	sst s4  }
0xd: {  	[smem:$0x3FAC] =	sst s5  }
0xe: {  	[smem:$0x3FAD] =	sst s6  }
0xf: {  	[smem:$0x3FAE] =	sst s7  }
0x10: {  	[smem:$0x3FAF] =	sst s8  }
0x11: {  	[smem:$0x3FB0] =	sst s9;
	s0 =	simm.s32 @!p0 $0x0  }
0x12: {  	s1 =	sld [smem:$0x3F96];
	s0 =	simm.s32 @p0 $0x1  }
0x13: {  	[smem:$0x3FB1] =	sst s0;
	s0 =	simm.s32 @!p1 $0x0  }
0x14: {  	s2 =	sld [smem:$0x3F95];
	s0 =	simm.s32 @p1 $0x1  }
0x15: {  	[smem:$0x3FB2] =	sst s0;
	s0 =	simm.s32 @!p2 $0x0  }
0x16: {  	s3 =	sld [smem:$0x3FDB];
	s0 =	simm.s32 @p2 $0x1  }
0x17: {  	s4 =	simm.s32 $0x1BF5;
	[smem:$0x3FB4] =	sst s0  }
0x18: {  	s0 =	sld [smem:$0x3F97];
	_ =	swait.ge [sflag:s4], $0x0  }
0x19: {  	s7 =	sld [smem:$0x3F98]  }
0x1a: {  	s8 =	sadd.s32 $0xFFFFE003, lr  }
0x1b: {  	s9 =	sadd.s32 $0xFFFFFEF7, lr;
	s5 =	simm.s32 $0xFFFFFFFF;
	p2 =	slt.u32 s8, $0xFFFFF086  }
0x1c: {  	p1 =	slt.u32 s9, $0xF7A;
	s5 =	simm.s32 @!p2 $0x0  }
0x1d: {  	s5 =	simm.s32 @p1 $0x1;
	p0 =	seq.s32 s7, s2  }
0x1e: {  	s7 =	smul.u32 @!p0 $0xF7A, s2;
	p2 =	seq.s32 @!p0 s5, $0x0  }
0x1f: {  	s9 =	smul.u32 $0xF7A, s1;
	s8 =	simm.s32 @!p0 $0x1BF5;
	p2 =	por !p2, p0  }
0x20: {  	[sflag:s8] =	ssyncset.s32 @!p0 $0xFFFFF086;
	s6 =	sadd.s32 @!p0 s3, s7;
	s7 =	simm.s32 @!p0 $0x108  }
0x21: {  	s3 =	sadd.s32 s3, s9;
	s6 =	sadd.s32 @!p0 $0x88, s6;
	s7 =	simm.s32 @p2 $0x1082  }
0x22: {  	[simem:s7], [sflag:s8] =	dma.local @!p0 [hbm:s6], $0xF7A  }
0x23: {  	s9 =	sor.u32 $0xD0000000, s2;
	s6 =	simm.s32 $0x108;
	_ =	swait.ge @!p0 [sflag:s8], $0x0  }
0x24: {  	s3 =	sadd.s32 $0x88, s3;
	s6 =	simm.s32 @!p1 $0x1082;
	[sflag:s4] =	ssyncset.s32 $0xFFFFF086  }
0x25: {  	[simem:s6], [sflag:s4] =	dma.local [hbm:s3], $0xF7A  }
0x26: {  	[smem:$0x3F98] =	sst s1;
	(tag) =	ssettag s2;
	_ =	strace s9  }
0x27: {  	s1 =	sld [smem:$0x3FA8]  }
0x28: {  	s2 =	sld [smem:$0x3FA9]  }
0x29: {  	s4 =	sld [smem:$0x3FAB]  }
0x2a: {  	p0 =	seq.s32 s5, $0x0;
	s5 =	sld [smem:$0x3FAC]  }
0x2b: {  	s6 =	sld [smem:$0x3FAD]  }
0x2c: {  	s7 =	sld [smem:$0x3FAE]  }
0x2d: {  	s3 =	simm.s32 $0x108;
	s8 =	sld [smem:$0x3FAF]  }
0x2e: {  	s3 =	simm.s32 @!p0 $0x1082;
	s9 =	sld [smem:$0x3FB0]  }
0x2f: {  	lr =	sadd.s32 s0, s3;
	s0 =	sld [smem:$0x3FA7]  }
0x30: {  	s3 =	sld [smem:$0x3FAA]  }
0x31: {  	[smem:$0x3FB3] =	sst s10  }
0x32: {  	s10 =	sld [smem:$0x3FB1];
	_ =	sdelay $0x3  }
0x33: {  	p0 =	seq.s32 s10, $0x1;
	s10 =	sld [smem:$0x3FB3];
	_ =	sdelay $0x3  }
0x34: {  	[smem:$0x3FB3] =	sst s10  }
0x35: {  	s10 =	sld [smem:$0x3FB2];
	_ =	sdelay $0x3  }
0x36: {  	p1 =	seq.s32 s10, $0x1;
	s10 =	sld [smem:$0x3FB3];
	_ =	sdelay $0x3  }
0x37: {  	[smem:$0x3FB3] =	sst s10  }
0x38: {  	s10 =	sld [smem:$0x3FB4]  }
0x39: {  	_ = 	snop;
	(pc) =	sbr.ind lr, $3  }
0x3a: {  	_ = 	snop  }
0x3b: {  	_ = 	snop  }
0x3c: {  	p2 =	seq.s32 s10, $0x1;
	s10 =	sld [smem:$0x3FB3]  }
0x3d: {  	_ =	shalt  }
0x3e: {  	_ =	shalt  }
0x3f: {  	_ =	shalt  }
0x40: {  	_ =	shalt  }
0x41: {  	_ =	shalt  }
0x42: {  	_ =	shalt  }
0x43: {  	_ =	shalt  }
0x44: {  	_ =	shalt  }
0x45: {  	_ =	shalt  }
0x46: {  	_ =	shalt  }
0x47: {  	_ =	shalt  }
0x48: {  	_ =	shalt  }
0x49: {  	_ =	shalt  }
0x4a: {  	_ =	shalt  }
0x4b: {  	_ =	shalt  }
0x4c: {  	_ =	shalt  }
0x4d: {  	_ =	shalt  }
0x4e: {  	_ =	shalt  }
0x4f: {  	_ =	shalt  }
0x50: {  	_ =	shalt  }
0x51: {  	_ =	shalt  }
0x52: {  	_ =	shalt  }
0x53: {  	_ =	shalt  }
0x54: {  	_ =	shalt  }
0x55: {  	_ =	shalt  }
0x56: {  	_ =	shalt  }
0x57: {  	_ =	shalt  }
0x58: {  	_ =	shalt  }
0x59: {  	_ =	shalt  }
0x5a: {  	_ =	shalt  }
0x5b: {  	_ =	shalt  }
0x5c: {  	_ =	shalt  }
0x5d: {  	_ =	shalt  }
0x5e: {  	_ =	shalt  }
0x5f: {  	_ =	shalt  }
0x60: {  	_ =	shalt  }
0x61: {  	_ =	shalt  }
0x62: {  	_ =	shalt  }
0x63: {  	_ =	shalt  }
0x64: {  	_ =	shalt  }
0x65: {  	_ =	shalt  }
0x66: {  	_ =	shalt  }
0x67: {  	_ =	shalt  }
0x68: {  	_ =	shalt  }
0x69: {  	_ =	shalt  }
0x6a: {  	_ =	shalt  }
0x6b: {  	_ =	shalt  }
0x6c: {  	_ =	shalt  }
0x6d: {  	_ =	shalt  }
0x6e: {  	_ =	shalt  }
0x6f: {  	_ =	shalt  }
0x70: {  	_ =	shalt  }
0x71: {  	_ =	shalt  }
0x72: {  	_ =	shalt  }
0x73: {  	_ =	shalt  }
0x74: {  	_ =	shalt  }
0x75: {  	_ =	shalt  }
0x76: {  	_ =	shalt  }
0x77: {  	_ =	shalt  }
0x78: {  	_ =	shalt  }
0x79: {  	_ =	shalt  }
0x7a: {  	_ =	shalt  }
0x7b: {  	_ =	shalt  }
0x7c: {  	_ =	shalt  }
0x7d: {  	_ =	shalt  }
0x7e: {  	_ =	shalt  }
0x7f: {  	_ =	shalt  }
0x80: {  	_ =	shalt  }
0x81: {  	_ =	shalt  }
0x82: {  	_ =	shalt  }
0x83: {  	_ =	shalt  }
0x84: {  	_ =	shalt  }
0x85: {  	_ =	shalt  }
0x86: {  	_ =	shalt  }
0x87: {  	_ =	shalt  }
.Lfunc_end0:
.L_simem_size_0:
called_computation.2_lowered:
.L_overlay_start_0:
0x88: {  	s2 =	sld [smem:$0x3FD9]  }
0x89: {  	s3 =	sld [smem:$0x3FFE];
	_ =	sdelay $0x1  }
0x8a: {  	s1 =	srdreg.scid  }
0x8b: {  	s0 =	sand.u32 $0x1, s1  }
0x8c: {  	s16 =	sshll.u32 s0, $0xA;
	s2 =	sadd.s32 s3, s2  }
0x8d: {  	s2 =	sadd.s32 s2, s16  }
0x8e: {  	[smem:$0x3FBF] =	sst s2  }
0x8f: {  	_ = 	snop  }
0x90: {  	(tm) =	ssettm $0x1  }
0x91: {  	s17 =	sld [smem:$0x3FFB];
	_ =	sdelay $0x3  }
0x92: {  	_ =	strace s17  }
0x93: {  	s2 =	sld [smem:$0x3FFC];
	_ =	sdelay $0x3  }
0x94: {  	_ =	strace s2  }
0x95: {  	s2 =	sld [smem:$0x3FFD];
	_ =	sdelay $0x3  }
0x96: {  	_ =	strace s2  }
0x97: {  	_ =	strace $0x8FFFFFFF  }
0x98: {  	s18 =	sld [smem:$0x3FDB];
	_ =	sdelay $0x1  }
0x99: {  	s19 =	simm.s32 $_scs_section_size  }
0x9a: {  	s4 =	simm.s32 $_size__tile_overlayer_lowered;
	s5 =	simm.s32 $_tile_overlayer_lowered  }
0x9b: {  	s22 =	simm.s32 $0x1BFF;
	s21 =	sshll.u32 s5, $0x1;
	s2 =	sadd.s32 s19, s18  }
0x9c: {  	s6 =	simm.s32 $0x0;
	s20 =	sshll.u32 s4, $0x1;
	s4 =	sadd.s32 s21, s2  }
0x9d: {  	[timem:s6], [sflag:s22] =	dma.local [hbm:s4], s20  }
0x9e: {  	_ =	swait.ge [sflag:s22], s20  }
0x9f: {  	s3 =	ssub.s32 $0x0, s20;
	[sflag:s22] =	ssyncset.done $0x0  }
0xa0: {  	[sflag:s22] =	ssyncadd.s32 s3;
	_ =	sdelay $0x1  }
0xa1: {  	s23 =	simm.s32 $0x1B8B  }
0xa2: {  	_ =	swait.ge [sflag:s23], $0x1  }
0xa3: {  	[sflag:s23] =	ssyncset.done $0x0  }
0xa4: {  	s25 =	simm.s32 $0x1B8E;
	s24 =	sld [smem:$0x3FFE];
	[sflag:s23] =	ssyncadd.s32 $0xFFFFFFFF  }
0xa5: {  	s26 =	simm.s32 $execute0_lowered;
	[smem:$0x3FD2] =	sst s25  }
0xa6: {  	s4 =	sshll.u32 s26, $0x1;
	_ =	strace $0x8000004C;
	[dreg:$0x1] =	wrdreg $0xFFFFFFFF  }
0xa7: {  	s28 =	simm.s32 $_size_execute0_lowered;
	s2 =	sadd.s32 s2, s4;
	[dreg:$0x0] =	wrdreg $0x0  }
0xa8: {  	s4 =	sshll.u32 s28, $0x1;
	[dreg:$0x2] =	wrdreg s2  }
0xa9: {  	[dreg:$0x3] =	wrdreg s4  }
0xaa: {  	[dreg:$0x4] =	wrdreg $0xC0  }
0xab: {  	_ =	task [dreg:s6], $0x5FFFF  }
0xac: {  	[dreg:$0x1] =	wrdreg $0xFFFFFFFF  }
0xad: {  	[dreg:$0x0] =	wrdreg $0x60  }
0xae: {  	[dreg:$0x2] =	wrdreg s24  }
0xaf: {  	[dreg:$0x3] =	wrdreg $0xC3000  }
0xb0: {  	[dreg:$0x4] =	wrdreg $0x9  }
0xb1: {  	_ =	task.clear_ibuf [dreg:s6], $0x5FFFF;
	_ =	strace $0x9000004C  }
0xb2: {  	s29 =	simm.s32 $0x9;
	_ =	strace $0x8000004E  }
0xb3: {  	_ =	swait.ge [sflag:s29], $0x1  }
0xb4: {  	[sflag:s29] =	ssyncadd.s32 $0xFFFFFFFF  }
0xb5: {  	_ =	strace $0x9000004E  }
0xb6: {  	_ =	sfence  }
0xb7: {  	s30 =	sld [smem:$0x0];
	_ =	sdelay $0x2  }
0xb8: {  	s31 =	sshll.u32 s1, $0xD;
	s1 =	sshrl.u32 s1, $0x2  }
0xb9: {  	s3 =	sand.u32 $0x4000, s31;
	s1 =	sadd.s32 s1, s30  }
0xba: {  	s0 =	sor.u32 s3, s0;
	s1 =	sshll.u32 s1, $0x11  }
0xbb: {  	s0 =	sor.u32 s1, s0  }
0xbc: {  	s0 =	sadd.s32 $0x8F2B, s0  }
0xbd: {  	[sflag:s0] =	ssyncadd.remote.s32 $0x1  }
0xbe: {  	_ =	sfence.sel $0xFFFF  }
0xbf: {  	[dreg:$0x0] =	wrdreg $0xFFFFFFFF;
	(pc) =	sbr.abs _section_cstart, $3  }
0xc0: {  	[dreg:$0x1] =	wrdreg $0xFFFFFFFF  }
0xc1: {  	_ =	task.clear_ibuf [dreg:s6], $0x2FFFF;
	_ =	strace $0x9FFFFFFF  }
0xc2: {  	(tm) =	ssettm $0x7FFFFFFF  }
0xc3: {  	_ =	shalt  }
tec
execute0_lowered:
.L_overlay_start_1:
0x0: {  	(tag) =	ssettag $0x1  }
0x1: {  	s0 =	rddreg [dreg:$0x0]  }
0x2: {  	s2 =	rddreg [dreg:$0x1]  }
0x3: {  	s1 =	srdreg.scid;
	s14 =	stileid.u32  }
0x4: {  	s3 =	simm.s32 $0x0;
	s28 =	simm.s32 $0x2;
	s29 =	simm.s32 $0x5  }
0x5: {  	s30 =	simm.s32 $0x4300;
	s31 =	simm.s32 $0x8;
	s1 =	sand.u32 $0x1, s1  }
0x6: {  	s4 =	smul.u32 $0x278, s14;
	[smem:$0x7FF] =	sst s3;
	s6 =	sadd.s32 $0xC800, s0  }
0x7: {  	s10 =	sadd.s32 $0x2A00, s0;
	s7 =	smul.u32 $0x4F000, s14;
	s11 =	sshll.u32 s14, $0x5  }
0x8: {  	p0 =	sgt.u32 s14, $0x1;
	s14 =	simm.s32 $0x9;
	s5 =	smul.u32 $0x2780, s1  }
0x9: {  	_ =	strace $0x8000004D;
	s8 =	ssub.s32 $0x2, s1;
	s1 =	sshll.u32 s1, $0x4  }
0xa: {  	s24 =	sadd.s32 s11, s10;
	s26 =	sadd.s32 s11, s6;
	s9 =	sshrl.u32 s8, $0x1  }
0xb: {  	s15 =	sshrl.u32 s7, $0x2;
	s16 =	sor.u32 s1, s11;
	s11 =	simm.s32 $0x4  }
0xc: {  	s5 =	sadd.s32 s4, s5;
	s4 =	sadd.s32 $0x16600, s0;
	s17 =	sor.u32 $0x9C00, s16  }
0xd: {  	s12 =	ssub.s32 s8, s9;
	s5 =	sshll.u32 s5, $0x4;
	s18 =	sadd.s32 s6, s17  }
0xe: {  	s19 =	sadd.s32 s10, s17;
	s25 =	smax.u32 s12, $0x1;
	[dreg:$0x6] =	wrdreg s18  }
0xf: {  	s10 =	simm.s32 $0x3;
	s12 =	simm.s32 $0x6;
	[dreg:$0x7] =	wrdreg s19  }
0x10: {  	s0 =	sadd.s32 s5, s0;
	s5 =	sadd.s32 s15, s2;
	[dreg:$0xd] =	wrdreg s25  }
0x11: {  	s7 =	sadd.s32 $0x4000, s5;
	s13 =	sadd.s32 $0xC000, s5;
	[dreg:$0x3] =	wrdreg s5  }
0x12: {  	s8 =	sadd.s32 $0x8000, s5;
	s5 =	sadd.s32 $0x10000, s5;
	[dreg:$0x4] =	wrdreg s13  }
0x13: {  	s18 =	sadd.s32 s1, s24;
	s20 =	sadd.s32 $0x3D800, s0;
	[dreg:$0x5] =	wrdreg s5  }
0x14: {  	s19 =	sadd.s32 s1, s26;
	s21 =	sadd.s32 $0x3E000, s0;
	[dreg:$0x8] =	wrdreg s20  }
0x15: {  	s24 =	simm.s32 $0x180;
	s22 =	sadd.s32 $0x3E800, s0;
	[dreg:$0x9] =	wrdreg s21  }
0x16: {  	s25 =	simm.s32 $0x200;
	s23 =	sadd.s32 $0x3F000, s0;
	[dreg:$0xa] =	wrdreg s22  }
0x17: {  	s26 =	simm.s32 $0x280;
	s0 =	sadd.s32 $0x3F800, s0;
	[dreg:$0xb] =	wrdreg s23  }
0x18: {  	s1 =	simm.s32 $0x1;
	s15 =	simm.s32 $0x0;
	[dreg:$0xc] =	wrdreg s0  }
0x19: {  	s20 =	simm.s32 $0x300;
	s21 =	simm.s32 $0xA;
	s22 =	simm.s32 $0x80  }
0x1a: {  	v0 =	vimm.f32 $0.0e+00;
	s23 =	simm.s32 $0x100;
	s0 =	simm.s32 $0x8300;
	s13 =	simm.s32 $0x7  }
.LBB2_1:
0x1b: {  	s16 =	simm.s32 $0x0;
	s17 =	simm.s32 $0x200  }
.LBB2_2:
0x1c: {  	p1 =	sne.s32 s17, $0xFE00;
	[tilespmem:s16+$0x370] =	vst v0  }
0x1d: {  	[tilespmem:s16+$0x300] =	vst v0  }
0x1e: {  	[tilespmem:s16+$0x310] =	vst v0  }
.Ltmp0:
0x1f: {  	[tilespmem:s16+$0x320] =	vst v0;
	(pc) =	sbr.rel @p1 .LBB2_2-.Ltmp0, $4  }
0x20: {  	[tilespmem:s16+$0x330] =	vst v0  }
0x21: {  	[tilespmem:s16+$0x340] =	vst v0  }
0x22: {  	[tilespmem:s16+$0x350] =	vst v0  }
0x23: {  	[tilespmem:s16+$0x360] =	vst v0;
	s16 =	sshra.s32 s17, $0x2;
	s17 =	sadd.s32 $0x200, s17  }
0x24: {  	[tilespmem:s16+$0x370] =	vst v0  }
0x25: {  	[tilespmem:s16+$0x300] =	vst v0  }
0x26: {  	[tilespmem:s16+$0x310] =	vst v0  }
0x27: {  	[tilespmem:s16+$0x320] =	vst v0  }
0x28: {  	[tilespmem:s16+$0x330] =	vst v0  }
0x29: {  	[tilespmem:s16+$0x340] =	vst v0  }
0x2a: {  	[tilespmem:s16+$0x350] =	vst v0  }
0x2b: {  	[tilespmem:s16+$0x360] =	vst v0;
	s5 =	rddreg [dreg:$0x3]  }
0x2c: {  	[spmem:s5] =	stream.linear.scatter [tilespmem:s20], [sflag:$0xA], $0x4000, $0x38;
	[tilespmem:$0x1FF00] =	vst v63  }
0x2d: {  	_ =	swait.ge [sflag:s21], $0x4000  }
0x2e: {  	[sflag:s21] =	ssyncset.done $0x0  }
0x2f: {  	[sflag:s21] =	ssyncadd.s32 $0xFFFFC000  }
0x30: {  	[spmem:s7] =	stream.linear.scatter [tilespmem:s20], [sflag:$0xA], $0x4000, $0x38;
	[tilespmem:$0x1FF00] =	vst v63  }
0x31: {  	_ =	swait.ge [sflag:s21], $0x4000  }
0x32: {  	[sflag:s21] =	ssyncset.done $0x0  }
0x33: {  	[sflag:s21] =	ssyncadd.s32 $0xFFFFC000  }
0x34: {  	[spmem:s8] =	stream.linear.scatter [tilespmem:s20], [sflag:$0xA], $0x4000, $0x38;
	[tilespmem:$0x1FF00] =	vst v63  }
0x35: {  	_ =	swait.ge [sflag:s21], $0x4000  }
0x36: {  	[sflag:s21] =	ssyncset.done $0x0  }
0x37: {  	s6 =	rddreg [dreg:$0x4];
	[sflag:s21] =	ssyncadd.s32 $0xFFFFC000  }
0x38: {  	[spmem:s6] =	stream.linear.scatter [tilespmem:s20], [sflag:$0xA], $0x4000, $0x38;
	[tilespmem:$0x1FF00] =	vst v63  }
0x39: {  	_ =	swait.ge [sflag:s21], $0x4000  }
0x3a: {  	[sflag:s21] =	ssyncset.done $0x0  }
0x3b: {  	s5 =	smov.u32 s8;
	s8 =	rddreg [dreg:$0x5];
	[sflag:s21] =	ssyncadd.s32 $0xFFFFC000  }
0x3c: {  	[spmem:s8] =	stream.linear.scatter [tilespmem:s20], [sflag:$0xA], $0x3C00, $0x38;
	[tilespmem:$0x1FF00] =	vst v63  }
0x3d: {  	_ =	swait.ge [sflag:s21], $0x3C00  }
0x3e: {  	[sflag:s21] =	ssyncset.done $0x0  }
0x3f: {  	[sflag:s21] =	ssyncadd.s32 $0xFFFFC400  }
0x40: {  	s16 =	sadd.s32 $0x0, s19;
	[bflag:$0x0] =	sbarrier.arrive $0xFFFF  }
0x41: {  	[tilespmem:s3], [sflag:$0x2] =	stream.linear.gather [hbm4b:s16+s3], $0x80, $0x38;
	[tilespmem:$0x1FF00] =	vst v63  }
0x42: {  	s9 =	smov.u32 s7;
	s7 =	sadd.s32 $0x0, s18  }
0x43: {  	[tilespmem:s22], [sflag:$0x3] =	stream.linear.gather [hbm4b:s7+s3], $0x80, $0x38;
	[tilespmem:$0x1FF00] =	vst v63  }
0x44: {  	s17 =	sadd.s32 $0x200, s16  }
0x45: {  	[tilespmem:s23], [sflag:$0x5] =	stream.linear.gather [hbm4b:s17+s3], $0x80, $0x38;
	[tilespmem:$0x1FF00] =	vst v63  }
0x46: {  	s8 =	sadd.s32 $0x200, s7  }
0x47: {  	[tilespmem:s24], [sflag:$0x6] =	stream.linear.gather [hbm4b:s8+s3], $0x80, $0x38;
	[tilespmem:$0x1FF00] =	vst v63  }
0x48: {  	s6 =	sadd.s32 $0x400, s16  }
0x49: {  	[tilespmem:s25], [sflag:$0x8] =	stream.linear.gather [hbm4b:s6+s3], $0x80, $0x38;
	[tilespmem:$0x1FF00] =	vst v63  }
0x4a: {  	s17 =	sadd.s32 $0x400, s7  }
0x4b: {  	[tilespmem:s26], [sflag:$0x9] =	stream.linear.gather [hbm4b:s17+s3], $0x80, $0x38;
	[tilespmem:$0x1FF00] =	vst v63  }
0x4c: {  	_ =	swait.ge [sflag:s28], $0x80  }
0x4d: {  	[sflag:s28] =	ssyncset.done $0x0  }
0x4e: {  	[sflag:s28] =	ssyncadd.s32 $0xFFFFFF80  }
0x4f: {  	[tilespmem:s20], [sflag:$0x1] =	stream.indirect.gather [hbm4b:s4+s22], $0x80, s3, s22, $0xb8;
	[tilespmem:$0x1FF00] =	vst v63  }
0x50: {  	_ =	swait.ge [sflag:s29], $0x80  }
0x51: {  	[sflag:s29] =	ssyncset.done $0x0  }
0x52: {  	[sflag:s29] =	ssyncadd.s32 $0xFFFFFF80  }
0x53: {  	[tilespmem:s30], [sflag:$0x4] =	stream.indirect.gather [hbm4b:s4+s22], $0x80, s23, s22, $0xb8;
	[tilespmem:$0x1FF00] =	vst v63  }
0x54: {  	_ =	swait.ge [sflag:s31], $0x80  }
0x55: {  	[sflag:s31] =	ssyncset.done $0x0  }
0x56: {  	[sflag:s31] =	ssyncadd.s32 $0xFFFFFF80  }
0x57: {  	[tilespmem:s0], [sflag:$0x7] =	stream.indirect.gather [hbm4b:s4+s22], $0x80, s25, s22, $0xb8;
	[tilespmem:$0x1FF00] =	vst v63  }
0x58: {  	_ =	swait.ge [sflag:s1], $0x4000  }
0x59: {  	[sflag:s1] =	ssyncset.done $0x0  }
0x5a: {  	[sflag:s1] =	ssyncadd.s32 $0xFFFFC000  }
0x5b: {  	_ =	swait.ge [sflag:s10], $0x80  }
0x5c: {  	[sflag:s10] =	ssyncset.done $0x0  }
0x5d: {  	[sflag:s10] =	ssyncadd.s32 $0xFFFFFF80  }
0x5e: {  	[spmem:s2] =	stream.indirect.scatter.add.f32 [tilespmem:s20], [sflag:$0xA], $0x80, s22, s22, $0xb8;
	[tilespmem:$0x1FF00] =	vst v63  }
0x5f: {  	_ =	swait.ge [sflag:s21], $0x4000  }
0x60: {  	[sflag:s21] =	ssyncset.done $0x0  }
0x61: {  	[sflag:s21] =	ssyncadd.s32 $0xFFFFC000  }
0x62: {  	_ =	swait.ge [sflag:s11], $0x4000  }
0x63: {  	[sflag:s11] =	ssyncset.done $0x0  }
0x64: {  	[sflag:s11] =	ssyncadd.s32 $0xFFFFC000  }
0x65: {  	_ =	swait.ge [sflag:s12], $0x80  }
0x66: {  	[sflag:s12] =	ssyncset.done $0x0  }
0x67: {  	[sflag:s12] =	ssyncadd.s32 $0xFFFFFF80  }
0x68: {  	[spmem:s2] =	stream.indirect.scatter.add.f32 [tilespmem:s30], [sflag:$0xA], $0x80, s24, s22, $0xb8;
	[tilespmem:$0x1FF00] =	vst v63  }
0x69: {  	_ =	swait.ge [sflag:s21], $0x4000  }
0x6a: {  	[sflag:s21] =	ssyncset.done $0x0  }
0x6b: {  	[sflag:s21] =	ssyncadd.s32 $0xFFFFC000  }
0x6c: {  	_ =	swait.ge [sflag:s13], $0x4000  }
0x6d: {  	[sflag:s13] =	ssyncset.done $0x0  }
0x6e: {  	[sflag:s13] =	ssyncadd.s32 $0xFFFFC000  }
0x6f: {  	_ =	swait.ge [sflag:s14], $0x80  }
0x70: {  	[sflag:s14] =	ssyncset.done $0x0  }
0x71: {  	[sflag:s14] =	ssyncadd.s32 $0xFFFFFF80  }
0x72: {  	[spmem:s2] =	stream.indirect.scatter.add.f32 [tilespmem:s0], [sflag:$0xA], $0x80, s26, s22, $0xb8;
	[tilespmem:$0x1FF00] =	vst v63  }
0x73: {  	_ =	swait.ge [sflag:s21], $0x4000  }
0x74: {  	s16 =	simm.s32 $0x600;
	s17 =	simm.s32 $0xC00;
	[sflag:s21] =	ssyncset.done $0x0  }
.LBB2_4:
0x75: {  	s7 =	sadd.s32 s16, s19  }
0x76: {  	[sflag:s21] =	ssyncadd.s32 $0xFFFFC000;
	s8 =	smov.u32 s17;
	s6 =	sadd.s32 $0x600, s17  }
0x77: {  	[tilespmem:s3], [sflag:$0x2] =	stream.linear.gather [hbm4b:s7+s3], $0x80, $0x38;
	[tilespmem:$0x1FF00] =	vst v63  }
0x78: {  	p1 =	sne.s32 s17, $0x9600;
	s17 =	sadd.s32 s16, s18;
	s16 =	smov.u32 s8  }
0x79: {  	[tilespmem:s22], [sflag:$0x3] =	stream.linear.gather [hbm4b:s17+s3], $0x80, $0x38;
	[tilespmem:$0x1FF00] =	vst v63  }
0x7a: {  	s8 =	sadd.s32 $0x200, s7  }
0x7b: {  	[tilespmem:s23], [sflag:$0x5] =	stream.linear.gather [hbm4b:s8+s3], $0x80, $0x38;
	[tilespmem:$0x1FF00] =	vst v63  }
0x7c: {  	s8 =	sadd.s32 $0x200, s17  }
0x7d: {  	[tilespmem:s24], [sflag:$0x6] =	stream.linear.gather [hbm4b:s8+s3], $0x80, $0x38;
	[tilespmem:$0x1FF00] =	vst v63  }
0x7e: {  	s7 =	sadd.s32 $0x400, s7  }
0x7f: {  	[tilespmem:s25], [sflag:$0x8] =	stream.linear.gather [hbm4b:s7+s3], $0x80, $0x38;
	[tilespmem:$0x1FF00] =	vst v63  }
0x80: {  	s7 =	sadd.s32 $0x400, s17  }
0x81: {  	[tilespmem:s26], [sflag:$0x9] =	stream.linear.gather [hbm4b:s7+s3], $0x80, $0x38;
	[tilespmem:$0x1FF00] =	vst v63  }
0x82: {  	_ =	swait.ge [sflag:s28], $0x80  }
0x83: {  	[sflag:s28] =	ssyncset.done $0x0  }
0x84: {  	[sflag:s28] =	ssyncadd.s32 $0xFFFFFF80  }
0x85: {  	[tilespmem:s20], [sflag:$0x1] =	stream.indirect.gather [hbm4b:s4+s22], $0x80, s3, s22, $0xb8;
	[tilespmem:$0x1FF00] =	vst v63  }
0x86: {  	_ =	swait.ge [sflag:s29], $0x80  }
0x87: {  	[sflag:s29] =	ssyncset.done $0x0  }
0x88: {  	[sflag:s29] =	ssyncadd.s32 $0xFFFFFF80  }
0x89: {  	[tilespmem:s30], [sflag:$0x4] =	stream.indirect.gather [hbm4b:s4+s22], $0x80, s23, s22, $0xb8;
	[tilespmem:$0x1FF00] =	vst v63  }
0x8a: {  	_ =	swait.ge [sflag:s31], $0x80  }
0x8b: {  	[sflag:s31] =	ssyncset.done $0x0  }
0x8c: {  	[sflag:s31] =	ssyncadd.s32 $0xFFFFFF80  }
0x8d: {  	[tilespmem:s0], [sflag:$0x7] =	stream.indirect.gather [hbm4b:s4+s22], $0x80, s25, s22, $0xb8;
	[tilespmem:$0x1FF00] =	vst v63  }
0x8e: {  	_ =	swait.ge [sflag:s1], $0x4000  }
0x8f: {  	[sflag:s1] =	ssyncset.done $0x0  }
0x90: {  	[sflag:s1] =	ssyncadd.s32 $0xFFFFC000  }
0x91: {  	_ =	swait.ge [sflag:s10], $0x80  }
0x92: {  	[sflag:s10] =	ssyncset.done $0x0  }
0x93: {  	[sflag:s10] =	ssyncadd.s32 $0xFFFFFF80  }
0x94: {  	[spmem:s2] =	stream.indirect.scatter.add.f32 [tilespmem:s20], [sflag:$0xA], $0x80, s22, s22, $0xb8;
	[tilespmem:$0x1FF00] =	vst v63  }
0x95: {  	_ =	swait.ge [sflag:s21], $0x4000  }
0x96: {  	[sflag:s21] =	ssyncset.done $0x0  }
0x97: {  	[sflag:s21] =	ssyncadd.s32 $0xFFFFC000  }
0x98: {  	_ =	swait.ge [sflag:s11], $0x4000  }
0x99: {  	[sflag:s11] =	ssyncset.done $0x0  }
0x9a: {  	[sflag:s11] =	ssyncadd.s32 $0xFFFFC000  }
0x9b: {  	_ =	swait.ge [sflag:s12], $0x80  }
0x9c: {  	[sflag:s12] =	ssyncset.done $0x0  }
0x9d: {  	[sflag:s12] =	ssyncadd.s32 $0xFFFFFF80  }
0x9e: {  	[spmem:s2] =	stream.indirect.scatter.add.f32 [tilespmem:s30], [sflag:$0xA], $0x80, s24, s22, $0xb8;
	[tilespmem:$0x1FF00] =	vst v63  }
0x9f: {  	_ =	swait.ge [sflag:s21], $0x4000  }
0xa0: {  	[sflag:s21] =	ssyncset.done $0x0  }
0xa1: {  	[sflag:s21] =	ssyncadd.s32 $0xFFFFC000  }
0xa2: {  	_ =	swait.ge [sflag:s13], $0x4000  }
0xa3: {  	[sflag:s13] =	ssyncset.done $0x0  }
0xa4: {  	[sflag:s13] =	ssyncadd.s32 $0xFFFFC000  }
0xa5: {  	_ =	swait.ge [sflag:s14], $0x80  }
.Ltmp1:
0xa6: {  	[sflag:s14] =	ssyncset.done $0x0;
	(pc) =	sbr.rel @p1 .LBB2_4-.Ltmp1, $4  }
0xa7: {  	[sflag:s14] =	ssyncadd.s32 $0xFFFFFF80  }
0xa8: {  	[spmem:s2] =	stream.indirect.scatter.add.f32 [tilespmem:s0], [sflag:$0xA], $0x80, s26, s22, $0xb8;
	[tilespmem:$0x1FF00] =	vst v63  }
0xa9: {  	_ =	swait.ge [sflag:s21], $0x4000  }
0xaa: {  	s17 =	smov.u32 s6;
	[sflag:s21] =	ssyncset.done $0x0  }
0xab: {  	s6 =	sadd.s32 s16, s19;
	[sflag:s21] =	ssyncadd.s32 $0xFFFFC000  }
0xac: {  	[tilespmem:s3], [sflag:$0x2] =	stream.linear.gather [hbm4b:s6+s3], $0x80, $0x38;
	[tilespmem:$0x1FF00] =	vst v63  }
0xad: {  	s7 =	sadd.s32 s16, s18  }
0xae: {  	[tilespmem:s22], [sflag:$0x3] =	stream.linear.gather [hbm4b:s7+s3], $0x80, $0x38;
	[tilespmem:$0x1FF00] =	vst v63  }
0xaf: {  	s8 =	sadd.s32 $0x200, s6  }
0xb0: {  	[tilespmem:s23], [sflag:$0x5] =	stream.linear.gather [hbm4b:s8+s3], $0x80, $0x38;
	[tilespmem:$0x1FF00] =	vst v63  }
0xb1: {  	s16 =	sadd.s32 $0x200, s7  }
0xb2: {  	[tilespmem:s24], [sflag:$0x6] =	stream.linear.gather [hbm4b:s16+s3], $0x80, $0x38;
	[tilespmem:$0x1FF00] =	vst v63  }
0xb3: {  	s6 =	sadd.s32 $0x400, s6  }
0xb4: {  	[tilespmem:s25], [sflag:$0x8] =	stream.linear.gather [hbm4b:s6+s3], $0x80, $0x38;
	[tilespmem:$0x1FF00] =	vst v63  }
0xb5: {  	s17 =	sadd.s32 $0x400, s7  }
0xb6: {  	[tilespmem:s26], [sflag:$0x9] =	stream.linear.gather [hbm4b:s17+s3], $0x80, $0x38;
	[tilespmem:$0x1FF00] =	vst v63  }
0xb7: {  	_ =	swait.ge [sflag:s28], $0x80  }
0xb8: {  	[sflag:s28] =	ssyncset.done $0x0  }
0xb9: {  	[sflag:s28] =	ssyncadd.s32 $0xFFFFFF80  }
0xba: {  	[tilespmem:s20], [sflag:$0x1] =	stream.indirect.gather [hbm4b:s4+s22], $0x80, s3, s22, $0xb8;
	[tilespmem:$0x1FF00] =	vst v63  }
0xbb: {  	_ =	swait.ge [sflag:s29], $0x80  }
0xbc: {  	[sflag:s29] =	ssyncset.done $0x0  }
0xbd: {  	[sflag:s29] =	ssyncadd.s32 $0xFFFFFF80  }
0xbe: {  	[tilespmem:s30], [sflag:$0x4] =	stream.indirect.gather [hbm4b:s4+s22], $0x80, s23, s22, $0xb8;
	[tilespmem:$0x1FF00] =	vst v63  }
0xbf: {  	_ =	swait.ge [sflag:s31], $0x80  }
0xc0: {  	[sflag:s31] =	ssyncset.done $0x0  }
0xc1: {  	[sflag:s31] =	ssyncadd.s32 $0xFFFFFF80  }
0xc2: {  	[tilespmem:s0], [sflag:$0x7] =	stream.indirect.gather [hbm4b:s4+s22], $0x80, s25, s22, $0xb8;
	[tilespmem:$0x1FF00] =	vst v63  }
0xc3: {  	_ =	swait.ge [sflag:s1], $0x4000  }
0xc4: {  	[sflag:s1] =	ssyncset.done $0x0  }
0xc5: {  	[sflag:s1] =	ssyncadd.s32 $0xFFFFC000  }
0xc6: {  	_ =	swait.ge [sflag:s10], $0x80  }
0xc7: {  	[sflag:s10] =	ssyncset.done $0x0  }
0xc8: {  	[sflag:s10] =	ssyncadd.s32 $0xFFFFFF80  }
0xc9: {  	[spmem:s2] =	stream.indirect.scatter.add.f32 [tilespmem:s20], [sflag:$0xA], $0x80, s22, s22, $0xb8;
	[tilespmem:$0x1FF00] =	vst v63  }
0xca: {  	_ =	swait.ge [sflag:s21], $0x4000  }
0xcb: {  	[sflag:s21] =	ssyncset.done $0x0  }
0xcc: {  	[sflag:s21] =	ssyncadd.s32 $0xFFFFC000  }
0xcd: {  	_ =	swait.ge [sflag:s11], $0x4000  }
0xce: {  	[sflag:s11] =	ssyncset.done $0x0  }
0xcf: {  	[sflag:s11] =	ssyncadd.s32 $0xFFFFC000  }
0xd0: {  	_ =	swait.ge [sflag:s12], $0x80  }
0xd1: {  	[sflag:s12] =	ssyncset.done $0x0  }
0xd2: {  	[sflag:s12] =	ssyncadd.s32 $0xFFFFFF80  }
0xd3: {  	[spmem:s2] =	stream.indirect.scatter.add.f32 [tilespmem:s30], [sflag:$0xA], $0x80, s24, s22, $0xb8;
	[tilespmem:$0x1FF00] =	vst v63  }
0xd4: {  	_ =	swait.ge [sflag:s21], $0x4000  }
0xd5: {  	[sflag:s21] =	ssyncset.done $0x0  }
0xd6: {  	[sflag:s21] =	ssyncadd.s32 $0xFFFFC000  }
0xd7: {  	_ =	swait.ge [sflag:s13], $0x4000  }
0xd8: {  	[sflag:s13] =	ssyncset.done $0x0  }
0xd9: {  	[sflag:s13] =	ssyncadd.s32 $0xFFFFC000  }
0xda: {  	_ =	swait.ge [sflag:s14], $0x80  }
0xdb: {  	[sflag:s14] =	ssyncset.done $0x0  }
0xdc: {  	[sflag:s14] =	ssyncadd.s32 $0xFFFFFF80  }
0xdd: {  	[spmem:s2] =	stream.indirect.scatter.add.f32 [tilespmem:s0], [sflag:$0xA], $0x80, s26, s22, $0xb8;
	[tilespmem:$0x1FF00] =	vst v63  }
0xde: {  	_ =	swait.ge [sflag:s21], $0x4000  }
0xdf: {  	[sflag:s21] =	ssyncset.done $0x0  }
0xe0: {  	s6 =	simm.s32 @!p0 $0x0;
	s7 =	rddreg [dreg:$0x6];
	[sflag:s21] =	ssyncadd.s32 $0xFFFFC000  }
0xe1: {  	[tilespmem:s6], [sflag:$0xA] =	stream.linear.gather @!p0 [hbm4b:s7+s6], $0x80, $0x38;
	[tilespmem:$0x1FF00] =	vst v63  }
0xe2: {  	s7 =	simm.s32 @!p0 $0xA  }
0xe3: {  	_ =	swait.ge @!p0 [sflag:s7], $0x80  }
0xe4: {  	[sflag:s7] =	ssyncset.done @!p0 $0x0  }
0xe5: {  	s8 =	simm.s32 @!p0 $0x80;
	s16 =	rddreg [dreg:$0x7];
	[sflag:s7] =	ssyncadd.s32 @!p0 $0xFFFFFF80  }
0xe6: {  	[tilespmem:s8], [sflag:$0xA] =	stream.linear.gather @!p0 [hbm4b:s16+s6], $0x80, $0x38;
	[tilespmem:$0x1FF00] =	vst v63  }
0xe7: {  	_ =	swait.ge @!p0 [sflag:s7], $0x80  }
0xe8: {  	[sflag:s7] =	ssyncset.done @!p0 $0x0  }
0xe9: {  	s16 =	simm.s32 @!p0 $0x300;
	[sflag:s7] =	ssyncadd.s32 @!p0 $0xFFFFFF80  }
0xea: {  	[tilespmem:s16], [sflag:$0x1] =	stream.indirect.gather @!p0 [hbm4b:s4+s8], $0x80, s6, s8, $0xb8;
	[tilespmem:$0x1FF00] =	vst v63  }
0xeb: {  	s6 =	simm.s32 @!p0 $0x1  }
0xec: {  	_ =	swait.ge @!p0 [sflag:s6], $0x4000  }
0xed: {  	[sflag:s6] =	ssyncset.done @!p0 $0x0  }
0xee: {  	[sflag:s6] =	ssyncadd.s32 @!p0 $0xFFFFC000  }
0xef: {  	[spmem:s2] =	stream.indirect.scatter.add.f32 @!p0 [tilespmem:s16], [sflag:$0xA], $0x80, s8, s8, $0xb8;
	[tilespmem:$0x1FF00] =	vst v63  }
0xf0: {  	_ =	swait.ge @!p0 [sflag:s7], $0x4000  }
0xf1: {  	[sflag:s7] =	ssyncset.done @!p0 $0x0  }
0xf2: {  	[sflag:s7] =	ssyncadd.s32 @!p0 $0xFFFFC000  }
0xf3: {  	[bflag:$0x0] =	sbarrier.arrive $0xFFFF  }
0xf4: {  	s7 =	rddreg [dreg:$0x3]  }
0xf5: {  	[tilespmem:s20], [sflag:$0x1] =	stream.linear.gather [spmem:s7], $0x4000, $0x38;
	[tilespmem:$0x1FF00] =	vst v63  }
0xf6: {  	_ = 	snop  }
0xf7: {  	[tilespmem:s30], [sflag:$0x4] =	stream.linear.gather [spmem:s9], $0x4000, $0x38;
	[tilespmem:$0x1FF00] =	vst v63  }
0xf8: {  	_ =	swait.ge [sflag:s1], $0x4000  }
0xf9: {  	[sflag:s1] =	ssyncset.done $0x0  }
0xfa: {  	s8 =	rddreg [dreg:$0x8];
	[sflag:s1] =	ssyncadd.s32 $0xFFFFC000  }
0xfb: {  	[hbm4b:s8+s3] =	stream.linear.scatter [tilespmem:s20], [sflag:$0xA], $0x4000, $0x38;
	[tilespmem:$0x1FF00] =	vst v63  }
0xfc: {  	_ =	swait.ge [sflag:s21], $0x4000  }
0xfd: {  	[sflag:s21] =	ssyncset.done $0x0  }
0xfe: {  	[sflag:s21] =	ssyncadd.s32 $0xFFFFC000  }
0xff: {  	[tilespmem:s0], [sflag:$0x7] =	stream.linear.gather [spmem:s5], $0x4000, $0x38;
	[tilespmem:$0x1FF00] =	vst v63  }
0x100: {  	_ =	swait.ge [sflag:s11], $0x4000  }
0x101: {  	[sflag:s11] =	ssyncset.done $0x0  }
0x102: {  	s7 =	smov.u32 s9;
	s9 =	rddreg [dreg:$0x9];
	[sflag:s11] =	ssyncadd.s32 $0xFFFFC000  }
0x103: {  	[hbm4b:s9+s3] =	stream.linear.scatter [tilespmem:s30], [sflag:$0xA], $0x4000, $0x38;
	[tilespmem:$0x1FF00] =	vst v63  }
0x104: {  	_ =	swait.ge [sflag:s21], $0x4000  }
0x105: {  	[sflag:s21] =	ssyncset.done $0x0  }
0x106: {  	s16 =	rddreg [dreg:$0x4];
	[sflag:s21] =	ssyncadd.s32 $0xFFFFC000  }
0x107: {  	[tilespmem:s20], [sflag:$0x1] =	stream.linear.gather [spmem:s16], $0x4000, $0x38;
	[tilespmem:$0x1FF00] =	vst v63  }
0x108: {  	_ =	swait.ge [sflag:s13], $0x4000  }
0x109: {  	[sflag:s13] =	ssyncset.done $0x0  }
0x10a: {  	s17 =	rddreg [dreg:$0xa];
	[sflag:s13] =	ssyncadd.s32 $0xFFFFC000  }
0x10b: {  	[hbm4b:s17+s3] =	stream.linear.scatter [tilespmem:s0], [sflag:$0xA], $0x4000, $0x38;
	[tilespmem:$0x1FF00] =	vst v63  }
0x10c: {  	_ =	swait.ge [sflag:s21], $0x4000  }
0x10d: {  	[sflag:s21] =	ssyncset.done $0x0  }
0x10e: {  	s6 =	rddreg [dreg:$0x5];
	[sflag:s21] =	ssyncadd.s32 $0xFFFFC000  }
0x10f: {  	[tilespmem:s30], [sflag:$0x4] =	stream.linear.gather [spmem:s6], $0x3C00, $0x38;
	[tilespmem:$0x1FF00] =	vst v63  }
0x110: {  	_ =	swait.ge [sflag:s1], $0x4000  }
0x111: {  	[sflag:s1] =	ssyncset.done $0x0  }
0x112: {  	s9 =	rddreg [dreg:$0xb];
	[sflag:s1] =	ssyncadd.s32 $0xFFFFC000  }
0x113: {  	[hbm4b:s9+s3] =	stream.linear.scatter [tilespmem:s20], [sflag:$0xA], $0x4000, $0x38;
	[tilespmem:$0x1FF00] =	vst v63  }
0x114: {  	_ =	swait.ge [sflag:s21], $0x4000  }
0x115: {  	[sflag:s21] =	ssyncset.done $0x0  }
0x116: {  	[sflag:s21] =	ssyncadd.s32 $0xFFFFC000  }
0x117: {  	_ =	swait.ge [sflag:s11], $0x3C00  }
0x118: {  	[sflag:s11] =	ssyncset.done $0x0  }
0x119: {  	s16 =	rddreg [dreg:$0xc];
	[sflag:s11] =	ssyncadd.s32 $0xFFFFC400  }
0x11a: {  	[hbm4b:s16+s3] =	stream.linear.scatter [tilespmem:s30], [sflag:$0xA], $0x3C00, $0x38;
	[tilespmem:$0x1FF00] =	vst v63  }
0x11b: {  	_ =	swait.ge [sflag:s21], $0x3C00  }
0x11c: {  	s15 =	sadd.s32 $0x1, s15;
	s17 =	rddreg [dreg:$0xd]  }
0x11d: {  	p1 =	sne.s32 s15, s17  }
.Ltmp2:
0x11e: {  	_ = 	snop;
	(pc) =	sbr.rel @p1 .LBB2_1-.Ltmp2, $3  }
0x11f: {  	_ =	sdelay $0x1  }
0x120: {  	[sflag:s21] =	ssyncset.done $0x0  }
0x121: {  	s8 =	smov.u32 s5;
	[sflag:s21] =	ssyncadd.s32 $0xFFFFC400  }
0x122: {  	_ =	sfence.sel $0x180000  }
0x123: {  	[bflag:$0x0] =	sbarrier.arrive $0xFFFF  }
0x124: {  	_ =	strace $0x9000004D  }
0x125: {  	s0 =	stileid.u32;
	[bflag:$0x2] =	sbarrier.arrive $0xFFFF  }
0x126: {  	p0 =	sne.s32 s0, $0x0;
	s0 =	rddreg [dreg:$0x2]  }
0x127: {  	s0 =	sadd.s32 @!p0 $0x100000, s0  }
0x128: {  	[sflag:s0] =	ssyncadd.tile.s32 @!p0 $0x1;
	_ =	shalt  }
.Lfunc_end2:
_tile_overlayer_lowered:
.L_overlay_start_2:
0x129: {  	(tag) =	ssettag $0x2  }
0x12a: {  	s0 =	rddreg [dreg:$0x0];
	s2 =	stileid.u32  }
0x12b: {  	s1 =	rddreg [dreg:$0x1];
	p0 =	sne.s32 s2, $0x0  }
0x12c: {  	s3 =	rddreg [dreg:$0x2];
	[bflag:$0x3] =	sbarrier.arrive $0xFFFF;
	s2 =	simm.s32 @!p0 $0x1C0A  }
0x12d: {  	[timem:s3], [sflag:s2] =	dma.local @!p0 [hbm:s0], s1  }
0x12e: {  	s0 =	simm.s32 @!p0 $0xA  }
0x12f: {  	_ =	swait.ge @!p0 [sflag:s0], s1  }
0x130: {  	s1 =	ssub.s32 @!p0 $0x0, s1;
	[sflag:s0] =	ssyncset.done @!p0 $0x0  }
0x131: {  	[sflag:s0] =	ssyncadd.s32 @!p0 s1  }
0x132: {  	[bflag:$0x3] =	sbarrier.arrive $0xFFFF  }
0x133: {  	_ =	shalt  }

// kernel: kernel.9.cloned.1.call-start
scs
__scs_entry_jumppad:
0x0: {  	(pc) =	sbr.rel $0x88, $3  }
0x1: {  	(tag) =	ssettag $0x0;
	lr =	simm.s32 $0x1  }
0x2: {  	[smem:$0x3F98] =	sst lr;
	_ =	strace $0xD0000000  }
0x3: {  	_ = 	snop  }
0x4: {  	_ = 	snop  }
0x5: {  	_ = 	snop  }
0x6: {  	_ = 	snop  }
0x7: {  	_ = 	snop  }
__scs_overlays_trampoline_lowered:
0x8: {  	[smem:$0x3FA7] =	sst s0  }
0x9: {  	[smem:$0x3FA8] =	sst s1  }
0xa: {  	[smem:$0x3FA9] =	sst s2  }
0xb: {  	[smem:$0x3FAA] =	sst s3  }
0xc: {  	[smem:$0x3FAB] =	sst s4  }
0xd: {  	[smem:$0x3FAC] =	sst s5  }
0xe: {  	[smem:$0x3FAD] =	sst s6  }
0xf: {  	[smem:$0x3FAE] =	sst s7  }
0x10: {  	[smem:$0x3FAF] =	sst s8  }
0x11: {  	[smem:$0x3FB0] =	sst s9;
	s0 =	simm.s32 @!p0 $0x0  }
0x12: {  	s1 =	sld [smem:$0x3F96];
	s0 =	simm.s32 @p0 $0x1  }
0x13: {  	[smem:$0x3FB1] =	sst s0;
	s0 =	simm.s32 @!p1 $0x0  }
0x14: {  	s2 =	sld [smem:$0x3F95];
	s0 =	simm.s32 @p1 $0x1  }
0x15: {  	[smem:$0x3FB2] =	sst s0;
	s0 =	simm.s32 @!p2 $0x0  }
0x16: {  	s3 =	sld [smem:$0x3FDB];
	s0 =	simm.s32 @p2 $0x1  }
0x17: {  	s4 =	simm.s32 $0x1BF5;
	[smem:$0x3FB4] =	sst s0  }
0x18: {  	s0 =	sld [smem:$0x3F97];
	_ =	swait.ge [sflag:s4], $0x0  }
0x19: {  	s7 =	sld [smem:$0x3F98]  }
0x1a: {  	s8 =	sadd.s32 $0xFFFFE003, lr  }
0x1b: {  	s9 =	sadd.s32 $0xFFFFFEF7, lr;
	s5 =	simm.s32 $0xFFFFFFFF;
	p2 =	slt.u32 s8, $0xFFFFF086  }
0x1c: {  	p1 =	slt.u32 s9, $0xF7A;
	s5 =	simm.s32 @!p2 $0x0  }
0x1d: {  	s5 =	simm.s32 @p1 $0x1;
	p0 =	seq.s32 s7, s2  }
0x1e: {  	s7 =	smul.u32 @!p0 $0xF7A, s2;
	p2 =	seq.s32 @!p0 s5, $0x0  }
0x1f: {  	s9 =	smul.u32 $0xF7A, s1;
	s8 =	simm.s32 @!p0 $0x1BF5;
	p2 =	por !p2, p0  }
0x20: {  	[sflag:s8] =	ssyncset.s32 @!p0 $0xFFFFF086;
	s6 =	sadd.s32 @!p0 s3, s7;
	s7 =	simm.s32 @!p0 $0x108  }
0x21: {  	s3 =	sadd.s32 s3, s9;
	s6 =	sadd.s32 @!p0 $0x88, s6;
	s7 =	simm.s32 @p2 $0x1082  }
0x22: {  	[simem:s7], [sflag:s8] =	dma.local @!p0 [hbm:s6], $0xF7A  }
0x23: {  	s9 =	sor.u32 $0xD0000000, s2;
	s6 =	simm.s32 $0x108;
	_ =	swait.ge @!p0 [sflag:s8], $0x0  }
0x24: {  	s3 =	sadd.s32 $0x88, s3;
	s6 =	simm.s32 @!p1 $0x1082;
	[sflag:s4] =	ssyncset.s32 $0xFFFFF086  }
0x25: {  	[simem:s6], [sflag:s4] =	dma.local [hbm:s3], $0xF7A  }
0x26: {  	[smem:$0x3F98] =	sst s1;
	(tag) =	ssettag s2;
	_ =	strace s9  }
0x27: {  	s1 =	sld [smem:$0x3FA8]  }
0x28: {  	s2 =	sld [smem:$0x3FA9]  }
0x29: {  	s4 =	sld [smem:$0x3FAB]  }
0x2a: {  	p0 =	seq.s32 s5, $0x0;
	s5 =	sld [smem:$0x3FAC]  }
0x2b: {  	s6 =	sld [smem:$0x3FAD]  }
0x2c: {  	s7 =	sld [smem:$0x3FAE]  }
0x2d: {  	s3 =	simm.s32 $0x108;
	s8 =	sld [smem:$0x3FAF]  }
0x2e: {  	s3 =	simm.s32 @!p0 $0x1082;
	s9 =	sld [smem:$0x3FB0]  }
0x2f: {  	lr =	sadd.s32 s0, s3;
	s0 =	sld [smem:$0x3FA7]  }
0x30: {  	s3 =	sld [smem:$0x3FAA]  }
0x31: {  	[smem:$0x3FB3] =	sst s10  }
0x32: {  	s10 =	sld [smem:$0x3FB1];
	_ =	sdelay $0x3  }
0x33: {  	p0 =	seq.s32 s10, $0x1;
	s10 =	sld [smem:$0x3FB3];
	_ =	sdelay $0x3  }
0x34: {  	[smem:$0x3FB3] =	sst s10  }
0x35: {  	s10 =	sld [smem:$0x3FB2];
	_ =	sdelay $0x3  }
0x36: {  	p1 =	seq.s32 s10, $0x1;
	s10 =	sld [smem:$0x3FB3];
	_ =	sdelay $0x3  }
0x37: {  	[smem:$0x3FB3] =	sst s10  }
0x38: {  	s10 =	sld [smem:$0x3FB4]  }
0x39: {  	_ = 	snop;
	(pc) =	sbr.ind lr, $3  }
0x3a: {  	_ = 	snop  }
0x3b: {  	_ = 	snop  }
0x3c: {  	p2 =	seq.s32 s10, $0x1;
	s10 =	sld [smem:$0x3FB3]  }
0x3d: {  	_ =	shalt  }
0x3e: {  	_ =	shalt  }
0x3f: {  	_ =	shalt  }
0x40: {  	_ =	shalt  }
0x41: {  	_ =	shalt  }
0x42: {  	_ =	shalt  }
0x43: {  	_ =	shalt  }
0x44: {  	_ =	shalt  }
0x45: {  	_ =	shalt  }
0x46: {  	_ =	shalt  }
0x47: {  	_ =	shalt  }
0x48: {  	_ =	shalt  }
0x49: {  	_ =	shalt  }
0x4a: {  	_ =	shalt  }
0x4b: {  	_ =	shalt  }
0x4c: {  	_ =	shalt  }
0x4d: {  	_ =	shalt  }
0x4e: {  	_ =	shalt  }
0x4f: {  	_ =	shalt  }
0x50: {  	_ =	shalt  }
0x51: {  	_ =	shalt  }
0x52: {  	_ =	shalt  }
0x53: {  	_ =	shalt  }
0x54: {  	_ =	shalt  }
0x55: {  	_ =	shalt  }
0x56: {  	_ =	shalt  }
0x57: {  	_ =	shalt  }
0x58: {  	_ =	shalt  }
0x59: {  	_ =	shalt  }
0x5a: {  	_ =	shalt  }
0x5b: {  	_ =	shalt  }
0x5c: {  	_ =	shalt  }
0x5d: {  	_ =	shalt  }
0x5e: {  	_ =	shalt  }
0x5f: {  	_ =	shalt  }
0x60: {  	_ =	shalt  }
0x61: {  	_ =	shalt  }
0x62: {  	_ =	shalt  }
0x63: {  	_ =	shalt  }
0x64: {  	_ =	shalt  }
0x65: {  	_ =	shalt  }
0x66: {  	_ =	shalt  }
0x67: {  	_ =	shalt  }
0x68: {  	_ =	shalt  }
0x69: {  	_ =	shalt  }
0x6a: {  	_ =	shalt  }
0x6b: {  	_ =	shalt  }
0x6c: {  	_ =	shalt  }
0x6d: {  	_ =	shalt  }
0x6e: {  	_ =	shalt  }
0x6f: {  	_ =	shalt  }
0x70: {  	_ =	shalt  }
0x71: {  	_ =	shalt  }
0x72: {  	_ =	shalt  }
0x73: {  	_ =	shalt  }
0x74: {  	_ =	shalt  }
0x75: {  	_ =	shalt  }
0x76: {  	_ =	shalt  }
0x77: {  	_ =	shalt  }
0x78: {  	_ =	shalt  }
0x79: {  	_ =	shalt  }
0x7a: {  	_ =	shalt  }
0x7b: {  	_ =	shalt  }
0x7c: {  	_ =	shalt  }
0x7d: {  	_ =	shalt  }
0x7e: {  	_ =	shalt  }
0x7f: {  	_ =	shalt  }
0x80: {  	_ =	shalt  }
0x81: {  	_ =	shalt  }
0x82: {  	_ =	shalt  }
0x83: {  	_ =	shalt  }
0x84: {  	_ =	shalt  }
0x85: {  	_ =	shalt  }
0x86: {  	_ =	shalt  }
0x87: {  	_ =	shalt  }
.Lfunc_end0:
.L_simem_size_0:
called_computation_lowered:
.L_overlay_start_0:
0x88: {  	s2 =	sld [smem:$0x3FD9]  }
0x89: {  	s3 =	sld [smem:$0x3FFE];
	_ =	sdelay $0x1  }
0x8a: {  	s1 =	srdreg.scid  }
0x8b: {  	s0 =	sand.u32 $0x1, s1  }
0x8c: {  	s16 =	sshll.u32 s0, $0xA;
	s2 =	sadd.s32 s3, s2  }
0x8d: {  	s2 =	sadd.s32 s2, s16  }
0x8e: {  	[smem:$0x3FBF] =	sst s2  }
0x8f: {  	_ = 	snop  }
0x90: {  	(tm) =	ssettm $0x1  }
0x91: {  	s17 =	sld [smem:$0x3FFB];
	_ =	sdelay $0x3  }
0x92: {  	_ =	strace s17  }
0x93: {  	s2 =	sld [smem:$0x3FFC];
	_ =	sdelay $0x3  }
0x94: {  	_ =	strace s2  }
0x95: {  	s2 =	sld [smem:$0x3FFD];
	_ =	sdelay $0x3  }
0x96: {  	_ =	strace s2  }
0x97: {  	_ =	strace $0x8FFFFFFF  }
0x98: {  	s18 =	sld [smem:$0x3FDB];
	_ =	sdelay $0x1  }
0x99: {  	s19 =	simm.s32 $_scs_section_size  }
0x9a: {  	s4 =	simm.s32 $_size__tile_overlayer_lowered;
	s5 =	simm.s32 $_tile_overlayer_lowered  }
0x9b: {  	s22 =	simm.s32 $0x1BFF;
	s21 =	sshll.u32 s5, $0x1;
	s2 =	sadd.s32 s19, s18  }
0x9c: {  	s6 =	simm.s32 $0x0;
	s20 =	sshll.u32 s4, $0x1;
	s4 =	sadd.s32 s21, s2  }
0x9d: {  	[timem:s6], [sflag:s22] =	dma.local [hbm:s4], s20  }
0x9e: {  	_ =	swait.ge [sflag:s22], s20  }
0x9f: {  	s3 =	ssub.s32 $0x0, s20;
	[sflag:s22] =	ssyncset.done $0x0  }
0xa0: {  	[sflag:s22] =	ssyncadd.s32 s3;
	_ =	sdelay $0x1  }
0xa1: {  	s23 =	simm.s32 $0x1B8B  }
0xa2: {  	_ =	swait.ge [sflag:s23], $0x1  }
0xa3: {  	[sflag:s23] =	ssyncset.done $0x0  }
0xa4: {  	s25 =	simm.s32 $0x1B8E;
	s24 =	sld [smem:$0x3FFE];
	[sflag:s23] =	ssyncadd.s32 $0xFFFFFFFF  }
0xa5: {  	s26 =	simm.s32 $execute0_lowered;
	[smem:$0x3FD2] =	sst s25  }
0xa6: {  	s4 =	sshll.u32 s26, $0x1;
	_ =	strace $0x80000046;
	[dreg:$0x1] =	wrdreg $0xFFFFFFFF  }
0xa7: {  	s28 =	simm.s32 $_size_execute0_lowered;
	s2 =	sadd.s32 s2, s4;
	[dreg:$0x0] =	wrdreg $0x0  }
0xa8: {  	s4 =	sshll.u32 s28, $0x1;
	[dreg:$0x2] =	wrdreg s2  }
0xa9: {  	[dreg:$0x3] =	wrdreg s4  }
0xaa: {  	[dreg:$0x4] =	wrdreg $0xC0  }
0xab: {  	_ =	task [dreg:s6], $0x5FFFF  }
0xac: {  	[dreg:$0x1] =	wrdreg $0xFFFFFFFF  }
0xad: {  	[dreg:$0x0] =	wrdreg $0x60  }
0xae: {  	[dreg:$0x2] =	wrdreg s24  }
0xaf: {  	[dreg:$0x3] =	wrdreg $0x4000  }
0xb0: {  	[dreg:$0x4] =	wrdreg $0x9  }
0xb1: {  	_ =	task.clear_ibuf [dreg:s6], $0x5FFFF;
	_ =	strace $0x90000046  }
0xb2: {  	s29 =	simm.s32 $0x9;
	_ =	strace $0x80000048  }
0xb3: {  	_ =	swait.ge [sflag:s29], $0x1  }
0xb4: {  	[sflag:s29] =	ssyncadd.s32 $0xFFFFFFFF  }
0xb5: {  	_ =	strace $0x90000048  }
0xb6: {  	_ =	sfence  }
0xb7: {  	s30 =	sld [smem:$0x0];
	_ =	sdelay $0x2  }
0xb8: {  	s31 =	sshll.u32 s1, $0xD;
	s1 =	sshrl.u32 s1, $0x2  }
0xb9: {  	s3 =	sand.u32 $0x4000, s31;
	s1 =	sadd.s32 s1, s30  }
0xba: {  	s0 =	sor.u32 s3, s0;
	s1 =	sshll.u32 s1, $0x11  }
0xbb: {  	s0 =	sor.u32 s1, s0  }
0xbc: {  	s0 =	sadd.s32 $0x8F2B, s0  }
0xbd: {  	[sflag:s0] =	ssyncadd.remote.s32 $0x1  }
0xbe: {  	_ =	sfence.sel $0xFFFF  }
0xbf: {  	[dreg:$0x0] =	wrdreg $0xFFFFFFFF;
	(pc) =	sbr.abs _section_cstart, $3  }
0xc0: {  	[dreg:$0x1] =	wrdreg $0xFFFFFFFF  }
0xc1: {  	_ =	task.clear_ibuf [dreg:s6], $0x2FFFF;
	_ =	strace $0x9FFFFFFF  }
0xc2: {  	(tm) =	ssettm $0x7FFFFFFF  }
0xc3: {  	_ =	shalt  }
tec
execute0_lowered:
.L_overlay_start_1:
0x0: {  	(tag) =	ssettag $0x1  }
0x1: {  	s4 =	rddreg [dreg:$0x0]  }
0x2: {  	s1 =	rddreg [dreg:$0x1]  }
0x3: {  	s0 =	rddreg [dreg:$0x2]  }
0x4: {  	s3 =	simm.s32 $0x0;
	s5 =	srdreg.scid;
	s2 =	stileid.u32  }
0x5: {  	s16 =	simm.s32 $0x2;
	s17 =	simm.s32 $0x180;
	s18 =	simm.s32 $0x0  }
0x6: {  	[smem:$0x7FF] =	sst s3;
	s5 =	sand.u32 $0x1, s5;
	s7 =	smul.u32 $0x9C0, s2  }
0x7: {  	s9 =	sadd.s32 $0x2A00, s4;
	s10 =	sadd.s32 $0x16600, s4;
	s12 =	sshll.u32 s2, $0x5  }
0x8: {  	s14 =	smul.u32 $0x270, s2;
	p0 =	seq.s32 s2, $0xF;
	p1 =	sgt.u32 s2, $0x1  }
0x9: {  	_ =	strace $0x80000047;
	s6 =	ssub.s32 $0x2, s5;
	s8 =	smul.u32 $0x2710, s5  }
0xa: {  	s13 =	sshll.u32 s5, $0x4;
	s5 =	sadd.s32 $0x2490, s1;
	s25 =	sshrl.u32 s6, $0x1  }
0xb: {  	s26 =	sshrl.u32 s7, $0x2;
	s28 =	sor.u32 s13, s12;
	s12 =	sadd.s32 s12, s9  }
0xc: {  	s11 =	ssub.s32 s6, s25;
	s4 =	sadd.s32 s26, s1;
	s29 =	sshrl.u32 s8, $0x3  }
.Ltmp0:
0xd: {  	s15 =	sadd.s32 s28, s9;
	s30 =	sadd.s32 s14, s8;
	(pc) =	sbr.rel .LBB2_1-.Ltmp0, $4  }
0xe: {  	s8 =	sadd.s32 s14, s1;
	s14 =	simm.s32 $0x1;
	s7 =	sadd.s32 s10, s29  }
0xf: {  	s31 =	sshrl.u32 s30, $0x3;
	s6 =	sadd.s32 $0x492, s7;
	s7 =	sadd.s32 $0x9C00, s15  }
0x10: {  	s9 =	sadd.s32 s10, s31;
	s10 =	smax.u32 s11, $0x1;
	s11 =	sadd.s32 s13, s12  }
0x11: {  	v0 =	vimm.f32 $1.000000000e+00;
	v1 =	vimm.f32 $0.0e+00;
	s12 =	simm.s32 $0x80;
	s13 =	simm.s32 $0x100;
	s15 =	simm.s32 $0x3  }
.LBB2_7:
0x12: {  	[tilespmem:s17], [sflag:$0x3] =	stream.linear.gather [spmem:s5], $0x280, $0x38;
	[tilespmem:$0x678] =	vst v63  }
0x13: {  	_ =	swait.ge [sflag:s15], $0x280  }
0x14: {  	[sflag:s15] =	ssyncset.done $0x0  }
0x15: {  	[sflag:s15] =	ssyncadd.s32 $0xFFFFFD80  }
0x16: {  	[hbm4b:s6+s3] =	stream.linear.scatter [tilespmem:s17], [sflag:$0x3], $0x280, $0x38;
	[tilespmem:$0x678] =	vst v63  }
0x17: {  	_ =	swait.ge [sflag:s15], $0x280  }
0x18: {  	[sflag:s15] =	ssyncset.done $0x0  }
0x19: {  	[sflag:s15] =	ssyncadd.s32 $0xFFFFFD80  }
.LBB2_8:
0x1a: {  	s18 =	sadd.s32 $0x1, s18  }
0x1b: {  	p2 =	sne.s32 s18, s10  }
.Ltmp1:
0x1c: {  	_ = 	snop;
	(pc) =	sbr.rel @!p2 .LBB2_9-.Ltmp1, $1  }
0x1d: {  	_ =	sdelay $0x3  }
.LBB2_1:
0x1e: {  	[tilespmem:$0x0] =	vst v0  }
0x1f: {  	[tilespmem:$0x10] =	vst v0  }
0x20: {  	[tilespmem:$0x20] =	vst v0  }
0x21: {  	[tilespmem:$0x30] =	vst v0  }
0x22: {  	[tilespmem:$0x40] =	vst v0  }
0x23: {  	[tilespmem:$0x50] =	vst v0  }
0x24: {  	[tilespmem:$0x60] =	vst v0  }
0x25: {  	[tilespmem:$0x70] =	vst v0  }
0x26: {  	[tilespmem:$0x180] =	vst v1  }
0x27: {  	[tilespmem:$0x190] =	vst v1  }
0x28: {  	[tilespmem:$0x1A0] =	vst v1  }
0x29: {  	[tilespmem:$0x1B0] =	vst v1  }
0x2a: {  	[tilespmem:$0x1C0] =	vst v1  }
0x2b: {  	[tilespmem:$0x1D0] =	vst v1  }
0x2c: {  	[tilespmem:$0x1E0] =	vst v1  }
0x2d: {  	[tilespmem:$0x1F0] =	vst v1  }
0x2e: {  	[tilespmem:$0x200] =	vst v1  }
0x2f: {  	[tilespmem:$0x210] =	vst v1  }
0x30: {  	[tilespmem:$0x220] =	vst v1  }
0x31: {  	[tilespmem:$0x230] =	vst v1  }
0x32: {  	[tilespmem:$0x240] =	vst v1  }
0x33: {  	[tilespmem:$0x250] =	vst v1  }
0x34: {  	[tilespmem:$0x260] =	vst v1  }
0x35: {  	[tilespmem:$0x270] =	vst v1  }
0x36: {  	[tilespmem:$0x280] =	vst v1  }
0x37: {  	[tilespmem:$0x290] =	vst v1  }
0x38: {  	[tilespmem:$0x2A0] =	vst v1  }
0x39: {  	[tilespmem:$0x2B0] =	vst v1  }
0x3a: {  	[tilespmem:$0x2C0] =	vst v1  }
0x3b: {  	[tilespmem:$0x2D0] =	vst v1  }
0x3c: {  	[tilespmem:$0x2E0] =	vst v1  }
0x3d: {  	[tilespmem:$0x2F0] =	vst v1  }
0x3e: {  	[tilespmem:$0x300] =	vst v1  }
0x3f: {  	[tilespmem:$0x310] =	vst v1  }
0x40: {  	[tilespmem:$0x320] =	vst v1  }
0x41: {  	[tilespmem:$0x330] =	vst v1  }
0x42: {  	[tilespmem:$0x340] =	vst v1  }
0x43: {  	[tilespmem:$0x350] =	vst v1  }
0x44: {  	[tilespmem:$0x360] =	vst v1  }
0x45: {  	[tilespmem:$0x370] =	vst v1  }
0x46: {  	[tilespmem:$0x380] =	vst v1  }
0x47: {  	[tilespmem:$0x390] =	vst v1  }
0x48: {  	[tilespmem:$0x3A0] =	vst v1  }
0x49: {  	[tilespmem:$0x3B0] =	vst v1  }
0x4a: {  	[tilespmem:$0x3C0] =	vst v1  }
0x4b: {  	[tilespmem:$0x3D0] =	vst v1  }
0x4c: {  	[tilespmem:$0x3E0] =	vst v1  }
0x4d: {  	[tilespmem:$0x3F0] =	vst v1;
	s19 =	simm.s32 @p0 $0x180  }
0x4e: {  	[spmem:s5] =	stream.linear.scatter @p0 [tilespmem:s19], [sflag:$0x3], $0x280, $0x38;
	[tilespmem:$0x678] =	vst v63  }
0x4f: {  	s19 =	simm.s32 @p0 $0x3  }
0x50: {  	_ =	swait.ge @p0 [sflag:s19], $0x280  }
0x51: {  	[sflag:s19] =	ssyncset.done @p0 $0x0  }
0x52: {  	[sflag:s19] =	ssyncadd.s32 @p0 $0xFFFFFD80;
	s19 =	simm.s32 @!p0 $0x180  }
0x53: {  	[spmem:s4] =	stream.linear.scatter @!p0 [tilespmem:s19], [sflag:$0x3], $0x270, $0x38;
	[tilespmem:$0x678] =	vst v63  }
0x54: {  	s19 =	simm.s32 @!p0 $0x3  }
0x55: {  	_ =	swait.ge @!p0 [sflag:s19], $0x270  }
0x56: {  	[sflag:s19] =	ssyncset.done @!p0 $0x0  }
0x57: {  	[sflag:s19] =	ssyncadd.s32 @!p0 $0xFFFFFD90  }
0x58: {  	s31 =	sadd.s32 $0x0, s11;
	[bflag:$0x0] =	sbarrier.arrive $0xFFFF  }
0x59: {  	[tilespmem:s12], [sflag:$0x1] =	stream.linear.gather [hbm4b:s31+s3], $0x80, $0x38;
	[tilespmem:$0x678] =	vst v63  }
0x5a: {  	s19 =	sadd.s32 $0x200, s31  }
0x5b: {  	[tilespmem:s13], [sflag:$0x2] =	stream.linear.gather [hbm4b:s19+s3], $0x80, $0x38;
	[tilespmem:$0x678] =	vst v63  }
0x5c: {  	_ =	swait.ge [sflag:s14], $0x80  }
0x5d: {  	[sflag:s14] =	ssyncset.done $0x0  }
0x5e: {  	[sflag:s14] =	ssyncadd.s32 $0xFFFFFF80  }
0x5f: {  	[spmem:s1] =	stream.indirect.scatter.add.f32 [tilespmem:s3], [sflag:$0x3], $0x1, s12, s12, $0xb8;
	[tilespmem:$0x678] =	vst v63  }
0x60: {  	_ =	swait.ge [sflag:s15], $0x80  }
0x61: {  	[sflag:s15] =	ssyncset.done $0x0  }
0x62: {  	[sflag:s15] =	ssyncadd.s32 $0xFFFFFF80  }
0x63: {  	_ =	swait.ge [sflag:s16], $0x80  }
0x64: {  	[sflag:s16] =	ssyncset.done $0x0  }
0x65: {  	[sflag:s16] =	ssyncadd.s32 $0xFFFFFF80  }
0x66: {  	[spmem:s1] =	stream.indirect.scatter.add.f32 [tilespmem:s3], [sflag:$0x3], $0x1, s13, s12, $0xb8;
	[tilespmem:$0x678] =	vst v63  }
0x67: {  	_ =	swait.ge [sflag:s15], $0x80  }
0x68: {  	s20 =	simm.s32 $0x800;
	s19 =	simm.s32 $0x400;
	[sflag:s15] =	ssyncset.done $0x0  }
.LBB2_2:
0x69: {  	s21 =	sadd.s32 s19, s11  }
0x6a: {  	[sflag:s15] =	ssyncadd.s32 $0xFFFFFF80;
	s19 =	smov.u32 s20;
	s22 =	sadd.s32 $0x400, s20  }
0x6b: {  	[tilespmem:s12], [sflag:$0x1] =	stream.linear.gather [hbm4b:s21+s3], $0x80, $0x38;
	[tilespmem:$0x678] =	vst v63  }
0x6c: {  	p2 =	sne.s32 s20, $0x9800;
	s20 =	sadd.s32 $0x200, s21  }
0x6d: {  	[tilespmem:s13], [sflag:$0x2] =	stream.linear.gather [hbm4b:s20+s3], $0x80, $0x38;
	[tilespmem:$0x678] =	vst v63  }
0x6e: {  	_ =	swait.ge [sflag:s14], $0x80  }
0x6f: {  	[sflag:s14] =	ssyncset.done $0x0  }
0x70: {  	[sflag:s14] =	ssyncadd.s32 $0xFFFFFF80  }
0x71: {  	[spmem:s1] =	stream.indirect.scatter.add.f32 [tilespmem:s3], [sflag:$0x3], $0x1, s12, s12, $0xb8;
	[tilespmem:$0x678] =	vst v63  }
0x72: {  	_ =	swait.ge [sflag:s15], $0x80  }
0x73: {  	[sflag:s15] =	ssyncset.done $0x0  }
0x74: {  	[sflag:s15] =	ssyncadd.s32 $0xFFFFFF80  }
0x75: {  	_ =	swait.ge [sflag:s16], $0x80  }
.Ltmp2:
0x76: {  	[sflag:s16] =	ssyncset.done $0x0;
	(pc) =	sbr.rel @p2 .LBB2_2-.Ltmp2, $4  }
0x77: {  	[sflag:s16] =	ssyncadd.s32 $0xFFFFFF80  }
0x78: {  	[spmem:s1] =	stream.indirect.scatter.add.f32 [tilespmem:s3], [sflag:$0x3], $0x1, s13, s12, $0xb8;
	[tilespmem:$0x678] =	vst v63  }
0x79: {  	_ =	swait.ge [sflag:s15], $0x80  }
0x7a: {  	s20 =	smov.u32 s22;
	[sflag:s15] =	ssyncset.done $0x0  }
0x7b: {  	s19 =	sadd.s32 s19, s11;
	[sflag:s15] =	ssyncadd.s32 $0xFFFFFF80  }
0x7c: {  	[tilespmem:s12], [sflag:$0x1] =	stream.linear.gather [hbm4b:s19+s3], $0x80, $0x38;
	[tilespmem:$0x678] =	vst v63  }
0x7d: {  	s19 =	sadd.s32 $0x200, s19  }
0x7e: {  	[tilespmem:s13], [sflag:$0x2] =	stream.linear.gather [hbm4b:s19+s3], $0x80, $0x38;
	[tilespmem:$0x678] =	vst v63  }
0x7f: {  	_ =	swait.ge [sflag:s14], $0x80  }
0x80: {  	[sflag:s14] =	ssyncset.done $0x0  }
0x81: {  	[sflag:s14] =	ssyncadd.s32 $0xFFFFFF80  }
0x82: {  	[spmem:s1] =	stream.indirect.scatter.add.f32 [tilespmem:s3], [sflag:$0x3], $0x1, s12, s12, $0xb8;
	[tilespmem:$0x678] =	vst v63  }
0x83: {  	_ =	swait.ge [sflag:s15], $0x80  }
0x84: {  	[sflag:s15] =	ssyncset.done $0x0  }
0x85: {  	[sflag:s15] =	ssyncadd.s32 $0xFFFFFF80  }
0x86: {  	_ =	swait.ge [sflag:s16], $0x80  }
0x87: {  	[sflag:s16] =	ssyncset.done $0x0  }
.Ltmp3:
0x88: {  	[sflag:s16] =	ssyncadd.s32 $0xFFFFFF80;
	(pc) =	sbr.rel @p1 .LBB2_5-.Ltmp3, $4  }
0x89: {  	[spmem:s1] =	stream.indirect.scatter.add.f32 [tilespmem:s3], [sflag:$0x3], $0x1, s13, s12, $0xb8;
	[tilespmem:$0x678] =	vst v63  }
0x8a: {  	_ =	swait.ge [sflag:s15], $0x80  }
0x8b: {  	[sflag:s15] =	ssyncset.done $0x0  }
0x8c: {  	[sflag:s15] =	ssyncadd.s32 $0xFFFFFF80  }
0x8d: {  	[tilespmem:s12], [sflag:$0x3] =	stream.linear.gather [hbm4b:s7+s3], $0x80, $0x38;
	[tilespmem:$0x678] =	vst v63  }
0x8e: {  	_ =	swait.ge [sflag:s15], $0x80  }
0x8f: {  	[sflag:s15] =	ssyncset.done $0x0  }
0x90: {  	[sflag:s15] =	ssyncadd.s32 $0xFFFFFF80  }
0x91: {  	[spmem:s1] =	stream.indirect.scatter.add.f32 [tilespmem:s3], [sflag:$0x3], $0x1, s12, s12, $0xb8;
	[tilespmem:$0x678] =	vst v63  }
.Ltmp4:
0x92: {  	_ =	swait.ge [sflag:s15], $0x80;
	(pc) =	sbr.rel .LBB2_6-.Ltmp4, $3  }
0x93: {  	[sflag:s15] =	ssyncset.done $0x0  }
0x94: {  	[sflag:s15] =	ssyncadd.s32 $0xFFFFFF80  }
0x95: {  	[bflag:$0x0] =	sbarrier.arrive $0xFFFF;
	_ =	sdelay $0x1  }
.LBB2_5:
.Ltmp5:
0x96: {  	(pc) =	sbr.rel @p0 .LBB2_7-.Ltmp5, $2  }
0x97: {  	_ =	sdelay $0x1  }
0x98: {  	[bflag:$0x0] =	sbarrier.arrive $0xFFFF;
	_ =	sdelay $0x1  }
.LBB2_6:
0x99: {  	[tilespmem:s17], [sflag:$0x3] =	stream.linear.gather [spmem:s8], $0x270, $0x38;
	[tilespmem:$0x678] =	vst v63  }
0x9a: {  	_ =	swait.ge [sflag:s15], $0x270  }
0x9b: {  	[sflag:s15] =	ssyncset.done $0x0  }
.Ltmp6:
0x9c: {  	[sflag:s15] =	ssyncadd.s32 $0xFFFFFD90;
	(pc) =	sbr.rel .LBB2_8-.Ltmp6, $4  }
0x9d: {  	[hbm4b:s9+s3] =	stream.linear.scatter [tilespmem:s17], [sflag:$0x3], $0x270, $0x38;
	[tilespmem:$0x678] =	vst v63  }
0x9e: {  	_ =	swait.ge [sflag:s15], $0x270  }
0x9f: {  	[sflag:s15] =	ssyncset.done $0x0  }
0xa0: {  	[sflag:s15] =	ssyncadd.s32 $0xFFFFFD90  }
.LBB2_9:
0xa1: {  	_ =	sfence.sel $0x180000  }
0xa2: {  	[bflag:$0x0] =	sbarrier.arrive $0xFFFF  }
0xa3: {  	p0 =	sne.s32 s2, $0x0;
	_ =	strace $0x90000047  }
0xa4: {  	s0 =	sadd.s32 @!p0 $0x100000, s0;
	[bflag:$0x2] =	sbarrier.arrive $0xFFFF  }
0xa5: {  	[sflag:s0] =	ssyncadd.tile.s32 @!p0 $0x1;
	_ =	shalt  }
.Lfunc_end2:
_tile_overlayer_lowered:
.L_overlay_start_2:
0xa6: {  	(tag) =	ssettag $0x2  }
0xa7: {  	s0 =	rddreg [dreg:$0x0];
	s2 =	stileid.u32  }
0xa8: {  	s1 =	rddreg [dreg:$0x1];
	p0 =	sne.s32 s2, $0x0  }
0xa9: {  	s3 =	rddreg [dreg:$0x2];
	[bflag:$0x3] =	sbarrier.arrive $0xFFFF;
	s2 =	simm.s32 @!p0 $0x1C03  }
0xaa: {  	[timem:s3], [sflag:s2] =	dma.local @!p0 [hbm:s0], s1  }
0xab: {  	s0 =	simm.s32 @!p0 $0x3  }
0xac: {  	_ =	swait.ge @!p0 [sflag:s0], s1  }
0xad: {  	s1 =	ssub.s32 @!p0 $0x0, s1;
	[sflag:s0] =	ssyncset.done @!p0 $0x0  }
0xae: {  	[sflag:s0] =	ssyncadd.s32 @!p0 s1  }
0xaf: {  	[bflag:$0x3] =	sbarrier.arrive $0xFFFF  }
0xb0: {  	_ =	shalt  }

</sc_bundles>
